<compile_context>
chip_gen: v7x
topology: tpu7x:2x2x1
jax: 0.10.2.dev20260603
libtpu: 0.0.44.dev20260713+nightly
codegen_flags: <defaults>
</compile_context>

<pallas_src>
import jax
import jax.numpy as jnp
from jax import lax
from jax.experimental import pallas as pl
from jax.experimental.pallas import tpu as pltpu
from jax.experimental.pallas import tpu_sc as plsc

_N_ATOMS = 1048576
_N_SPECIES = 100
_D = 4

_NC = 2
_NS = 16
_NW = _NC * _NS

_A = _N_ATOMS // _NW
_C = 8192
_G = _A // _C
_C4 = _C * _D


def _body(species_hbm, table_hbm, out_hbm,
          table_v, idx0, idx1, rows0, rows1, si0, si1, so0, so1):
  cid = lax.axis_index("c")
  sid = lax.axis_index("s")
  wid = sid * _NC + cid
  base = wid * _A

  pltpu.sync_copy(table_hbm, table_v)

  idx_bufs = (idx0, idx1)
  rows_bufs = (rows0, rows1)
  sin = (si0, si1)
  sout = (so0, so1)

  def fetch(g, b):
    return pltpu.async_copy(
        species_hbm.at[pl.ds(base + g * _C, _C)], idx_bufs[b], sin[b])

  def flush(g, b):
    return pltpu.async_copy(
        rows_bufs[b], out_hbm.at[pl.ds(base * _D + g * _C4, _C4)], sout[b])

  cps_in = {0: fetch(0, 0), 1: fetch(1, 1)}
  cps_out = {}
  for g in range(_G):
    b = g & 1
    if g >= 2:
      cps_out[g - 2].wait()
    cps_in[g].wait()

    idx_b = idx_bufs[b]
    rows_b = rows_bufs[b]

    @plsc.parallel_loop(0, _C // 128, 1, unroll=2)
    def _(m):
      for j in range(8):
        sp = idx_b[pl.ds(m * 128 + j * 16, 16)]
        flat = sp * _D
        for d in range(_D):
          vals = plsc.load_gather(table_v, [flat + d if d else flat])
          rows_b[pl.ds(m * 512 + d * 128 + j * 16, 16)] = vals

    cps_out[g] = flush(g, b)
    if g + 2 < _G:
      cps_in[g + 2] = fetch(g + 2, b)

  cps_out[_G - 2].wait()
  cps_out[_G - 1].wait()


@jax.jit
def _lookup(species_i32, table_flat):
  mesh = plsc.VectorSubcoreMesh(core_axis_name="c", subcore_axis_name="s")
  return pl.kernel(
      _body,
      out_type=jax.ShapeDtypeStruct((_N_ATOMS * _D,), jnp.float32),
      mesh=mesh,
      compiler_params=pltpu.CompilerParams(needs_layout_passes=False),
      scratch_types=[
          pltpu.VMEM((_N_SPECIES * _D,), jnp.float32),
          pltpu.VMEM((_C,), jnp.int32),
          pltpu.VMEM((_C,), jnp.int32),
          pltpu.VMEM((_C4,), jnp.float32),
          pltpu.VMEM((_C4,), jnp.float32),
          pltpu.SemaphoreType.DMA,
          pltpu.SemaphoreType.DMA,
          pltpu.SemaphoreType.DMA,
          pltpu.SemaphoreType.DMA,
      ],
  )(species_i32, table_flat)


def kernel(species, embedding_weight):
  sp = species.astype(jnp.int32)
  tbl = embedding_weight.reshape(-1)
  out = _lookup(sp, tbl)
  out = out.reshape(_N_ATOMS // 128, _D, 128)
  return jnp.swapaxes(out, 1, 2).reshape(_N_ATOMS, _D)

# --- scband reference (transcript-rebuilt; emitter-appended) ---
"""Pipeline reference for scband-alchemical-21784074125333 (READ-ONLY COPY).

The authoritative reference and input builder live on the scoring server;
editing this copy changes nothing except your own understanding.
"""

import jax, jax.numpy as jnp
import numpy as np

TOTAL_SPECIES = 100
PSEUDO_SPECIES = 4
N_ATOMS = 1048576

def setup_inputs(seed: int = 0) -> dict:
    key = jax.random.key(seed)
    k1, k2 = jax.random.split(key)
    species = jax.random.randint(k1, (N_ATOMS,), 0, TOTAL_SPECIES, dtype=jnp.int64 if jax.config.jax_enable_x64 else jnp.int32)
    # Embedding table: torch nn.Embedding default init is N(0, 1)
    embedding_weight = jax.random.normal(k2, (TOTAL_SPECIES, PSEUDO_SPECIES), dtype=jnp.float32)
    return {"species": species, "embedding_weight": embedding_weight}

def reference(species, embedding_weight):
    # Alchemical.forward: self.embedding(species) -> row gather from table
    return jnp.take(embedding_weight, species, axis=0)

if __name__ == "__main__":
    import jax
    _d = setup_inputs()
    print(jax.jit(kernel)(*tuple(_d.values())))

</pallas_src>

<mosaic_0001>
#map = affine_map<(d0, d1) -> (0)>
module attributes {stable_mosaic.version = 14 : i64} {
  func.func @_body(%arg0: i32, %arg1: i32, %arg2: memref<1048576xi32, #tpu.memory_space<hbm>>, %arg3: memref<400xf32, #tpu.memory_space<hbm>>, %arg4: memref<4194304xf32, #tpu.memory_space<hbm>>, %arg5: memref<400xf32, #tpu.memory_space<vmem>>, %arg6: memref<8192xi32, #tpu.memory_space<vmem>>, %arg7: memref<8192xi32, #tpu.memory_space<vmem>>, %arg8: memref<32768xf32, #tpu.memory_space<vmem>>, %arg9: memref<32768xf32, #tpu.memory_space<vmem>>, %arg10: memref<!tpu.dma_semaphore, #tpu.memory_space<semaphore_mem>>, %arg11: memref<!tpu.dma_semaphore, #tpu.memory_space<semaphore_mem>>, %arg12: memref<!tpu.dma_semaphore, #tpu.memory_space<semaphore_mem>>, %arg13: memref<!tpu.dma_semaphore, #tpu.memory_space<semaphore_mem>>) attributes {dimension_semantics = [#tpu.dimension_semantics<core_parallel>, #tpu.dimension_semantics<subcore_parallel>], iteration_bounds = array<i64: 2, 16>, scalar_prefetch = 0 : i64, scratch_operands = 9 : i64, tpu.core_type = #tpu.core_type<sc_vector_subcore>, window_params = [{transform_indices = #map}, {transform_indices = #map}, {transform_indices = #map}]} {
    %mul3A = arith.constant 2 : i32
    %mul3A_0 = arith.muli %arg1, %mul3A : i32
    %add3A = arith.addi %mul3A_0, %arg0 : i32
    %mul3A_1 = arith.constant 32768 : i32
    %mul3A_2 = arith.muli %add3A, %mul3A_1 : i32
    "tpu.region"() ({
      %run_scoped3A = tpu.sem_alloc : memref<!tpu.dma_semaphore, #tpu.memory_space<semaphore_mem>>
      tpu.enqueue_dma source(%arg3 : memref<400xf32, #tpu.memory_space<hbm>>) target(%arg5 : memref<400xf32, #tpu.memory_space<vmem>>) target_semaphore(%run_scoped3A : memref<!tpu.dma_semaphore, #tpu.memory_space<semaphore_mem>>)
      tpu.wait_dma2 semaphore(%run_scoped3A : memref<!tpu.dma_semaphore, #tpu.memory_space<semaphore_mem>>) src(%arg3 : memref<400xf32, #tpu.memory_space<hbm>>) dst(%arg5 : memref<400xf32, #tpu.memory_space<vmem>>)
      tpu.yield
    }) : () -> ()
    %add3A_3 = arith.constant 0 : i32
    %add3A_4 = arith.addi %mul3A_2, %add3A_3 : i32
    %dma_start3A = tpu.memref_slice %arg2[%add3A_4] : memref<1048576xi32, #tpu.memory_space<hbm>> -> memref<8192xi32, #tpu.memory_space<hbm>>
    %dma_start3A_5 = tpu.memref_slice %arg2[%add3A_4] : memref<1048576xi32, #tpu.memory_space<hbm>> -> memref<8192xi32, #tpu.memory_space<hbm>>
    tpu.enqueue_dma source(%dma_start3A_5 : memref<8192xi32, #tpu.memory_space<hbm>>) target(%arg6 : memref<8192xi32, #tpu.memory_space<vmem>>) target_semaphore(%arg10 : memref<!tpu.dma_semaphore, #tpu.memory_space<semaphore_mem>>)
    %add3A_6 = arith.constant 8192 : i32
    %add3A_7 = arith.addi %mul3A_2, %add3A_6 : i32
    %dma_start3A_8 = tpu.memref_slice %arg2[%add3A_7] : memref<1048576xi32, #tpu.memory_space<hbm>> -> memref<8192xi32, #tpu.memory_space<hbm>>
    %dma_start3A_9 = tpu.memref_slice %arg2[%add3A_7] : memref<1048576xi32, #tpu.memory_space<hbm>> -> memref<8192xi32, #tpu.memory_space<hbm>>
    tpu.enqueue_dma source(%dma_start3A_9 : memref<8192xi32, #tpu.memory_space<hbm>>) target(%arg7 : memref<8192xi32, #tpu.memory_space<vmem>>) target_semaphore(%arg11 : memref<!tpu.dma_semaphore, #tpu.memory_space<semaphore_mem>>)
    %dma_wait3A = tpu.memref_slice %arg2[%add3A_4] : memref<1048576xi32, #tpu.memory_space<hbm>> -> memref<8192xi32, #tpu.memory_space<hbm>>
    %dma_wait3A_10 = tpu.memref_slice %arg2[%add3A_4] : memref<1048576xi32, #tpu.memory_space<hbm>> -> memref<8192xi32, #tpu.memory_space<hbm>>
    tpu.wait_dma2 semaphore(%arg10 : memref<!tpu.dma_semaphore, #tpu.memory_space<semaphore_mem>>) src(%dma_wait3A_10 : memref<8192xi32, #tpu.memory_space<hbm>>) dst(%arg6 : memref<8192xi32, #tpu.memory_space<vmem>>)
    %parallel_loop3A = arith.constant 0 : i32
    %parallel_loop3A_11 = arith.constant 64 : i32
    %parallel_loop3A_12 = arith.constant 1 : i32
    scf.for %parallel_loop3A_68 = %parallel_loop3A to %parallel_loop3A_11 step %parallel_loop3A_12  : i32 {
      %parallel_loop3A_69 = arith.constant 128 : i32
      %parallel_loop3A_70 = arith.muli %parallel_loop3A_68, %parallel_loop3A_69 : i32
      %parallel_loop3A_71 = arith.constant 0 : i32
      %parallel_loop3A_72 = arith.addi %parallel_loop3A_70, %parallel_loop3A_71 : i32
      %parallel_loop3A_73 = arith.index_cast %parallel_loop3A_72 : i32 to index
      %parallel_loop3A_74 = tpu.vector_load %arg6[%parallel_loop3A_73] {strides = array<i32>} : memref<8192xi32, #tpu.memory_space<vmem>>, vector<16xi32>,
      %parallel_loop3A_75 = arith.constant 4 : i32
      %parallel_loop3A_76 = vector.broadcast %parallel_loop3A_75 : i32 to vector<16xi32>
      %parallel_loop3A_77 = arith.muli %parallel_loop3A_74, %parallel_loop3A_76 : vector<16xi32>
      %parallel_loop3A_78 = tpu.vector_load_idx %arg5[%parallel_loop3A_77] : memref<400xf32, #tpu.memory_space<vmem>>[vector<16xi32>], vector<16xf32>,
      %parallel_loop3A_79 = arith.constant 512 : i32
      %parallel_loop3A_80 = arith.muli %parallel_loop3A_68, %parallel_loop3A_79 : i32
      %parallel_loop3A_81 = arith.constant 0 : i32
      %parallel_loop3A_82 = arith.addi %parallel_loop3A_80, %parallel_loop3A_81 : i32
      %parallel_loop3A_83 = arith.constant 0 : i32
      %parallel_loop3A_84 = arith.addi %parallel_loop3A_82, %parallel_loop3A_83 : i32
      %parallel_loop3A_85 = arith.index_cast %parallel_loop3A_84 : i32 to index
      %parallel_loop3A_86 = tpu.vector_load %arg8[%parallel_loop3A_85] {strides = array<i32>} : memref<32768xf32, #tpu.memory_space<vmem>>, vector<16xf32>,
      tpu.vector_store %arg8[%parallel_loop3A_85], %parallel_loop3A_78 {strides = array<i32>} : memref<32768xf32, #tpu.memory_space<vmem>>, vector<16xf32>,
      %parallel_loop3A_87 = arith.constant 1 : i32
      %parallel_loop3A_88 = vector.broadcast %parallel_loop3A_87 : i32 to vector<16xi32>
      %parallel_loop3A_89 = arith.addi %parallel_loop3A_77, %parallel_loop3A_88 : vector<16xi32>
      %parallel_loop3A_90 = tpu.vector_load_idx %arg5[%parallel_loop3A_89] : memref<400xf32, #tpu.memory_space<vmem>>[vector<16xi32>], vector<16xf32>,
      %parallel_loop3A_91 = arith.constant 512 : i32
      %parallel_loop3A_92 = arith.muli %parallel_loop3A_68, %parallel_loop3A_91 : i32
      %parallel_loop3A_93 = arith.constant 128 : i32
      %parallel_loop3A_94 = arith.addi %parallel_loop3A_92, %parallel_loop3A_93 : i32
      %parallel_loop3A_95 = arith.constant 0 : i32
      %parallel_loop3A_96 = arith.addi %parallel_loop3A_94, %parallel_loop3A_95 : i32
      %parallel_loop3A_97 = arith.index_cast %parallel_loop3A_96 : i32 to index
      %parallel_loop3A_98 = tpu.vector_load %arg8[%parallel_loop3A_97] {strides = array<i32>} : memref<32768xf32, #tpu.memory_space<vmem>>, vector<16xf32>,
      tpu.vector_store %arg8[%parallel_loop3A_97], %parallel_loop3A_90 {strides = array<i32>} : memref<32768xf32, #tpu.memory_space<vmem>>, vector<16xf32>,
      %parallel_loop3A_99 = arith.constant 2 : i32
      %parallel_loop3A_100 = vector.broadcast %parallel_loop3A_99 : i32 to vector<16xi32>
      %parallel_loop3A_101 = arith.addi %parallel_loop3A_77, %parallel_loop3A_100 : vector<16xi32>
      %parallel_loop3A_102 = tpu.vector_load_idx %arg5[%parallel_loop3A_101] : memref<400xf32, #tpu.memory_space<vmem>>[vector<16xi32>], vector<16xf32>,
      %parallel_loop3A_103 = arith.constant 512 : i32
      %parallel_loop3A_104 = arith.muli %parallel_loop3A_68, %parallel_loop3A_103 : i32
      %parallel_loop3A_105 = arith.constant 256 : i32
      %parallel_loop3A_106 = arith.addi %parallel_loop3A_104, %parallel_loop3A_105 : i32
      %parallel_loop3A_107 = arith.constant 0 : i32
      %parallel_loop3A_108 = arith.addi %parallel_loop3A_106, %parallel_loop3A_107 : i32
      %parallel_loop3A_109 = arith.index_cast %parallel_loop3A_108 : i32 to index
      %parallel_loop3A_110 = tpu.vector_load %arg8[%parallel_loop3A_109] {strides = array<i32>} : memref<32768xf32, #tpu.memory_space<vmem>>, vector<16xf32>,
      tpu.vector_store %arg8[%parallel_loop3A_109], %parallel_loop3A_102 {strides = array<i32>} : memref<32768xf32, #tpu.memory_space<vmem>>, vector<16xf32>,
      %parallel_loop3A_111 = arith.constant 3 : i32
      %parallel_loop3A_112 = vector.broadcast %parallel_loop3A_111 : i32 to vector<16xi32>
      %parallel_loop3A_113 = arith.addi %parallel_loop3A_77, %parallel_loop3A_112 : vector<16xi32>
      %parallel_loop3A_114 = tpu.vector_load_idx %arg5[%parallel_loop3A_113] : memref<400xf32, #tpu.memory_space<vmem>>[vector<16xi32>], vector<16xf32>,
      %parallel_loop3A_115 = arith.constant 512 : i32
      %parallel_loop3A_116 = arith.muli %parallel_loop3A_68, %parallel_loop3A_115 : i32
      %parallel_loop3A_117 = arith.constant 384 : i32
      %parallel_loop3A_118 = arith.addi %parallel_loop3A_116, %parallel_loop3A_117 : i32
      %parallel_loop3A_119 = arith.constant 0 : i32
      %parallel_loop3A_120 = arith.addi %parallel_loop3A_118, %parallel_loop3A_119 : i32
      %parallel_loop3A_121 = arith.index_cast %parallel_loop3A_120 : i32 to index
      %parallel_loop3A_122 = tpu.vector_load %arg8[%parallel_loop3A_121] {strides = array<i32>} : memref<32768xf32, #tpu.memory_space<vmem>>, vector<16xf32>,
      tpu.vector_store %arg8[%parallel_loop3A_121], %parallel_loop3A_114 {strides = array<i32>} : memref<32768xf32, #tpu.memory_space<vmem>>, vector<16xf32>,
      %parallel_loop3A_123 = arith.constant 128 : i32
      %parallel_loop3A_124 = arith.muli %parallel_loop3A_68, %parallel_loop3A_123 : i32
      %parallel_loop3A_125 = arith.constant 16 : i32
      %parallel_loop3A_126 = arith.addi %parallel_loop3A_124, %parallel_loop3A_125 : i32
      %parallel_loop3A_127 = arith.index_cast %parallel_loop3A_126 : i32 to index
      %parallel_loop3A_128 = tpu.vector_load %arg6[%parallel_loop3A_127] {strides = array<i32>} : memref<8192xi32, #tpu.memory_space<vmem>>, vector<16xi32>,
      %parallel_loop3A_129 = arith.constant 4 : i32
      %parallel_loop3A_130 = vector.broadcast %parallel_loop3A_129 : i32 to vector<16xi32>
      %parallel_loop3A_131 = arith.muli %parallel_loop3A_128, %parallel_loop3A_130 : vector<16xi32>
      %parallel_loop3A_132 = tpu.vector_load_idx %arg5[%parallel_loop3A_131] : memref<400xf32, #tpu.memory_space<vmem>>[vector<16xi32>], vector<16xf32>,
      %parallel_loop3A_133 = arith.constant 512 : i32
      %parallel_loop3A_134 = arith.muli %parallel_loop3A_68, %parallel_loop3A_133 : i32
      %parallel_loop3A_135 = arith.constant 0 : i32
      %parallel_loop3A_136 = arith.addi %parallel_loop3A_134, %parallel_loop3A_135 : i32
      %parallel_loop3A_137 = arith.constant 16 : i32
      %parallel_loop3A_138 = arith.addi %parallel_loop3A_136, %parallel_loop3A_137 : i32
      %parallel_loop3A_139 = arith.index_cast %parallel_loop3A_138 : i32 to index
      %parallel_loop3A_140 = tpu.vector_load %arg8[%parallel_loop3A_139] {strides = array<i32>} : memref<32768xf32, #tpu.memory_space<vmem>>, vector<16xf32>,
      tpu.vector_store %arg8[%parallel_loop3A_139], %parallel_loop3A_132 {strides = array<i32>} : memref<32768xf32, #tpu.memory_space<vmem>>, vector<16xf32>,
      %parallel_loop3A_141 = arith.constant 1 : i32
      %parallel_loop3A_142 = vector.broadcast %parallel_loop3A_141 : i32 to vector<16xi32>
      %parallel_loop3A_143 = arith.addi %parallel_loop3A_131, %parallel_loop3A_142 : vector<16xi32>
      %parallel_loop3A_144 = tpu.vector_load_idx %arg5[%parallel_loop3A_143] : memref<400xf32, #tpu.memory_space<vmem>>[vector<16xi32>], vector<16xf32>,
      %parallel_loop3A_145 = arith.constant 512 : i32
      %parallel_loop3A_146 = arith.muli %parallel_loop3A_68, %parallel_loop3A_145 : i32
      %parallel_loop3A_147 = arith.constant 128 : i32
      %parallel_loop3A_148 = arith.addi %parallel_loop3A_146, %parallel_loop3A_147 : i32
      %parallel_loop3A_149 = arith.constant 16 : i32
      %parallel_loop3A_150 = arith.addi %parallel_loop3A_148, %parallel_loop3A_149 : i32
      %parallel_loop3A_151 = arith.index_cast %parallel_loop3A_150 : i32 to index
      %parallel_loop3A_152 = tpu.vector_load %arg8[%parallel_loop3A_151] {strides = array<i32>} : memref<32768xf32, #tpu.memory_space<vmem>>, vector<16xf32>,
      tpu.vector_store %arg8[%parallel_loop3A_151], %parallel_loop3A_144 {strides = array<i32>} : memref<32768xf32, #tpu.memory_space<vmem>>, vector<16xf32>,
      %parallel_loop3A_153 = arith.constant 2 : i32
      %parallel_loop3A_154 = vector.broadcast %parallel_loop3A_153 : i32 to vector<16xi32>
      %parallel_loop3A_155 = arith.addi %parallel_loop3A_131, %parallel_loop3A_154 : vector<16xi32>
      %parallel_loop3A_156 = tpu.vector_load_idx %arg5[%parallel_loop3A_155] : memref<400xf32, #tpu.memory_space<vmem>>[vector<16xi32>], vector<16xf32>,
      %parallel_loop3A_157 = arith.constant 512 : i32
      %parallel_loop3A_158 = arith.muli %parallel_loop3A_68, %parallel_loop3A_157 : i32
      %parallel_loop3A_159 = arith.constant 256 : i32
      %parallel_loop3A_160 = arith.addi %parallel_loop3A_158, %parallel_loop3A_159 : i32
      %parallel_loop3A_161 = arith.constant 16 : i32
      %parallel_loop3A_162 = arith.addi %parallel_loop3A_160, %parallel_loop3A_161 : i32
      %parallel_loop3A_163 = arith.index_cast %parallel_loop3A_162 : i32 to index
      %parallel_loop3A_164 = tpu.vector_load %arg8[%parallel_loop3A_163] {strides = array<i32>} : memref<32768xf32, #tpu.memory_space<vmem>>, vector<16xf32>,
      tpu.vector_store %arg8[%parallel_loop3A_163], %parallel_loop3A_156 {strides = array<i32>} : memref<32768xf32, #tpu.memory_space<vmem>>, vector<16xf32>,
      %parallel_loop3A_165 = arith.constant 3 : i32
      %parallel_loop3A_166 = vector.broadcast %parallel_loop3A_165 : i32 to vector<16xi32>
      %parallel_loop3A_167 = arith.addi %parallel_loop3A_131, %parallel_loop3A_166 : vector<16xi32>
      %parallel_loop3A_168 = tpu.vector_load_idx %arg5[%parallel_loop3A_167] : memref<400xf32, #tpu.memory_space<vmem>>[vector<16xi32>], vector<16xf32>,
      %parallel_loop3A_169 = arith.constant 512 : i32
      %parallel_loop3A_170 = arith.muli %parallel_loop3A_68, %parallel_loop3A_169 : i32
      %parallel_loop3A_171 = arith.constant 384 : i32
      %parallel_loop3A_172 = arith.addi %parallel_loop3A_170, %parallel_loop3A_171 : i32
      %parallel_loop3A_173 = arith.constant 16 : i32
      %parallel_loop3A_174 = arith.addi %parallel_loop3A_172, %parallel_loop3A_173 : i32
      %parallel_loop3A_175 = arith.index_cast %parallel_loop3A_174 : i32 to index
      %parallel_loop3A_176 = tpu.vector_load %arg8[%parallel_loop3A_175] {strides = array<i32>} : memref<32768xf32, #tpu.memory_space<vmem>>, vector<16xf32>,
      tpu.vector_store %arg8[%parallel_loop3A_175], %parallel_loop3A_168 {strides = array<i32>} : memref<32768xf32, #tpu.memory_space<vmem>>, vector<16xf32>,
      %parallel_loop3A_177 = arith.constant 128 : i32
      %parallel_loop3A_178 = arith.muli %parallel_loop3A_68, %parallel_loop3A_177 : i32
      %parallel_loop3A_179 = arith.constant 32 : i32
      %parallel_loop3A_180 = arith.addi %parallel_loop3A_178, %parallel_loop3A_179 : i32
      %parallel_loop3A_181 = arith.index_cast %parallel_loop3A_180 : i32 to index
      %parallel_loop3A_182 = tpu.vector_load %arg6[%parallel_loop3A_181] {strides = array<i32>} : memref<8192xi32, #tpu.memory_space<vmem>>, vector<16xi32>,
      %parallel_loop3A_183 = arith.constant 4 : i32
      %parallel_loop3A_184 = vector.broadcast %parallel_loop3A_183 : i32 to vector<16xi32>
      %parallel_loop3A_185 = arith.muli %parallel_loop3A_182, %parallel_loop3A_184 : vector<16xi32>
      %parallel_loop3A_186 = tpu.vector_load_idx %arg5[%parallel_loop3A_185] : memref<400xf32, #tpu.memory_space<vmem>>[vector<16xi32>], vector<16xf32>,
      %parallel_loop3A_187 = arith.constant 512 : i32
      %parallel_loop3A_188 = arith.muli %parallel_loop3A_68, %parallel_loop3A_187 : i32
      %parallel_loop3A_189 = arith.constant 0 : i32
      %parallel_loop3A_190 = arith.addi %parallel_loop3A_188, %parallel_loop3A_189 : i32
      %parallel_loop3A_191 = arith.constant 32 : i32
      %parallel_loop3A_192 = arith.addi %parallel_loop3A_190, %parallel_loop3A_191 : i32
      %parallel_loop3A_193 = arith.index_cast %parallel_loop3A_192 : i32 to index
      %parallel_loop3A_194 = tpu.vector_load %arg8[%parallel_loop3A_193] {strides = array<i32>} : memref<32768xf32, #tpu.memory_space<vmem>>, vector<16xf32>,
      tpu.vector_store %arg8[%parallel_loop3A_193], %parallel_loop3A_186 {strides = array<i32>} : memref<32768xf32, #tpu.memory_space<vmem>>, vector<16xf32>,
      %parallel_loop3A_195 = arith.constant 1 : i32
      %parallel_loop3A_196 = vector.broadcast %parallel_loop3A_195 : i32 to vector<16xi32>
      %parallel_loop3A_197 = arith.addi %parallel_loop3A_185, %parallel_loop3A_196 : vector<16xi32>
      %parallel_loop3A_198 = tpu.vector_load_idx %arg5[%parallel_loop3A_197] : memref<400xf32, #tpu.memory_space<vmem>>[vector<16xi32>], vector<16xf32>,
      %parallel_loop3A_199 = arith.constant 512 : i32
      %parallel_loop3A_200 = arith.muli %parallel_loop3A_68, %parallel_loop3A_199 : i32
      %parallel_loop3A_201 = arith.constant 128 : i32
      %parallel_loop3A_202 = arith.addi %parallel_loop3A_200, %parallel_loop3A_201 : i32
      %parallel_loop3A_203 = arith.constant 32 : i32
      %parallel_loop3A_204 = arith.addi %parallel_loop3A_202, %parallel_loop3A_203 : i32
      %parallel_loop3A_205 = arith.index_cast %parallel_loop3A_204 : i32 to index
      %parallel_loop3A_206 = tpu.vector_load %arg8[%parallel_loop3A_205] {strides = array<i32>} : memref<32768xf32, #tpu.memory_space<vmem>>, vector<16xf32>,
      tpu.vector_store %arg8[%parallel_loop3A_205], %parallel_loop3A_198 {strides = array<i32>} : memref<32768xf32, #tpu.memory_space<vmem>>, vector<16xf32>,
      %parallel_loop3A_207 = arith.constant 2 : i32
      %parallel_loop3A_208 = vector.broadcast %parallel_loop3A_207 : i32 to vector<16xi32>
      %parallel_loop3A_209 = arith.addi %parallel_loop3A_185, %parallel_loop3A_208 : vector<16xi32>
      %parallel_loop3A_210 = tpu.vector_load_idx %arg5[%parallel_loop3A_209] : memref<400xf32, #tpu.memory_space<vmem>>[vector<16xi32>], vector<16xf32>,
      %parallel_loop3A_211 = arith.constant 512 : i32
      %parallel_loop3A_212 = arith.muli %parallel_loop3A_68, %parallel_loop3A_211 : i32
      %parallel_loop3A_213 = arith.constant 256 : i32
      %parallel_loop3A_214 = arith.addi %parallel_loop3A_212, %parallel_loop3A_213 : i32
      %parallel_loop3A_215 = arith.constant 32 : i32
      %parallel_loop3A_216 = arith.addi %parallel_loop3A_214, %parallel_loop3A_215 : i32
      %parallel_loop3A_217 = arith.index_cast %parallel_loop3A_216 : i32 to index
      %parallel_loop3A_218 = tpu.vector_load %arg8[%parallel_loop3A_217] {strides = array<i32>} : memref<32768xf32, #tpu.memory_space<vmem>>, vector<16xf32>,
      tpu.vector_store %arg8[%parallel_loop3A_217], %parallel_loop3A_210 {strides = array<i32>} : memref<32768xf32, #tpu.memory_space<vmem>>, vector<16xf32>,
      %parallel_loop3A_219 = arith.constant 3 : i32
      %parallel_loop3A_220 = vector.broadcast %parallel_loop3A_219 : i32 to vector<16xi32>
      %parallel_loop3A_221 = arith.addi %parallel_loop3A_185, %parallel_loop3A_220 : vector<16xi32>
      %parallel_loop3A_222 = tpu.vector_load_idx %arg5[%parallel_loop3A_221] : memref<400xf32, #tpu.memory_space<vmem>>[vector<16xi32>], vector<16xf32>,
      %parallel_loop3A_223 = arith.constant 512 : i32
      %parallel_loop3A_224 = arith.muli %parallel_loop3A_68, %parallel_loop3A_223 : i32
      %parallel_loop3A_225 = arith.constant 384 : i32
      %parallel_loop3A_226 = arith.addi %parallel_loop3A_224, %parallel_loop3A_225 : i32
      %parallel_loop3A_227 = arith.constant 32 : i32
      %parallel_loop3A_228 = arith.addi %parallel_loop3A_226, %parallel_loop3A_227 : i32
      %parallel_loop3A_229 = arith.index_cast %parallel_loop3A_228 : i32 to index
      %parallel_loop3A_230 = tpu.vector_load %arg8[%parallel_loop3A_229] {strides = array<i32>} : memref<32768xf32, #tpu.memory_space<vmem>>, vector<16xf32>,
      tpu.vector_store %arg8[%parallel_loop3A_229], %parallel_loop3A_222 {strides = array<i32>} : memref<32768xf32, #tpu.memory_space<vmem>>, vector<16xf32>,
      %parallel_loop3A_231 = arith.constant 128 : i32
      %parallel_loop3A_232 = arith.muli %parallel_loop3A_68, %parallel_loop3A_231 : i32
      %parallel_loop3A_233 = arith.constant 48 : i32
      %parallel_loop3A_234 = arith.addi %parallel_loop3A_232, %parallel_loop3A_233 : i32
      %parallel_loop3A_235 = arith.index_cast %parallel_loop3A_234 : i32 to index
      %parallel_loop3A_236 = tpu.vector_load %arg6[%parallel_loop3A_235] {strides = array<i32>} : memref<8192xi32, #tpu.memory_space<vmem>>, vector<16xi32>,
      %parallel_loop3A_237 = arith.constant 4 : i32
      %parallel_loop3A_238 = vector.broadcast %parallel_loop3A_237 : i32 to vector<16xi32>
      %parallel_loop3A_239 = arith.muli %parallel_loop3A_236, %parallel_loop3A_238 : vector<16xi32>
      %parallel_loop3A_240 = tpu.vector_load_idx %arg5[%parallel_loop3A_239] : memref<400xf32, #tpu.memory_space<vmem>>[vector<16xi32>], vector<16xf32>,
      %parallel_loop3A_241 = arith.constant 512 : i32
      %parallel_loop3A_242 = arith.muli %parallel_loop3A_68, %parallel_loop3A_241 : i32
      %parallel_loop3A_243 = arith.constant 0 : i32
      %parallel_loop3A_244 = arith.addi %parallel_loop3A_242, %parallel_loop3A_243 : i32
      %parallel_loop3A_245 = arith.constant 48 : i32
      %parallel_loop3A_246 = arith.addi %parallel_loop3A_244, %parallel_loop3A_245 : i32
      %parallel_loop3A_247 = arith.index_cast %parallel_loop3A_246 : i32 to index
      %parallel_loop3A_248 = tpu.vector_load %arg8[%parallel_loop3A_247] {strides = array<i32>} : memref<32768xf32, #tpu.memory_space<vmem>>, vector<16xf32>,
      tpu.vector_store %arg8[%parallel_loop3A_247], %parallel_loop3A_240 {strides = array<i32>} : memref<32768xf32, #tpu.memory_space<vmem>>, vector<16xf32>,
      %parallel_loop3A_249 = arith.constant 1 : i32
      %parallel_loop3A_250 = vector.broadcast %parallel_loop3A_249 : i32 to vector<16xi32>
      %parallel_loop3A_251 = arith.addi %parallel_loop3A_239, %parallel_loop3A_250 : vector<16xi32>
      %parallel_loop3A_252 = tpu.vector_load_idx %arg5[%parallel_loop3A_251] : memref<400xf32, #tpu.memory_space<vmem>>[vector<16xi32>], vector<16xf32>,
      %parallel_loop3A_253 = arith.constant 512 : i32
      %parallel_loop3A_254 = arith.muli %parallel_loop3A_68, %parallel_loop3A_253 : i32
      %parallel_loop3A_255 = arith.constant 128 : i32
      %parallel_loop3A_256 = arith.addi %parallel_loop3A_254, %parallel_loop3A_255 : i32
      %parallel_loop3A_257 = arith.constant 48 : i32
      %parallel_loop3A_258 = arith.addi %parallel_loop3A_256, %parallel_loop3A_257 : i32
      %parallel_loop3A_259 = arith.index_cast %parallel_loop3A_258 : i32 to index
      %parallel_loop3A_260 = tpu.vector_load %arg8[%parallel_loop3A_259] {strides = array<i32>} : memref<32768xf32, #tpu.memory_space<vmem>>, vector<16xf32>,
      tpu.vector_store %arg8[%parallel_loop3A_259], %parallel_loop3A_252 {strides = array<i32>} : memref<32768xf32, #tpu.memory_space<vmem>>, vector<16xf32>,
      %parallel_loop3A_261 = arith.constant 2 : i32
      %parallel_loop3A_262 = vector.broadcast %parallel_loop3A_261 : i32 to vector<16xi32>
      %parallel_loop3A_263 = arith.addi %parallel_loop3A_239, %parallel_loop3A_262 : vector<16xi32>
      %parallel_loop3A_264 = tpu.vector_load_idx %arg5[%parallel_loop3A_263] : memref<400xf32, #tpu.memory_space<vmem>>[vector<16xi32>], vector<16xf32>,
      %parallel_loop3A_265 = arith.constant 512 : i32
      %parallel_loop3A_266 = arith.muli %parallel_loop3A_68, %parallel_loop3A_265 : i32
      %parallel_loop3A_267 = arith.constant 256 : i32
      %parallel_loop3A_268 = arith.addi %parallel_loop3A_266, %parallel_loop3A_267 : i32
      %parallel_loop3A_269 = arith.constant 48 : i32
      %parallel_loop3A_270 = arith.addi %parallel_loop3A_268, %parallel_loop3A_269 : i32
      %parallel_loop3A_271 = arith.index_cast %parallel_loop3A_270 : i32 to index
      %parallel_loop3A_272 = tpu.vector_load %arg8[%parallel_loop3A_271] {strides = array<i32>} : memref<32768xf32, #tpu.memory_space<vmem>>, vector<16xf32>,
      tpu.vector_store %arg8[%parallel_loop3A_271], %parallel_loop3A_264 {strides = array<i32>} : memref<32768xf32, #tpu.memory_space<vmem>>, vector<16xf32>,
      %parallel_loop3A_273 = arith.constant 3 : i32
      %parallel_loop3A_274 = vector.broadcast %parallel_loop3A_273 : i32 to vector<16xi32>
      %parallel_loop3A_275 = arith.addi %parallel_loop3A_239, %parallel_loop3A_274 : vector<16xi32>
      %parallel_loop3A_276 = tpu.vector_load_idx %arg5[%parallel_loop3A_275] : memref<400xf32, #tpu.memory_space<vmem>>[vector<16xi32>], vector<16xf32>,
      %parallel_loop3A_277 = arith.constant 512 : i32
      %parallel_loop3A_278 = arith.muli %parallel_loop3A_68, %parallel_loop3A_277 : i32
      %parallel_loop3A_279 = arith.constant 384 : i32
      %parallel_loop3A_280 = arith.addi %parallel_loop3A_278, %parallel_loop3A_279 : i32
      %parallel_loop3A_281 = arith.constant 48 : i32
      %parallel_loop3A_282 = arith.addi %parallel_loop3A_280, %parallel_loop3A_281 : i32
      %parallel_loop3A_283 = arith.index_cast %parallel_loop3A_282 : i32 to index
      %parallel_loop3A_284 = tpu.vector_load %arg8[%parallel_loop3A_283] {strides = array<i32>} : memref<32768xf32, #tpu.memory_space<vmem>>, vector<16xf32>,
      tpu.vector_store %arg8[%parallel_loop3A_283], %parallel_loop3A_276 {strides = array<i32>} : memref<32768xf32, #tpu.memory_space<vmem>>, vector<16xf32>,
      %parallel_loop3A_285 = arith.constant 128 : i32
      %parallel_loop3A_286 = arith.muli %parallel_loop3A_68, %parallel_loop3A_285 : i32
      %parallel_loop3A_287 = arith.constant 64 : i32
      %parallel_loop3A_288 = arith.addi %parallel_loop3A_286, %parallel_loop3A_287 : i32
      %parallel_loop3A_289 = arith.index_cast %parallel_loop3A_288 : i32 to index
      %parallel_loop3A_290 = tpu.vector_load %arg6[%parallel_loop3A_289] {strides = array<i32>} : memref<8192xi32, #tpu.memory_space<vmem>>, vector<16xi32>,
      %parallel_loop3A_291 = arith.constant 4 : i32
      %parallel_loop3A_292 = vector.broadcast %parallel_loop3A_291 : i32 to vector<16xi32>
      %parallel_loop3A_293 = arith.muli %parallel_loop3A_290, %parallel_loop3A_292 : vector<16xi32>
      %parallel_loop3A_294 = tpu.vector_load_idx %arg5[%parallel_loop3A_293] : memref<400xf32, #tpu.memory_space<vmem>>[vector<16xi32>], vector<16xf32>,
      %parallel_loop3A_295 = arith.constant 512 : i32
      %parallel_loop3A_296 = arith.muli %parallel_loop3A_68, %parallel_loop3A_295 : i32
      %parallel_loop3A_297 = arith.constant 0 : i32
      %parallel_loop3A_298 = arith.addi %parallel_loop3A_296, %parallel_loop3A_297 : i32
      %parallel_loop3A_299 = arith.constant 64 : i32
      %parallel_loop3A_300 = arith.addi %parallel_loop3A_298, %parallel_loop3A_299 : i32
      %parallel_loop3A_301 = arith.index_cast %parallel_loop3A_300 : i32 to index
      %parallel_loop3A_302 = tpu.vector_load %arg8[%parallel_loop3A_301] {strides = array<i32>} : memref<32768xf32, #tpu.memory_space<vmem>>, vector<16xf32>,
      tpu.vector_store %arg8[%parallel_loop3A_301], %parallel_loop3A_294 {strides = array<i32>} : memref<32768xf32, #tpu.memory_space<vmem>>, vector<16xf32>,
      %parallel_loop3A_303 = arith.constant 1 : i32
      %parallel_loop3A_304 = vector.broadcast %parallel_loop3A_303 : i32 to vector<16xi32>
      %parallel_loop3A_305 = arith.addi %parallel_loop3A_293, %parallel_loop3A_304 : vector<16xi32>
      %parallel_loop3A_306 = tpu.vector_load_idx %arg5[%parallel_loop3A_305] : memref<400xf32, #tpu.memory_space<vmem>>[vector<16xi32>], vector<16xf32>,
      %parallel_loop3A_307 = arith.constant 512 : i32
      %parallel_loop3A_308 = arith.muli %parallel_loop3A_68, %parallel_loop3A_307 : i32
      %parallel_loop3A_309 = arith.constant 128 : i32
      %parallel_loop3A_310 = arith.addi %parallel_loop3A_308, %parallel_loop3A_309 : i32
      %parallel_loop3A_311 = arith.constant 64 : i32
      %parallel_loop3A_312 = arith.addi %parallel_loop3A_310, %parallel_loop3A_311 : i32
      %parallel_loop3A_313 = arith.index_cast %parallel_loop3A_312 : i32 to index
      %parallel_loop3A_314 = tpu.vector_load %arg8[%parallel_loop3A_313] {strides = array<i32>} : memref<32768xf32, #tpu.memory_space<vmem>>, vector<16xf32>,
      tpu.vector_store %arg8[%parallel_loop3A_313], %parallel_loop3A_306 {strides = array<i32>} : memref<32768xf32, #tpu.memory_space<vmem>>, vector<16xf32>,
      %parallel_loop3A_315 = arith.constant 2 : i32
      %parallel_loop3A_316 = vector.broadcast %parallel_loop3A_315 : i32 to vector<16xi32>
      %parallel_loop3A_317 = arith.addi %parallel_loop3A_293, %parallel_loop3A_316 : vector<16xi32>
      %parallel_loop3A_318 = tpu.vector_load_idx %arg5[%parallel_loop3A_317] : memref<400xf32, #tpu.memory_space<vmem>>[vector<16xi32>], vector<16xf32>,
      %parallel_loop3A_319 = arith.constant 512 : i32
      %parallel_loop3A_320 = arith.muli %parallel_loop3A_68, %parallel_loop3A_319 : i32
      %parallel_loop3A_321 = arith.constant 256 : i32
      %parallel_loop3A_322 = arith.addi %parallel_loop3A_320, %parallel_loop3A_321 : i32
      %parallel_loop3A_323 = arith.constant 64 : i32
      %parallel_loop3A_324 = arith.addi %parallel_loop3A_322, %parallel_loop3A_323 : i32
      %parallel_loop3A_325 = arith.index_cast %parallel_loop3A_324 : i32 to index
      %parallel_loop3A_326 = tpu.vector_load %arg8[%parallel_loop3A_325] {strides = array<i32>} : memref<32768xf32, #tpu.memory_space<vmem>>, vector<16xf32>,
      tpu.vector_store %arg8[%parallel_loop3A_325], %parallel_loop3A_318 {strides = array<i32>} : memref<32768xf32, #tpu.memory_space<vmem>>, vector<16xf32>,
      %parallel_loop3A_327 = arith.constant 3 : i32
      %parallel_loop3A_328 = vector.broadcast %parallel_loop3A_327 : i32 to vector<16xi32>
      %parallel_loop3A_329 = arith.addi %parallel_loop3A_293, %parallel_loop3A_328 : vector<16xi32>
      %parallel_loop3A_330 = tpu.vector_load_idx %arg5[%parallel_loop3A_329] : memref<400xf32, #tpu.memory_space<vmem>>[vector<16xi32>], vector<16xf32>,
      %parallel_loop3A_331 = arith.constant 512 : i32
      %parallel_loop3A_332 = arith.muli %parallel_loop3A_68, %parallel_loop3A_331 : i32
      %parallel_loop3A_333 = arith.constant 384 : i32
      %parallel_loop3A_334 = arith.addi %parallel_loop3A_332, %parallel_loop3A_333 : i32
      %parallel_loop3A_335 = arith.constant 64 : i32
      %parallel_loop3A_336 = arith.addi %parallel_loop3A_334, %parallel_loop3A_335 : i32
      %parallel_loop3A_337 = arith.index_cast %parallel_loop3A_336 : i32 to index
      %parallel_loop3A_338 = tpu.vector_load %arg8[%parallel_loop3A_337] {strides = array<i32>} : memref<32768xf32, #tpu.memory_space<vmem>>, vector<16xf32>,
      tpu.vector_store %arg8[%parallel_loop3A_337], %parallel_loop3A_330 {strides = array<i32>} : memref<32768xf32, #tpu.memory_space<vmem>>, vector<16xf32>,
      %parallel_loop3A_339 = arith.constant 128 : i32
      %parallel_loop3A_340 = arith.muli %parallel_loop3A_68, %parallel_loop3A_339 : i32
      %parallel_loop3A_341 = arith.constant 80 : i32
      %parallel_loop3A_342 = arith.addi %parallel_loop3A_340, %parallel_loop3A_341 : i32
      %parallel_loop3A_343 = arith.index_cast %parallel_loop3A_342 : i32 to index
      %parallel_loop3A_344 = tpu.vector_load %arg6[%parallel_loop3A_343] {strides = array<i32>} : memref<8192xi32, #tpu.memory_space<vmem>>, vector<16xi32>,
      %parallel_loop3A_345 = arith.constant 4 : i32
      %parallel_loop3A_346 = vector.broadcast %parallel_loop3A_345 : i32 to vector<16xi32>
      %parallel_loop3A_347 = arith.muli %parallel_loop3A_344, %parallel_loop3A_346 : vector<16xi32>
      %parallel_loop3A_348 = tpu.vector_load_idx %arg5[%parallel_loop3A_347] : memref<400xf32, #tpu.memory_space<vmem>>[vector<16xi32>], vector<16xf32>,
      %parallel_loop3A_349 = arith.constant 512 : i32
      %parallel_loop3A_350 = arith.muli %parallel_loop3A_68, %parallel_loop3A_349 : i32
      %parallel_loop3A_351 = arith.constant 0 : i32
      %parallel_loop3A_352 = arith.addi %parallel_loop3A_350, %parallel_loop3A_351 : i32
      %parallel_loop3A_353 = arith.constant 80 : i32
      %parallel_loop3A_354 = arith.addi %parallel_loop3A_352, %parallel_loop3A_353 : i32
      %parallel_loop3A_355 = arith.index_cast %parallel_loop3A_354 : i32 to index
      %parallel_loop3A_356 = tpu.vector_load %arg8[%parallel_loop3A_355] {strides = array<i32>} : memref<32768xf32, #tpu.memory_space<vmem>>, vector<16xf32>,
      tpu.vector_store %arg8[%parallel_loop3A_355], %parallel_loop3A_348 {strides = array<i32>} : memref<32768xf32, #tpu.memory_space<vmem>>, vector<16xf32>,
      %parallel_loop3A_357 = arith.constant 1 : i32
      %parallel_loop3A_358 = vector.broadcast %parallel_loop3A_357 : i32 to vector<16xi32>
      %parallel_loop3A_359 = arith.addi %parallel_loop3A_347, %parallel_loop3A_358 : vector<16xi32>
      %parallel_loop3A_360 = tpu.vector_load_idx %arg5[%parallel_loop3A_359] : memref<400xf32, #tpu.memory_space<vmem>>[vector<16xi32>], vector<16xf32>,
      %parallel_loop3A_361 = arith.constant 512 : i32
      %parallel_loop3A_362 = arith.muli %parallel_loop3A_68, %parallel_loop3A_361 : i32
      %parallel_loop3A_363 = arith.constant 128 : i32
      %parallel_loop3A_364 = arith.addi %parallel_loop3A_362, %parallel_loop3A_363 : i32
      %parallel_loop3A_365 = arith.constant 80 : i32
      %parallel_loop3A_366 = arith.addi %parallel_loop3A_364, %parallel_loop3A_365 : i32
      %parallel_loop3A_367 = arith.index_cast %parallel_loop3A_366 : i32 to index
      %parallel_loop3A_368 = tpu.vector_load %arg8[%parallel_loop3A_367] {strides = array<i32>} : memref<32768xf32, #tpu.memory_space<vmem>>, vector<16xf32>,
      tpu.vector_store %arg8[%parallel_loop3A_367], %parallel_loop3A_360 {strides = array<i32>} : memref<32768xf32, #tpu.memory_space<vmem>>, vector<16xf32>,
      %parallel_loop3A_369 = arith.constant 2 : i32
      %parallel_loop3A_370 = vector.broadcast %parallel_loop3A_369 : i32 to vector<16xi32>
      %parallel_loop3A_371 = arith.addi %parallel_loop3A_347, %parallel_loop3A_370 : vector<16xi32>
      %parallel_loop3A_372 = tpu.vector_load_idx %arg5[%parallel_loop3A_371] : memref<400xf32, #tpu.memory_space<vmem>>[vector<16xi32>], vector<16xf32>,
      %parallel_loop3A_373 = arith.constant 512 : i32
      %parallel_loop3A_374 = arith.muli %parallel_loop3A_68, %parallel_loop3A_373 : i32
      %parallel_loop3A_375 = arith.constant 256 : i32
      %parallel_loop3A_376 = arith.addi %parallel_loop3A_374, %parallel_loop3A_375 : i32
      %parallel_loop3A_377 = arith.constant 80 : i32
      %parallel_loop3A_378 = arith.addi %parallel_loop3A_376, %parallel_loop3A_377 : i32
      %parallel_loop3A_379 = arith.index_cast %parallel_loop3A_378 : i32 to index
      %parallel_loop3A_380 = tpu.vector_load %arg8[%parallel_loop3A_379] {strides = array<i32>} : memref<32768xf32, #tpu.memory_space<vmem>>, vector<16xf32>,
      tpu.vector_store %arg8[%parallel_loop3A_379], %parallel_loop3A_372 {strides = array<i32>} : memref<32768xf32, #tpu.memory_space<vmem>>, vector<16xf32>,
      %parallel_loop3A_381 = arith.constant 3 : i32
      %parallel_loop3A_382 = vector.broadcast %parallel_loop3A_381 : i32 to vector<16xi32>
      %parallel_loop3A_383 = arith.addi %parallel_loop3A_347, %parallel_loop3A_382 : vector<16xi32>
      %parallel_loop3A_384 = tpu.vector_load_idx %arg5[%parallel_loop3A_383] : memref<400xf32, #tpu.memory_space<vmem>>[vector<16xi32>], vector<16xf32>,
      %parallel_loop3A_385 = arith.constant 512 : i32
      %parallel_loop3A_386 = arith.muli %parallel_loop3A_68, %parallel_loop3A_385 : i32
      %parallel_loop3A_387 = arith.constant 384 : i32
      %parallel_loop3A_388 = arith.addi %parallel_loop3A_386, %parallel_loop3A_387 : i32
      %parallel_loop3A_389 = arith.constant 80 : i32
      %parallel_loop3A_390 = arith.addi %parallel_loop3A_388, %parallel_loop3A_389 : i32
      %parallel_loop3A_391 = arith.index_cast %parallel_loop3A_390 : i32 to index
      %parallel_loop3A_392 = tpu.vector_load %arg8[%parallel_loop3A_391] {strides = array<i32>} : memref<32768xf32, #tpu.memory_space<vmem>>, vector<16xf32>,
      tpu.vector_store %arg8[%parallel_loop3A_391], %parallel_loop3A_384 {strides = array<i32>} : memref<32768xf32, #tpu.memory_space<vmem>>, vector<16xf32>,
      %parallel_loop3A_393 = arith.constant 128 : i32
      %parallel_loop3A_394 = arith.muli %parallel_loop3A_68, %parallel_loop3A_393 : i32
      %parallel_loop3A_395 = arith.constant 96 : i32
      %parallel_loop3A_396 = arith.addi %parallel_loop3A_394, %parallel_loop3A_395 : i32
      %parallel_loop3A_397 = arith.index_cast %parallel_loop3A_396 : i32 to index
      %parallel_loop3A_398 = tpu.vector_load %arg6[%parallel_loop3A_397] {strides = array<i32>} : memref<8192xi32, #tpu.memory_space<vmem>>, vector<16xi32>,
      %parallel_loop3A_399 = arith.constant 4 : i32
      %parallel_loop3A_400 = vector.broadcast %parallel_loop3A_399 : i32 to vector<16xi32>
      %parallel_loop3A_401 = arith.muli %parallel_loop3A_398, %parallel_loop3A_400 : vector<16xi32>
      %parallel_loop3A_402 = tpu.vector_load_idx %arg5[%parallel_loop3A_401] : memref<400xf32, #tpu.memory_space<vmem>>[vector<16xi32>], vector<16xf32>,
      %parallel_loop3A_403 = arith.constant 512 : i32
      %parallel_loop3A_404 = arith.muli %parallel_loop3A_68, %parallel_loop3A_403 : i32
      %parallel_loop3A_405 = arith.constant 0 : i32
      %parallel_loop3A_406 = arith.addi %parallel_loop3A_404, %parallel_loop3A_405 : i32
      %parallel_loop3A_407 = arith.constant 96 : i32
      %parallel_loop3A_408 = arith.addi %parallel_loop3A_406, %parallel_loop3A_407 : i32
      %parallel_loop3A_409 = arith.index_cast %parallel_loop3A_408 : i32 to index
      %parallel_loop3A_410 = tpu.vector_load %arg8[%parallel_loop3A_409] {strides = array<i32>} : memref<32768xf32, #tpu.memory_space<vmem>>, vector<16xf32>,
      tpu.vector_store %arg8[%parallel_loop3A_409], %parallel_loop3A_402 {strides = array<i32>} : memref<32768xf32, #tpu.memory_space<vmem>>, vector<16xf32>,
      %parallel_loop3A_411 = arith.constant 1 : i32
      %parallel_loop3A_412 = vector.broadcast %parallel_loop3A_411 : i32 to vector<16xi32>
      %parallel_loop3A_413 = arith.addi %parallel_loop3A_401, %parallel_loop3A_412 : vector<16xi32>
      %parallel_loop3A_414 = tpu.vector_load_idx %arg5[%parallel_loop3A_413] : memref<400xf32, #tpu.memory_space<vmem>>[vector<16xi32>], vector<16xf32>,
      %parallel_loop3A_415 = arith.constant 512 : i32
      %parallel_loop3A_416 = arith.muli %parallel_loop3A_68, %parallel_loop3A_415 : i32
      %parallel_loop3A_417 = arith.constant 128 : i32
      %parallel_loop3A_418 = arith.addi %parallel_loop3A_416, %parallel_loop3A_417 : i32
      %parallel_loop3A_419 = arith.constant 96 : i32
      %parallel_loop3A_420 = arith.addi %parallel_loop3A_418, %parallel_loop3A_419 : i32
      %parallel_loop3A_421 = arith.index_cast %parallel_loop3A_420 : i32 to index
      %parallel_loop3A_422 = tpu.vector_load %arg8[%parallel_loop3A_421] {strides = array<i32>} : memref<32768xf32, #tpu.memory_space<vmem>>, vector<16xf32>,
      tpu.vector_store %arg8[%parallel_loop3A_421], %parallel_loop3A_414 {strides = array<i32>} : memref<32768xf32, #tpu.memory_space<vmem>>, vector<16xf32>,
      %parallel_loop3A_423 = arith.constant 2 : i32
      %parallel_loop3A_424 = vector.broadcast %parallel_loop3A_423 : i32 to vector<16xi32>
      %parallel_loop3A_425 = arith.addi %parallel_loop3A_401, %parallel_loop3A_424 : vector<16xi32>
      %parallel_loop3A_426 = tpu.vector_load_idx %arg5[%parallel_loop3A_425] : memref<400xf32, #tpu.memory_space<vmem>>[vector<16xi32>], vector<16xf32>,
      %parallel_loop3A_427 = arith.constant 512 : i32
      %parallel_loop3A_428 = arith.muli %parallel_loop3A_68, %parallel_loop3A_427 : i32
      %parallel_loop3A_429 = arith.constant 256 : i32
      %parallel_loop3A_430 = arith.addi %parallel_loop3A_428, %parallel_loop3A_429 : i32
      %parallel_loop3A_431 = arith.constant 96 : i32
      %parallel_loop3A_432 = arith.addi %parallel_loop3A_430, %parallel_loop3A_431 : i32
      %parallel_loop3A_433 = arith.index_cast %parallel_loop3A_432 : i32 to index
      %parallel_loop3A_434 = tpu.vector_load %arg8[%parallel_loop3A_433] {strides = array<i32>} : memref<32768xf32, #tpu.memory_space<vmem>>, vector<16xf32>,
      tpu.vector_store %arg8[%parallel_loop3A_433], %parallel_loop3A_426 {strides = array<i32>} : memref<32768xf32, #tpu.memory_space<vmem>>, vector<16xf32>,
      %parallel_loop3A_435 = arith.constant 3 : i32
      %parallel_loop3A_436 = vector.broadcast %parallel_loop3A_435 : i32 to vector<16xi32>
      %parallel_loop3A_437 = arith.addi %parallel_loop3A_401, %parallel_loop3A_436 : vector<16xi32>
      %parallel_loop3A_438 = tpu.vector_load_idx %arg5[%parallel_loop3A_437] : memref<400xf32, #tpu.memory_space<vmem>>[vector<16xi32>], vector<16xf32>,
      %parallel_loop3A_439 = arith.constant 512 : i32
      %parallel_loop3A_440 = arith.muli %parallel_loop3A_68, %parallel_loop3A_439 : i32
      %parallel_loop3A_441 = arith.constant 384 : i32
      %parallel_loop3A_442 = arith.addi %parallel_loop3A_440, %parallel_loop3A_441 : i32
      %parallel_loop3A_443 = arith.constant 96 : i32
      %parallel_loop3A_444 = arith.addi %parallel_loop3A_442, %parallel_loop3A_443 : i32
      %parallel_loop3A_445 = arith.index_cast %parallel_loop3A_444 : i32 to index
      %parallel_loop3A_446 = tpu.vector_load %arg8[%parallel_loop3A_445] {strides = array<i32>} : memref<32768xf32, #tpu.memory_space<vmem>>, vector<16xf32>,
      tpu.vector_store %arg8[%parallel_loop3A_445], %parallel_loop3A_438 {strides = array<i32>} : memref<32768xf32, #tpu.memory_space<vmem>>, vector<16xf32>,
      %parallel_loop3A_447 = arith.constant 128 : i32
      %parallel_loop3A_448 = arith.muli %parallel_loop3A_68, %parallel_loop3A_447 : i32
      %parallel_loop3A_449 = arith.constant 112 : i32
      %parallel_loop3A_450 = arith.addi %parallel_loop3A_448, %parallel_loop3A_449 : i32
      %parallel_loop3A_451 = arith.index_cast %parallel_loop3A_450 : i32 to index
      %parallel_loop3A_452 = tpu.vector_load %arg6[%parallel_loop3A_451] {strides = array<i32>} : memref<8192xi32, #tpu.memory_space<vmem>>, vector<16xi32>,
      %parallel_loop3A_453 = arith.constant 4 : i32
      %parallel_loop3A_454 = vector.broadcast %parallel_loop3A_453 : i32 to vector<16xi32>
      %parallel_loop3A_455 = arith.muli %parallel_loop3A_452, %parallel_loop3A_454 : vector<16xi32>
      %parallel_loop3A_456 = tpu.vector_load_idx %arg5[%parallel_loop3A_455] : memref<400xf32, #tpu.memory_space<vmem>>[vector<16xi32>], vector<16xf32>,
      %parallel_loop3A_457 = arith.constant 512 : i32
      %parallel_loop3A_458 = arith.muli %parallel_loop3A_68, %parallel_loop3A_457 : i32
      %parallel_loop3A_459 = arith.constant 0 : i32
      %parallel_loop3A_460 = arith.addi %parallel_loop3A_458, %parallel_loop3A_459 : i32
      %parallel_loop3A_461 = arith.constant 112 : i32
      %parallel_loop3A_462 = arith.addi %parallel_loop3A_460, %parallel_loop3A_461 : i32
      %parallel_loop3A_463 = arith.index_cast %parallel_loop3A_462 : i32 to index
      %parallel_loop3A_464 = tpu.vector_load %arg8[%parallel_loop3A_463] {strides = array<i32>} : memref<32768xf32, #tpu.memory_space<vmem>>, vector<16xf32>,
      tpu.vector_store %arg8[%parallel_loop3A_463], %parallel_loop3A_456 {strides = array<i32>} : memref<32768xf32, #tpu.memory_space<vmem>>, vector<16xf32>,
      %parallel_loop3A_465 = arith.constant 1 : i32
      %parallel_loop3A_466 = vector.broadcast %parallel_loop3A_465 : i32 to vector<16xi32>
      %parallel_loop3A_467 = arith.addi %parallel_loop3A_455, %parallel_loop3A_466 : vector<16xi32>
      %parallel_loop3A_468 = tpu.vector_load_idx %arg5[%parallel_loop3A_467] : memref<400xf32, #tpu.memory_space<vmem>>[vector<16xi32>], vector<16xf32>,
      %parallel_loop3A_469 = arith.constant 512 : i32
      %parallel_loop3A_470 = arith.muli %parallel_loop3A_68, %parallel_loop3A_469 : i32
      %parallel_loop3A_471 = arith.constant 128 : i32
      %parallel_loop3A_472 = arith.addi %parallel_loop3A_470, %parallel_loop3A_471 : i32
      %parallel_loop3A_473 = arith.constant 112 : i32
      %parallel_loop3A_474 = arith.addi %parallel_loop3A_472, %parallel_loop3A_473 : i32
      %parallel_loop3A_475 = arith.index_cast %parallel_loop3A_474 : i32 to index
      %parallel_loop3A_476 = tpu.vector_load %arg8[%parallel_loop3A_475] {strides = array<i32>} : memref<32768xf32, #tpu.memory_space<vmem>>, vector<16xf32>,
      tpu.vector_store %arg8[%parallel_loop3A_475], %parallel_loop3A_468 {strides = array<i32>} : memref<32768xf32, #tpu.memory_space<vmem>>, vector<16xf32>,
      %parallel_loop3A_477 = arith.constant 2 : i32
      %parallel_loop3A_478 = vector.broadcast %parallel_loop3A_477 : i32 to vector<16xi32>
      %parallel_loop3A_479 = arith.addi %parallel_loop3A_455, %parallel_loop3A_478 : vector<16xi32>
      %parallel_loop3A_480 = tpu.vector_load_idx %arg5[%parallel_loop3A_479] : memref<400xf32, #tpu.memory_space<vmem>>[vector<16xi32>], vector<16xf32>,
      %parallel_loop3A_481 = arith.constant 512 : i32
      %parallel_loop3A_482 = arith.muli %parallel_loop3A_68, %parallel_loop3A_481 : i32
      %parallel_loop3A_483 = arith.constant 256 : i32
      %parallel_loop3A_484 = arith.addi %parallel_loop3A_482, %parallel_loop3A_483 : i32
      %parallel_loop3A_485 = arith.constant 112 : i32
      %parallel_loop3A_486 = arith.addi %parallel_loop3A_484, %parallel_loop3A_485 : i32
      %parallel_loop3A_487 = arith.index_cast %parallel_loop3A_486 : i32 to index
      %parallel_loop3A_488 = tpu.vector_load %arg8[%parallel_loop3A_487] {strides = array<i32>} : memref<32768xf32, #tpu.memory_space<vmem>>, vector<16xf32>,
      tpu.vector_store %arg8[%parallel_loop3A_487], %parallel_loop3A_480 {strides = array<i32>} : memref<32768xf32, #tpu.memory_space<vmem>>, vector<16xf32>,
      %parallel_loop3A_489 = arith.constant 3 : i32
      %parallel_loop3A_490 = vector.broadcast %parallel_loop3A_489 : i32 to vector<16xi32>
      %parallel_loop3A_491 = arith.addi %parallel_loop3A_455, %parallel_loop3A_490 : vector<16xi32>
      %parallel_loop3A_492 = tpu.vector_load_idx %arg5[%parallel_loop3A_491] : memref<400xf32, #tpu.memory_space<vmem>>[vector<16xi32>], vector<16xf32>,
      %parallel_loop3A_493 = arith.constant 512 : i32
      %parallel_loop3A_494 = arith.muli %parallel_loop3A_68, %parallel_loop3A_493 : i32
      %parallel_loop3A_495 = arith.constant 384 : i32
      %parallel_loop3A_496 = arith.addi %parallel_loop3A_494, %parallel_loop3A_495 : i32
      %parallel_loop3A_497 = arith.constant 112 : i32
      %parallel_loop3A_498 = arith.addi %parallel_loop3A_496, %parallel_loop3A_497 : i32
      %parallel_loop3A_499 = arith.index_cast %parallel_loop3A_498 : i32 to index
      %parallel_loop3A_500 = tpu.vector_load %arg8[%parallel_loop3A_499] {strides = array<i32>} : memref<32768xf32, #tpu.memory_space<vmem>>, vector<16xf32>,
      tpu.vector_store %arg8[%parallel_loop3A_499], %parallel_loop3A_492 {strides = array<i32>} : memref<32768xf32, #tpu.memory_space<vmem>>, vector<16xf32>,
    } {sc.loop_unroll_factor = 2 : i64, sc.parallel_access}
    %mul3A_13 = arith.constant 4 : i32
    %mul3A_14 = arith.muli %mul3A_2, %mul3A_13 : i32
    %add3A_15 = arith.constant 0 : i32
    %add3A_16 = arith.addi %mul3A_14, %add3A_15 : i32
    %dma_start3A_17 = tpu.memref_slice %arg4[%add3A_16] : memref<4194304xf32, #tpu.memory_space<hbm>> -> memref<32768xf32, #tpu.memory_space<hbm>>
    %dma_start3A_18 = tpu.memref_slice %arg4[%add3A_16] : memref<4194304xf32, #tpu.memory_space<hbm>> -> memref<32768xf32, #tpu.memory_space<hbm>>
    tpu.enqueue_dma source(%arg8 : memref<32768xf32, #tpu.memory_space<vmem>>) target(%dma_start3A_18 : memref<32768xf32, #tpu.memory_space<hbm>>) target_semaphore(%arg12 : memref<!tpu.dma_semaphore, #tpu.memory_space<semaphore_mem>>)
    %add3A_19 = arith.constant 16384 : i32
    %add3A_20 = arith.addi %mul3A_2, %add3A_19 : i32
    %dma_start3A_21 = tpu.memref_slice %arg2[%add3A_20] : memref<1048576xi32, #tpu.memory_space<hbm>> -> memref<8192xi32, #tpu.memory_space<hbm>>
    %dma_start3A_22 = tpu.memref_slice %arg2[%add3A_20] : memref<1048576xi32, #tpu.memory_space<hbm>> -> memref<8192xi32, #tpu.memory_space<hbm>>
    tpu.enqueue_dma source(%dma_start3A_22 : memref<8192xi32, #tpu.memory_space<hbm>>) target(%arg6 : memref<8192xi32, #tpu.memory_space<vmem>>) target_semaphore(%arg10 : memref<!tpu.dma_semaphore, #tpu.memory_space<semaphore_mem>>)
    %dma_wait3A_23 = tpu.memref_slice %arg2[%add3A_7] : memref<1048576xi32, #tpu.memory_space<hbm>> -> memref<8192xi32, #tpu.memory_space<hbm>>
    %dma_wait3A_24 = tpu.memref_slice %arg2[%add3A_7] : memref<1048576xi32, #tpu.memory_space<hbm>> -> memref<8192xi32, #tpu.memory_space<hbm>>
    tpu.wait_dma2 semaphore(%arg11 : memref<!tpu.dma_semaphore, #tpu.memory_space<semaphore_mem>>) src(%dma_wait3A_24 : memref<8192xi32, #tpu.memory_space<hbm>>) dst(%arg7 : memref<8192xi32, #tpu.memory_space<vmem>>)
    %parallel_loop3A_25 = arith.constant 0 : i32
    %parallel_loop3A_26 = arith.constant 64 : i32
    %parallel_loop3A_27 = arith.constant 1 : i32
    scf.for %parallel_loop3A_68 = %parallel_loop3A_25 to %parallel_loop3A_26 step %parallel_loop3A_27  : i32 {
      %parallel_loop3A_69 = arith.constant 128 : i32
      %parallel_loop3A_70 = arith.muli %parallel_loop3A_68, %parallel_loop3A_69 : i32
      %parallel_loop3A_71 = arith.constant 0 : i32
      %parallel_loop3A_72 = arith.addi %parallel_loop3A_70, %parallel_loop3A_71 : i32
      %parallel_loop3A_73 = arith.index_cast %parallel_loop3A_72 : i32 to index
      %parallel_loop3A_74 = tpu.vector_load %arg7[%parallel_loop3A_73] {strides = array<i32>} : memref<8192xi32, #tpu.memory_space<vmem>>, vector<16xi32>,
      %parallel_loop3A_75 = arith.constant 4 : i32
      %parallel_loop3A_76 = vector.broadcast %parallel_loop3A_75 : i32 to vector<16xi32>
      %parallel_loop3A_77 = arith.muli %parallel_loop3A_74, %parallel_loop3A_76 : vector<16xi32>
      %parallel_loop3A_78 = tpu.vector_load_idx %arg5[%parallel_loop3A_77] : memref<400xf32, #tpu.memory_space<vmem>>[vector<16xi32>], vector<16xf32>,
      %parallel_loop3A_79 = arith.constant 512 : i32
      %parallel_loop3A_80 = arith.muli %parallel_loop3A_68, %parallel_loop3A_79 : i32
      %parallel_loop3A_81 = arith.constant 0 : i32
      %parallel_loop3A_82 = arith.addi %parallel_loop3A_80, %parallel_loop3A_81 : i32
      %parallel_loop3A_83 = arith.constant 0 : i32
      %parallel_loop3A_84 = arith.addi %parallel_loop3A_82, %parallel_loop3A_83 : i32
      %parallel_loop3A_85 = arith.index_cast %parallel_loop3A_84 : i32 to index
      %parallel_loop3A_86 = tpu.vector_load %arg9[%parallel_loop3A_85] {strides = array<i32>} : memref<32768xf32, #tpu.memory_space<vmem>>, vector<16xf32>,
      tpu.vector_store %arg9[%parallel_loop3A_85], %parallel_loop3A_78 {strides = array<i32>} : memref<32768xf32, #tpu.memory_space<vmem>>, vector<16xf32>,
      %parallel_loop3A_87 = arith.constant 1 : i32
      %parallel_loop3A_88 = vector.broadcast %parallel_loop3A_87 : i32 to vector<16xi32>
      %parallel_loop3A_89 = arith.addi %parallel_loop3A_77, %parallel_loop3A_88 : vector<16xi32>
      %parallel_loop3A_90 = tpu.vector_load_idx %arg5[%parallel_loop3A_89] : memref<400xf32, #tpu.memory_space<vmem>>[vector<16xi32>], vector<16xf32>,
      %parallel_loop3A_91 = arith.constant 512 : i32
      %parallel_loop3A_92 = arith.muli %parallel_loop3A_68, %parallel_loop3A_91 : i32
      %parallel_loop3A_93 = arith.constant 128 : i32
      %parallel_loop3A_94 = arith.addi %parallel_loop3A_92, %parallel_loop3A_93 : i32
      %parallel_loop3A_95 = arith.constant 0 : i32
      %parallel_loop3A_96 = arith.addi %parallel_loop3A_94, %parallel_loop3A_95 : i32
      %parallel_loop3A_97 = arith.index_cast %parallel_loop3A_96 : i32 to index
      %parallel_loop3A_98 = tpu.vector_load %arg9[%parallel_loop3A_97] {strides = array<i32>} : memref<32768xf32, #tpu.memory_space<vmem>>, vector<16xf32>,
      tpu.vector_store %arg9[%parallel_loop3A_97], %parallel_loop3A_90 {strides = array<i32>} : memref<32768xf32, #tpu.memory_space<vmem>>, vector<16xf32>,
      %parallel_loop3A_99 = arith.constant 2 : i32
      %parallel_loop3A_100 = vector.broadcast %parallel_loop3A_99 : i32 to vector<16xi32>
      %parallel_loop3A_101 = arith.addi %parallel_loop3A_77, %parallel_loop3A_100 : vector<16xi32>
      %parallel_loop3A_102 = tpu.vector_load_idx %arg5[%parallel_loop3A_101] : memref<400xf32, #tpu.memory_space<vmem>>[vector<16xi32>], vector<16xf32>,
      %parallel_loop3A_103 = arith.constant 512 : i32
      %parallel_loop3A_104 = arith.muli %parallel_loop3A_68, %parallel_loop3A_103 : i32
      %parallel_loop3A_105 = arith.constant 256 : i32
      %parallel_loop3A_106 = arith.addi %parallel_loop3A_104, %parallel_loop3A_105 : i32
      %parallel_loop3A_107 = arith.constant 0 : i32
      %parallel_loop3A_108 = arith.addi %parallel_loop3A_106, %parallel_loop3A_107 : i32
      %parallel_loop3A_109 = arith.index_cast %parallel_loop3A_108 : i32 to index
      %parallel_loop3A_110 = tpu.vector_load %arg9[%parallel_loop3A_109] {strides = array<i32>} : memref<32768xf32, #tpu.memory_space<vmem>>, vector<16xf32>,
      tpu.vector_store %arg9[%parallel_loop3A_109], %parallel_loop3A_102 {strides = array<i32>} : memref<32768xf32, #tpu.memory_space<vmem>>, vector<16xf32>,
      %parallel_loop3A_111 = arith.constant 3 : i32
      %parallel_loop3A_112 = vector.broadcast %parallel_loop3A_111 : i32 to vector<16xi32>
      %parallel_loop3A_113 = arith.addi %parallel_loop3A_77, %parallel_loop3A_112 : vector<16xi32>
      %parallel_loop3A_114 = tpu.vector_load_idx %arg5[%parallel_loop3A_113] : memref<400xf32, #tpu.memory_space<vmem>>[vector<16xi32>], vector<16xf32>,
      %parallel_loop3A_115 = arith.constant 512 : i32
      %parallel_loop3A_116 = arith.muli %parallel_loop3A_68, %parallel_loop3A_115 : i32
      %parallel_loop3A_117 = arith.constant 384 : i32
      %parallel_loop3A_118 = arith.addi %parallel_loop3A_116, %parallel_loop3A_117 : i32
      %parallel_loop3A_119 = arith.constant 0 : i32
      %parallel_loop3A_120 = arith.addi %parallel_loop3A_118, %parallel_loop3A_119 : i32
      %parallel_loop3A_121 = arith.index_cast %parallel_loop3A_120 : i32 to index
      %parallel_loop3A_122 = tpu.vector_load %arg9[%parallel_loop3A_121] {strides = array<i32>} : memref<32768xf32, #tpu.memory_space<vmem>>, vector<16xf32>,
      tpu.vector_store %arg9[%parallel_loop3A_121], %parallel_loop3A_114 {strides = array<i32>} : memref<32768xf32, #tpu.memory_space<vmem>>, vector<16xf32>,
      %parallel_loop3A_123 = arith.constant 128 : i32
      %parallel_loop3A_124 = arith.muli %parallel_loop3A_68, %parallel_loop3A_123 : i32
      %parallel_loop3A_125 = arith.constant 16 : i32
      %parallel_loop3A_126 = arith.addi %parallel_loop3A_124, %parallel_loop3A_125 : i32
      %parallel_loop3A_127 = arith.index_cast %parallel_loop3A_126 : i32 to index
      %parallel_loop3A_128 = tpu.vector_load %arg7[%parallel_loop3A_127] {strides = array<i32>} : memref<8192xi32, #tpu.memory_space<vmem>>, vector<16xi32>,
      %parallel_loop3A_129 = arith.constant 4 : i32
      %parallel_loop3A_130 = vector.broadcast %parallel_loop3A_129 : i32 to vector<16xi32>
      %parallel_loop3A_131 = arith.muli %parallel_loop3A_128, %parallel_loop3A_130 : vector<16xi32>
      %parallel_loop3A_132 = tpu.vector_load_idx %arg5[%parallel_loop3A_131] : memref<400xf32, #tpu.memory_space<vmem>>[vector<16xi32>], vector<16xf32>,
      %parallel_loop3A_133 = arith.constant 512 : i32
      %parallel_loop3A_134 = arith.muli %parallel_loop3A_68, %parallel_loop3A_133 : i32
      %parallel_loop3A_135 = arith.constant 0 : i32
      %parallel_loop3A_136 = arith.addi %parallel_loop3A_134, %parallel_loop3A_135 : i32
      %parallel_loop3A_137 = arith.constant 16 : i32
      %parallel_loop3A_138 = arith.addi %parallel_loop3A_136, %parallel_loop3A_137 : i32
      %parallel_loop3A_139 = arith.index_cast %parallel_loop3A_138 : i32 to index
      %parallel_loop3A_140 = tpu.vector_load %arg9[%parallel_loop3A_139] {strides = array<i32>} : memref<32768xf32, #tpu.memory_space<vmem>>, vector<16xf32>,
      tpu.vector_store %arg9[%parallel_loop3A_139], %parallel_loop3A_132 {strides = array<i32>} : memref<32768xf32, #tpu.memory_space<vmem>>, vector<16xf32>,
      %parallel_loop3A_141 = arith.constant 1 : i32
      %parallel_loop3A_142 = vector.broadcast %parallel_loop3A_141 : i32 to vector<16xi32>
      %parallel_loop3A_143 = arith.addi %parallel_loop3A_131, %parallel_loop3A_142 : vector<16xi32>
      %parallel_loop3A_144 = tpu.vector_load_idx %arg5[%parallel_loop3A_143] : memref<400xf32, #tpu.memory_space<vmem>>[vector<16xi32>], vector<16xf32>,
      %parallel_loop3A_145 = arith.constant 512 : i32
      %parallel_loop3A_146 = arith.muli %parallel_loop3A_68, %parallel_loop3A_145 : i32
      %parallel_loop3A_147 = arith.constant 128 : i32
      %parallel_loop3A_148 = arith.addi %parallel_loop3A_146, %parallel_loop3A_147 : i32
      %parallel_loop3A_149 = arith.constant 16 : i32
      %parallel_loop3A_150 = arith.addi %parallel_loop3A_148, %parallel_loop3A_149 : i32
      %parallel_loop3A_151 = arith.index_cast %parallel_loop3A_150 : i32 to index
      %parallel_loop3A_152 = tpu.vector_load %arg9[%parallel_loop3A_151] {strides = array<i32>} : memref<32768xf32, #tpu.memory_space<vmem>>, vector<16xf32>,
      tpu.vector_store %arg9[%parallel_loop3A_151], %parallel_loop3A_144 {strides = array<i32>} : memref<32768xf32, #tpu.memory_space<vmem>>, vector<16xf32>,
      %parallel_loop3A_153 = arith.constant 2 : i32
      %parallel_loop3A_154 = vector.broadcast %parallel_loop3A_153 : i32 to vector<16xi32>
      %parallel_loop3A_155 = arith.addi %parallel_loop3A_131, %parallel_loop3A_154 : vector<16xi32>
      %parallel_loop3A_156 = tpu.vector_load_idx %arg5[%parallel_loop3A_155] : memref<400xf32, #tpu.memory_space<vmem>>[vector<16xi32>], vector<16xf32>,
      %parallel_loop3A_157 = arith.constant 512 : i32
      %parallel_loop3A_158 = arith.muli %parallel_loop3A_68, %parallel_loop3A_157 : i32
      %parallel_loop3A_159 = arith.constant 256 : i32
      %parallel_loop3A_160 = arith.addi %parallel_loop3A_158, %parallel_loop3A_159 : i32
      %parallel_loop3A_161 = arith.constant 16 : i32
      %parallel_loop3A_162 = arith.addi %parallel_loop3A_160, %parallel_loop3A_161 : i32
      %parallel_loop3A_163 = arith.index_cast %parallel_loop3A_162 : i32 to index
      %parallel_loop3A_164 = tpu.vector_load %arg9[%parallel_loop3A_163] {strides = array<i32>} : memref<32768xf32, #tpu.memory_space<vmem>>, vector<16xf32>,
      tpu.vector_store %arg9[%parallel_loop3A_163], %parallel_loop3A_156 {strides = array<i32>} : memref<32768xf32, #tpu.memory_space<vmem>>, vector<16xf32>,
      %parallel_loop3A_165 = arith.constant 3 : i32
      %parallel_loop3A_166 = vector.broadcast %parallel_loop3A_165 : i32 to vector<16xi32>
      %parallel_loop3A_167 = arith.addi %parallel_loop3A_131, %parallel_loop3A_166 : vector<16xi32>
      %parallel_loop3A_168 = tpu.vector_load_idx %arg5[%parallel_loop3A_167] : memref<400xf32, #tpu.memory_space<vmem>>[vector<16xi32>], vector<16xf32>,
      %parallel_loop3A_169 = arith.constant 512 : i32
      %parallel_loop3A_170 = arith.muli %parallel_loop3A_68, %parallel_loop3A_169 : i32
      %parallel_loop3A_171 = arith.constant 384 : i32
      %parallel_loop3A_172 = arith.addi %parallel_loop3A_170, %parallel_loop3A_171 : i32
      %parallel_loop3A_173 = arith.constant 16 : i32
      %parallel_loop3A_174 = arith.addi %parallel_loop3A_172, %parallel_loop3A_173 : i32
      %parallel_loop3A_175 = arith.index_cast %parallel_loop3A_174 : i32 to index
      %parallel_loop3A_176 = tpu.vector_load %arg9[%parallel_loop3A_175] {strides = array<i32>} : memref<32768xf32, #tpu.memory_space<vmem>>, vector<16xf32>,
      tpu.vector_store %arg9[%parallel_loop3A_175], %parallel_loop3A_168 {strides = array<i32>} : memref<32768xf32, #tpu.memory_space<vmem>>, vector<16xf32>,
      %parallel_loop3A_177 = arith.constant 128 : i32
      %parallel_loop3A_178 = arith.muli %parallel_loop3A_68, %parallel_loop3A_177 : i32
      %parallel_loop3A_179 = arith.constant 32 : i32
      %parallel_loop3A_180 = arith.addi %parallel_loop3A_178, %parallel_loop3A_179 : i32
      %parallel_loop3A_181 = arith.index_cast %parallel_loop3A_180 : i32 to index
      %parallel_loop3A_182 = tpu.vector_load %arg7[%parallel_loop3A_181] {strides = array<i32>} : memref<8192xi32, #tpu.memory_space<vmem>>, vector<16xi32>,
      %parallel_loop3A_183 = arith.constant 4 : i32
      %parallel_loop3A_184 = vector.broadcast %parallel_loop3A_183 : i32 to vector<16xi32>
      %parallel_loop3A_185 = arith.muli %parallel_loop3A_182, %parallel_loop3A_184 : vector<16xi32>
      %parallel_loop3A_186 = tpu.vector_load_idx %arg5[%parallel_loop3A_185] : memref<400xf32, #tpu.memory_space<vmem>>[vector<16xi32>], vector<16xf32>,
      %parallel_loop3A_187 = arith.constant 512 : i32
      %parallel_loop3A_188 = arith.muli %parallel_loop3A_68, %parallel_loop3A_187 : i32
      %parallel_loop3A_189 = arith.constant 0 : i32
      %parallel_loop3A_190 = arith.addi %parallel_loop3A_188, %parallel_loop3A_189 : i32
      %parallel_loop3A_191 = arith.constant 32 : i32
      %parallel_loop3A_192 = arith.addi %parallel_loop3A_190, %parallel_loop3A_191 : i32
      %parallel_loop3A_193 = arith.index_cast %parallel_loop3A_192 : i32 to index
      %parallel_loop3A_194 = tpu.vector_load %arg9[%parallel_loop3A_193] {strides = array<i32>} : memref<32768xf32, #tpu.memory_space<vmem>>, vector<16xf32>,
      tpu.vector_store %arg9[%parallel_loop3A_193], %parallel_loop3A_186 {strides = array<i32>} : memref<32768xf32, #tpu.memory_space<vmem>>, vector<16xf32>,
      %parallel_loop3A_195 = arith.constant 1 : i32
      %parallel_loop3A_196 = vector.broadcast %parallel_loop3A_195 : i32 to vector<16xi32>
      %parallel_loop3A_197 = arith.addi %parallel_loop3A_185, %parallel_loop3A_196 : vector<16xi32>
      %parallel_loop3A_198 = tpu.vector_load_idx %arg5[%parallel_loop3A_197] : memref<400xf32, #tpu.memory_space<vmem>>[vector<16xi32>], vector<16xf32>,
      %parallel_loop3A_199 = arith.constant 512 : i32
      %parallel_loop3A_200 = arith.muli %parallel_loop3A_68, %parallel_loop3A_199 : i32
      %parallel_loop3A_201 = arith.constant 128 : i32
      %parallel_loop3A_202 = arith.addi %parallel_loop3A_200, %parallel_loop3A_201 : i32
      %parallel_loop3A_203 = arith.constant 32 : i32
      %parallel_loop3A_204 = arith.addi %parallel_loop3A_202, %parallel_loop3A_203 : i32
      %parallel_loop3A_205 = arith.index_cast %parallel_loop3A_204 : i32 to index
      %parallel_loop3A_206 = tpu.vector_load %arg9[%parallel_loop3A_205] {strides = array<i32>} : memref<32768xf32, #tpu.memory_space<vmem>>, vector<16xf32>,
      tpu.vector_store %arg9[%parallel_loop3A_205], %parallel_loop3A_198 {strides = array<i32>} : memref<32768xf32, #tpu.memory_space<vmem>>, vector<16xf32>,
      %parallel_loop3A_207 = arith.constant 2 : i32
      %parallel_loop3A_208 = vector.broadcast %parallel_loop3A_207 : i32 to vector<16xi32>
      %parallel_loop3A_209 = arith.addi %parallel_loop3A_185, %parallel_loop3A_208 : vector<16xi32>
      %parallel_loop3A_210 = tpu.vector_load_idx %arg5[%parallel_loop3A_209] : memref<400xf32, #tpu.memory_space<vmem>>[vector<16xi32>], vector<16xf32>,
      %parallel_loop3A_211 = arith.constant 512 : i32
      %parallel_loop3A_212 = arith.muli %parallel_loop3A_68, %parallel_loop3A_211 : i32
      %parallel_loop3A_213 = arith.constant 256 : i32
      %parallel_loop3A_214 = arith.addi %parallel_loop3A_212, %parallel_loop3A_213 : i32
      %parallel_loop3A_215 = arith.constant 32 : i32
      %parallel_loop3A_216 = arith.addi %parallel_loop3A_214, %parallel_loop3A_215 : i32
      %parallel_loop3A_217 = arith.index_cast %parallel_loop3A_216 : i32 to index
      %parallel_loop3A_218 = tpu.vector_load %arg9[%parallel_loop3A_217] {strides = array<i32>} : memref<32768xf32, #tpu.memory_space<vmem>>, vector<16xf32>,
      tpu.vector_store %arg9[%parallel_loop3A_217], %parallel_loop3A_210 {strides = array<i32>} : memref<32768xf32, #tpu.memory_space<vmem>>, vector<16xf32>,
      %parallel_loop3A_219 = arith.constant 3 : i32
      %parallel_loop3A_220 = vector.broadcast %parallel_loop3A_219 : i32 to vector<16xi32>
      %parallel_loop3A_221 = arith.addi %parallel_loop3A_185, %parallel_loop3A_220 : vector<16xi32>
      %parallel_loop3A_222 = tpu.vector_load_idx %arg5[%parallel_loop3A_221] : memref<400xf32, #tpu.memory_space<vmem>>[vector<16xi32>], vector<16xf32>,
      %parallel_loop3A_223 = arith.constant 512 : i32
      %parallel_loop3A_224 = arith.muli %parallel_loop3A_68, %parallel_loop3A_223 : i32
      %parallel_loop3A_225 = arith.constant 384 : i32
      %parallel_loop3A_226 = arith.addi %parallel_loop3A_224, %parallel_loop3A_225 : i32
      %parallel_loop3A_227 = arith.constant 32 : i32
      %parallel_loop3A_228 = arith.addi %parallel_loop3A_226, %parallel_loop3A_227 : i32
      %parallel_loop3A_229 = arith.index_cast %parallel_loop3A_228 : i32 to index
      %parallel_loop3A_230 = tpu.vector_load %arg9[%parallel_loop3A_229] {strides = array<i32>} : memref<32768xf32, #tpu.memory_space<vmem>>, vector<16xf32>,
      tpu.vector_store %arg9[%parallel_loop3A_229], %parallel_loop3A_222 {strides = array<i32>} : memref<32768xf32, #tpu.memory_space<vmem>>, vector<16xf32>,
      %parallel_loop3A_231 = arith.constant 128 : i32
      %parallel_loop3A_232 = arith.muli %parallel_loop3A_68, %parallel_loop3A_231 : i32
      %parallel_loop3A_233 = arith.constant 48 : i32
      %parallel_loop3A_234 = arith.addi %parallel_loop3A_232, %parallel_loop3A_233 : i32
      %parallel_loop3A_235 = arith.index_cast %parallel_loop3A_234 : i32 to index
      %parallel_loop3A_236 = tpu.vector_load %arg7[%parallel_loop3A_235] {strides = array<i32>} : memref<8192xi32, #tpu.memory_space<vmem>>, vector<16xi32>,
      %parallel_loop3A_237 = arith.constant 4 : i32
      %parallel_loop3A_238 = vector.broadcast %parallel_loop3A_237 : i32 to vector<16xi32>
      %parallel_loop3A_239 = arith.muli %parallel_loop3A_236, %parallel_loop3A_238 : vector<16xi32>
      %parallel_loop3A_240 = tpu.vector_load_idx %arg5[%parallel_loop3A_239] : memref<400xf32, #tpu.memory_space<vmem>>[vector<16xi32>], vector<16xf32>,
      %parallel_loop3A_241 = arith.constant 512 : i32
      %parallel_loop3A_242 = arith.muli %parallel_loop3A_68, %parallel_loop3A_241 : i32
      %parallel_loop3A_243 = arith.constant 0 : i32
      %parallel_loop3A_244 = arith.addi %parallel_loop3A_242, %parallel_loop3A_243 : i32
      %parallel_loop3A_245 = arith.constant 48 : i32
      %parallel_loop3A_246 = arith.addi %parallel_loop3A_244, %parallel_loop3A_245 : i32
      %parallel_loop3A_247 = arith.index_cast %parallel_loop3A_246 : i32 to index
      %parallel_loop3A_248 = tpu.vector_load %arg9[%parallel_loop3A_247] {strides = array<i32>} : memref<32768xf32, #tpu.memory_space<vmem>>, vector<16xf32>,
      tpu.vector_store %arg9[%parallel_loop3A_247], %parallel_loop3A_240 {strides = array<i32>} : memref<32768xf32, #tpu.memory_space<vmem>>, vector<16xf32>,
      %parallel_loop3A_249 = arith.constant 1 : i32
      %parallel_loop3A_250 = vector.broadcast %parallel_loop3A_249 : i32 to vector<16xi32>
      %parallel_loop3A_251 = arith.addi %parallel_loop3A_239, %parallel_loop3A_250 : vector<16xi32>
      %parallel_loop3A_252 = tpu.vector_load_idx %arg5[%parallel_loop3A_251] : memref<400xf32, #tpu.memory_space<vmem>>[vector<16xi32>], vector<16xf32>,
      %parallel_loop3A_253 = arith.constant 512 : i32
      %parallel_loop3A_254 = arith.muli %parallel_loop3A_68, %parallel_loop3A_253 : i32
      %parallel_loop3A_255 = arith.constant 128 : i32
      %parallel_loop3A_256 = arith.addi %parallel_loop3A_254, %parallel_loop3A_255 : i32
      %parallel_loop3A_257 = arith.constant 48 : i32
      %parallel_loop3A_258 = arith.addi %parallel_loop3A_256, %parallel_loop3A_257 : i32
      %parallel_loop3A_259 = arith.index_cast %parallel_loop3A_258 : i32 to index
      %parallel_loop3A_260 = tpu.vector_load %arg9[%parallel_loop3A_259] {strides = array<i32>} : memref<32768xf32, #tpu.memory_space<vmem>>, vector<16xf32>,
      tpu.vector_store %arg9[%parallel_loop3A_259], %parallel_loop3A_252 {strides = array<i32>} : memref<32768xf32, #tpu.memory_space<vmem>>, vector<16xf32>,
      %parallel_loop3A_261 = arith.constant 2 : i32
      %parallel_loop3A_262 = vector.broadcast %parallel_loop3A_261 : i32 to vector<16xi32>
      %parallel_loop3A_263 = arith.addi %parallel_loop3A_239, %parallel_loop3A_262 : vector<16xi32>
      %parallel_loop3A_264 = tpu.vector_load_idx %arg5[%parallel_loop3A_263] : memref<400xf32, #tpu.memory_space<vmem>>[vector<16xi32>], vector<16xf32>,
      %parallel_loop3A_265 = arith.constant 512 : i32
      %parallel_loop3A_266 = arith.muli %parallel_loop3A_68, %parallel_loop3A_265 : i32
      %parallel_loop3A_267 = arith.constant 256 : i32
      %parallel_loop3A_268 = arith.addi %parallel_loop3A_266, %parallel_loop3A_267 : i32
      %parallel_loop3A_269 = arith.constant 48 : i32
      %parallel_loop3A_270 = arith.addi %parallel_loop3A_268, %parallel_loop3A_269 : i32
      %parallel_loop3A_271 = arith.index_cast %parallel_loop3A_270 : i32 to index
      %parallel_loop3A_272 = tpu.vector_load %arg9[%parallel_loop3A_271] {strides = array<i32>} : memref<32768xf32, #tpu.memory_space<vmem>>, vector<16xf32>,
      tpu.vector_store %arg9[%parallel_loop3A_271], %parallel_loop3A_264 {strides = array<i32>} : memref<32768xf32, #tpu.memory_space<vmem>>, vector<16xf32>,
      %parallel_loop3A_273 = arith.constant 3 : i32
      %parallel_loop3A_274 = vector.broadcast %parallel_loop3A_273 : i32 to vector<16xi32>
      %parallel_loop3A_275 = arith.addi %parallel_loop3A_239, %parallel_loop3A_274 : vector<16xi32>
      %parallel_loop3A_276 = tpu.vector_load_idx %arg5[%parallel_loop3A_275] : memref<400xf32, #tpu.memory_space<vmem>>[vector<16xi32>], vector<16xf32>,
      %parallel_loop3A_277 = arith.constant 512 : i32
      %parallel_loop3A_278 = arith.muli %parallel_loop3A_68, %parallel_loop3A_277 : i32
      %parallel_loop3A_279 = arith.constant 384 : i32
      %parallel_loop3A_280 = arith.addi %parallel_loop3A_278, %parallel_loop3A_279 : i32
      %parallel_loop3A_281 = arith.constant 48 : i32
      %parallel_loop3A_282 = arith.addi %parallel_loop3A_280, %parallel_loop3A_281 : i32
      %parallel_loop3A_283 = arith.index_cast %parallel_loop3A_282 : i32 to index
      %parallel_loop3A_284 = tpu.vector_load %arg9[%parallel_loop3A_283] {strides = array<i32>} : memref<32768xf32, #tpu.memory_space<vmem>>, vector<16xf32>,
      tpu.vector_store %arg9[%parallel_loop3A_283], %parallel_loop3A_276 {strides = array<i32>} : memref<32768xf32, #tpu.memory_space<vmem>>, vector<16xf32>,
      %parallel_loop3A_285 = arith.constant 128 : i32
      %parallel_loop3A_286 = arith.muli %parallel_loop3A_68, %parallel_loop3A_285 : i32
      %parallel_loop3A_287 = arith.constant 64 : i32
      %parallel_loop3A_288 = arith.addi %parallel_loop3A_286, %parallel_loop3A_287 : i32
      %parallel_loop3A_289 = arith.index_cast %parallel_loop3A_288 : i32 to index
      %parallel_loop3A_290 = tpu.vector_load %arg7[%parallel_loop3A_289] {strides = array<i32>} : memref<8192xi32, #tpu.memory_space<vmem>>, vector<16xi32>,
      %parallel_loop3A_291 = arith.constant 4 : i32
      %parallel_loop3A_292 = vector.broadcast %parallel_loop3A_291 : i32 to vector<16xi32>
      %parallel_loop3A_293 = arith.muli %parallel_loop3A_290, %parallel_loop3A_292 : vector<16xi32>
      %parallel_loop3A_294 = tpu.vector_load_idx %arg5[%parallel_loop3A_293] : memref<400xf32, #tpu.memory_space<vmem>>[vector<16xi32>], vector<16xf32>,
      %parallel_loop3A_295 = arith.constant 512 : i32
      %parallel_loop3A_296 = arith.muli %parallel_loop3A_68, %parallel_loop3A_295 : i32
      %parallel_loop3A_297 = arith.constant 0 : i32
      %parallel_loop3A_298 = arith.addi %parallel_loop3A_296, %parallel_loop3A_297 : i32
      %parallel_loop3A_299 = arith.constant 64 : i32
      %parallel_loop3A_300 = arith.addi %parallel_loop3A_298, %parallel_loop3A_299 : i32
      %parallel_loop3A_301 = arith.index_cast %parallel_loop3A_300 : i32 to index
      %parallel_loop3A_302 = tpu.vector_load %arg9[%parallel_loop3A_301] {strides = array<i32>} : memref<32768xf32, #tpu.memory_space<vmem>>, vector<16xf32>,
      tpu.vector_store %arg9[%parallel_loop3A_301], %parallel_loop3A_294 {strides = array<i32>} : memref<32768xf32, #tpu.memory_space<vmem>>, vector<16xf32>,
      %parallel_loop3A_303 = arith.constant 1 : i32
      %parallel_loop3A_304 = vector.broadcast %parallel_loop3A_303 : i32 to vector<16xi32>
      %parallel_loop3A_305 = arith.addi %parallel_loop3A_293, %parallel_loop3A_304 : vector<16xi32>
      %parallel_loop3A_306 = tpu.vector_load_idx %arg5[%parallel_loop3A_305] : memref<400xf32, #tpu.memory_space<vmem>>[vector<16xi32>], vector<16xf32>,
      %parallel_loop3A_307 = arith.constant 512 : i32
      %parallel_loop3A_308 = arith.muli %parallel_loop3A_68, %parallel_loop3A_307 : i32
      %parallel_loop3A_309 = arith.constant 128 : i32
      %parallel_loop3A_310 = arith.addi %parallel_loop3A_308, %parallel_loop3A_309 : i32
      %parallel_loop3A_311 = arith.constant 64 : i32
      %parallel_loop3A_312 = arith.addi %parallel_loop3A_310, %parallel_loop3A_311 : i32
      %parallel_loop3A_313 = arith.index_cast %parallel_loop3A_312 : i32 to index
      %parallel_loop3A_314 = tpu.vector_load %arg9[%parallel_loop3A_313] {strides = array<i32>} : memref<32768xf32, #tpu.memory_space<vmem>>, vector<16xf32>,
      tpu.vector_store %arg9[%parallel_loop3A_313], %parallel_loop3A_306 {strides = array<i32>} : memref<32768xf32, #tpu.memory_space<vmem>>, vector<16xf32>,
      %parallel_loop3A_315 = arith.constant 2 : i32
      %parallel_loop3A_316 = vector.broadcast %parallel_loop3A_315 : i32 to vector<16xi32>
      %parallel_loop3A_317 = arith.addi %parallel_loop3A_293, %parallel_loop3A_316 : vector<16xi32>
      %parallel_loop3A_318 = tpu.vector_load_idx %arg5[%parallel_loop3A_317] : memref<400xf32, #tpu.memory_space<vmem>>[vector<16xi32>], vector<16xf32>,
      %parallel_loop3A_319 = arith.constant 512 : i32
      %parallel_loop3A_320 = arith.muli %parallel_loop3A_68, %parallel_loop3A_319 : i32
      %parallel_loop3A_321 = arith.constant 256 : i32
      %parallel_loop3A_322 = arith.addi %parallel_loop3A_320, %parallel_loop3A_321 : i32
      %parallel_loop3A_323 = arith.constant 64 : i32
      %parallel_loop3A_324 = arith.addi %parallel_loop3A_322, %parallel_loop3A_323 : i32
      %parallel_loop3A_325 = arith.index_cast %parallel_loop3A_324 : i32 to index
      %parallel_loop3A_326 = tpu.vector_load %arg9[%parallel_loop3A_325] {strides = array<i32>} : memref<32768xf32, #tpu.memory_space<vmem>>, vector<16xf32>,
      tpu.vector_store %arg9[%parallel_loop3A_325], %parallel_loop3A_318 {strides = array<i32>} : memref<32768xf32, #tpu.memory_space<vmem>>, vector<16xf32>,
      %parallel_loop3A_327 = arith.constant 3 : i32
      %parallel_loop3A_328 = vector.broadcast %parallel_loop3A_327 : i32 to vector<16xi32>
      %parallel_loop3A_329 = arith.addi %parallel_loop3A_293, %parallel_loop3A_328 : vector<16xi32>
      %parallel_loop3A_330 = tpu.vector_load_idx %arg5[%parallel_loop3A_329] : memref<400xf32, #tpu.memory_space<vmem>>[vector<16xi32>], vector<16xf32>,
      %parallel_loop3A_331 = arith.constant 512 : i32
      %parallel_loop3A_332 = arith.muli %parallel_loop3A_68, %parallel_loop3A_331 : i32
      %parallel_loop3A_333 = arith.constant 384 : i32
      %parallel_loop3A_334 = arith.addi %parallel_loop3A_332, %parallel_loop3A_333 : i32
      %parallel_loop3A_335 = arith.constant 64 : i32
      %parallel_loop3A_336 = arith.addi %parallel_loop3A_334, %parallel_loop3A_335 : i32
      %parallel_loop3A_337 = arith.index_cast %parallel_loop3A_336 : i32 to index
      %parallel_loop3A_338 = tpu.vector_load %arg9[%parallel_loop3A_337] {strides = array<i32>} : memref<32768xf32, #tpu.memory_space<vmem>>, vector<16xf32>,
      tpu.vector_store %arg9[%parallel_loop3A_337], %parallel_loop3A_330 {strides = array<i32>} : memref<32768xf32, #tpu.memory_space<vmem>>, vector<16xf32>,
      %parallel_loop3A_339 = arith.constant 128 : i32
      %parallel_loop3A_340 = arith.muli %parallel_loop3A_68, %parallel_loop3A_339 : i32
      %parallel_loop3A_341 = arith.constant 80 : i32
      %parallel_loop3A_342 = arith.addi %parallel_loop3A_340, %parallel_loop3A_341 : i32
      %parallel_loop3A_343 = arith.index_cast %parallel_loop3A_342 : i32 to index
      %parallel_loop3A_344 = tpu.vector_load %arg7[%parallel_loop3A_343] {strides = array<i32>} : memref<8192xi32, #tpu.memory_space<vmem>>, vector<16xi32>,
      %parallel_loop3A_345 = arith.constant 4 : i32
      %parallel_loop3A_346 = vector.broadcast %parallel_loop3A_345 : i32 to vector<16xi32>
      %parallel_loop3A_347 = arith.muli %parallel_loop3A_344, %parallel_loop3A_346 : vector<16xi32>
      %parallel_loop3A_348 = tpu.vector_load_idx %arg5[%parallel_loop3A_347] : memref<400xf32, #tpu.memory_space<vmem>>[vector<16xi32>], vector<16xf32>,
      %parallel_loop3A_349 = arith.constant 512 : i32
      %parallel_loop3A_350 = arith.muli %parallel_loop3A_68, %parallel_loop3A_349 : i32
      %parallel_loop3A_351 = arith.constant 0 : i32
      %parallel_loop3A_352 = arith.addi %parallel_loop3A_350, %parallel_loop3A_351 : i32
      %parallel_loop3A_353 = arith.constant 80 : i32
      %parallel_loop3A_354 = arith.addi %parallel_loop3A_352, %parallel_loop3A_353 : i32
      %parallel_loop3A_355 = arith.index_cast %parallel_loop3A_354 : i32 to index
      %parallel_loop3A_356 = tpu.vector_load %arg9[%parallel_loop3A_355] {strides = array<i32>} : memref<32768xf32, #tpu.memory_space<vmem>>, vector<16xf32>,
      tpu.vector_store %arg9[%parallel_loop3A_355], %parallel_loop3A_348 {strides = array<i32>} : memref<32768xf32, #tpu.memory_space<vmem>>, vector<16xf32>,
      %parallel_loop3A_357 = arith.constant 1 : i32
      %parallel_loop3A_358 = vector.broadcast %parallel_loop3A_357 : i32 to vector<16xi32>
      %parallel_loop3A_359 = arith.addi %parallel_loop3A_347, %parallel_loop3A_358 : vector<16xi32>
      %parallel_loop3A_360 = tpu.vector_load_idx %arg5[%parallel_loop3A_359] : memref<400xf32, #tpu.memory_space<vmem>>[vector<16xi32>], vector<16xf32>,
      %parallel_loop3A_361 = arith.constant 512 : i32
      %parallel_loop3A_362 = arith.muli %parallel_loop3A_68, %parallel_loop3A_361 : i32
      %parallel_loop3A_363 = arith.constant 128 : i32
      %parallel_loop3A_364 = arith.addi %parallel_loop3A_362, %parallel_loop3A_363 : i32
      %parallel_loop3A_365 = arith.constant 80 : i32
      %parallel_loop3A_366 = arith.addi %parallel_loop3A_364, %parallel_loop3A_365 : i32
      %parallel_loop3A_367 = arith.index_cast %parallel_loop3A_366 : i32 to index
      %parallel_loop3A_368 = tpu.vector_load %arg9[%parallel_loop3A_367] {strides = array<i32>} : memref<32768xf32, #tpu.memory_space<vmem>>, vector<16xf32>,
      tpu.vector_store %arg9[%parallel_loop3A_367], %parallel_loop3A_360 {strides = array<i32>} : memref<32768xf32, #tpu.memory_space<vmem>>, vector<16xf32>,
      %parallel_loop3A_369 = arith.constant 2 : i32
      %parallel_loop3A_370 = vector.broadcast %parallel_loop3A_369 : i32 to vector<16xi32>
      %parallel_loop3A_371 = arith.addi %parallel_loop3A_347, %parallel_loop3A_370 : vector<16xi32>
      %parallel_loop3A_372 = tpu.vector_load_idx %arg5[%parallel_loop3A_371] : memref<400xf32, #tpu.memory_space<vmem>>[vector<16xi32>], vector<16xf32>,
      %parallel_loop3A_373 = arith.constant 512 : i32
      %parallel_loop3A_374 = arith.muli %parallel_loop3A_68, %parallel_loop3A_373 : i32
      %parallel_loop3A_375 = arith.constant 256 : i32
      %parallel_loop3A_376 = arith.addi %parallel_loop3A_374, %parallel_loop3A_375 : i32
      %parallel_loop3A_377 = arith.constant 80 : i32
      %parallel_loop3A_378 = arith.addi %parallel_loop3A_376, %parallel_loop3A_377 : i32
      %parallel_loop3A_379 = arith.index_cast %parallel_loop3A_378 : i32 to index
      %parallel_loop3A_380 = tpu.vector_load %arg9[%parallel_loop3A_379] {strides = array<i32>} : memref<32768xf32, #tpu.memory_space<vmem>>, vector<16xf32>,
      tpu.vector_store %arg9[%parallel_loop3A_379], %parallel_loop3A_372 {strides = array<i32>} : memref<32768xf32, #tpu.memory_space<vmem>>, vector<16xf32>,
      %parallel_loop3A_381 = arith.constant 3 : i32
      %parallel_loop3A_382 = vector.broadcast %parallel_loop3A_381 : i32 to vector<16xi32>
      %parallel_loop3A_383 = arith.addi %parallel_loop3A_347, %parallel_loop3A_382 : vector<16xi32>
      %parallel_loop3A_384 = tpu.vector_load_idx %arg5[%parallel_loop3A_383] : memref<400xf32, #tpu.memory_space<vmem>>[vector<16xi32>], vector<16xf32>,
      %parallel_loop3A_385 = arith.constant 512 : i32
      %parallel_loop3A_386 = arith.muli %parallel_loop3A_68, %parallel_loop3A_385 : i32
      %parallel_loop3A_387 = arith.constant 384 : i32
      %parallel_loop3A_388 = arith.addi %parallel_loop3A_386, %parallel_loop3A_387 : i32
      %parallel_loop3A_389 = arith.constant 80 : i32
      %parallel_loop3A_390 = arith.addi %parallel_loop3A_388, %parallel_loop3A_389 : i32
      %parallel_loop3A_391 = arith.index_cast %parallel_loop3A_390 : i32 to index
      %parallel_loop3A_392 = tpu.vector_load %arg9[%parallel_loop3A_391] {strides = array<i32>} : memref<32768xf32, #tpu.memory_space<vmem>>, vector<16xf32>,
      tpu.vector_store %arg9[%parallel_loop3A_391], %parallel_loop3A_384 {strides = array<i32>} : memref<32768xf32, #tpu.memory_space<vmem>>, vector<16xf32>,
      %parallel_loop3A_393 = arith.constant 128 : i32
      %parallel_loop3A_394 = arith.muli %parallel_loop3A_68, %parallel_loop3A_393 : i32
      %parallel_loop3A_395 = arith.constant 96 : i32
      %parallel_loop3A_396 = arith.addi %parallel_loop3A_394, %parallel_loop3A_395 : i32
      %parallel_loop3A_397 = arith.index_cast %parallel_loop3A_396 : i32 to index
      %parallel_loop3A_398 = tpu.vector_load %arg7[%parallel_loop3A_397] {strides = array<i32>} : memref<8192xi32, #tpu.memory_space<vmem>>, vector<16xi32>,
      %parallel_loop3A_399 = arith.constant 4 : i32
      %parallel_loop3A_400 = vector.broadcast %parallel_loop3A_399 : i32 to vector<16xi32>
      %parallel_loop3A_401 = arith.muli %parallel_loop3A_398, %parallel_loop3A_400 : vector<16xi32>
      %parallel_loop3A_402 = tpu.vector_load_idx %arg5[%parallel_loop3A_401] : memref<400xf32, #tpu.memory_space<vmem>>[vector<16xi32>], vector<16xf32>,
      %parallel_loop3A_403 = arith.constant 512 : i32
      %parallel_loop3A_404 = arith.muli %parallel_loop3A_68, %parallel_loop3A_403 : i32
      %parallel_loop3A_405 = arith.constant 0 : i32
      %parallel_loop3A_406 = arith.addi %parallel_loop3A_404, %parallel_loop3A_405 : i32
      %parallel_loop3A_407 = arith.constant 96 : i32
      %parallel_loop3A_408 = arith.addi %parallel_loop3A_406, %parallel_loop3A_407 : i32
      %parallel_loop3A_409 = arith.index_cast %parallel_loop3A_408 : i32 to index
      %parallel_loop3A_410 = tpu.vector_load %arg9[%parallel_loop3A_409] {strides = array<i32>} : memref<32768xf32, #tpu.memory_space<vmem>>, vector<16xf32>,
      tpu.vector_store %arg9[%parallel_loop3A_409], %parallel_loop3A_402 {strides = array<i32>} : memref<32768xf32, #tpu.memory_space<vmem>>, vector<16xf32>,
      %parallel_loop3A_411 = arith.constant 1 : i32
      %parallel_loop3A_412 = vector.broadcast %parallel_loop3A_411 : i32 to vector<16xi32>
      %parallel_loop3A_413 = arith.addi %parallel_loop3A_401, %parallel_loop3A_412 : vector<16xi32>
      %parallel_loop3A_414 = tpu.vector_load_idx %arg5[%parallel_loop3A_413] : memref<400xf32, #tpu.memory_space<vmem>>[vector<16xi32>], vector<16xf32>,
      %parallel_loop3A_415 = arith.constant 512 : i32
      %parallel_loop3A_416 = arith.muli %parallel_loop3A_68, %parallel_loop3A_415 : i32
      %parallel_loop3A_417 = arith.constant 128 : i32
      %parallel_loop3A_418 = arith.addi %parallel_loop3A_416, %parallel_loop3A_417 : i32
      %parallel_loop3A_419 = arith.constant 96 : i32
      %parallel_loop3A_420 = arith.addi %parallel_loop3A_418, %parallel_loop3A_419 : i32
      %parallel_loop3A_421 = arith.index_cast %parallel_loop3A_420 : i32 to index
      %parallel_loop3A_422 = tpu.vector_load %arg9[%parallel_loop3A_421] {strides = array<i32>} : memref<32768xf32, #tpu.memory_space<vmem>>, vector<16xf32>,
      tpu.vector_store %arg9[%parallel_loop3A_421], %parallel_loop3A_414 {strides = array<i32>} : memref<32768xf32, #tpu.memory_space<vmem>>, vector<16xf32>,
      %parallel_loop3A_423 = arith.constant 2 : i32
      %parallel_loop3A_424 = vector.broadcast %parallel_loop3A_423 : i32 to vector<16xi32>
      %parallel_loop3A_425 = arith.addi %parallel_loop3A_401, %parallel_loop3A_424 : vector<16xi32>
      %parallel_loop3A_426 = tpu.vector_load_idx %arg5[%parallel_loop3A_425] : memref<400xf32, #tpu.memory_space<vmem>>[vector<16xi32>], vector<16xf32>,
      %parallel_loop3A_427 = arith.constant 512 : i32
      %parallel_loop3A_428 = arith.muli %parallel_loop3A_68, %parallel_loop3A_427 : i32
      %parallel_loop3A_429 = arith.constant 256 : i32
      %parallel_loop3A_430 = arith.addi %parallel_loop3A_428, %parallel_loop3A_429 : i32
      %parallel_loop3A_431 = arith.constant 96 : i32
      %parallel_loop3A_432 = arith.addi %parallel_loop3A_430, %parallel_loop3A_431 : i32
      %parallel_loop3A_433 = arith.index_cast %parallel_loop3A_432 : i32 to index
      %parallel_loop3A_434 = tpu.vector_load %arg9[%parallel_loop3A_433] {strides = array<i32>} : memref<32768xf32, #tpu.memory_space<vmem>>, vector<16xf32>,
      tpu.vector_store %arg9[%parallel_loop3A_433], %parallel_loop3A_426 {strides = array<i32>} : memref<32768xf32, #tpu.memory_space<vmem>>, vector<16xf32>,
      %parallel_loop3A_435 = arith.constant 3 : i32
      %parallel_loop3A_436 = vector.broadcast %parallel_loop3A_435 : i32 to vector<16xi32>
      %parallel_loop3A_437 = arith.addi %parallel_loop3A_401, %parallel_loop3A_436 : vector<16xi32>
      %parallel_loop3A_438 = tpu.vector_load_idx %arg5[%parallel_loop3A_437] : memref<400xf32, #tpu.memory_space<vmem>>[vector<16xi32>], vector<16xf32>,
      %parallel_loop3A_439 = arith.constant 512 : i32
      %parallel_loop3A_440 = arith.muli %parallel_loop3A_68, %parallel_loop3A_439 : i32
      %parallel_loop3A_441 = arith.constant 384 : i32
      %parallel_loop3A_442 = arith.addi %parallel_loop3A_440, %parallel_loop3A_441 : i32
      %parallel_loop3A_443 = arith.constant 96 : i32
      %parallel_loop3A_444 = arith.addi %parallel_loop3A_442, %parallel_loop3A_443 : i32
      %parallel_loop3A_445 = arith.index_cast %parallel_loop3A_444 : i32 to index
      %parallel_loop3A_446 = tpu.vector_load %arg9[%parallel_loop3A_445] {strides = array<i32>} : memref<32768xf32, #tpu.memory_space<vmem>>, vector<16xf32>,
      tpu.vector_store %arg9[%parallel_loop3A_445], %parallel_loop3A_438 {strides = array<i32>} : memref<32768xf32, #tpu.memory_space<vmem>>, vector<16xf32>,
      %parallel_loop3A_447 = arith.constant 128 : i32
      %parallel_loop3A_448 = arith.muli %parallel_loop3A_68, %parallel_loop3A_447 : i32
      %parallel_loop3A_449 = arith.constant 112 : i32
      %parallel_loop3A_450 = arith.addi %parallel_loop3A_448, %parallel_loop3A_449 : i32
      %parallel_loop3A_451 = arith.index_cast %parallel_loop3A_450 : i32 to index
      %parallel_loop3A_452 = tpu.vector_load %arg7[%parallel_loop3A_451] {strides = array<i32>} : memref<8192xi32, #tpu.memory_space<vmem>>, vector<16xi32>,
      %parallel_loop3A_453 = arith.constant 4 : i32
      %parallel_loop3A_454 = vector.broadcast %parallel_loop3A_453 : i32 to vector<16xi32>
      %parallel_loop3A_455 = arith.muli %parallel_loop3A_452, %parallel_loop3A_454 : vector<16xi32>
      %parallel_loop3A_456 = tpu.vector_load_idx %arg5[%parallel_loop3A_455] : memref<400xf32, #tpu.memory_space<vmem>>[vector<16xi32>], vector<16xf32>,
      %parallel_loop3A_457 = arith.constant 512 : i32
      %parallel_loop3A_458 = arith.muli %parallel_loop3A_68, %parallel_loop3A_457 : i32
      %parallel_loop3A_459 = arith.constant 0 : i32
      %parallel_loop3A_460 = arith.addi %parallel_loop3A_458, %parallel_loop3A_459 : i32
      %parallel_loop3A_461 = arith.constant 112 : i32
      %parallel_loop3A_462 = arith.addi %parallel_loop3A_460, %parallel_loop3A_461 : i32
      %parallel_loop3A_463 = arith.index_cast %parallel_loop3A_462 : i32 to index
      %parallel_loop3A_464 = tpu.vector_load %arg9[%parallel_loop3A_463] {strides = array<i32>} : memref<32768xf32, #tpu.memory_space<vmem>>, vector<16xf32>,
      tpu.vector_store %arg9[%parallel_loop3A_463], %parallel_loop3A_456 {strides = array<i32>} : memref<32768xf32, #tpu.memory_space<vmem>>, vector<16xf32>,
      %parallel_loop3A_465 = arith.constant 1 : i32
      %parallel_loop3A_466 = vector.broadcast %parallel_loop3A_465 : i32 to vector<16xi32>
      %parallel_loop3A_467 = arith.addi %parallel_loop3A_455, %parallel_loop3A_466 : vector<16xi32>
      %parallel_loop3A_468 = tpu.vector_load_idx %arg5[%parallel_loop3A_467] : memref<400xf32, #tpu.memory_space<vmem>>[vector<16xi32>], vector<16xf32>,
      %parallel_loop3A_469 = arith.constant 512 : i32
      %parallel_loop3A_470 = arith.muli %parallel_loop3A_68, %parallel_loop3A_469 : i32
      %parallel_loop3A_471 = arith.constant 128 : i32
      %parallel_loop3A_472 = arith.addi %parallel_loop3A_470, %parallel_loop3A_471 : i32
      %parallel_loop3A_473 = arith.constant 112 : i32
      %parallel_loop3A_474 = arith.addi %parallel_loop3A_472, %parallel_loop3A_473 : i32
      %parallel_loop3A_475 = arith.index_cast %parallel_loop3A_474 : i32 to index
      %parallel_loop3A_476 = tpu.vector_load %arg9[%parallel_loop3A_475] {strides = array<i32>} : memref<32768xf32, #tpu.memory_space<vmem>>, vector<16xf32>,
      tpu.vector_store %arg9[%parallel_loop3A_475], %parallel_loop3A_468 {strides = array<i32>} : memref<32768xf32, #tpu.memory_space<vmem>>, vector<16xf32>,
      %parallel_loop3A_477 = arith.constant 2 : i32
      %parallel_loop3A_478 = vector.broadcast %parallel_loop3A_477 : i32 to vector<16xi32>
      %parallel_loop3A_479 = arith.addi %parallel_loop3A_455, %parallel_loop3A_478 : vector<16xi32>
      %parallel_loop3A_480 = tpu.vector_load_idx %arg5[%parallel_loop3A_479] : memref<400xf32, #tpu.memory_space<vmem>>[vector<16xi32>], vector<16xf32>,
      %parallel_loop3A_481 = arith.constant 512 : i32
      %parallel_loop3A_482 = arith.muli %parallel_loop3A_68, %parallel_loop3A_481 : i32
      %parallel_loop3A_483 = arith.constant 256 : i32
      %parallel_loop3A_484 = arith.addi %parallel_loop3A_482, %parallel_loop3A_483 : i32
      %parallel_loop3A_485 = arith.constant 112 : i32
      %parallel_loop3A_486 = arith.addi %parallel_loop3A_484, %parallel_loop3A_485 : i32
      %parallel_loop3A_487 = arith.index_cast %parallel_loop3A_486 : i32 to index
      %parallel_loop3A_488 = tpu.vector_load %arg9[%parallel_loop3A_487] {strides = array<i32>} : memref<32768xf32, #tpu.memory_space<vmem>>, vector<16xf32>,
      tpu.vector_store %arg9[%parallel_loop3A_487], %parallel_loop3A_480 {strides = array<i32>} : memref<32768xf32, #tpu.memory_space<vmem>>, vector<16xf32>,
      %parallel_loop3A_489 = arith.constant 3 : i32
      %parallel_loop3A_490 = vector.broadcast %parallel_loop3A_489 : i32 to vector<16xi32>
      %parallel_loop3A_491 = arith.addi %parallel_loop3A_455, %parallel_loop3A_490 : vector<16xi32>
      %parallel_loop3A_492 = tpu.vector_load_idx %arg5[%parallel_loop3A_491] : memref<400xf32, #tpu.memory_space<vmem>>[vector<16xi32>], vector<16xf32>,
      %parallel_loop3A_493 = arith.constant 512 : i32
      %parallel_loop3A_494 = arith.muli %parallel_loop3A_68, %parallel_loop3A_493 : i32
      %parallel_loop3A_495 = arith.constant 384 : i32
      %parallel_loop3A_496 = arith.addi %parallel_loop3A_494, %parallel_loop3A_495 : i32
      %parallel_loop3A_497 = arith.constant 112 : i32
      %parallel_loop3A_498 = arith.addi %parallel_loop3A_496, %parallel_loop3A_497 : i32
      %parallel_loop3A_499 = arith.index_cast %parallel_loop3A_498 : i32 to index
      %parallel_loop3A_500 = tpu.vector_load %arg9[%parallel_loop3A_499] {strides = array<i32>} : memref<32768xf32, #tpu.memory_space<vmem>>, vector<16xf32>,
      tpu.vector_store %arg9[%parallel_loop3A_499], %parallel_loop3A_492 {strides = array<i32>} : memref<32768xf32, #tpu.memory_space<vmem>>, vector<16xf32>,
    } {sc.loop_unroll_factor = 2 : i64, sc.parallel_access}
    %mul3A_28 = arith.constant 4 : i32
    %mul3A_29 = arith.muli %mul3A_2, %mul3A_28 : i32
    %add3A_30 = arith.constant 32768 : i32
    %add3A_31 = arith.addi %mul3A_29, %add3A_30 : i32
    %dma_start3A_32 = tpu.memref_slice %arg4[%add3A_31] : memref<4194304xf32, #tpu.memory_space<hbm>> -> memref<32768xf32, #tpu.memory_space<hbm>>
    %dma_start3A_33 = tpu.memref_slice %arg4[%add3A_31] : memref<4194304xf32, #tpu.memory_space<hbm>> -> memref<32768xf32, #tpu.memory_space<hbm>>
    tpu.enqueue_dma source(%arg9 : memref<32768xf32, #tpu.memory_space<vmem>>) target(%dma_start3A_33 : memref<32768xf32, #tpu.memory_space<hbm>>) target_semaphore(%arg13 : memref<!tpu.dma_semaphore, #tpu.memory_space<semaphore_mem>>)
    %add3A_34 = arith.constant 24576 : i32
    %add3A_35 = arith.addi %mul3A_2, %add3A_34 : i32
    %dma_start3A_36 = tpu.memref_slice %arg2[%add3A_35] : memref<1048576xi32, #tpu.memory_space<hbm>> -> memref<8192xi32, #tpu.memory_space<hbm>>
    %dma_start3A_37 = tpu.memref_slice %arg2[%add3A_35] : memref<1048576xi32, #tpu.memory_space<hbm>> -> memref<8192xi32, #tpu.memory_space<hbm>>
    tpu.enqueue_dma source(%dma_start3A_37 : memref<8192xi32, #tpu.memory_space<hbm>>) target(%arg7 : memref<8192xi32, #tpu.memory_space<vmem>>) target_semaphore(%arg11 : memref<!tpu.dma_semaphore, #tpu.memory_space<semaphore_mem>>)
    %dma_wait3A_38 = tpu.memref_slice %arg4[%add3A_16] : memref<4194304xf32, #tpu.memory_space<hbm>> -> memref<32768xf32, #tpu.memory_space<hbm>>
    %dma_wait3A_39 = tpu.memref_slice %arg4[%add3A_16] : memref<4194304xf32, #tpu.memory_space<hbm>> -> memref<32768xf32, #tpu.memory_space<hbm>>
    tpu.wait_dma2 semaphore(%arg12 : memref<!tpu.dma_semaphore, #tpu.memory_space<semaphore_mem>>) src(%arg8 : memref<32768xf32, #tpu.memory_space<vmem>>) dst(%dma_wait3A_39 : memref<32768xf32, #tpu.memory_space<hbm>>)
    %dma_wait3A_40 = tpu.memref_slice %arg2[%add3A_20] : memref<1048576xi32, #tpu.memory_space<hbm>> -> memref<8192xi32, #tpu.memory_space<hbm>>
    %dma_wait3A_41 = tpu.memref_slice %arg2[%add3A_20] : memref<1048576xi32, #tpu.memory_space<hbm>> -> memref<8192xi32, #tpu.memory_space<hbm>>
    tpu.wait_dma2 semaphore(%arg10 : memref<!tpu.dma_semaphore, #tpu.memory_space<semaphore_mem>>) src(%dma_wait3A_41 : memref<8192xi32, #tpu.memory_space<hbm>>) dst(%arg6 : memref<8192xi32, #tpu.memory_space<vmem>>)
    %parallel_loop3A_42 = arith.constant 0 : i32
    %parallel_loop3A_43 = arith.constant 64 : i32
    %parallel_loop3A_44 = arith.constant 1 : i32
    scf.for %parallel_loop3A_68 = %parallel_loop3A_42 to %parallel_loop3A_43 step %parallel_loop3A_44  : i32 {
      %parallel_loop3A_69 = arith.constant 128 : i32
      %parallel_loop3A_70 = arith.muli %parallel_loop3A_68, %parallel_loop3A_69 : i32
      %parallel_loop3A_71 = arith.constant 0 : i32
      %parallel_loop3A_72 = arith.addi %parallel_loop3A_70, %parallel_loop3A_71 : i32
      %parallel_loop3A_73 = arith.index_cast %parallel_loop3A_72 : i32 to index
      %parallel_loop3A_74 = tpu.vector_load %arg6[%parallel_loop3A_73] {strides = array<i32>} : memref<8192xi32, #tpu.memory_space<vmem>>, vector<16xi32>,
      %parallel_loop3A_75 = arith.constant 4 : i32
      %parallel_loop3A_76 = vector.broadcast %parallel_loop3A_75 : i32 to vector<16xi32>
      %parallel_loop3A_77 = arith.muli %parallel_loop3A_74, %parallel_loop3A_76 : vector<16xi32>
      %parallel_loop3A_78 = tpu.vector_load_idx %arg5[%parallel_loop3A_77] : memref<400xf32, #tpu.memory_space<vmem>>[vector<16xi32>], vector<16xf32>,
      %parallel_loop3A_79 = arith.constant 512 : i32
      %parallel_loop3A_80 = arith.muli %parallel_loop3A_68, %parallel_loop3A_79 : i32
      %parallel_loop3A_81 = arith.constant 0 : i32
      %parallel_loop3A_82 = arith.addi %parallel_loop3A_80, %parallel_loop3A_81 : i32
      %parallel_loop3A_83 = arith.constant 0 : i32
      %parallel_loop3A_84 = arith.addi %parallel_loop3A_82, %parallel_loop3A_83 : i32
      %parallel_loop3A_85 = arith.index_cast %parallel_loop3A_84 : i32 to index
      %parallel_loop3A_86 = tpu.vector_load %arg8[%parallel_loop3A_85] {strides = array<i32>} : memref<32768xf32, #tpu.memory_space<vmem>>, vector<16xf32>,
      tpu.vector_store %arg8[%parallel_loop3A_85], %parallel_loop3A_78 {strides = array<i32>} : memref<32768xf32, #tpu.memory_space<vmem>>, vector<16xf32>,
      %parallel_loop3A_87 = arith.constant 1 : i32
      %parallel_loop3A_88 = vector.broadcast %parallel_loop3A_87 : i32 to vector<16xi32>
      %parallel_loop3A_89 = arith.addi %parallel_loop3A_77, %parallel_loop3A_88 : vector<16xi32>
      %parallel_loop3A_90 = tpu.vector_load_idx %arg5[%parallel_loop3A_89] : memref<400xf32, #tpu.memory_space<vmem>>[vector<16xi32>], vector<16xf32>,
      %parallel_loop3A_91 = arith.constant 512 : i32
      %parallel_loop3A_92 = arith.muli %parallel_loop3A_68, %parallel_loop3A_91 : i32
      %parallel_loop3A_93 = arith.constant 128 : i32
      %parallel_loop3A_94 = arith.addi %parallel_loop3A_92, %parallel_loop3A_93 : i32
      %parallel_loop3A_95 = arith.constant 0 : i32
      %parallel_loop3A_96 = arith.addi %parallel_loop3A_94, %parallel_loop3A_95 : i32
      %parallel_loop3A_97 = arith.index_cast %parallel_loop3A_96 : i32 to index
      %parallel_loop3A_98 = tpu.vector_load %arg8[%parallel_loop3A_97] {strides = array<i32>} : memref<32768xf32, #tpu.memory_space<vmem>>, vector<16xf32>,
      tpu.vector_store %arg8[%parallel_loop3A_97], %parallel_loop3A_90 {strides = array<i32>} : memref<32768xf32, #tpu.memory_space<vmem>>, vector<16xf32>,
      %parallel_loop3A_99 = arith.constant 2 : i32
      %parallel_loop3A_100 = vector.broadcast %parallel_loop3A_99 : i32 to vector<16xi32>
      %parallel_loop3A_101 = arith.addi %parallel_loop3A_77, %parallel_loop3A_100 : vector<16xi32>
      %parallel_loop3A_102 = tpu.vector_load_idx %arg5[%parallel_loop3A_101] : memref<400xf32, #tpu.memory_space<vmem>>[vector<16xi32>], vector<16xf32>,
      %parallel_loop3A_103 = arith.constant 512 : i32
      %parallel_loop3A_104 = arith.muli %parallel_loop3A_68, %parallel_loop3A_103 : i32
      %parallel_loop3A_105 = arith.constant 256 : i32
      %parallel_loop3A_106 = arith.addi %parallel_loop3A_104, %parallel_loop3A_105 : i32
      %parallel_loop3A_107 = arith.constant 0 : i32
      %parallel_loop3A_108 = arith.addi %parallel_loop3A_106, %parallel_loop3A_107 : i32
      %parallel_loop3A_109 = arith.index_cast %parallel_loop3A_108 : i32 to index
      %parallel_loop3A_110 = tpu.vector_load %arg8[%parallel_loop3A_109] {strides = array<i32>} : memref<32768xf32, #tpu.memory_space<vmem>>, vector<16xf32>,
      tpu.vector_store %arg8[%parallel_loop3A_109], %parallel_loop3A_102 {strides = array<i32>} : memref<32768xf32, #tpu.memory_space<vmem>>, vector<16xf32>,
      %parallel_loop3A_111 = arith.constant 3 : i32
      %parallel_loop3A_112 = vector.broadcast %parallel_loop3A_111 : i32 to vector<16xi32>
      %parallel_loop3A_113 = arith.addi %parallel_loop3A_77, %parallel_loop3A_112 : vector<16xi32>
      %parallel_loop3A_114 = tpu.vector_load_idx %arg5[%parallel_loop3A_113] : memref<400xf32, #tpu.memory_space<vmem>>[vector<16xi32>], vector<16xf32>,
      %parallel_loop3A_115 = arith.constant 512 : i32
      %parallel_loop3A_116 = arith.muli %parallel_loop3A_68, %parallel_loop3A_115 : i32
      %parallel_loop3A_117 = arith.constant 384 : i32
      %parallel_loop3A_118 = arith.addi %parallel_loop3A_116, %parallel_loop3A_117 : i32
      %parallel_loop3A_119 = arith.constant 0 : i32
      %parallel_loop3A_120 = arith.addi %parallel_loop3A_118, %parallel_loop3A_119 : i32
      %parallel_loop3A_121 = arith.index_cast %parallel_loop3A_120 : i32 to index
      %parallel_loop3A_122 = tpu.vector_load %arg8[%parallel_loop3A_121] {strides = array<i32>} : memref<32768xf32, #tpu.memory_space<vmem>>, vector<16xf32>,
      tpu.vector_store %arg8[%parallel_loop3A_121], %parallel_loop3A_114 {strides = array<i32>} : memref<32768xf32, #tpu.memory_space<vmem>>, vector<16xf32>,
      %parallel_loop3A_123 = arith.constant 128 : i32
      %parallel_loop3A_124 = arith.muli %parallel_loop3A_68, %parallel_loop3A_123 : i32
      %parallel_loop3A_125 = arith.constant 16 : i32
      %parallel_loop3A_126 = arith.addi %parallel_loop3A_124, %parallel_loop3A_125 : i32
      %parallel_loop3A_127 = arith.index_cast %parallel_loop3A_126 : i32 to index
      %parallel_loop3A_128 = tpu.vector_load %arg6[%parallel_loop3A_127] {strides = array<i32>} : memref<8192xi32, #tpu.memory_space<vmem>>, vector<16xi32>,
      %parallel_loop3A_129 = arith.constant 4 : i32
      %parallel_loop3A_130 = vector.broadcast %parallel_loop3A_129 : i32 to vector<16xi32>
      %parallel_loop3A_131 = arith.muli %parallel_loop3A_128, %parallel_loop3A_130 : vector<16xi32>
      %parallel_loop3A_132 = tpu.vector_load_idx %arg5[%parallel_loop3A_131] : memref<400xf32, #tpu.memory_space<vmem>>[vector<16xi32>], vector<16xf32>,
      %parallel_loop3A_133 = arith.constant 512 : i32
      %parallel_loop3A_134 = arith.muli %parallel_loop3A_68, %parallel_loop3A_133 : i32
      %parallel_loop3A_135 = arith.constant 0 : i32
      %parallel_loop3A_136 = arith.addi %parallel_loop3A_134, %parallel_loop3A_135 : i32
      %parallel_loop3A_137 = arith.constant 16 : i32
      %parallel_loop3A_138 = arith.addi %parallel_loop3A_136, %parallel_loop3A_137 : i32
      %parallel_loop3A_139 = arith.index_cast %parallel_loop3A_138 : i32 to index
      %parallel_loop3A_140 = tpu.vector_load %arg8[%parallel_loop3A_139] {strides = array<i32>} : memref<32768xf32, #tpu.memory_space<vmem>>, vector<16xf32>,
      tpu.vector_store %arg8[%parallel_loop3A_139], %parallel_loop3A_132 {strides = array<i32>} : memref<32768xf32, #tpu.memory_space<vmem>>, vector<16xf32>,
      %parallel_loop3A_141 = arith.constant 1 : i32
      %parallel_loop3A_142 = vector.broadcast %parallel_loop3A_141 : i32 to vector<16xi32>
      %parallel_loop3A_143 = arith.addi %parallel_loop3A_131, %parallel_loop3A_142 : vector<16xi32>
      %parallel_loop3A_144 = tpu.vector_load_idx %arg5[%parallel_loop3A_143] : memref<400xf32, #tpu.memory_space<vmem>>[vector<16xi32>], vector<16xf32>,
      %parallel_loop3A_145 = arith.constant 512 : i32
      %parallel_loop3A_146 = arith.muli %parallel_loop3A_68, %parallel_loop3A_145 : i32
      %parallel_loop3A_147 = arith.constant 128 : i32
      %parallel_loop3A_148 = arith.addi %parallel_loop3A_146, %parallel_loop3A_147 : i32
      %parallel_loop3A_149 = arith.constant 16 : i32
      %parallel_loop3A_150 = arith.addi %parallel_loop3A_148, %parallel_loop3A_149 : i32
      %parallel_loop3A_151 = arith.index_cast %parallel_loop3A_150 : i32 to index
      %parallel_loop3A_152 = tpu.vector_load %arg8[%parallel_loop3A_151] {strides = array<i32>} : memref<32768xf32, #tpu.memory_space<vmem>>, vector<16xf32>,
      tpu.vector_store %arg8[%parallel_loop3A_151], %parallel_loop3A_144 {strides = array<i32>} : memref<32768xf32, #tpu.memory_space<vmem>>, vector<16xf32>,
      %parallel_loop3A_153 = arith.constant 2 : i32
      %parallel_loop3A_154 = vector.broadcast %parallel_loop3A_153 : i32 to vector<16xi32>
      %parallel_loop3A_155 = arith.addi %parallel_loop3A_131, %parallel_loop3A_154 : vector<16xi32>
      %parallel_loop3A_156 = tpu.vector_load_idx %arg5[%parallel_loop3A_155] : memref<400xf32, #tpu.memory_space<vmem>>[vector<16xi32>], vector<16xf32>,
      %parallel_loop3A_157 = arith.constant 512 : i32
      %parallel_loop3A_158 = arith.muli %parallel_loop3A_68, %parallel_loop3A_157 : i32
      %parallel_loop3A_159 = arith.constant 256 : i32
      %parallel_loop3A_160 = arith.addi %parallel_loop3A_158, %parallel_loop3A_159 : i32
      %parallel_loop3A_161 = arith.constant 16 : i32
      %parallel_loop3A_162 = arith.addi %parallel_loop3A_160, %parallel_loop3A_161 : i32
      %parallel_loop3A_163 = arith.index_cast %parallel_loop3A_162 : i32 to index
      %parallel_loop3A_164 = tpu.vector_load %arg8[%parallel_loop3A_163] {strides = array<i32>} : memref<32768xf32, #tpu.memory_space<vmem>>, vector<16xf32>,
      tpu.vector_store %arg8[%parallel_loop3A_163], %parallel_loop3A_156 {strides = array<i32>} : memref<32768xf32, #tpu.memory_space<vmem>>, vector<16xf32>,
      %parallel_loop3A_165 = arith.constant 3 : i32
      %parallel_loop3A_166 = vector.broadcast %parallel_loop3A_165 : i32 to vector<16xi32>
      %parallel_loop3A_167 = arith.addi %parallel_loop3A_131, %parallel_loop3A_166 : vector<16xi32>
      %parallel_loop3A_168 = tpu.vector_load_idx %arg5[%parallel_loop3A_167] : memref<400xf32, #tpu.memory_space<vmem>>[vector<16xi32>], vector<16xf32>,
      %parallel_loop3A_169 = arith.constant 512 : i32
      %parallel_loop3A_170 = arith.muli %parallel_loop3A_68, %parallel_loop3A_169 : i32
      %parallel_loop3A_171 = arith.constant 384 : i32
      %parallel_loop3A_172 = arith.addi %parallel_loop3A_170, %parallel_loop3A_171 : i32
      %parallel_loop3A_173 = arith.constant 16 : i32
      %parallel_loop3A_174 = arith.addi %parallel_loop3A_172, %parallel_loop3A_173 : i32
      %parallel_loop3A_175 = arith.index_cast %parallel_loop3A_174 : i32 to index
      %parallel_loop3A_176 = tpu.vector_load %arg8[%parallel_loop3A_175] {strides = array<i32>} : memref<32768xf32, #tpu.memory_space<vmem>>, vector<16xf32>,
      tpu.vector_store %arg8[%parallel_loop3A_175], %parallel_loop3A_168 {strides = array<i32>} : memref<32768xf32, #tpu.memory_space<vmem>>, vector<16xf32>,
      %parallel_loop3A_177 = arith.constant 128 : i32
      %parallel_loop3A_178 = arith.muli %parallel_loop3A_68, %parallel_loop3A_177 : i32
      %parallel_loop3A_179 = arith.constant 32 : i32
      %parallel_loop3A_180 = arith.addi %parallel_loop3A_178, %parallel_loop3A_179 : i32
      %parallel_loop3A_181 = arith.index_cast %parallel_loop3A_180 : i32 to index
      %parallel_loop3A_182 = tpu.vector_load %arg6[%parallel_loop3A_181] {strides = array<i32>} : memref<8192xi32, #tpu.memory_space<vmem>>, vector<16xi32>,
      %parallel_loop3A_183 = arith.constant 4 : i32
      %parallel_loop3A_184 = vector.broadcast %parallel_loop3A_183 : i32 to vector<16xi32>
      %parallel_loop3A_185 = arith.muli %parallel_loop3A_182, %parallel_loop3A_184 : vector<16xi32>
      %parallel_loop3A_186 = tpu.vector_load_idx %arg5[%parallel_loop3A_185] : memref<400xf32, #tpu.memory_space<vmem>>[vector<16xi32>], vector<16xf32>,
      %parallel_loop3A_187 = arith.constant 512 : i32
      %parallel_loop3A_188 = arith.muli %parallel_loop3A_68, %parallel_loop3A_187 : i32
      %parallel_loop3A_189 = arith.constant 0 : i32
      %parallel_loop3A_190 = arith.addi %parallel_loop3A_188, %parallel_loop3A_189 : i32
      %parallel_loop3A_191 = arith.constant 32 : i32
      %parallel_loop3A_192 = arith.addi %parallel_loop3A_190, %parallel_loop3A_191 : i32
      %parallel_loop3A_193 = arith.index_cast %parallel_loop3A_192 : i32 to index
      %parallel_loop3A_194 = tpu.vector_load %arg8[%parallel_loop3A_193] {strides = array<i32>} : memref<32768xf32, #tpu.memory_space<vmem>>, vector<16xf32>,
      tpu.vector_store %arg8[%parallel_loop3A_193], %parallel_loop3A_186 {strides = array<i32>} : memref<32768xf32, #tpu.memory_space<vmem>>, vector<16xf32>,
      %parallel_loop3A_195 = arith.constant 1 : i32
      %parallel_loop3A_196 = vector.broadcast %parallel_loop3A_195 : i32 to vector<16xi32>
      %parallel_loop3A_197 = arith.addi %parallel_loop3A_185, %parallel_loop3A_196 : vector<16xi32>
      %parallel_loop3A_198 = tpu.vector_load_idx %arg5[%parallel_loop3A_197] : memref<400xf32, #tpu.memory_space<vmem>>[vector<16xi32>], vector<16xf32>,
      %parallel_loop3A_199 = arith.constant 512 : i32
      %parallel_loop3A_200 = arith.muli %parallel_loop3A_68, %parallel_loop3A_199 : i32
      %parallel_loop3A_201 = arith.constant 128 : i32
      %parallel_loop3A_202 = arith.addi %parallel_loop3A_200, %parallel_loop3A_201 : i32
      %parallel_loop3A_203 = arith.constant 32 : i32
      %parallel_loop3A_204 = arith.addi %parallel_loop3A_202, %parallel_loop3A_203 : i32
      %parallel_loop3A_205 = arith.index_cast %parallel_loop3A_204 : i32 to index
      %parallel_loop3A_206 = tpu.vector_load %arg8[%parallel_loop3A_205] {strides = array<i32>} : memref<32768xf32, #tpu.memory_space<vmem>>, vector<16xf32>,
      tpu.vector_store %arg8[%parallel_loop3A_205], %parallel_loop3A_198 {strides = array<i32>} : memref<32768xf32, #tpu.memory_space<vmem>>, vector<16xf32>,
      %parallel_loop3A_207 = arith.constant 2 : i32
      %parallel_loop3A_208 = vector.broadcast %parallel_loop3A_207 : i32 to vector<16xi32>
      %parallel_loop3A_209 = arith.addi %parallel_loop3A_185, %parallel_loop3A_208 : vector<16xi32>
      %parallel_loop3A_210 = tpu.vector_load_idx %arg5[%parallel_loop3A_209] : memref<400xf32, #tpu.memory_space<vmem>>[vector<16xi32>], vector<16xf32>,
      %parallel_loop3A_211 = arith.constant 512 : i32
      %parallel_loop3A_212 = arith.muli %parallel_loop3A_68, %parallel_loop3A_211 : i32
      %parallel_loop3A_213 = arith.constant 256 : i32
      %parallel_loop3A_214 = arith.addi %parallel_loop3A_212, %parallel_loop3A_213 : i32
      %parallel_loop3A_215 = arith.constant 32 : i32
      %parallel_loop3A_216 = arith.addi %parallel_loop3A_214, %parallel_loop3A_215 : i32
      %parallel_loop3A_217 = arith.index_cast %parallel_loop3A_216 : i32 to index
      %parallel_loop3A_218 = tpu.vector_load %arg8[%parallel_loop3A_217] {strides = array<i32>} : memref<32768xf32, #tpu.memory_space<vmem>>, vector<16xf32>,
      tpu.vector_store %arg8[%parallel_loop3A_217], %parallel_loop3A_210 {strides = array<i32>} : memref<32768xf32, #tpu.memory_space<vmem>>, vector<16xf32>,
      %parallel_loop3A_219 = arith.constant 3 : i32
      %parallel_loop3A_220 = vector.broadcast %parallel_loop3A_219 : i32 to vector<16xi32>
      %parallel_loop3A_221 = arith.addi %parallel_loop3A_185, %parallel_loop3A_220 : vector<16xi32>
      %parallel_loop3A_222 = tpu.vector_load_idx %arg5[%parallel_loop3A_221] : memref<400xf32, #tpu.memory_space<vmem>>[vector<16xi32>], vector<16xf32>,
      %parallel_loop3A_223 = arith.constant 512 : i32
      %parallel_loop3A_224 = arith.muli %parallel_loop3A_68, %parallel_loop3A_223 : i32
      %parallel_loop3A_225 = arith.constant 384 : i32
      %parallel_loop3A_226 = arith.addi %parallel_loop3A_224, %parallel_loop3A_225 : i32
      %parallel_loop3A_227 = arith.constant 32 : i32
      %parallel_loop3A_228 = arith.addi %parallel_loop3A_226, %parallel_loop3A_227 : i32
      %parallel_loop3A_229 = arith.index_cast %parallel_loop3A_228 : i32 to index
      %parallel_loop3A_230 = tpu.vector_load %arg8[%parallel_loop3A_229] {strides = array<i32>} : memref<32768xf32, #tpu.memory_space<vmem>>, vector<16xf32>,
      tpu.vector_store %arg8[%parallel_loop3A_229], %parallel_loop3A_222 {strides = array<i32>} : memref<32768xf32, #tpu.memory_space<vmem>>, vector<16xf32>,
      %parallel_loop3A_231 = arith.constant 128 : i32
      %parallel_loop3A_232 = arith.muli %parallel_loop3A_68, %parallel_loop3A_231 : i32
      %parallel_loop3A_233 = arith.constant 48 : i32
      %parallel_loop3A_234 = arith.addi %parallel_loop3A_232, %parallel_loop3A_233 : i32
      %parallel_loop3A_235 = arith.index_cast %parallel_loop3A_234 : i32 to index
      %parallel_loop3A_236 = tpu.vector_load %arg6[%parallel_loop3A_235] {strides = array<i32>} : memref<8192xi32, #tpu.memory_space<vmem>>, vector<16xi32>,
      %parallel_loop3A_237 = arith.constant 4 : i32
      %parallel_loop3A_238 = vector.broadcast %parallel_loop3A_237 : i32 to vector<16xi32>
      %parallel_loop3A_239 = arith.muli %parallel_loop3A_236, %parallel_loop3A_238 : vector<16xi32>
      %parallel_loop3A_240 = tpu.vector_load_idx %arg5[%parallel_loop3A_239] : memref<400xf32, #tpu.memory_space<vmem>>[vector<16xi32>], vector<16xf32>,
      %parallel_loop3A_241 = arith.constant 512 : i32
      %parallel_loop3A_242 = arith.muli %parallel_loop3A_68, %parallel_loop3A_241 : i32
      %parallel_loop3A_243 = arith.constant 0 : i32
      %parallel_loop3A_244 = arith.addi %parallel_loop3A_242, %parallel_loop3A_243 : i32
      %parallel_loop3A_245 = arith.constant 48 : i32
      %parallel_loop3A_246 = arith.addi %parallel_loop3A_244, %parallel_loop3A_245 : i32
      %parallel_loop3A_247 = arith.index_cast %parallel_loop3A_246 : i32 to index
      %parallel_loop3A_248 = tpu.vector_load %arg8[%parallel_loop3A_247] {strides = array<i32>} : memref<32768xf32, #tpu.memory_space<vmem>>, vector<16xf32>,
      tpu.vector_store %arg8[%parallel_loop3A_247], %parallel_loop3A_240 {strides = array<i32>} : memref<32768xf32, #tpu.memory_space<vmem>>, vector<16xf32>,
      %parallel_loop3A_249 = arith.constant 1 : i32
      %parallel_loop3A_250 = vector.broadcast %parallel_loop3A_249 : i32 to vector<16xi32>
      %parallel_loop3A_251 = arith.addi %parallel_loop3A_239, %parallel_loop3A_250 : vector<16xi32>
      %parallel_loop3A_252 = tpu.vector_load_idx %arg5[%parallel_loop3A_251] : memref<400xf32, #tpu.memory_space<vmem>>[vector<16xi32>], vector<16xf32>,
      %parallel_loop3A_253 = arith.constant 512 : i32
      %parallel_loop3A_254 = arith.muli %parallel_loop3A_68, %parallel_loop3A_253 : i32
      %parallel_loop3A_255 = arith.constant 128 : i32
      %parallel_loop3A_256 = arith.addi %parallel_loop3A_254, %parallel_loop3A_255 : i32
      %parallel_loop3A_257 = arith.constant 48 : i32
      %parallel_loop3A_258 = arith.addi %parallel_loop3A_256, %parallel_loop3A_257 : i32
      %parallel_loop3A_259 = arith.index_cast %parallel_loop3A_258 : i32 to index
      %parallel_loop3A_260 = tpu.vector_load %arg8[%parallel_loop3A_259] {strides = array<i32>} : memref<32768xf32, #tpu.memory_space<vmem>>, vector<16xf32>,
      tpu.vector_store %arg8[%parallel_loop3A_259], %parallel_loop3A_252 {strides = array<i32>} : memref<32768xf32, #tpu.memory_space<vmem>>, vector<16xf32>,
      %parallel_loop3A_261 = arith.constant 2 : i32
      %parallel_loop3A_262 = vector.broadcast %parallel_loop3A_261 : i32 to vector<16xi32>
      %parallel_loop3A_263 = arith.addi %parallel_loop3A_239, %parallel_loop3A_262 : vector<16xi32>
      %parallel_loop3A_264 = tpu.vector_load_idx %arg5[%parallel_loop3A_263] : memref<400xf32, #tpu.memory_space<vmem>>[vector<16xi32>], vector<16xf32>,
      %parallel_loop3A_265 = arith.constant 512 : i32
      %parallel_loop3A_266 = arith.muli %parallel_loop3A_68, %parallel_loop3A_265 : i32
      %parallel_loop3A_267 = arith.constant 256 : i32
      %parallel_loop3A_268 = arith.addi %parallel_loop3A_266, %parallel_loop3A_267 : i32
      %parallel_loop3A_269 = arith.constant 48 : i32
      %parallel_loop3A_270 = arith.addi %parallel_loop3A_268, %parallel_loop3A_269 : i32
      %parallel_loop3A_271 = arith.index_cast %parallel_loop3A_270 : i32 to index
      %parallel_loop3A_272 = tpu.vector_load %arg8[%parallel_loop3A_271] {strides = array<i32>} : memref<32768xf32, #tpu.memory_space<vmem>>, vector<16xf32>,
      tpu.vector_store %arg8[%parallel_loop3A_271], %parallel_loop3A_264 {strides = array<i32>} : memref<32768xf32, #tpu.memory_space<vmem>>, vector<16xf32>,
      %parallel_loop3A_273 = arith.constant 3 : i32
      %parallel_loop3A_274 = vector.broadcast %parallel_loop3A_273 : i32 to vector<16xi32>
      %parallel_loop3A_275 = arith.addi %parallel_loop3A_239, %parallel_loop3A_274 : vector<16xi32>
      %parallel_loop3A_276 = tpu.vector_load_idx %arg5[%parallel_loop3A_275] : memref<400xf32, #tpu.memory_space<vmem>>[vector<16xi32>], vector<16xf32>,
      %parallel_loop3A_277 = arith.constant 512 : i32
      %parallel_loop3A_278 = arith.muli %parallel_loop3A_68, %parallel_loop3A_277 : i32
      %parallel_loop3A_279 = arith.constant 384 : i32
      %parallel_loop3A_280 = arith.addi %parallel_loop3A_278, %parallel_loop3A_279 : i32
      %parallel_loop3A_281 = arith.constant 48 : i32
      %parallel_loop3A_282 = arith.addi %parallel_loop3A_280, %parallel_loop3A_281 : i32
      %parallel_loop3A_283 = arith.index_cast %parallel_loop3A_282 : i32 to index
      %parallel_loop3A_284 = tpu.vector_load %arg8[%parallel_loop3A_283] {strides = array<i32>} : memref<32768xf32, #tpu.memory_space<vmem>>, vector<16xf32>,
      tpu.vector_store %arg8[%parallel_loop3A_283], %parallel_loop3A_276 {strides = array<i32>} : memref<32768xf32, #tpu.memory_space<vmem>>, vector<16xf32>,
      %parallel_loop3A_285 = arith.constant 128 : i32
      %parallel_loop3A_286 = arith.muli %parallel_loop3A_68, %parallel_loop3A_285 : i32
      %parallel_loop3A_287 = arith.constant 64 : i32
      %parallel_loop3A_288 = arith.addi %parallel_loop3A_286, %parallel_loop3A_287 : i32
      %parallel_loop3A_289 = arith.index_cast %parallel_loop3A_288 : i32 to index
      %parallel_loop3A_290 = tpu.vector_load %arg6[%parallel_loop3A_289] {strides = array<i32>} : memref<8192xi32, #tpu.memory_space<vmem>>, vector<16xi32>,
      %parallel_loop3A_291 = arith.constant 4 : i32
      %parallel_loop3A_292 = vector.broadcast %parallel_loop3A_291 : i32 to vector<16xi32>
      %parallel_loop3A_293 = arith.muli %parallel_loop3A_290, %parallel_loop3A_292 : vector<16xi32>
      %parallel_loop3A_294 = tpu.vector_load_idx %arg5[%parallel_loop3A_293] : memref<400xf32, #tpu.memory_space<vmem>>[vector<16xi32>], vector<16xf32>,
      %parallel_loop3A_295 = arith.constant 512 : i32
      %parallel_loop3A_296 = arith.muli %parallel_loop3A_68, %parallel_loop3A_295 : i32
      %parallel_loop3A_297 = arith.constant 0 : i32
      %parallel_loop3A_298 = arith.addi %parallel_loop3A_296, %parallel_loop3A_297 : i32
      %parallel_loop3A_299 = arith.constant 64 : i32
      %parallel_loop3A_300 = arith.addi %parallel_loop3A_298, %parallel_loop3A_299 : i32
      %parallel_loop3A_301 = arith.index_cast %parallel_loop3A_300 : i32 to index
      %parallel_loop3A_302 = tpu.vector_load %arg8[%parallel_loop3A_301] {strides = array<i32>} : memref<32768xf32, #tpu.memory_space<vmem>>, vector<16xf32>,
      tpu.vector_store %arg8[%parallel_loop3A_301], %parallel_loop3A_294 {strides = array<i32>} : memref<32768xf32, #tpu.memory_space<vmem>>, vector<16xf32>,
      %parallel_loop3A_303 = arith.constant 1 : i32
      %parallel_loop3A_304 = vector.broadcast %parallel_loop3A_303 : i32 to vector<16xi32>
      %parallel_loop3A_305 = arith.addi %parallel_loop3A_293, %parallel_loop3A_304 : vector<16xi32>
      %parallel_loop3A_306 = tpu.vector_load_idx %arg5[%parallel_loop3A_305] : memref<400xf32, #tpu.memory_space<vmem>>[vector<16xi32>], vector<16xf32>,
      %parallel_loop3A_307 = arith.constant 512 : i32
      %parallel_loop3A_308 = arith.muli %parallel_loop3A_68, %parallel_loop3A_307 : i32
      %parallel_loop3A_309 = arith.constant 128 : i32
      %parallel_loop3A_310 = arith.addi %parallel_loop3A_308, %parallel_loop3A_309 : i32
      %parallel_loop3A_311 = arith.constant 64 : i32
      %parallel_loop3A_312 = arith.addi %parallel_loop3A_310, %parallel_loop3A_311 : i32
      %parallel_loop3A_313 = arith.index_cast %parallel_loop3A_312 : i32 to index
      %parallel_loop3A_314 = tpu.vector_load %arg8[%parallel_loop3A_313] {strides = array<i32>} : memref<32768xf32, #tpu.memory_space<vmem>>, vector<16xf32>,
      tpu.vector_store %arg8[%parallel_loop3A_313], %parallel_loop3A_306 {strides = array<i32>} : memref<32768xf32, #tpu.memory_space<vmem>>, vector<16xf32>,
      %parallel_loop3A_315 = arith.constant 2 : i32
      %parallel_loop3A_316 = vector.broadcast %parallel_loop3A_315 : i32 to vector<16xi32>
      %parallel_loop3A_317 = arith.addi %parallel_loop3A_293, %parallel_loop3A_316 : vector<16xi32>
      %parallel_loop3A_318 = tpu.vector_load_idx %arg5[%parallel_loop3A_317] : memref<400xf32, #tpu.memory_space<vmem>>[vector<16xi32>], vector<16xf32>,
      %parallel_loop3A_319 = arith.constant 512 : i32
      %parallel_loop3A_320 = arith.muli %parallel_loop3A_68, %parallel_loop3A_319 : i32
      %parallel_loop3A_321 = arith.constant 256 : i32
      %parallel_loop3A_322 = arith.addi %parallel_loop3A_320, %parallel_loop3A_321 : i32
      %parallel_loop3A_323 = arith.constant 64 : i32
      %parallel_loop3A_324 = arith.addi %parallel_loop3A_322, %parallel_loop3A_323 : i32
      %parallel_loop3A_325 = arith.index_cast %parallel_loop3A_324 : i32 to index
      %parallel_loop3A_326 = tpu.vector_load %arg8[%parallel_loop3A_325] {strides = array<i32>} : memref<32768xf32, #tpu.memory_space<vmem>>, vector<16xf32>,
      tpu.vector_store %arg8[%parallel_loop3A_325], %parallel_loop3A_318 {strides = array<i32>} : memref<32768xf32, #tpu.memory_space<vmem>>, vector<16xf32>,
      %parallel_loop3A_327 = arith.constant 3 : i32
      %parallel_loop3A_328 = vector.broadcast %parallel_loop3A_327 : i32 to vector<16xi32>
      %parallel_loop3A_329 = arith.addi %parallel_loop3A_293, %parallel_loop3A_328 : vector<16xi32>
      %parallel_loop3A_330 = tpu.vector_load_idx %arg5[%parallel_loop3A_329] : memref<400xf32, #tpu.memory_space<vmem>>[vector<16xi32>], vector<16xf32>,
      %parallel_loop3A_331 = arith.constant 512 : i32
      %parallel_loop3A_332 = arith.muli %parallel_loop3A_68, %parallel_loop3A_331 : i32
      %parallel_loop3A_333 = arith.constant 384 : i32
      %parallel_loop3A_334 = arith.addi %parallel_loop3A_332, %parallel_loop3A_333 : i32
      %parallel_loop3A_335 = arith.constant 64 : i32
      %parallel_loop3A_336 = arith.addi %parallel_loop3A_334, %parallel_loop3A_335 : i32
      %parallel_loop3A_337 = arith.index_cast %parallel_loop3A_336 : i32 to index
      %parallel_loop3A_338 = tpu.vector_load %arg8[%parallel_loop3A_337] {strides = array<i32>} : memref<32768xf32, #tpu.memory_space<vmem>>, vector<16xf32>,
      tpu.vector_store %arg8[%parallel_loop3A_337], %parallel_loop3A_330 {strides = array<i32>} : memref<32768xf32, #tpu.memory_space<vmem>>, vector<16xf32>,
      %parallel_loop3A_339 = arith.constant 128 : i32
      %parallel_loop3A_340 = arith.muli %parallel_loop3A_68, %parallel_loop3A_339 : i32
      %parallel_loop3A_341 = arith.constant 80 : i32
      %parallel_loop3A_342 = arith.addi %parallel_loop3A_340, %parallel_loop3A_341 : i32
      %parallel_loop3A_343 = arith.index_cast %parallel_loop3A_342 : i32 to index
      %parallel_loop3A_344 = tpu.vector_load %arg6[%parallel_loop3A_343] {strides = array<i32>} : memref<8192xi32, #tpu.memory_space<vmem>>, vector<16xi32>,
      %parallel_loop3A_345 = arith.constant 4 : i32
      %parallel_loop3A_346 = vector.broadcast %parallel_loop3A_345 : i32 to vector<16xi32>
      %parallel_loop3A_347 = arith.muli %parallel_loop3A_344, %parallel_loop3A_346 : vector<16xi32>
      %parallel_loop3A_348 = tpu.vector_load_idx %arg5[%parallel_loop3A_347] : memref<400xf32, #tpu.memory_space<vmem>>[vector<16xi32>], vector<16xf32>,
      %parallel_loop3A_349 = arith.constant 512 : i32
      %parallel_loop3A_350 = arith.muli %parallel_loop3A_68, %parallel_loop3A_349 : i32
      %parallel_loop3A_351 = arith.constant 0 : i32
      %parallel_loop3A_352 = arith.addi %parallel_loop3A_350, %parallel_loop3A_351 : i32
      %parallel_loop3A_353 = arith.constant 80 : i32
      %parallel_loop3A_354 = arith.addi %parallel_loop3A_352, %parallel_loop3A_353 : i32
      %parallel_loop3A_355 = arith.index_cast %parallel_loop3A_354 : i32 to index
      %parallel_loop3A_356 = tpu.vector_load %arg8[%parallel_loop3A_355] {strides = array<i32>} : memref<32768xf32, #tpu.memory_space<vmem>>, vector<16xf32>,
      tpu.vector_store %arg8[%parallel_loop3A_355], %parallel_loop3A_348 {strides = array<i32>} : memref<32768xf32, #tpu.memory_space<vmem>>, vector<16xf32>,
      %parallel_loop3A_357 = arith.constant 1 : i32
      %parallel_loop3A_358 = vector.broadcast %parallel_loop3A_357 : i32 to vector<16xi32>
      %parallel_loop3A_359 = arith.addi %parallel_loop3A_347, %parallel_loop3A_358 : vector<16xi32>
      %parallel_loop3A_360 = tpu.vector_load_idx %arg5[%parallel_loop3A_359] : memref<400xf32, #tpu.memory_space<vmem>>[vector<16xi32>], vector<16xf32>,
      %parallel_loop3A_361 = arith.constant 512 : i32
      %parallel_loop3A_362 = arith.muli %parallel_loop3A_68, %parallel_loop3A_361 : i32
      %parallel_loop3A_363 = arith.constant 128 : i32
      %parallel_loop3A_364 = arith.addi %parallel_loop3A_362, %parallel_loop3A_363 : i32
      %parallel_loop3A_365 = arith.constant 80 : i32
      %parallel_loop3A_366 = arith.addi %parallel_loop3A_364, %parallel_loop3A_365 : i32
      %parallel_loop3A_367 = arith.index_cast %parallel_loop3A_366 : i32 to index
      %parallel_loop3A_368 = tpu.vector_load %arg8[%parallel_loop3A_367] {strides = array<i32>} : memref<32768xf32, #tpu.memory_space<vmem>>, vector<16xf32>,
      tpu.vector_store %arg8[%parallel_loop3A_367], %parallel_loop3A_360 {strides = array<i32>} : memref<32768xf32, #tpu.memory_space<vmem>>, vector<16xf32>,
      %parallel_loop3A_369 = arith.constant 2 : i32
      %parallel_loop3A_370 = vector.broadcast %parallel_loop3A_369 : i32 to vector<16xi32>
      %parallel_loop3A_371 = arith.addi %parallel_loop3A_347, %parallel_loop3A_370 : vector<16xi32>
      %parallel_loop3A_372 = tpu.vector_load_idx %arg5[%parallel_loop3A_371] : memref<400xf32, #tpu.memory_space<vmem>>[vector<16xi32>], vector<16xf32>,
      %parallel_loop3A_373 = arith.constant 512 : i32
      %parallel_loop3A_374 = arith.muli %parallel_loop3A_68, %parallel_loop3A_373 : i32
      %parallel_loop3A_375 = arith.constant 256 : i32
      %parallel_loop3A_376 = arith.addi %parallel_loop3A_374, %parallel_loop3A_375 : i32
      %parallel_loop3A_377 = arith.constant 80 : i32
      %parallel_loop3A_378 = arith.addi %parallel_loop3A_376, %parallel_loop3A_377 : i32
      %parallel_loop3A_379 = arith.index_cast %parallel_loop3A_378 : i32 to index
      %parallel_loop3A_380 = tpu.vector_load %arg8[%parallel_loop3A_379] {strides = array<i32>} : memref<32768xf32, #tpu.memory_space<vmem>>, vector<16xf32>,
      tpu.vector_store %arg8[%parallel_loop3A_379], %parallel_loop3A_372 {strides = array<i32>} : memref<32768xf32, #tpu.memory_space<vmem>>, vector<16xf32>,
      %parallel_loop3A_381 = arith.constant 3 : i32
      %parallel_loop3A_382 = vector.broadcast %parallel_loop3A_381 : i32 to vector<16xi32>
      %parallel_loop3A_383 = arith.addi %parallel_loop3A_347, %parallel_loop3A_382 : vector<16xi32>
      %parallel_loop3A_384 = tpu.vector_load_idx %arg5[%parallel_loop3A_383] : memref<400xf32, #tpu.memory_space<vmem>>[vector<16xi32>], vector<16xf32>,
      %parallel_loop3A_385 = arith.constant 512 : i32
      %parallel_loop3A_386 = arith.muli %parallel_loop3A_68, %parallel_loop3A_385 : i32
      %parallel_loop3A_387 = arith.constant 384 : i32
      %parallel_loop3A_388 = arith.addi %parallel_loop3A_386, %parallel_loop3A_387 : i32
      %parallel_loop3A_389 = arith.constant 80 : i32
      %parallel_loop3A_390 = arith.addi %parallel_loop3A_388, %parallel_loop3A_389 : i32
      %parallel_loop3A_391 = arith.index_cast %parallel_loop3A_390 : i32 to index
      %parallel_loop3A_392 = tpu.vector_load %arg8[%parallel_loop3A_391] {strides = array<i32>} : memref<32768xf32, #tpu.memory_space<vmem>>, vector<16xf32>,
      tpu.vector_store %arg8[%parallel_loop3A_391], %parallel_loop3A_384 {strides = array<i32>} : memref<32768xf32, #tpu.memory_space<vmem>>, vector<16xf32>,
      %parallel_loop3A_393 = arith.constant 128 : i32
      %parallel_loop3A_394 = arith.muli %parallel_loop3A_68, %parallel_loop3A_393 : i32
      %parallel_loop3A_395 = arith.constant 96 : i32
      %parallel_loop3A_396 = arith.addi %parallel_loop3A_394, %parallel_loop3A_395 : i32
      %parallel_loop3A_397 = arith.index_cast %parallel_loop3A_396 : i32 to index
      %parallel_loop3A_398 = tpu.vector_load %arg6[%parallel_loop3A_397] {strides = array<i32>} : memref<8192xi32, #tpu.memory_space<vmem>>, vector<16xi32>,
      %parallel_loop3A_399 = arith.constant 4 : i32
      %parallel_loop3A_400 = vector.broadcast %parallel_loop3A_399 : i32 to vector<16xi32>
      %parallel_loop3A_401 = arith.muli %parallel_loop3A_398, %parallel_loop3A_400 : vector<16xi32>
      %parallel_loop3A_402 = tpu.vector_load_idx %arg5[%parallel_loop3A_401] : memref<400xf32, #tpu.memory_space<vmem>>[vector<16xi32>], vector<16xf32>,
      %parallel_loop3A_403 = arith.constant 512 : i32
      %parallel_loop3A_404 = arith.muli %parallel_loop3A_68, %parallel_loop3A_403 : i32
      %parallel_loop3A_405 = arith.constant 0 : i32
      %parallel_loop3A_406 = arith.addi %parallel_loop3A_404, %parallel_loop3A_405 : i32
      %parallel_loop3A_407 = arith.constant 96 : i32
      %parallel_loop3A_408 = arith.addi %parallel_loop3A_406, %parallel_loop3A_407 : i32
      %parallel_loop3A_409 = arith.index_cast %parallel_loop3A_408 : i32 to index
      %parallel_loop3A_410 = tpu.vector_load %arg8[%parallel_loop3A_409] {strides = array<i32>} : memref<32768xf32, #tpu.memory_space<vmem>>, vector<16xf32>,
      tpu.vector_store %arg8[%parallel_loop3A_409], %parallel_loop3A_402 {strides = array<i32>} : memref<32768xf32, #tpu.memory_space<vmem>>, vector<16xf32>,
      %parallel_loop3A_411 = arith.constant 1 : i32
      %parallel_loop3A_412 = vector.broadcast %parallel_loop3A_411 : i32 to vector<16xi32>
      %parallel_loop3A_413 = arith.addi %parallel_loop3A_401, %parallel_loop3A_412 : vector<16xi32>
      %parallel_loop3A_414 = tpu.vector_load_idx %arg5[%parallel_loop3A_413] : memref<400xf32, #tpu.memory_space<vmem>>[vector<16xi32>], vector<16xf32>,
      %parallel_loop3A_415 = arith.constant 512 : i32
      %parallel_loop3A_416 = arith.muli %parallel_loop3A_68, %parallel_loop3A_415 : i32
      %parallel_loop3A_417 = arith.constant 128 : i32
      %parallel_loop3A_418 = arith.addi %parallel_loop3A_416, %parallel_loop3A_417 : i32
      %parallel_loop3A_419 = arith.constant 96 : i32
      %parallel_loop3A_420 = arith.addi %parallel_loop3A_418, %parallel_loop3A_419 : i32
      %parallel_loop3A_421 = arith.index_cast %parallel_loop3A_420 : i32 to index
      %parallel_loop3A_422 = tpu.vector_load %arg8[%parallel_loop3A_421] {strides = array<i32>} : memref<32768xf32, #tpu.memory_space<vmem>>, vector<16xf32>,
      tpu.vector_store %arg8[%parallel_loop3A_421], %parallel_loop3A_414 {strides = array<i32>} : memref<32768xf32, #tpu.memory_space<vmem>>, vector<16xf32>,
      %parallel_loop3A_423 = arith.constant 2 : i32
      %parallel_loop3A_424 = vector.broadcast %parallel_loop3A_423 : i32 to vector<16xi32>
      %parallel_loop3A_425 = arith.addi %parallel_loop3A_401, %parallel_loop3A_424 : vector<16xi32>
      %parallel_loop3A_426 = tpu.vector_load_idx %arg5[%parallel_loop3A_425] : memref<400xf32, #tpu.memory_space<vmem>>[vector<16xi32>], vector<16xf32>,
      %parallel_loop3A_427 = arith.constant 512 : i32
      %parallel_loop3A_428 = arith.muli %parallel_loop3A_68, %parallel_loop3A_427 : i32
      %parallel_loop3A_429 = arith.constant 256 : i32
      %parallel_loop3A_430 = arith.addi %parallel_loop3A_428, %parallel_loop3A_429 : i32
      %parallel_loop3A_431 = arith.constant 96 : i32
      %parallel_loop3A_432 = arith.addi %parallel_loop3A_430, %parallel_loop3A_431 : i32
      %parallel_loop3A_433 = arith.index_cast %parallel_loop3A_432 : i32 to index
      %parallel_loop3A_434 = tpu.vector_load %arg8[%parallel_loop3A_433] {strides = array<i32>} : memref<32768xf32, #tpu.memory_space<vmem>>, vector<16xf32>,
      tpu.vector_store %arg8[%parallel_loop3A_433], %parallel_loop3A_426 {strides = array<i32>} : memref<32768xf32, #tpu.memory_space<vmem>>, vector<16xf32>,
      %parallel_loop3A_435 = arith.constant 3 : i32
      %parallel_loop3A_436 = vector.broadcast %parallel_loop3A_435 : i32 to vector<16xi32>
      %parallel_loop3A_437 = arith.addi %parallel_loop3A_401, %parallel_loop3A_436 : vector<16xi32>
      %parallel_loop3A_438 = tpu.vector_load_idx %arg5[%parallel_loop3A_437] : memref<400xf32, #tpu.memory_space<vmem>>[vector<16xi32>], vector<16xf32>,
      %parallel_loop3A_439 = arith.constant 512 : i32
      %parallel_loop3A_440 = arith.muli %parallel_loop3A_68, %parallel_loop3A_439 : i32
      %parallel_loop3A_441 = arith.constant 384 : i32
      %parallel_loop3A_442 = arith.addi %parallel_loop3A_440, %parallel_loop3A_441 : i32
      %parallel_loop3A_443 = arith.constant 96 : i32
      %parallel_loop3A_444 = arith.addi %parallel_loop3A_442, %parallel_loop3A_443 : i32
      %parallel_loop3A_445 = arith.index_cast %parallel_loop3A_444 : i32 to index
      %parallel_loop3A_446 = tpu.vector_load %arg8[%parallel_loop3A_445] {strides = array<i32>} : memref<32768xf32, #tpu.memory_space<vmem>>, vector<16xf32>,
      tpu.vector_store %arg8[%parallel_loop3A_445], %parallel_loop3A_438 {strides = array<i32>} : memref<32768xf32, #tpu.memory_space<vmem>>, vector<16xf32>,
      %parallel_loop3A_447 = arith.constant 128 : i32
      %parallel_loop3A_448 = arith.muli %parallel_loop3A_68, %parallel_loop3A_447 : i32
      %parallel_loop3A_449 = arith.constant 112 : i32
      %parallel_loop3A_450 = arith.addi %parallel_loop3A_448, %parallel_loop3A_449 : i32
      %parallel_loop3A_451 = arith.index_cast %parallel_loop3A_450 : i32 to index
      %parallel_loop3A_452 = tpu.vector_load %arg6[%parallel_loop3A_451] {strides = array<i32>} : memref<8192xi32, #tpu.memory_space<vmem>>, vector<16xi32>,
      %parallel_loop3A_453 = arith.constant 4 : i32
      %parallel_loop3A_454 = vector.broadcast %parallel_loop3A_453 : i32 to vector<16xi32>
      %parallel_loop3A_455 = arith.muli %parallel_loop3A_452, %parallel_loop3A_454 : vector<16xi32>
      %parallel_loop3A_456 = tpu.vector_load_idx %arg5[%parallel_loop3A_455] : memref<400xf32, #tpu.memory_space<vmem>>[vector<16xi32>], vector<16xf32>,
      %parallel_loop3A_457 = arith.constant 512 : i32
      %parallel_loop3A_458 = arith.muli %parallel_loop3A_68, %parallel_loop3A_457 : i32
      %parallel_loop3A_459 = arith.constant 0 : i32
      %parallel_loop3A_460 = arith.addi %parallel_loop3A_458, %parallel_loop3A_459 : i32
      %parallel_loop3A_461 = arith.constant 112 : i32
      %parallel_loop3A_462 = arith.addi %parallel_loop3A_460, %parallel_loop3A_461 : i32
      %parallel_loop3A_463 = arith.index_cast %parallel_loop3A_462 : i32 to index
      %parallel_loop3A_464 = tpu.vector_load %arg8[%parallel_loop3A_463] {strides = array<i32>} : memref<32768xf32, #tpu.memory_space<vmem>>, vector<16xf32>,
      tpu.vector_store %arg8[%parallel_loop3A_463], %parallel_loop3A_456 {strides = array<i32>} : memref<32768xf32, #tpu.memory_space<vmem>>, vector<16xf32>,
      %parallel_loop3A_465 = arith.constant 1 : i32
      %parallel_loop3A_466 = vector.broadcast %parallel_loop3A_465 : i32 to vector<16xi32>
      %parallel_loop3A_467 = arith.addi %parallel_loop3A_455, %parallel_loop3A_466 : vector<16xi32>
      %parallel_loop3A_468 = tpu.vector_load_idx %arg5[%parallel_loop3A_467] : memref<400xf32, #tpu.memory_space<vmem>>[vector<16xi32>], vector<16xf32>,
      %parallel_loop3A_469 = arith.constant 512 : i32
      %parallel_loop3A_470 = arith.muli %parallel_loop3A_68, %parallel_loop3A_469 : i32
      %parallel_loop3A_471 = arith.constant 128 : i32
      %parallel_loop3A_472 = arith.addi %parallel_loop3A_470, %parallel_loop3A_471 : i32
      %parallel_loop3A_473 = arith.constant 112 : i32
      %parallel_loop3A_474 = arith.addi %parallel_loop3A_472, %parallel_loop3A_473 : i32
      %parallel_loop3A_475 = arith.index_cast %parallel_loop3A_474 : i32 to index
      %parallel_loop3A_476 = tpu.vector_load %arg8[%parallel_loop3A_475] {strides = array<i32>} : memref<32768xf32, #tpu.memory_space<vmem>>, vector<16xf32>,
      tpu.vector_store %arg8[%parallel_loop3A_475], %parallel_loop3A_468 {strides = array<i32>} : memref<32768xf32, #tpu.memory_space<vmem>>, vector<16xf32>,
      %parallel_loop3A_477 = arith.constant 2 : i32
      %parallel_loop3A_478 = vector.broadcast %parallel_loop3A_477 : i32 to vector<16xi32>
      %parallel_loop3A_479 = arith.addi %parallel_loop3A_455, %parallel_loop3A_478 : vector<16xi32>
      %parallel_loop3A_480 = tpu.vector_load_idx %arg5[%parallel_loop3A_479] : memref<400xf32, #tpu.memory_space<vmem>>[vector<16xi32>], vector<16xf32>,
      %parallel_loop3A_481 = arith.constant 512 : i32
      %parallel_loop3A_482 = arith.muli %parallel_loop3A_68, %parallel_loop3A_481 : i32
      %parallel_loop3A_483 = arith.constant 256 : i32
      %parallel_loop3A_484 = arith.addi %parallel_loop3A_482, %parallel_loop3A_483 : i32
      %parallel_loop3A_485 = arith.constant 112 : i32
      %parallel_loop3A_486 = arith.addi %parallel_loop3A_484, %parallel_loop3A_485 : i32
      %parallel_loop3A_487 = arith.index_cast %parallel_loop3A_486 : i32 to index
      %parallel_loop3A_488 = tpu.vector_load %arg8[%parallel_loop3A_487] {strides = array<i32>} : memref<32768xf32, #tpu.memory_space<vmem>>, vector<16xf32>,
      tpu.vector_store %arg8[%parallel_loop3A_487], %parallel_loop3A_480 {strides = array<i32>} : memref<32768xf32, #tpu.memory_space<vmem>>, vector<16xf32>,
      %parallel_loop3A_489 = arith.constant 3 : i32
      %parallel_loop3A_490 = vector.broadcast %parallel_loop3A_489 : i32 to vector<16xi32>
      %parallel_loop3A_491 = arith.addi %parallel_loop3A_455, %parallel_loop3A_490 : vector<16xi32>
      %parallel_loop3A_492 = tpu.vector_load_idx %arg5[%parallel_loop3A_491] : memref<400xf32, #tpu.memory_space<vmem>>[vector<16xi32>], vector<16xf32>,
      %parallel_loop3A_493 = arith.constant 512 : i32
      %parallel_loop3A_494 = arith.muli %parallel_loop3A_68, %parallel_loop3A_493 : i32
      %parallel_loop3A_495 = arith.constant 384 : i32
      %parallel_loop3A_496 = arith.addi %parallel_loop3A_494, %parallel_loop3A_495 : i32
      %parallel_loop3A_497 = arith.constant 112 : i32
      %parallel_loop3A_498 = arith.addi %parallel_loop3A_496, %parallel_loop3A_497 : i32
      %parallel_loop3A_499 = arith.index_cast %parallel_loop3A_498 : i32 to index
      %parallel_loop3A_500 = tpu.vector_load %arg8[%parallel_loop3A_499] {strides = array<i32>} : memref<32768xf32, #tpu.memory_space<vmem>>, vector<16xf32>,
      tpu.vector_store %arg8[%parallel_loop3A_499], %parallel_loop3A_492 {strides = array<i32>} : memref<32768xf32, #tpu.memory_space<vmem>>, vector<16xf32>,
    } {sc.loop_unroll_factor = 2 : i64, sc.parallel_access}
    %mul3A_45 = arith.constant 4 : i32
    %mul3A_46 = arith.muli %mul3A_2, %mul3A_45 : i32
    %add3A_47 = arith.constant 65536 : i32
    %add3A_48 = arith.addi %mul3A_46, %add3A_47 : i32
    %dma_start3A_49 = tpu.memref_slice %arg4[%add3A_48] : memref<4194304xf32, #tpu.memory_space<hbm>> -> memref<32768xf32, #tpu.memory_space<hbm>>
    %dma_start3A_50 = tpu.memref_slice %arg4[%add3A_48] : memref<4194304xf32, #tpu.memory_space<hbm>> -> memref<32768xf32, #tpu.memory_space<hbm>>
    tpu.enqueue_dma source(%arg8 : memref<32768xf32, #tpu.memory_space<vmem>>) target(%dma_start3A_50 : memref<32768xf32, #tpu.memory_space<hbm>>) target_semaphore(%arg12 : memref<!tpu.dma_semaphore, #tpu.memory_space<semaphore_mem>>)
    %dma_wait3A_51 = tpu.memref_slice %arg4[%add3A_31] : memref<4194304xf32, #tpu.memory_space<hbm>> -> memref<32768xf32, #tpu.memory_space<hbm>>
    %dma_wait3A_52 = tpu.memref_slice %arg4[%add3A_31] : memref<4194304xf32, #tpu.memory_space<hbm>> -> memref<32768xf32, #tpu.memory_space<hbm>>
    tpu.wait_dma2 semaphore(%arg13 : memref<!tpu.dma_semaphore, #tpu.memory_space<semaphore_mem>>) src(%arg9 : memref<32768xf32, #tpu.memory_space<vmem>>) dst(%dma_wait3A_52 : memref<32768xf32, #tpu.memory_space<hbm>>)
    %dma_wait3A_53 = tpu.memref_slice %arg2[%add3A_35] : memref<1048576xi32, #tpu.memory_space<hbm>> -> memref<8192xi32, #tpu.memory_space<hbm>>
    %dma_wait3A_54 = tpu.memref_slice %arg2[%add3A_35] : memref<1048576xi32, #tpu.memory_space<hbm>> -> memref<8192xi32, #tpu.memory_space<hbm>>
    tpu.wait_dma2 semaphore(%arg11 : memref<!tpu.dma_semaphore, #tpu.memory_space<semaphore_mem>>) src(%dma_wait3A_54 : memref<8192xi32, #tpu.memory_space<hbm>>) dst(%arg7 : memref<8192xi32, #tpu.memory_space<vmem>>)
    %parallel_loop3A_55 = arith.constant 0 : i32
    %parallel_loop3A_56 = arith.constant 64 : i32
    %parallel_loop3A_57 = arith.constant 1 : i32
    scf.for %parallel_loop3A_68 = %parallel_loop3A_55 to %parallel_loop3A_56 step %parallel_loop3A_57  : i32 {
      %parallel_loop3A_69 = arith.constant 128 : i32
      %parallel_loop3A_70 = arith.muli %parallel_loop3A_68, %parallel_loop3A_69 : i32
      %parallel_loop3A_71 = arith.constant 0 : i32
      %parallel_loop3A_72 = arith.addi %parallel_loop3A_70, %parallel_loop3A_71 : i32
      %parallel_loop3A_73 = arith.index_cast %parallel_loop3A_72 : i32 to index
      %parallel_loop3A_74 = tpu.vector_load %arg7[%parallel_loop3A_73] {strides = array<i32>} : memref<8192xi32, #tpu.memory_space<vmem>>, vector<16xi32>,
      %parallel_loop3A_75 = arith.constant 4 : i32
      %parallel_loop3A_76 = vector.broadcast %parallel_loop3A_75 : i32 to vector<16xi32>
      %parallel_loop3A_77 = arith.muli %parallel_loop3A_74, %parallel_loop3A_76 : vector<16xi32>
      %parallel_loop3A_78 = tpu.vector_load_idx %arg5[%parallel_loop3A_77] : memref<400xf32, #tpu.memory_space<vmem>>[vector<16xi32>], vector<16xf32>,
      %parallel_loop3A_79 = arith.constant 512 : i32
      %parallel_loop3A_80 = arith.muli %parallel_loop3A_68, %parallel_loop3A_79 : i32
      %parallel_loop3A_81 = arith.constant 0 : i32
      %parallel_loop3A_82 = arith.addi %parallel_loop3A_80, %parallel_loop3A_81 : i32
      %parallel_loop3A_83 = arith.constant 0 : i32
      %parallel_loop3A_84 = arith.addi %parallel_loop3A_82, %parallel_loop3A_83 : i32
      %parallel_loop3A_85 = arith.index_cast %parallel_loop3A_84 : i32 to index
      %parallel_loop3A_86 = tpu.vector_load %arg9[%parallel_loop3A_85] {strides = array<i32>} : memref<32768xf32, #tpu.memory_space<vmem>>, vector<16xf32>,
      tpu.vector_store %arg9[%parallel_loop3A_85], %parallel_loop3A_78 {strides = array<i32>} : memref<32768xf32, #tpu.memory_space<vmem>>, vector<16xf32>,
      %parallel_loop3A_87 = arith.constant 1 : i32
      %parallel_loop3A_88 = vector.broadcast %parallel_loop3A_87 : i32 to vector<16xi32>
      %parallel_loop3A_89 = arith.addi %parallel_loop3A_77, %parallel_loop3A_88 : vector<16xi32>
      %parallel_loop3A_90 = tpu.vector_load_idx %arg5[%parallel_loop3A_89] : memref<400xf32, #tpu.memory_space<vmem>>[vector<16xi32>], vector<16xf32>,
      %parallel_loop3A_91 = arith.constant 512 : i32
      %parallel_loop3A_92 = arith.muli %parallel_loop3A_68, %parallel_loop3A_91 : i32
      %parallel_loop3A_93 = arith.constant 128 : i32
      %parallel_loop3A_94 = arith.addi %parallel_loop3A_92, %parallel_loop3A_93 : i32
      %parallel_loop3A_95 = arith.constant 0 : i32
      %parallel_loop3A_96 = arith.addi %parallel_loop3A_94, %parallel_loop3A_95 : i32
      %parallel_loop3A_97 = arith.index_cast %parallel_loop3A_96 : i32 to index
      %parallel_loop3A_98 = tpu.vector_load %arg9[%parallel_loop3A_97] {strides = array<i32>} : memref<32768xf32, #tpu.memory_space<vmem>>, vector<16xf32>,
      tpu.vector_store %arg9[%parallel_loop3A_97], %parallel_loop3A_90 {strides = array<i32>} : memref<32768xf32, #tpu.memory_space<vmem>>, vector<16xf32>,
      %parallel_loop3A_99 = arith.constant 2 : i32
      %parallel_loop3A_100 = vector.broadcast %parallel_loop3A_99 : i32 to vector<16xi32>
      %parallel_loop3A_101 = arith.addi %parallel_loop3A_77, %parallel_loop3A_100 : vector<16xi32>
      %parallel_loop3A_102 = tpu.vector_load_idx %arg5[%parallel_loop3A_101] : memref<400xf32, #tpu.memory_space<vmem>>[vector<16xi32>], vector<16xf32>,
      %parallel_loop3A_103 = arith.constant 512 : i32
      %parallel_loop3A_104 = arith.muli %parallel_loop3A_68, %parallel_loop3A_103 : i32
      %parallel_loop3A_105 = arith.constant 256 : i32
      %parallel_loop3A_106 = arith.addi %parallel_loop3A_104, %parallel_loop3A_105 : i32
      %parallel_loop3A_107 = arith.constant 0 : i32
      %parallel_loop3A_108 = arith.addi %parallel_loop3A_106, %parallel_loop3A_107 : i32
      %parallel_loop3A_109 = arith.index_cast %parallel_loop3A_108 : i32 to index
      %parallel_loop3A_110 = tpu.vector_load %arg9[%parallel_loop3A_109] {strides = array<i32>} : memref<32768xf32, #tpu.memory_space<vmem>>, vector<16xf32>,
      tpu.vector_store %arg9[%parallel_loop3A_109], %parallel_loop3A_102 {strides = array<i32>} : memref<32768xf32, #tpu.memory_space<vmem>>, vector<16xf32>,
      %parallel_loop3A_111 = arith.constant 3 : i32
      %parallel_loop3A_112 = vector.broadcast %parallel_loop3A_111 : i32 to vector<16xi32>
      %parallel_loop3A_113 = arith.addi %parallel_loop3A_77, %parallel_loop3A_112 : vector<16xi32>
      %parallel_loop3A_114 = tpu.vector_load_idx %arg5[%parallel_loop3A_113] : memref<400xf32, #tpu.memory_space<vmem>>[vector<16xi32>], vector<16xf32>,
      %parallel_loop3A_115 = arith.constant 512 : i32
      %parallel_loop3A_116 = arith.muli %parallel_loop3A_68, %parallel_loop3A_115 : i32
      %parallel_loop3A_117 = arith.constant 384 : i32
      %parallel_loop3A_118 = arith.addi %parallel_loop3A_116, %parallel_loop3A_117 : i32
      %parallel_loop3A_119 = arith.constant 0 : i32
      %parallel_loop3A_120 = arith.addi %parallel_loop3A_118, %parallel_loop3A_119 : i32
      %parallel_loop3A_121 = arith.index_cast %parallel_loop3A_120 : i32 to index
      %parallel_loop3A_122 = tpu.vector_load %arg9[%parallel_loop3A_121] {strides = array<i32>} : memref<32768xf32, #tpu.memory_space<vmem>>, vector<16xf32>,
      tpu.vector_store %arg9[%parallel_loop3A_121], %parallel_loop3A_114 {strides = array<i32>} : memref<32768xf32, #tpu.memory_space<vmem>>, vector<16xf32>,
      %parallel_loop3A_123 = arith.constant 128 : i32
      %parallel_loop3A_124 = arith.muli %parallel_loop3A_68, %parallel_loop3A_123 : i32
      %parallel_loop3A_125 = arith.constant 16 : i32
      %parallel_loop3A_126 = arith.addi %parallel_loop3A_124, %parallel_loop3A_125 : i32
      %parallel_loop3A_127 = arith.index_cast %parallel_loop3A_126 : i32 to index
      %parallel_loop3A_128 = tpu.vector_load %arg7[%parallel_loop3A_127] {strides = array<i32>} : memref<8192xi32, #tpu.memory_space<vmem>>, vector<16xi32>,
      %parallel_loop3A_129 = arith.constant 4 : i32
      %parallel_loop3A_130 = vector.broadcast %parallel_loop3A_129 : i32 to vector<16xi32>
      %parallel_loop3A_131 = arith.muli %parallel_loop3A_128, %parallel_loop3A_130 : vector<16xi32>
      %parallel_loop3A_132 = tpu.vector_load_idx %arg5[%parallel_loop3A_131] : memref<400xf32, #tpu.memory_space<vmem>>[vector<16xi32>], vector<16xf32>,
      %parallel_loop3A_133 = arith.constant 512 : i32
      %parallel_loop3A_134 = arith.muli %parallel_loop3A_68, %parallel_loop3A_133 : i32
      %parallel_loop3A_135 = arith.constant 0 : i32
      %parallel_loop3A_136 = arith.addi %parallel_loop3A_134, %parallel_loop3A_135 : i32
      %parallel_loop3A_137 = arith.constant 16 : i32
      %parallel_loop3A_138 = arith.addi %parallel_loop3A_136, %parallel_loop3A_137 : i32
      %parallel_loop3A_139 = arith.index_cast %parallel_loop3A_138 : i32 to index
      %parallel_loop3A_140 = tpu.vector_load %arg9[%parallel_loop3A_139] {strides = array<i32>} : memref<32768xf32, #tpu.memory_space<vmem>>, vector<16xf32>,
      tpu.vector_store %arg9[%parallel_loop3A_139], %parallel_loop3A_132 {strides = array<i32>} : memref<32768xf32, #tpu.memory_space<vmem>>, vector<16xf32>,
      %parallel_loop3A_141 = arith.constant 1 : i32
      %parallel_loop3A_142 = vector.broadcast %parallel_loop3A_141 : i32 to vector<16xi32>
      %parallel_loop3A_143 = arith.addi %parallel_loop3A_131, %parallel_loop3A_142 : vector<16xi32>
      %parallel_loop3A_144 = tpu.vector_load_idx %arg5[%parallel_loop3A_143] : memref<400xf32, #tpu.memory_space<vmem>>[vector<16xi32>], vector<16xf32>,
      %parallel_loop3A_145 = arith.constant 512 : i32
      %parallel_loop3A_146 = arith.muli %parallel_loop3A_68, %parallel_loop3A_145 : i32
      %parallel_loop3A_147 = arith.constant 128 : i32
      %parallel_loop3A_148 = arith.addi %parallel_loop3A_146, %parallel_loop3A_147 : i32
      %parallel_loop3A_149 = arith.constant 16 : i32
      %parallel_loop3A_150 = arith.addi %parallel_loop3A_148, %parallel_loop3A_149 : i32
      %parallel_loop3A_151 = arith.index_cast %parallel_loop3A_150 : i32 to index
      %parallel_loop3A_152 = tpu.vector_load %arg9[%parallel_loop3A_151] {strides = array<i32>} : memref<32768xf32, #tpu.memory_space<vmem>>, vector<16xf32>,
      tpu.vector_store %arg9[%parallel_loop3A_151], %parallel_loop3A_144 {strides = array<i32>} : memref<32768xf32, #tpu.memory_space<vmem>>, vector<16xf32>,
      %parallel_loop3A_153 = arith.constant 2 : i32
      %parallel_loop3A_154 = vector.broadcast %parallel_loop3A_153 : i32 to vector<16xi32>
      %parallel_loop3A_155 = arith.addi %parallel_loop3A_131, %parallel_loop3A_154 : vector<16xi32>
      %parallel_loop3A_156 = tpu.vector_load_idx %arg5[%parallel_loop3A_155] : memref<400xf32, #tpu.memory_space<vmem>>[vector<16xi32>], vector<16xf32>,
      %parallel_loop3A_157 = arith.constant 512 : i32
      %parallel_loop3A_158 = arith.muli %parallel_loop3A_68, %parallel_loop3A_157 : i32
      %parallel_loop3A_159 = arith.constant 256 : i32
      %parallel_loop3A_160 = arith.addi %parallel_loop3A_158, %parallel_loop3A_159 : i32
      %parallel_loop3A_161 = arith.constant 16 : i32
      %parallel_loop3A_162 = arith.addi %parallel_loop3A_160, %parallel_loop3A_161 : i32
      %parallel_loop3A_163 = arith.index_cast %parallel_loop3A_162 : i32 to index
      %parallel_loop3A_164 = tpu.vector_load %arg9[%parallel_loop3A_163] {strides = array<i32>} : memref<32768xf32, #tpu.memory_space<vmem>>, vector<16xf32>,
      tpu.vector_store %arg9[%parallel_loop3A_163], %parallel_loop3A_156 {strides = array<i32>} : memref<32768xf32, #tpu.memory_space<vmem>>, vector<16xf32>,
      %parallel_loop3A_165 = arith.constant 3 : i32
      %parallel_loop3A_166 = vector.broadcast %parallel_loop3A_165 : i32 to vector<16xi32>
      %parallel_loop3A_167 = arith.addi %parallel_loop3A_131, %parallel_loop3A_166 : vector<16xi32>
      %parallel_loop3A_168 = tpu.vector_load_idx %arg5[%parallel_loop3A_167] : memref<400xf32, #tpu.memory_space<vmem>>[vector<16xi32>], vector<16xf32>,
      %parallel_loop3A_169 = arith.constant 512 : i32
      %parallel_loop3A_170 = arith.muli %parallel_loop3A_68, %parallel_loop3A_169 : i32
      %parallel_loop3A_171 = arith.constant 384 : i32
      %parallel_loop3A_172 = arith.addi %parallel_loop3A_170, %parallel_loop3A_171 : i32
      %parallel_loop3A_173 = arith.constant 16 : i32
      %parallel_loop3A_174 = arith.addi %parallel_loop3A_172, %parallel_loop3A_173 : i32
      %parallel_loop3A_175 = arith.index_cast %parallel_loop3A_174 : i32 to index
      %parallel_loop3A_176 = tpu.vector_load %arg9[%parallel_loop3A_175] {strides = array<i32>} : memref<32768xf32, #tpu.memory_space<vmem>>, vector<16xf32>,
      tpu.vector_store %arg9[%parallel_loop3A_175], %parallel_loop3A_168 {strides = array<i32>} : memref<32768xf32, #tpu.memory_space<vmem>>, vector<16xf32>,
      %parallel_loop3A_177 = arith.constant 128 : i32
      %parallel_loop3A_178 = arith.muli %parallel_loop3A_68, %parallel_loop3A_177 : i32
      %parallel_loop3A_179 = arith.constant 32 : i32
      %parallel_loop3A_180 = arith.addi %parallel_loop3A_178, %parallel_loop3A_179 : i32
      %parallel_loop3A_181 = arith.index_cast %parallel_loop3A_180 : i32 to index
      %parallel_loop3A_182 = tpu.vector_load %arg7[%parallel_loop3A_181] {strides = array<i32>} : memref<8192xi32, #tpu.memory_space<vmem>>, vector<16xi32>,
      %parallel_loop3A_183 = arith.constant 4 : i32
      %parallel_loop3A_184 = vector.broadcast %parallel_loop3A_183 : i32 to vector<16xi32>
      %parallel_loop3A_185 = arith.muli %parallel_loop3A_182, %parallel_loop3A_184 : vector<16xi32>
      %parallel_loop3A_186 = tpu.vector_load_idx %arg5[%parallel_loop3A_185] : memref<400xf32, #tpu.memory_space<vmem>>[vector<16xi32>], vector<16xf32>,
      %parallel_loop3A_187 = arith.constant 512 : i32
      %parallel_loop3A_188 = arith.muli %parallel_loop3A_68, %parallel_loop3A_187 : i32
      %parallel_loop3A_189 = arith.constant 0 : i32
      %parallel_loop3A_190 = arith.addi %parallel_loop3A_188, %parallel_loop3A_189 : i32
      %parallel_loop3A_191 = arith.constant 32 : i32
      %parallel_loop3A_192 = arith.addi %parallel_loop3A_190, %parallel_loop3A_191 : i32
      %parallel_loop3A_193 = arith.index_cast %parallel_loop3A_192 : i32 to index
      %parallel_loop3A_194 = tpu.vector_load %arg9[%parallel_loop3A_193] {strides = array<i32>} : memref<32768xf32, #tpu.memory_space<vmem>>, vector<16xf32>,
      tpu.vector_store %arg9[%parallel_loop3A_193], %parallel_loop3A_186 {strides = array<i32>} : memref<32768xf32, #tpu.memory_space<vmem>>, vector<16xf32>,
      %parallel_loop3A_195 = arith.constant 1 : i32
      %parallel_loop3A_196 = vector.broadcast %parallel_loop3A_195 : i32 to vector<16xi32>
      %parallel_loop3A_197 = arith.addi %parallel_loop3A_185, %parallel_loop3A_196 : vector<16xi32>
      %parallel_loop3A_198 = tpu.vector_load_idx %arg5[%parallel_loop3A_197] : memref<400xf32, #tpu.memory_space<vmem>>[vector<16xi32>], vector<16xf32>,
      %parallel_loop3A_199 = arith.constant 512 : i32
      %parallel_loop3A_200 = arith.muli %parallel_loop3A_68, %parallel_loop3A_199 : i32
      %parallel_loop3A_201 = arith.constant 128 : i32
      %parallel_loop3A_202 = arith.addi %parallel_loop3A_200, %parallel_loop3A_201 : i32
      %parallel_loop3A_203 = arith.constant 32 : i32
      %parallel_loop3A_204 = arith.addi %parallel_loop3A_202, %parallel_loop3A_203 : i32
      %parallel_loop3A_205 = arith.index_cast %parallel_loop3A_204 : i32 to index
      %parallel_loop3A_206 = tpu.vector_load %arg9[%parallel_loop3A_205] {strides = array<i32>} : memref<32768xf32, #tpu.memory_space<vmem>>, vector<16xf32>,
      tpu.vector_store %arg9[%parallel_loop3A_205], %parallel_loop3A_198 {strides = array<i32>} : memref<32768xf32, #tpu.memory_space<vmem>>, vector<16xf32>,
      %parallel_loop3A_207 = arith.constant 2 : i32
      %parallel_loop3A_208 = vector.broadcast %parallel_loop3A_207 : i32 to vector<16xi32>
      %parallel_loop3A_209 = arith.addi %parallel_loop3A_185, %parallel_loop3A_208 : vector<16xi32>
      %parallel_loop3A_210 = tpu.vector_load_idx %arg5[%parallel_loop3A_209] : memref<400xf32, #tpu.memory_space<vmem>>[vector<16xi32>], vector<16xf32>,
      %parallel_loop3A_211 = arith.constant 512 : i32
      %parallel_loop3A_212 = arith.muli %parallel_loop3A_68, %parallel_loop3A_211 : i32
      %parallel_loop3A_213 = arith.constant 256 : i32
      %parallel_loop3A_214 = arith.addi %parallel_loop3A_212, %parallel_loop3A_213 : i32
      %parallel_loop3A_215 = arith.constant 32 : i32
      %parallel_loop3A_216 = arith.addi %parallel_loop3A_214, %parallel_loop3A_215 : i32
      %parallel_loop3A_217 = arith.index_cast %parallel_loop3A_216 : i32 to index
      %parallel_loop3A_218 = tpu.vector_load %arg9[%parallel_loop3A_217] {strides = array<i32>} : memref<32768xf32, #tpu.memory_space<vmem>>, vector<16xf32>,
      tpu.vector_store %arg9[%parallel_loop3A_217], %parallel_loop3A_210 {strides = array<i32>} : memref<32768xf32, #tpu.memory_space<vmem>>, vector<16xf32>,
      %parallel_loop3A_219 = arith.constant 3 : i32
      %parallel_loop3A_220 = vector.broadcast %parallel_loop3A_219 : i32 to vector<16xi32>
      %parallel_loop3A_221 = arith.addi %parallel_loop3A_185, %parallel_loop3A_220 : vector<16xi32>
      %parallel_loop3A_222 = tpu.vector_load_idx %arg5[%parallel_loop3A_221] : memref<400xf32, #tpu.memory_space<vmem>>[vector<16xi32>], vector<16xf32>,
      %parallel_loop3A_223 = arith.constant 512 : i32
      %parallel_loop3A_224 = arith.muli %parallel_loop3A_68, %parallel_loop3A_223 : i32
      %parallel_loop3A_225 = arith.constant 384 : i32
      %parallel_loop3A_226 = arith.addi %parallel_loop3A_224, %parallel_loop3A_225 : i32
      %parallel_loop3A_227 = arith.constant 32 : i32
      %parallel_loop3A_228 = arith.addi %parallel_loop3A_226, %parallel_loop3A_227 : i32
      %parallel_loop3A_229 = arith.index_cast %parallel_loop3A_228 : i32 to index
      %parallel_loop3A_230 = tpu.vector_load %arg9[%parallel_loop3A_229] {strides = array<i32>} : memref<32768xf32, #tpu.memory_space<vmem>>, vector<16xf32>,
      tpu.vector_store %arg9[%parallel_loop3A_229], %parallel_loop3A_222 {strides = array<i32>} : memref<32768xf32, #tpu.memory_space<vmem>>, vector<16xf32>,
      %parallel_loop3A_231 = arith.constant 128 : i32
      %parallel_loop3A_232 = arith.muli %parallel_loop3A_68, %parallel_loop3A_231 : i32
      %parallel_loop3A_233 = arith.constant 48 : i32
      %parallel_loop3A_234 = arith.addi %parallel_loop3A_232, %parallel_loop3A_233 : i32
      %parallel_loop3A_235 = arith.index_cast %parallel_loop3A_234 : i32 to index
      %parallel_loop3A_236 = tpu.vector_load %arg7[%parallel_loop3A_235] {strides = array<i32>} : memref<8192xi32, #tpu.memory_space<vmem>>, vector<16xi32>,
      %parallel_loop3A_237 = arith.constant 4 : i32
      %parallel_loop3A_238 = vector.broadcast %parallel_loop3A_237 : i32 to vector<16xi32>
      %parallel_loop3A_239 = arith.muli %parallel_loop3A_236, %parallel_loop3A_238 : vector<16xi32>
      %parallel_loop3A_240 = tpu.vector_load_idx %arg5[%parallel_loop3A_239] : memref<400xf32, #tpu.memory_space<vmem>>[vector<16xi32>], vector<16xf32>,
      %parallel_loop3A_241 = arith.constant 512 : i32
      %parallel_loop3A_242 = arith.muli %parallel_loop3A_68, %parallel_loop3A_241 : i32
      %parallel_loop3A_243 = arith.constant 0 : i32
      %parallel_loop3A_244 = arith.addi %parallel_loop3A_242, %parallel_loop3A_243 : i32
      %parallel_loop3A_245 = arith.constant 48 : i32
      %parallel_loop3A_246 = arith.addi %parallel_loop3A_244, %parallel_loop3A_245 : i32
      %parallel_loop3A_247 = arith.index_cast %parallel_loop3A_246 : i32 to index
      %parallel_loop3A_248 = tpu.vector_load %arg9[%parallel_loop3A_247] {strides = array<i32>} : memref<32768xf32, #tpu.memory_space<vmem>>, vector<16xf32>,
      tpu.vector_store %arg9[%parallel_loop3A_247], %parallel_loop3A_240 {strides = array<i32>} : memref<32768xf32, #tpu.memory_space<vmem>>, vector<16xf32>,
      %parallel_loop3A_249 = arith.constant 1 : i32
      %parallel_loop3A_250 = vector.broadcast %parallel_loop3A_249 : i32 to vector<16xi32>
      %parallel_loop3A_251 = arith.addi %parallel_loop3A_239, %parallel_loop3A_250 : vector<16xi32>
      %parallel_loop3A_252 = tpu.vector_load_idx %arg5[%parallel_loop3A_251] : memref<400xf32, #tpu.memory_space<vmem>>[vector<16xi32>], vector<16xf32>,
      %parallel_loop3A_253 = arith.constant 512 : i32
      %parallel_loop3A_254 = arith.muli %parallel_loop3A_68, %parallel_loop3A_253 : i32
      %parallel_loop3A_255 = arith.constant 128 : i32
      %parallel_loop3A_256 = arith.addi %parallel_loop3A_254, %parallel_loop3A_255 : i32
      %parallel_loop3A_257 = arith.constant 48 : i32
      %parallel_loop3A_258 = arith.addi %parallel_loop3A_256, %parallel_loop3A_257 : i32
      %parallel_loop3A_259 = arith.index_cast %parallel_loop3A_258 : i32 to index
      %parallel_loop3A_260 = tpu.vector_load %arg9[%parallel_loop3A_259] {strides = array<i32>} : memref<32768xf32, #tpu.memory_space<vmem>>, vector<16xf32>,
      tpu.vector_store %arg9[%parallel_loop3A_259], %parallel_loop3A_252 {strides = array<i32>} : memref<32768xf32, #tpu.memory_space<vmem>>, vector<16xf32>,
      %parallel_loop3A_261 = arith.constant 2 : i32
      %parallel_loop3A_262 = vector.broadcast %parallel_loop3A_261 : i32 to vector<16xi32>
      %parallel_loop3A_263 = arith.addi %parallel_loop3A_239, %parallel_loop3A_262 : vector<16xi32>
      %parallel_loop3A_264 = tpu.vector_load_idx %arg5[%parallel_loop3A_263] : memref<400xf32, #tpu.memory_space<vmem>>[vector<16xi32>], vector<16xf32>,
      %parallel_loop3A_265 = arith.constant 512 : i32
      %parallel_loop3A_266 = arith.muli %parallel_loop3A_68, %parallel_loop3A_265 : i32
      %parallel_loop3A_267 = arith.constant 256 : i32
      %parallel_loop3A_268 = arith.addi %parallel_loop3A_266, %parallel_loop3A_267 : i32
      %parallel_loop3A_269 = arith.constant 48 : i32
      %parallel_loop3A_270 = arith.addi %parallel_loop3A_268, %parallel_loop3A_269 : i32
      %parallel_loop3A_271 = arith.index_cast %parallel_loop3A_270 : i32 to index
      %parallel_loop3A_272 = tpu.vector_load %arg9[%parallel_loop3A_271] {strides = array<i32>} : memref<32768xf32, #tpu.memory_space<vmem>>, vector<16xf32>,
      tpu.vector_store %arg9[%parallel_loop3A_271], %parallel_loop3A_264 {strides = array<i32>} : memref<32768xf32, #tpu.memory_space<vmem>>, vector<16xf32>,
      %parallel_loop3A_273 = arith.constant 3 : i32
      %parallel_loop3A_274 = vector.broadcast %parallel_loop3A_273 : i32 to vector<16xi32>
      %parallel_loop3A_275 = arith.addi %parallel_loop3A_239, %parallel_loop3A_274 : vector<16xi32>
      %parallel_loop3A_276 = tpu.vector_load_idx %arg5[%parallel_loop3A_275] : memref<400xf32, #tpu.memory_space<vmem>>[vector<16xi32>], vector<16xf32>,
      %parallel_loop3A_277 = arith.constant 512 : i32
      %parallel_loop3A_278 = arith.muli %parallel_loop3A_68, %parallel_loop3A_277 : i32
      %parallel_loop3A_279 = arith.constant 384 : i32
      %parallel_loop3A_280 = arith.addi %parallel_loop3A_278, %parallel_loop3A_279 : i32
      %parallel_loop3A_281 = arith.constant 48 : i32
      %parallel_loop3A_282 = arith.addi %parallel_loop3A_280, %parallel_loop3A_281 : i32
      %parallel_loop3A_283 = arith.index_cast %parallel_loop3A_282 : i32 to index
      %parallel_loop3A_284 = tpu.vector_load %arg9[%parallel_loop3A_283] {strides = array<i32>} : memref<32768xf32, #tpu.memory_space<vmem>>, vector<16xf32>,
      tpu.vector_store %arg9[%parallel_loop3A_283], %parallel_loop3A_276 {strides = array<i32>} : memref<32768xf32, #tpu.memory_space<vmem>>, vector<16xf32>,
      %parallel_loop3A_285 = arith.constant 128 : i32
      %parallel_loop3A_286 = arith.muli %parallel_loop3A_68, %parallel_loop3A_285 : i32
      %parallel_loop3A_287 = arith.constant 64 : i32
      %parallel_loop3A_288 = arith.addi %parallel_loop3A_286, %parallel_loop3A_287 : i32
      %parallel_loop3A_289 = arith.index_cast %parallel_loop3A_288 : i32 to index
      %parallel_loop3A_290 = tpu.vector_load %arg7[%parallel_loop3A_289] {strides = array<i32>} : memref<8192xi32, #tpu.memory_space<vmem>>, vector<16xi32>,
      %parallel_loop3A_291 = arith.constant 4 : i32
      %parallel_loop3A_292 = vector.broadcast %parallel_loop3A_291 : i32 to vector<16xi32>
      %parallel_loop3A_293 = arith.muli %parallel_loop3A_290, %parallel_loop3A_292 : vector<16xi32>
      %parallel_loop3A_294 = tpu.vector_load_idx %arg5[%parallel_loop3A_293] : memref<400xf32, #tpu.memory_space<vmem>>[vector<16xi32>], vector<16xf32>,
      %parallel_loop3A_295 = arith.constant 512 : i32
      %parallel_loop3A_296 = arith.muli %parallel_loop3A_68, %parallel_loop3A_295 : i32
      %parallel_loop3A_297 = arith.constant 0 : i32
      %parallel_loop3A_298 = arith.addi %parallel_loop3A_296, %parallel_loop3A_297 : i32
      %parallel_loop3A_299 = arith.constant 64 : i32
      %parallel_loop3A_300 = arith.addi %parallel_loop3A_298, %parallel_loop3A_299 : i32
      %parallel_loop3A_301 = arith.index_cast %parallel_loop3A_300 : i32 to index
      %parallel_loop3A_302 = tpu.vector_load %arg9[%parallel_loop3A_301] {strides = array<i32>} : memref<32768xf32, #tpu.memory_space<vmem>>, vector<16xf32>,
      tpu.vector_store %arg9[%parallel_loop3A_301], %parallel_loop3A_294 {strides = array<i32>} : memref<32768xf32, #tpu.memory_space<vmem>>, vector<16xf32>,
      %parallel_loop3A_303 = arith.constant 1 : i32
      %parallel_loop3A_304 = vector.broadcast %parallel_loop3A_303 : i32 to vector<16xi32>
      %parallel_loop3A_305 = arith.addi %parallel_loop3A_293, %parallel_loop3A_304 : vector<16xi32>
      %parallel_loop3A_306 = tpu.vector_load_idx %arg5[%parallel_loop3A_305] : memref<400xf32, #tpu.memory_space<vmem>>[vector<16xi32>], vector<16xf32>,
      %parallel_loop3A_307 = arith.constant 512 : i32
      %parallel_loop3A_308 = arith.muli %parallel_loop3A_68, %parallel_loop3A_307 : i32
      %parallel_loop3A_309 = arith.constant 128 : i32
      %parallel_loop3A_310 = arith.addi %parallel_loop3A_308, %parallel_loop3A_309 : i32
      %parallel_loop3A_311 = arith.constant 64 : i32
      %parallel_loop3A_312 = arith.addi %parallel_loop3A_310, %parallel_loop3A_311 : i32
      %parallel_loop3A_313 = arith.index_cast %parallel_loop3A_312 : i32 to index
      %parallel_loop3A_314 = tpu.vector_load %arg9[%parallel_loop3A_313] {strides = array<i32>} : memref<32768xf32, #tpu.memory_space<vmem>>, vector<16xf32>,
      tpu.vector_store %arg9[%parallel_loop3A_313], %parallel_loop3A_306 {strides = array<i32>} : memref<32768xf32, #tpu.memory_space<vmem>>, vector<16xf32>,
      %parallel_loop3A_315 = arith.constant 2 : i32
      %parallel_loop3A_316 = vector.broadcast %parallel_loop3A_315 : i32 to vector<16xi32>
      %parallel_loop3A_317 = arith.addi %parallel_loop3A_293, %parallel_loop3A_316 : vector<16xi32>
      %parallel_loop3A_318 = tpu.vector_load_idx %arg5[%parallel_loop3A_317] : memref<400xf32, #tpu.memory_space<vmem>>[vector<16xi32>], vector<16xf32>,
      %parallel_loop3A_319 = arith.constant 512 : i32
      %parallel_loop3A_320 = arith.muli %parallel_loop3A_68, %parallel_loop3A_319 : i32
      %parallel_loop3A_321 = arith.constant 256 : i32
      %parallel_loop3A_322 = arith.addi %parallel_loop3A_320, %parallel_loop3A_321 : i32
      %parallel_loop3A_323 = arith.constant 64 : i32
      %parallel_loop3A_324 = arith.addi %parallel_loop3A_322, %parallel_loop3A_323 : i32
      %parallel_loop3A_325 = arith.index_cast %parallel_loop3A_324 : i32 to index
      %parallel_loop3A_326 = tpu.vector_load %arg9[%parallel_loop3A_325] {strides = array<i32>} : memref<32768xf32, #tpu.memory_space<vmem>>, vector<16xf32>,
      tpu.vector_store %arg9[%parallel_loop3A_325], %parallel_loop3A_318 {strides = array<i32>} : memref<32768xf32, #tpu.memory_space<vmem>>, vector<16xf32>,
      %parallel_loop3A_327 = arith.constant 3 : i32
      %parallel_loop3A_328 = vector.broadcast %parallel_loop3A_327 : i32 to vector<16xi32>
      %parallel_loop3A_329 = arith.addi %parallel_loop3A_293, %parallel_loop3A_328 : vector<16xi32>
      %parallel_loop3A_330 = tpu.vector_load_idx %arg5[%parallel_loop3A_329] : memref<400xf32, #tpu.memory_space<vmem>>[vector<16xi32>], vector<16xf32>,
      %parallel_loop3A_331 = arith.constant 512 : i32
      %parallel_loop3A_332 = arith.muli %parallel_loop3A_68, %parallel_loop3A_331 : i32
      %parallel_loop3A_333 = arith.constant 384 : i32
      %parallel_loop3A_334 = arith.addi %parallel_loop3A_332, %parallel_loop3A_333 : i32
      %parallel_loop3A_335 = arith.constant 64 : i32
      %parallel_loop3A_336 = arith.addi %parallel_loop3A_334, %parallel_loop3A_335 : i32
      %parallel_loop3A_337 = arith.index_cast %parallel_loop3A_336 : i32 to index
      %parallel_loop3A_338 = tpu.vector_load %arg9[%parallel_loop3A_337] {strides = array<i32>} : memref<32768xf32, #tpu.memory_space<vmem>>, vector<16xf32>,
      tpu.vector_store %arg9[%parallel_loop3A_337], %parallel_loop3A_330 {strides = array<i32>} : memref<32768xf32, #tpu.memory_space<vmem>>, vector<16xf32>,
      %parallel_loop3A_339 = arith.constant 128 : i32
      %parallel_loop3A_340 = arith.muli %parallel_loop3A_68, %parallel_loop3A_339 : i32
      %parallel_loop3A_341 = arith.constant 80 : i32
      %parallel_loop3A_342 = arith.addi %parallel_loop3A_340, %parallel_loop3A_341 : i32
      %parallel_loop3A_343 = arith.index_cast %parallel_loop3A_342 : i32 to index
      %parallel_loop3A_344 = tpu.vector_load %arg7[%parallel_loop3A_343] {strides = array<i32>} : memref<8192xi32, #tpu.memory_space<vmem>>, vector<16xi32>,
      %parallel_loop3A_345 = arith.constant 4 : i32
      %parallel_loop3A_346 = vector.broadcast %parallel_loop3A_345 : i32 to vector<16xi32>
      %parallel_loop3A_347 = arith.muli %parallel_loop3A_344, %parallel_loop3A_346 : vector<16xi32>
      %parallel_loop3A_348 = tpu.vector_load_idx %arg5[%parallel_loop3A_347] : memref<400xf32, #tpu.memory_space<vmem>>[vector<16xi32>], vector<16xf32>,
      %parallel_loop3A_349 = arith.constant 512 : i32
      %parallel_loop3A_350 = arith.muli %parallel_loop3A_68, %parallel_loop3A_349 : i32
      %parallel_loop3A_351 = arith.constant 0 : i32
      %parallel_loop3A_352 = arith.addi %parallel_loop3A_350, %parallel_loop3A_351 : i32
      %parallel_loop3A_353 = arith.constant 80 : i32
      %parallel_loop3A_354 = arith.addi %parallel_loop3A_352, %parallel_loop3A_353 : i32
      %parallel_loop3A_355 = arith.index_cast %parallel_loop3A_354 : i32 to index
      %parallel_loop3A_356 = tpu.vector_load %arg9[%parallel_loop3A_355] {strides = array<i32>} : memref<32768xf32, #tpu.memory_space<vmem>>, vector<16xf32>,
      tpu.vector_store %arg9[%parallel_loop3A_355], %parallel_loop3A_348 {strides = array<i32>} : memref<32768xf32, #tpu.memory_space<vmem>>, vector<16xf32>,
      %parallel_loop3A_357 = arith.constant 1 : i32
      %parallel_loop3A_358 = vector.broadcast %parallel_loop3A_357 : i32 to vector<16xi32>
      %parallel_loop3A_359 = arith.addi %parallel_loop3A_347, %parallel_loop3A_358 : vector<16xi32>
      %parallel_loop3A_360 = tpu.vector_load_idx %arg5[%parallel_loop3A_359] : memref<400xf32, #tpu.memory_space<vmem>>[vector<16xi32>], vector<16xf32>,
      %parallel_loop3A_361 = arith.constant 512 : i32
      %parallel_loop3A_362 = arith.muli %parallel_loop3A_68, %parallel_loop3A_361 : i32
      %parallel_loop3A_363 = arith.constant 128 : i32
      %parallel_loop3A_364 = arith.addi %parallel_loop3A_362, %parallel_loop3A_363 : i32
      %parallel_loop3A_365 = arith.constant 80 : i32
      %parallel_loop3A_366 = arith.addi %parallel_loop3A_364, %parallel_loop3A_365 : i32
      %parallel_loop3A_367 = arith.index_cast %parallel_loop3A_366 : i32 to index
      %parallel_loop3A_368 = tpu.vector_load %arg9[%parallel_loop3A_367] {strides = array<i32>} : memref<32768xf32, #tpu.memory_space<vmem>>, vector<16xf32>,
      tpu.vector_store %arg9[%parallel_loop3A_367], %parallel_loop3A_360 {strides = array<i32>} : memref<32768xf32, #tpu.memory_space<vmem>>, vector<16xf32>,
      %parallel_loop3A_369 = arith.constant 2 : i32
      %parallel_loop3A_370 = vector.broadcast %parallel_loop3A_369 : i32 to vector<16xi32>
      %parallel_loop3A_371 = arith.addi %parallel_loop3A_347, %parallel_loop3A_370 : vector<16xi32>
      %parallel_loop3A_372 = tpu.vector_load_idx %arg5[%parallel_loop3A_371] : memref<400xf32, #tpu.memory_space<vmem>>[vector<16xi32>], vector<16xf32>,
      %parallel_loop3A_373 = arith.constant 512 : i32
      %parallel_loop3A_374 = arith.muli %parallel_loop3A_68, %parallel_loop3A_373 : i32
      %parallel_loop3A_375 = arith.constant 256 : i32
      %parallel_loop3A_376 = arith.addi %parallel_loop3A_374, %parallel_loop3A_375 : i32
      %parallel_loop3A_377 = arith.constant 80 : i32
      %parallel_loop3A_378 = arith.addi %parallel_loop3A_376, %parallel_loop3A_377 : i32
      %parallel_loop3A_379 = arith.index_cast %parallel_loop3A_378 : i32 to index
      %parallel_loop3A_380 = tpu.vector_load %arg9[%parallel_loop3A_379] {strides = array<i32>} : memref<32768xf32, #tpu.memory_space<vmem>>, vector<16xf32>,
      tpu.vector_store %arg9[%parallel_loop3A_379], %parallel_loop3A_372 {strides = array<i32>} : memref<32768xf32, #tpu.memory_space<vmem>>, vector<16xf32>,
      %parallel_loop3A_381 = arith.constant 3 : i32
      %parallel_loop3A_382 = vector.broadcast %parallel_loop3A_381 : i32 to vector<16xi32>
      %parallel_loop3A_383 = arith.addi %parallel_loop3A_347, %parallel_loop3A_382 : vector<16xi32>
      %parallel_loop3A_384 = tpu.vector_load_idx %arg5[%parallel_loop3A_383] : memref<400xf32, #tpu.memory_space<vmem>>[vector<16xi32>], vector<16xf32>,
      %parallel_loop3A_385 = arith.constant 512 : i32
      %parallel_loop3A_386 = arith.muli %parallel_loop3A_68, %parallel_loop3A_385 : i32
      %parallel_loop3A_387 = arith.constant 384 : i32
      %parallel_loop3A_388 = arith.addi %parallel_loop3A_386, %parallel_loop3A_387 : i32
      %parallel_loop3A_389 = arith.constant 80 : i32
      %parallel_loop3A_390 = arith.addi %parallel_loop3A_388, %parallel_loop3A_389 : i32
      %parallel_loop3A_391 = arith.index_cast %parallel_loop3A_390 : i32 to index
      %parallel_loop3A_392 = tpu.vector_load %arg9[%parallel_loop3A_391] {strides = array<i32>} : memref<32768xf32, #tpu.memory_space<vmem>>, vector<16xf32>,
      tpu.vector_store %arg9[%parallel_loop3A_391], %parallel_loop3A_384 {strides = array<i32>} : memref<32768xf32, #tpu.memory_space<vmem>>, vector<16xf32>,
      %parallel_loop3A_393 = arith.constant 128 : i32
      %parallel_loop3A_394 = arith.muli %parallel_loop3A_68, %parallel_loop3A_393 : i32
      %parallel_loop3A_395 = arith.constant 96 : i32
      %parallel_loop3A_396 = arith.addi %parallel_loop3A_394, %parallel_loop3A_395 : i32
      %parallel_loop3A_397 = arith.index_cast %parallel_loop3A_396 : i32 to index
      %parallel_loop3A_398 = tpu.vector_load %arg7[%parallel_loop3A_397] {strides = array<i32>} : memref<8192xi32, #tpu.memory_space<vmem>>, vector<16xi32>,
      %parallel_loop3A_399 = arith.constant 4 : i32
      %parallel_loop3A_400 = vector.broadcast %parallel_loop3A_399 : i32 to vector<16xi32>
      %parallel_loop3A_401 = arith.muli %parallel_loop3A_398, %parallel_loop3A_400 : vector<16xi32>
      %parallel_loop3A_402 = tpu.vector_load_idx %arg5[%parallel_loop3A_401] : memref<400xf32, #tpu.memory_space<vmem>>[vector<16xi32>], vector<16xf32>,
      %parallel_loop3A_403 = arith.constant 512 : i32
      %parallel_loop3A_404 = arith.muli %parallel_loop3A_68, %parallel_loop3A_403 : i32
      %parallel_loop3A_405 = arith.constant 0 : i32
      %parallel_loop3A_406 = arith.addi %parallel_loop3A_404, %parallel_loop3A_405 : i32
      %parallel_loop3A_407 = arith.constant 96 : i32
      %parallel_loop3A_408 = arith.addi %parallel_loop3A_406, %parallel_loop3A_407 : i32
      %parallel_loop3A_409 = arith.index_cast %parallel_loop3A_408 : i32 to index
      %parallel_loop3A_410 = tpu.vector_load %arg9[%parallel_loop3A_409] {strides = array<i32>} : memref<32768xf32, #tpu.memory_space<vmem>>, vector<16xf32>,
      tpu.vector_store %arg9[%parallel_loop3A_409], %parallel_loop3A_402 {strides = array<i32>} : memref<32768xf32, #tpu.memory_space<vmem>>, vector<16xf32>,
      %parallel_loop3A_411 = arith.constant 1 : i32
      %parallel_loop3A_412 = vector.broadcast %parallel_loop3A_411 : i32 to vector<16xi32>
      %parallel_loop3A_413 = arith.addi %parallel_loop3A_401, %parallel_loop3A_412 : vector<16xi32>
      %parallel_loop3A_414 = tpu.vector_load_idx %arg5[%parallel_loop3A_413] : memref<400xf32, #tpu.memory_space<vmem>>[vector<16xi32>], vector<16xf32>,
      %parallel_loop3A_415 = arith.constant 512 : i32
      %parallel_loop3A_416 = arith.muli %parallel_loop3A_68, %parallel_loop3A_415 : i32
      %parallel_loop3A_417 = arith.constant 128 : i32
      %parallel_loop3A_418 = arith.addi %parallel_loop3A_416, %parallel_loop3A_417 : i32
      %parallel_loop3A_419 = arith.constant 96 : i32
      %parallel_loop3A_420 = arith.addi %parallel_loop3A_418, %parallel_loop3A_419 : i32
      %parallel_loop3A_421 = arith.index_cast %parallel_loop3A_420 : i32 to index
      %parallel_loop3A_422 = tpu.vector_load %arg9[%parallel_loop3A_421] {strides = array<i32>} : memref<32768xf32, #tpu.memory_space<vmem>>, vector<16xf32>,
      tpu.vector_store %arg9[%parallel_loop3A_421], %parallel_loop3A_414 {strides = array<i32>} : memref<32768xf32, #tpu.memory_space<vmem>>, vector<16xf32>,
      %parallel_loop3A_423 = arith.constant 2 : i32
      %parallel_loop3A_424 = vector.broadcast %parallel_loop3A_423 : i32 to vector<16xi32>
      %parallel_loop3A_425 = arith.addi %parallel_loop3A_401, %parallel_loop3A_424 : vector<16xi32>
      %parallel_loop3A_426 = tpu.vector_load_idx %arg5[%parallel_loop3A_425] : memref<400xf32, #tpu.memory_space<vmem>>[vector<16xi32>], vector<16xf32>,
      %parallel_loop3A_427 = arith.constant 512 : i32
      %parallel_loop3A_428 = arith.muli %parallel_loop3A_68, %parallel_loop3A_427 : i32
      %parallel_loop3A_429 = arith.constant 256 : i32
      %parallel_loop3A_430 = arith.addi %parallel_loop3A_428, %parallel_loop3A_429 : i32
      %parallel_loop3A_431 = arith.constant 96 : i32
      %parallel_loop3A_432 = arith.addi %parallel_loop3A_430, %parallel_loop3A_431 : i32
      %parallel_loop3A_433 = arith.index_cast %parallel_loop3A_432 : i32 to index
      %parallel_loop3A_434 = tpu.vector_load %arg9[%parallel_loop3A_433] {strides = array<i32>} : memref<32768xf32, #tpu.memory_space<vmem>>, vector<16xf32>,
      tpu.vector_store %arg9[%parallel_loop3A_433], %parallel_loop3A_426 {strides = array<i32>} : memref<32768xf32, #tpu.memory_space<vmem>>, vector<16xf32>,
      %parallel_loop3A_435 = arith.constant 3 : i32
      %parallel_loop3A_436 = vector.broadcast %parallel_loop3A_435 : i32 to vector<16xi32>
      %parallel_loop3A_437 = arith.addi %parallel_loop3A_401, %parallel_loop3A_436 : vector<16xi32>
      %parallel_loop3A_438 = tpu.vector_load_idx %arg5[%parallel_loop3A_437] : memref<400xf32, #tpu.memory_space<vmem>>[vector<16xi32>], vector<16xf32>,
      %parallel_loop3A_439 = arith.constant 512 : i32
      %parallel_loop3A_440 = arith.muli %parallel_loop3A_68, %parallel_loop3A_439 : i32
      %parallel_loop3A_441 = arith.constant 384 : i32
      %parallel_loop3A_442 = arith.addi %parallel_loop3A_440, %parallel_loop3A_441 : i32
      %parallel_loop3A_443 = arith.constant 96 : i32
      %parallel_loop3A_444 = arith.addi %parallel_loop3A_442, %parallel_loop3A_443 : i32
      %parallel_loop3A_445 = arith.index_cast %parallel_loop3A_444 : i32 to index
      %parallel_loop3A_446 = tpu.vector_load %arg9[%parallel_loop3A_445] {strides = array<i32>} : memref<32768xf32, #tpu.memory_space<vmem>>, vector<16xf32>,
      tpu.vector_store %arg9[%parallel_loop3A_445], %parallel_loop3A_438 {strides = array<i32>} : memref<32768xf32, #tpu.memory_space<vmem>>, vector<16xf32>,
      %parallel_loop3A_447 = arith.constant 128 : i32
      %parallel_loop3A_448 = arith.muli %parallel_loop3A_68, %parallel_loop3A_447 : i32
      %parallel_loop3A_449 = arith.constant 112 : i32
      %parallel_loop3A_450 = arith.addi %parallel_loop3A_448, %parallel_loop3A_449 : i32
      %parallel_loop3A_451 = arith.index_cast %parallel_loop3A_450 : i32 to index
      %parallel_loop3A_452 = tpu.vector_load %arg7[%parallel_loop3A_451] {strides = array<i32>} : memref<8192xi32, #tpu.memory_space<vmem>>, vector<16xi32>,
      %parallel_loop3A_453 = arith.constant 4 : i32
      %parallel_loop3A_454 = vector.broadcast %parallel_loop3A_453 : i32 to vector<16xi32>
      %parallel_loop3A_455 = arith.muli %parallel_loop3A_452, %parallel_loop3A_454 : vector<16xi32>
      %parallel_loop3A_456 = tpu.vector_load_idx %arg5[%parallel_loop3A_455] : memref<400xf32, #tpu.memory_space<vmem>>[vector<16xi32>], vector<16xf32>,
      %parallel_loop3A_457 = arith.constant 512 : i32
      %parallel_loop3A_458 = arith.muli %parallel_loop3A_68, %parallel_loop3A_457 : i32
      %parallel_loop3A_459 = arith.constant 0 : i32
      %parallel_loop3A_460 = arith.addi %parallel_loop3A_458, %parallel_loop3A_459 : i32
      %parallel_loop3A_461 = arith.constant 112 : i32
      %parallel_loop3A_462 = arith.addi %parallel_loop3A_460, %parallel_loop3A_461 : i32
      %parallel_loop3A_463 = arith.index_cast %parallel_loop3A_462 : i32 to index
      %parallel_loop3A_464 = tpu.vector_load %arg9[%parallel_loop3A_463] {strides = array<i32>} : memref<32768xf32, #tpu.memory_space<vmem>>, vector<16xf32>,
      tpu.vector_store %arg9[%parallel_loop3A_463], %parallel_loop3A_456 {strides = array<i32>} : memref<32768xf32, #tpu.memory_space<vmem>>, vector<16xf32>,
      %parallel_loop3A_465 = arith.constant 1 : i32
      %parallel_loop3A_466 = vector.broadcast %parallel_loop3A_465 : i32 to vector<16xi32>
      %parallel_loop3A_467 = arith.addi %parallel_loop3A_455, %parallel_loop3A_466 : vector<16xi32>
      %parallel_loop3A_468 = tpu.vector_load_idx %arg5[%parallel_loop3A_467] : memref<400xf32, #tpu.memory_space<vmem>>[vector<16xi32>], vector<16xf32>,
      %parallel_loop3A_469 = arith.constant 512 : i32
      %parallel_loop3A_470 = arith.muli %parallel_loop3A_68, %parallel_loop3A_469 : i32
      %parallel_loop3A_471 = arith.constant 128 : i32
      %parallel_loop3A_472 = arith.addi %parallel_loop3A_470, %parallel_loop3A_471 : i32
      %parallel_loop3A_473 = arith.constant 112 : i32
      %parallel_loop3A_474 = arith.addi %parallel_loop3A_472, %parallel_loop3A_473 : i32
      %parallel_loop3A_475 = arith.index_cast %parallel_loop3A_474 : i32 to index
      %parallel_loop3A_476 = tpu.vector_load %arg9[%parallel_loop3A_475] {strides = array<i32>} : memref<32768xf32, #tpu.memory_space<vmem>>, vector<16xf32>,
      tpu.vector_store %arg9[%parallel_loop3A_475], %parallel_loop3A_468 {strides = array<i32>} : memref<32768xf32, #tpu.memory_space<vmem>>, vector<16xf32>,
      %parallel_loop3A_477 = arith.constant 2 : i32
      %parallel_loop3A_478 = vector.broadcast %parallel_loop3A_477 : i32 to vector<16xi32>
      %parallel_loop3A_479 = arith.addi %parallel_loop3A_455, %parallel_loop3A_478 : vector<16xi32>
      %parallel_loop3A_480 = tpu.vector_load_idx %arg5[%parallel_loop3A_479] : memref<400xf32, #tpu.memory_space<vmem>>[vector<16xi32>], vector<16xf32>,
      %parallel_loop3A_481 = arith.constant 512 : i32
      %parallel_loop3A_482 = arith.muli %parallel_loop3A_68, %parallel_loop3A_481 : i32
      %parallel_loop3A_483 = arith.constant 256 : i32
      %parallel_loop3A_484 = arith.addi %parallel_loop3A_482, %parallel_loop3A_483 : i32
      %parallel_loop3A_485 = arith.constant 112 : i32
      %parallel_loop3A_486 = arith.addi %parallel_loop3A_484, %parallel_loop3A_485 : i32
      %parallel_loop3A_487 = arith.index_cast %parallel_loop3A_486 : i32 to index
      %parallel_loop3A_488 = tpu.vector_load %arg9[%parallel_loop3A_487] {strides = array<i32>} : memref<32768xf32, #tpu.memory_space<vmem>>, vector<16xf32>,
      tpu.vector_store %arg9[%parallel_loop3A_487], %parallel_loop3A_480 {strides = array<i32>} : memref<32768xf32, #tpu.memory_space<vmem>>, vector<16xf32>,
      %parallel_loop3A_489 = arith.constant 3 : i32
      %parallel_loop3A_490 = vector.broadcast %parallel_loop3A_489 : i32 to vector<16xi32>
      %parallel_loop3A_491 = arith.addi %parallel_loop3A_455, %parallel_loop3A_490 : vector<16xi32>
      %parallel_loop3A_492 = tpu.vector_load_idx %arg5[%parallel_loop3A_491] : memref<400xf32, #tpu.memory_space<vmem>>[vector<16xi32>], vector<16xf32>,
      %parallel_loop3A_493 = arith.constant 512 : i32
      %parallel_loop3A_494 = arith.muli %parallel_loop3A_68, %parallel_loop3A_493 : i32
      %parallel_loop3A_495 = arith.constant 384 : i32
      %parallel_loop3A_496 = arith.addi %parallel_loop3A_494, %parallel_loop3A_495 : i32
      %parallel_loop3A_497 = arith.constant 112 : i32
      %parallel_loop3A_498 = arith.addi %parallel_loop3A_496, %parallel_loop3A_497 : i32
      %parallel_loop3A_499 = arith.index_cast %parallel_loop3A_498 : i32 to index
      %parallel_loop3A_500 = tpu.vector_load %arg9[%parallel_loop3A_499] {strides = array<i32>} : memref<32768xf32, #tpu.memory_space<vmem>>, vector<16xf32>,
      tpu.vector_store %arg9[%parallel_loop3A_499], %parallel_loop3A_492 {strides = array<i32>} : memref<32768xf32, #tpu.memory_space<vmem>>, vector<16xf32>,
    } {sc.loop_unroll_factor = 2 : i64, sc.parallel_access}
    %mul3A_58 = arith.constant 4 : i32
    %mul3A_59 = arith.muli %mul3A_2, %mul3A_58 : i32
    %add3A_60 = arith.constant 98304 : i32
    %add3A_61 = arith.addi %mul3A_59, %add3A_60 : i32
    %dma_start3A_62 = tpu.memref_slice %arg4[%add3A_61] : memref<4194304xf32, #tpu.memory_space<hbm>> -> memref<32768xf32, #tpu.memory_space<hbm>>
    %dma_start3A_63 = tpu.memref_slice %arg4[%add3A_61] : memref<4194304xf32, #tpu.memory_space<hbm>> -> memref<32768xf32, #tpu.memory_space<hbm>>
    tpu.enqueue_dma source(%arg9 : memref<32768xf32, #tpu.memory_space<vmem>>) target(%dma_start3A_63 : memref<32768xf32, #tpu.memory_space<hbm>>) target_semaphore(%arg13 : memref<!tpu.dma_semaphore, #tpu.memory_space<semaphore_mem>>)
    %dma_wait3A_64 = tpu.memref_slice %arg4[%add3A_48] : memref<4194304xf32, #tpu.memory_space<hbm>> -> memref<32768xf32, #tpu.memory_space<hbm>>
    %dma_wait3A_65 = tpu.memref_slice %arg4[%add3A_48] : memref<4194304xf32, #tpu.memory_space<hbm>> -> memref<32768xf32, #tpu.memory_space<hbm>>
    tpu.wait_dma2 semaphore(%arg12 : memref<!tpu.dma_semaphore, #tpu.memory_space<semaphore_mem>>) src(%arg8 : memref<32768xf32, #tpu.memory_space<vmem>>) dst(%dma_wait3A_65 : memref<32768xf32, #tpu.memory_space<hbm>>)
    %dma_wait3A_66 = tpu.memref_slice %arg4[%add3A_61] : memref<4194304xf32, #tpu.memory_space<hbm>> -> memref<32768xf32, #tpu.memory_space<hbm>>
    %dma_wait3A_67 = tpu.memref_slice %arg4[%add3A_61] : memref<4194304xf32, #tpu.memory_space<hbm>> -> memref<32768xf32, #tpu.memory_space<hbm>>
    tpu.wait_dma2 semaphore(%arg13 : memref<!tpu.dma_semaphore, #tpu.memory_space<semaphore_mem>>) src(%arg9 : memref<32768xf32, #tpu.memory_space<vmem>>) dst(%dma_wait3A_67 : memref<32768xf32, #tpu.memory_space<hbm>>)
    return
  }
}

</mosaic_0001>

<sc_bundles>
// kernel: _lookup.3.cloned.1.call-start
scs
__scs_entry_jumppad:
0x0: {  	(pc) =	sbr.rel $0x88, $3  }
0x1: {  	(tag) =	ssettag $0x0;
	lr =	simm.s32 $0x1  }
0x2: {  	[smem:$0x3F9F] =	sst lr;
	_ =	strace $0xD0000000  }
0x3: {  	_ = 	snop  }
0x4: {  	_ = 	snop  }
0x5: {  	_ = 	snop  }
0x6: {  	_ = 	snop  }
0x7: {  	_ = 	snop  }
__scs_overlays_trampoline_lowered:
0x8: {  	[smem:$0x3FAE] =	sst s0  }
0x9: {  	[smem:$0x3FAF] =	sst s1  }
0xa: {  	[smem:$0x3FB0] =	sst s2  }
0xb: {  	[smem:$0x3FB1] =	sst s3  }
0xc: {  	[smem:$0x3FB2] =	sst s4  }
0xd: {  	[smem:$0x3FB3] =	sst s5  }
0xe: {  	[smem:$0x3FB4] =	sst s6  }
0xf: {  	[smem:$0x3FB5] =	sst s7  }
0x10: {  	[smem:$0x3FB6] =	sst s8  }
0x11: {  	[smem:$0x3FB7] =	sst s9;
	s0 =	simm.s32 @!p0 $0x0  }
0x12: {  	s1 =	sld [smem:$0x3F9D];
	s0 =	simm.s32 @p0 $0x1  }
0x13: {  	[smem:$0x3FB8] =	sst s0;
	s0 =	simm.s32 @!p1 $0x0  }
0x14: {  	s2 =	sld [smem:$0x3F9C];
	s0 =	simm.s32 @p1 $0x1  }
0x15: {  	[smem:$0x3FB9] =	sst s0;
	s0 =	simm.s32 @!p2 $0x0  }
0x16: {  	s3 =	sld [smem:$0x3FDB];
	s0 =	simm.s32 @p2 $0x1  }
0x17: {  	s4 =	simm.s32 $0x1BF5;
	[smem:$0x3FBB] =	sst s0  }
0x18: {  	s0 =	sld [smem:$0x3F9E];
	_ =	swait.ge [sflag:s4], $0x0  }
0x19: {  	s7 =	sld [smem:$0x3F9F]  }
0x1a: {  	s8 =	sadd.s32 $0xFFFFE003, lr  }
0x1b: {  	s9 =	sadd.s32 $0xFFFFFEF7, lr;
	s5 =	simm.s32 $0xFFFFFFFF;
	p2 =	slt.u32 s8, $0xFFFFF086  }
0x1c: {  	p1 =	slt.u32 s9, $0xF7A;
	s5 =	simm.s32 @!p2 $0x0  }
0x1d: {  	s5 =	simm.s32 @p1 $0x1;
	p0 =	seq.s32 s7, s2  }
0x1e: {  	s7 =	smul.u32 @!p0 $0xF7A, s2;
	p2 =	seq.s32 @!p0 s5, $0x0  }
0x1f: {  	s9 =	smul.u32 $0xF7A, s1;
	s8 =	simm.s32 @!p0 $0x1BF5;
	p2 =	por !p2, p0  }
0x20: {  	[sflag:s8] =	ssyncset.s32 @!p0 $0xFFFFF086;
	s6 =	sadd.s32 @!p0 s3, s7;
	s7 =	simm.s32 @!p0 $0x108  }
0x21: {  	s3 =	sadd.s32 s3, s9;
	s6 =	sadd.s32 @!p0 $0x88, s6;
	s7 =	simm.s32 @p2 $0x1082  }
0x22: {  	[simem:s7], [sflag:s8] =	dma.local @!p0 [hbm:s6], $0xF7A  }
0x23: {  	s9 =	sor.u32 $0xD0000000, s2;
	s6 =	simm.s32 $0x108;
	_ =	swait.ge @!p0 [sflag:s8], $0x0  }
0x24: {  	s3 =	sadd.s32 $0x88, s3;
	s6 =	simm.s32 @!p1 $0x1082;
	[sflag:s4] =	ssyncset.s32 $0xFFFFF086  }
0x25: {  	[simem:s6], [sflag:s4] =	dma.local [hbm:s3], $0xF7A  }
0x26: {  	[smem:$0x3F9F] =	sst s1;
	(tag) =	ssettag s2;
	_ =	strace s9  }
0x27: {  	s1 =	sld [smem:$0x3FAF]  }
0x28: {  	s2 =	sld [smem:$0x3FB0]  }
0x29: {  	s4 =	sld [smem:$0x3FB2]  }
0x2a: {  	p0 =	seq.s32 s5, $0x0;
	s5 =	sld [smem:$0x3FB3]  }
0x2b: {  	s6 =	sld [smem:$0x3FB4]  }
0x2c: {  	s7 =	sld [smem:$0x3FB5]  }
0x2d: {  	s3 =	simm.s32 $0x108;
	s8 =	sld [smem:$0x3FB6]  }
0x2e: {  	s3 =	simm.s32 @!p0 $0x1082;
	s9 =	sld [smem:$0x3FB7]  }
0x2f: {  	lr =	sadd.s32 s0, s3;
	s0 =	sld [smem:$0x3FAE]  }
0x30: {  	s3 =	sld [smem:$0x3FB1]  }
0x31: {  	[smem:$0x3FBA] =	sst s10  }
0x32: {  	s10 =	sld [smem:$0x3FB8];
	_ =	sdelay $0x3  }
0x33: {  	p0 =	seq.s32 s10, $0x1;
	s10 =	sld [smem:$0x3FBA];
	_ =	sdelay $0x3  }
0x34: {  	[smem:$0x3FBA] =	sst s10  }
0x35: {  	s10 =	sld [smem:$0x3FB9];
	_ =	sdelay $0x3  }
0x36: {  	p1 =	seq.s32 s10, $0x1;
	s10 =	sld [smem:$0x3FBA];
	_ =	sdelay $0x3  }
0x37: {  	[smem:$0x3FBA] =	sst s10  }
0x38: {  	s10 =	sld [smem:$0x3FBB]  }
0x39: {  	_ = 	snop;
	(pc) =	sbr.ind lr, $3  }
0x3a: {  	_ = 	snop  }
0x3b: {  	_ = 	snop  }
0x3c: {  	p2 =	seq.s32 s10, $0x1;
	s10 =	sld [smem:$0x3FBA]  }
0x3d: {  	_ =	shalt  }
0x3e: {  	_ =	shalt  }
0x3f: {  	_ =	shalt  }
0x40: {  	_ =	shalt  }
0x41: {  	_ =	shalt  }
0x42: {  	_ =	shalt  }
0x43: {  	_ =	shalt  }
0x44: {  	_ =	shalt  }
0x45: {  	_ =	shalt  }
0x46: {  	_ =	shalt  }
0x47: {  	_ =	shalt  }
0x48: {  	_ =	shalt  }
0x49: {  	_ =	shalt  }
0x4a: {  	_ =	shalt  }
0x4b: {  	_ =	shalt  }
0x4c: {  	_ =	shalt  }
0x4d: {  	_ =	shalt  }
0x4e: {  	_ =	shalt  }
0x4f: {  	_ =	shalt  }
0x50: {  	_ =	shalt  }
0x51: {  	_ =	shalt  }
0x52: {  	_ =	shalt  }
0x53: {  	_ =	shalt  }
0x54: {  	_ =	shalt  }
0x55: {  	_ =	shalt  }
0x56: {  	_ =	shalt  }
0x57: {  	_ =	shalt  }
0x58: {  	_ =	shalt  }
0x59: {  	_ =	shalt  }
0x5a: {  	_ =	shalt  }
0x5b: {  	_ =	shalt  }
0x5c: {  	_ =	shalt  }
0x5d: {  	_ =	shalt  }
0x5e: {  	_ =	shalt  }
0x5f: {  	_ =	shalt  }
0x60: {  	_ =	shalt  }
0x61: {  	_ =	shalt  }
0x62: {  	_ =	shalt  }
0x63: {  	_ =	shalt  }
0x64: {  	_ =	shalt  }
0x65: {  	_ =	shalt  }
0x66: {  	_ =	shalt  }
0x67: {  	_ =	shalt  }
0x68: {  	_ =	shalt  }
0x69: {  	_ =	shalt  }
0x6a: {  	_ =	shalt  }
0x6b: {  	_ =	shalt  }
0x6c: {  	_ =	shalt  }
0x6d: {  	_ =	shalt  }
0x6e: {  	_ =	shalt  }
0x6f: {  	_ =	shalt  }
0x70: {  	_ =	shalt  }
0x71: {  	_ =	shalt  }
0x72: {  	_ =	shalt  }
0x73: {  	_ =	shalt  }
0x74: {  	_ =	shalt  }
0x75: {  	_ =	shalt  }
0x76: {  	_ =	shalt  }
0x77: {  	_ =	shalt  }
0x78: {  	_ =	shalt  }
0x79: {  	_ =	shalt  }
0x7a: {  	_ =	shalt  }
0x7b: {  	_ =	shalt  }
0x7c: {  	_ =	shalt  }
0x7d: {  	_ =	shalt  }
0x7e: {  	_ =	shalt  }
0x7f: {  	_ =	shalt  }
0x80: {  	_ =	shalt  }
0x81: {  	_ =	shalt  }
0x82: {  	_ =	shalt  }
0x83: {  	_ =	shalt  }
0x84: {  	_ =	shalt  }
0x85: {  	_ =	shalt  }
0x86: {  	_ =	shalt  }
0x87: {  	_ =	shalt  }
.Lfunc_end0:
.L_simem_size_0:
called_computation_lowered:
.L_overlay_start_0:
0x88: {  	s2 =	sld [smem:$0x3FD9]  }
0x89: {  	s3 =	sld [smem:$0x3FFE];
	_ =	sdelay $0x1  }
0x8a: {  	s1 =	srdreg.scid  }
0x8b: {  	s0 =	sand.u32 $0x1, s1  }
0x8c: {  	s18 =	sshll.u32 s0, $0xA;
	s2 =	sadd.s32 s3, s2  }
0x8d: {  	s2 =	sadd.s32 s2, s18  }
0x8e: {  	[smem:$0x3FC6] =	sst s2  }
0x8f: {  	_ = 	snop  }
0x90: {  	s2 =	sld [smem:$0x3FC9]  }
0x91: {  	s19 =	sld [smem:$0x3FC8]  }
0x92: {  	s4 =	sld [smem:$0x3FD0];
	(tm) =	ssettm $0x1  }
0x93: {  	s5 =	sld [smem:$0x3FFB];
	_ =	sdelay $0x3  }
0x94: {  	_ =	strace s5  }
0x95: {  	s5 =	sld [smem:$0x3FFC];
	_ =	sdelay $0x3  }
0x96: {  	_ =	strace s5  }
0x97: {  	s5 =	sld [smem:$0x3FFD];
	_ =	sdelay $0x3  }
0x98: {  	_ =	strace s5  }
0x99: {  	_ =	strace $0x8FFFFFFF  }
0x9a: {  	s20 =	sld [smem:$0x3FDB];
	_ =	sdelay $0x1  }
0x9b: {  	s6 =	simm.s32 $_scs_section_size  }
0x9c: {  	s7 =	simm.s32 $_size__tile_overlayer_lowered;
	s8 =	simm.s32 $_tile_overlayer_lowered  }
0x9d: {  	s23 =	simm.s32 $0x1BFF;
	s22 =	sshll.u32 s8, $0x1;
	s5 =	sadd.s32 s6, s20  }
0x9e: {  	s9 =	simm.s32 $0x0;
	s21 =	sshll.u32 s7, $0x1;
	s7 =	sadd.s32 s22, s5  }
0x9f: {  	[timem:s9], [sflag:s23] =	dma.local [hbm:s7], s21  }
0xa0: {  	_ =	swait.ge [sflag:s23], s21  }
0xa1: {  	s6 =	ssub.s32 $0x0, s21;
	[sflag:s23] =	ssyncset.done $0x0  }
0xa2: {  	[sflag:s23] =	ssyncadd.s32 s6;
	_ =	sdelay $0x1  }
0xa3: {  	s24 =	simm.s32 $0x1B8B  }
0xa4: {  	_ =	swait.ge [sflag:s24], $0x1  }
0xa5: {  	[sflag:s24] =	ssyncset.done $0x0  }
0xa6: {  	s25 =	simm.s32 $0x1B8E;
	[sflag:s24] =	ssyncadd.s32 $0xFFFFFFFF  }
0xa7: {  	s26 =	simm.s32 $execute0_lowered;
	[smem:$0x3FD2] =	sst s25  }
0xa8: {  	s6 =	sshll.u32 s26, $0x1;
	_ =	strace $0x80000046;
	[dreg:$0x1] =	wrdreg $0xFFFFFFFF  }
0xa9: {  	s28 =	simm.s32 $_size_execute0_lowered;
	s5 =	sadd.s32 s5, s6;
	[dreg:$0x0] =	wrdreg $0x0  }
0xaa: {  	s6 =	sshll.u32 s28, $0x1;
	[dreg:$0x2] =	wrdreg s5  }
0xab: {  	[dreg:$0x3] =	wrdreg s6  }
0xac: {  	[dreg:$0x4] =	wrdreg $0xC0  }
0xad: {  	_ =	task [dreg:s9], $0x5FFFF  }
0xae: {  	[dreg:$0x1] =	wrdreg $0xFFFFFFFF  }
0xaf: {  	[dreg:$0x0] =	wrdreg $0x60  }
0xb0: {  	[dreg:$0x2] =	wrdreg s2  }
0xb1: {  	[dreg:$0x3] =	wrdreg s19  }
0xb2: {  	[dreg:$0x4] =	wrdreg s4  }
0xb3: {  	[dreg:$0x5] =	wrdreg $0x9  }
0xb4: {  	_ =	task.clear_ibuf [dreg:s9], $0x6FFFF;
	_ =	strace $0x90000046  }
0xb5: {  	s29 =	simm.s32 $0x9;
	_ =	strace $0x80000048  }
0xb6: {  	_ =	swait.ge [sflag:s29], $0x1  }
0xb7: {  	[sflag:s29] =	ssyncadd.s32 $0xFFFFFFFF  }
0xb8: {  	_ =	strace $0x90000048  }
0xb9: {  	_ =	sfence  }
0xba: {  	s30 =	sld [smem:$0x0];
	_ =	sdelay $0x2  }
0xbb: {  	s31 =	sshll.u32 s1, $0xD;
	s1 =	sshrl.u32 s1, $0x2  }
0xbc: {  	s3 =	sand.u32 $0x4000, s31;
	s1 =	sadd.s32 s1, s30  }
0xbd: {  	s0 =	sor.u32 s3, s0;
	s1 =	sshll.u32 s1, $0x11  }
0xbe: {  	s0 =	sor.u32 s1, s0  }
0xbf: {  	s0 =	sadd.s32 $0x8F2B, s0  }
0xc0: {  	[sflag:s0] =	ssyncadd.remote.s32 $0x1  }
0xc1: {  	_ =	sfence.sel $0xFFFF  }
0xc2: {  	[dreg:$0x0] =	wrdreg $0xFFFFFFFF;
	(pc) =	sbr.abs _section_cstart, $3  }
0xc3: {  	[dreg:$0x1] =	wrdreg $0xFFFFFFFF  }
0xc4: {  	_ =	task.clear_ibuf [dreg:s9], $0x2FFFF;
	_ =	strace $0x9FFFFFFF  }
0xc5: {  	(tm) =	ssettm $0x7FFFFFFF  }
tec
execute0_lowered:
.L_overlay_start_1:
0x0: {  	(tag) =	ssettag $0x1  }
0x1: {  	s0 =	rddreg [dreg:$0x0]  }
0x2: {  	s1 =	rddreg [dreg:$0x2];
	s2 =	srdreg.scid  }
0x3: {  	s4 =	stileid.u32;
	s3 =	simm.s32 $0x0;
	s13 =	simm.s32 $0x5  }
0x4: {  	s15 =	simm.s32 $0x2200;
	s16 =	simm.s32 $0x1;
	s17 =	simm.s32 $0x4200  }
0x5: {  	s18 =	simm.s32 $0x2;
	s19 =	simm.s32 $0xC200;
	s20 =	simm.s32 $0x3  }
0x6: {  	s21 =	simm.s32 $0x4;
	s2 =	sand.u32 $0x1, s2;
	s4 =	sshll.u32 s4, $0x1  }
0x7: {  	[smem:$0x7FF] =	sst s3;
	s5 =	ssub.s32 $0x2, s2;
	s2 =	sor.u32 s2, s4  }
0x8: {  	s22 =	simm.s32 $0x0;
	_ =	strace $0x80000047;
	s6 =	sshll.u32 s2, $0xC  }
0x9: {  	s30 =	sshrl.u32 s5, $0x1;
	s31 =	sshll.u32 s2, $0xE;
	s4 =	sadd.s32 s0, s6  }
0xa: {  	s12 =	ssub.s32 s5, s30;
	s6 =	sadd.s32 s1, s31;
	s5 =	sadd.s32 $0x400, s4  }
0xb: {  	s7 =	sadd.s32 $0x800, s4;
	s8 =	sadd.s32 $0x1000, s6;
	s9 =	sadd.s32 $0xC00, s4  }
0xc: {  	s10 =	sadd.s32 $0x2000, s6;
	s11 =	sadd.s32 $0x3000, s6;
	s12 =	smax.u32 s12, $0x1  }
.LBB2_1:
0xd: {  	s0 =	rddreg [dreg:$0x1]  }
0xe: {  	[tilespmem:s3], [sflag:$0x5] =	stream.linear.gather [hbm4b:s0+s3], $0x200, $0x38;
	[tilespmem:$0x14200] =	vst v63  }
0xf: {  	_ =	swait.ge [sflag:s13], $0x200  }
0x10: {  	[sflag:s13] =	ssyncset.done $0x0  }
0x11: {  	s2 =	simm.s32 $0x200;
	[sflag:s13] =	ssyncadd.s32 $0xFFFFFE00  }
0x12: {  	[tilespmem:s2], [sflag:$0x1] =	stream.linear.gather [hbm4b:s4+s3], $0x2000, $0x38;
	[tilespmem:$0x14200] =	vst v63  }
0x13: {  	_ = 	snop  }
0x14: {  	[tilespmem:s15], [sflag:$0x2] =	stream.linear.gather [hbm4b:s5+s3], $0x2000, $0x38;
	[tilespmem:$0x14200] =	vst v63  }
0x15: {  	_ =	swait.ge [sflag:s16], $0x2000  }
0x16: {  	[sflag:s16] =	ssyncset.done $0x0  }
0x17: {  	s14 =	simm.s32 $0x280;
	[sflag:s16] =	ssyncadd.s32 $0xFFFFE000  }
0x18: {  	v0 =	vld [tilespmem:s14+$0x0];
	_ =	sdelay $0x4  }
0x19: {  	v0 =	vshll.u32 v0, $0x2;
	_ =	sdelay $0x4  }
0x1a: {  	v1 =	vld.idx.msk [tilespmem:v0+s3+$0x0], $0xffff  }
0x1b: {  	v2 =	vor.u32 $0x1, v0;
	_ =	sdelay $0x1  }
0x1c: {  	v3 =	vld [tilespmem:s14+$0xFFFFFF80]  }
0x1d: {  	s23 =	simm.s32 $0x4400  }
0x1e: {  	[tilespmem:s23+$0x0] =	vst v1  }
0x1f: {  	v1 =	vld.idx.msk [tilespmem:v2+s3+$0x0], $0xffff  }
0x20: {  	v2 =	vor.u32 $0x2, v0  }
0x21: {  	v3 =	vshll.u32 v3, $0x2;
	_ =	sdelay $0x2  }
0x22: {  	[tilespmem:s23+$0x80] =	vst v1  }
0x23: {  	v1 =	vld.idx.msk [tilespmem:v2+s3+$0x0], $0xffff  }
0x24: {  	v0 =	vor.u32 $0x3, v0;
	v2 =	vld.idx.msk [tilespmem:v3+s3+$0x0], $0xffff  }
0x25: {  	v4 =	vor.u32 $0x1, v3;
	_ =	sdelay $0x2  }
0x26: {  	[tilespmem:s23+$0x100] =	vst v1  }
0x27: {  	[tilespmem:s23+$0xFFFFFE00] =	vst v2;
	v0 =	vld.idx.msk [tilespmem:v0+s3+$0x0], $0xffff  }
0x28: {  	v1 =	vld.idx.msk [tilespmem:v4+s3+$0x0], $0xffff  }
0x29: {  	v2 =	vor.u32 $0x2, v3;
	_ =	sdelay $0x2  }
0x2a: {  	[tilespmem:s23+$0x180] =	vst v0  }
0x2b: {  	[tilespmem:s23+$0xFFFFFE80] =	vst v1;
	v0 =	vld [tilespmem:s14+$0x10]  }
0x2c: {  	v1 =	vld.idx.msk [tilespmem:v2+s3+$0x0], $0xffff  }
0x2d: {  	v2 =	vor.u32 $0x3, v3;
	_ =	sdelay $0x2  }
0x2e: {  	v0 =	vshll.u32 v0, $0x2  }
0x2f: {  	[tilespmem:s23+$0xFFFFFF00] =	vst v1  }
0x30: {  	v1 =	vld.idx.msk [tilespmem:v2+s3+$0x0], $0xffff;
	_ =	sdelay $0x2  }
0x31: {  	v2 =	vld.idx.msk [tilespmem:v0+s3+$0x0], $0xffff  }
0x32: {  	v3 =	vor.u32 $0x1, v0  }
0x33: {  	[tilespmem:s23+$0xFFFFFF80] =	vst v1  }
0x34: {  	v1 =	vld [tilespmem:s14+$0xFFFFFF90];
	_ =	sdelay $0x1  }
0x35: {  	[tilespmem:s23+$0x10] =	vst v2  }
0x36: {  	v2 =	vld.idx.msk [tilespmem:v3+s3+$0x0], $0xffff  }
0x37: {  	v3 =	vor.u32 $0x2, v0  }
0x38: {  	v1 =	vshll.u32 v1, $0x2;
	_ =	sdelay $0x2  }
0x39: {  	[tilespmem:s23+$0x90] =	vst v2  }
0x3a: {  	v2 =	vld.idx.msk [tilespmem:v3+s3+$0x0], $0xffff  }
0x3b: {  	v0 =	vor.u32 $0x3, v0;
	v3 =	vld.idx.msk [tilespmem:v1+s3+$0x0], $0xffff  }
0x3c: {  	v4 =	vor.u32 $0x1, v1;
	_ =	sdelay $0x2  }
0x3d: {  	[tilespmem:s23+$0x110] =	vst v2  }
0x3e: {  	[tilespmem:s23+$0xFFFFFE10] =	vst v3;
	v0 =	vld.idx.msk [tilespmem:v0+s3+$0x0], $0xffff  }
0x3f: {  	v2 =	vld.idx.msk [tilespmem:v4+s3+$0x0], $0xffff  }
0x40: {  	v3 =	vor.u32 $0x2, v1;
	_ =	sdelay $0x2  }
0x41: {  	[tilespmem:s23+$0x190] =	vst v0  }
0x42: {  	[tilespmem:s23+$0xFFFFFE90] =	vst v2;
	v0 =	vld [tilespmem:s14+$0x20]  }
0x43: {  	v2 =	vld.idx.msk [tilespmem:v3+s3+$0x0], $0xffff  }
0x44: {  	v1 =	vor.u32 $0x3, v1  }
0x45: {  	s31 =	simm.s32 $0x380  }
0x46: {  	v3 =	vld [tilespmem:s31+$0x0]  }
0x47: {  	v4 =	vld [tilespmem:s31+$0xFFFFFF80];
	v0 =	vshll.u32 v0, $0x2  }
0x48: {  	[tilespmem:s23+$0xFFFFFF10] =	vst v2  }
0x49: {  	v1 =	vld.idx.msk [tilespmem:v1+s3+$0x0], $0xffff;
	_ =	sdelay $0x1  }
0x4a: {  	v2 =	vshll.u32 v3, $0x2  }
0x4b: {  	v3 =	vshll.u32 v4, $0x2;
	v4 =	vld.idx.msk [tilespmem:v0+s3+$0x0], $0xffff  }
0x4c: {  	v5 =	vor.u32 $0x1, v0  }
0x4d: {  	[tilespmem:s23+$0xFFFFFF90] =	vst v1  }
0x4e: {  	v1 =	vld [tilespmem:s14+$0xFFFFFFA0]  }
0x4f: {  	v6 =	vld.idx.msk [tilespmem:v2+s3+$0x0], $0xffff  }
0x50: {  	v8 =	vor.u32 $0x1, v2;
	v7 =	vld.idx.msk [tilespmem:v3+s3+$0x0], $0xffff;
	[tilespmem:s23+$0x20] =	vst v4  }
0x51: {  	v4 =	vor.u32 $0x1, v3;
	v5 =	vld.idx.msk [tilespmem:v5+s3+$0x0], $0xffff  }
0x52: {  	v9 =	vor.u32 $0x2, v0  }
0x53: {  	s24 =	simm.s32 $0x4800;
	v1 =	vshll.u32 v1, $0x2  }
0x54: {  	[tilespmem:s24+$0x0] =	vst v6  }
0x55: {  	[tilespmem:s24+$0xFFFFFE00] =	vst v7;
	v6 =	vld.idx.msk [tilespmem:v8+s3+$0x0], $0xffff  }
0x56: {  	v7 =	vor.u32 $0x2, v2;
	v4 =	vld.idx.msk [tilespmem:v4+s3+$0x0], $0xffff;
	[tilespmem:s23+$0xA0] =	vst v5  }
0x57: {  	v5 =	vor.u32 $0x2, v3;
	v8 =	vld.idx.msk [tilespmem:v9+s3+$0x0], $0xffff  }
0x58: {  	v0 =	vor.u32 $0x3, v0;
	v9 =	vld.idx.msk [tilespmem:v1+s3+$0x0], $0xffff  }
0x59: {  	v10 =	vor.u32 $0x1, v1  }
0x5a: {  	[tilespmem:s24+$0x80] =	vst v6  }
0x5b: {  	[tilespmem:s24+$0xFFFFFE80] =	vst v4;
	v4 =	vld.idx.msk [tilespmem:v7+s3+$0x0], $0xffff  }
0x5c: {  	v2 =	vor.u32 $0x3, v2;
	v5 =	vld.idx.msk [tilespmem:v5+s3+$0x0], $0xffff;
	[tilespmem:s23+$0x120] =	vst v8  }
0x5d: {  	v3 =	vor.u32 $0x3, v3;
	[tilespmem:s23+$0xFFFFFE20] =	vst v9;
	v0 =	vld.idx.msk [tilespmem:v0+s3+$0x0], $0xffff  }
0x5e: {  	v6 =	vld.idx.msk [tilespmem:v10+s3+$0x0], $0xffff  }
0x5f: {  	v7 =	vor.u32 $0x2, v1  }
0x60: {  	[tilespmem:s24+$0x100] =	vst v4  }
0x61: {  	[tilespmem:s24+$0xFFFFFF00] =	vst v5;
	v2 =	vld.idx.msk [tilespmem:v2+s3+$0x0], $0xffff  }
0x62: {  	v3 =	vld.idx.msk [tilespmem:v3+s3+$0x0], $0xffff;
	[tilespmem:s23+$0x1A0] =	vst v0  }
0x63: {  	[tilespmem:s23+$0xFFFFFEA0] =	vst v6;
	v0 =	vld [tilespmem:s14+$0x30]  }
0x64: {  	v4 =	vld.idx.msk [tilespmem:v7+s3+$0x0], $0xffff  }
0x65: {  	v1 =	vor.u32 $0x3, v1  }
0x66: {  	[tilespmem:s24+$0x180] =	vst v2  }
0x67: {  	[tilespmem:s24+$0xFFFFFF80] =	vst v3;
	v2 =	vld [tilespmem:s31+$0x10]  }
0x68: {  	v3 =	vld [tilespmem:s31+$0xFFFFFF90];
	v0 =	vshll.u32 v0, $0x2  }
0x69: {  	[tilespmem:s23+$0xFFFFFF20] =	vst v4  }
0x6a: {  	v1 =	vld.idx.msk [tilespmem:v1+s3+$0x0], $0xffff;
	_ =	sdelay $0x1  }
0x6b: {  	v2 =	vshll.u32 v2, $0x2  }
0x6c: {  	v3 =	vshll.u32 v3, $0x2;
	v4 =	vld.idx.msk [tilespmem:v0+s3+$0x0], $0xffff  }
0x6d: {  	v5 =	vor.u32 $0x1, v0  }
0x6e: {  	[tilespmem:s23+$0xFFFFFFA0] =	vst v1  }
0x6f: {  	v1 =	vld [tilespmem:s14+$0xFFFFFFB0]  }
0x70: {  	v6 =	vld.idx.msk [tilespmem:v2+s3+$0x0], $0xffff  }
0x71: {  	v8 =	vor.u32 $0x1, v2;
	v7 =	vld.idx.msk [tilespmem:v3+s3+$0x0], $0xffff;
	[tilespmem:s23+$0x30] =	vst v4  }
0x72: {  	v4 =	vor.u32 $0x1, v3;
	v5 =	vld.idx.msk [tilespmem:v5+s3+$0x0], $0xffff  }
0x73: {  	v9 =	vor.u32 $0x2, v0  }
0x74: {  	v1 =	vshll.u32 v1, $0x2  }
0x75: {  	[tilespmem:s24+$0x10] =	vst v6  }
0x76: {  	[tilespmem:s24+$0xFFFFFE10] =	vst v7;
	v6 =	vld.idx.msk [tilespmem:v8+s3+$0x0], $0xffff  }
0x77: {  	v7 =	vor.u32 $0x2, v2;
	v4 =	vld.idx.msk [tilespmem:v4+s3+$0x0], $0xffff;
	[tilespmem:s23+$0xB0] =	vst v5  }
0x78: {  	v5 =	vor.u32 $0x2, v3;
	v8 =	vld.idx.msk [tilespmem:v9+s3+$0x0], $0xffff  }
0x79: {  	v0 =	vor.u32 $0x3, v0;
	v9 =	vld.idx.msk [tilespmem:v1+s3+$0x0], $0xffff  }
0x7a: {  	v10 =	vor.u32 $0x1, v1  }
0x7b: {  	[tilespmem:s24+$0x90] =	vst v6  }
0x7c: {  	[tilespmem:s24+$0xFFFFFE90] =	vst v4;
	v4 =	vld.idx.msk [tilespmem:v7+s3+$0x0], $0xffff  }
0x7d: {  	v2 =	vor.u32 $0x3, v2;
	v5 =	vld.idx.msk [tilespmem:v5+s3+$0x0], $0xffff;
	[tilespmem:s23+$0x130] =	vst v8  }
0x7e: {  	v3 =	vor.u32 $0x3, v3;
	[tilespmem:s23+$0xFFFFFE30] =	vst v9;
	v0 =	vld.idx.msk [tilespmem:v0+s3+$0x0], $0xffff  }
0x7f: {  	v6 =	vld.idx.msk [tilespmem:v10+s3+$0x0], $0xffff  }
0x80: {  	v7 =	vor.u32 $0x2, v1  }
0x81: {  	[tilespmem:s24+$0x110] =	vst v4  }
0x82: {  	[tilespmem:s24+$0xFFFFFF10] =	vst v5;
	v2 =	vld.idx.msk [tilespmem:v2+s3+$0x0], $0xffff  }
0x83: {  	v3 =	vld.idx.msk [tilespmem:v3+s3+$0x0], $0xffff;
	[tilespmem:s23+$0x1B0] =	vst v0  }
0x84: {  	[tilespmem:s23+$0xFFFFFEB0] =	vst v6;
	v0 =	vld [tilespmem:s14+$0x40]  }
0x85: {  	v4 =	vld.idx.msk [tilespmem:v7+s3+$0x0], $0xffff  }
0x86: {  	v1 =	vor.u32 $0x3, v1  }
0x87: {  	[tilespmem:s24+$0x190] =	vst v2  }
0x88: {  	[tilespmem:s24+$0xFFFFFF90] =	vst v3;
	v2 =	vld [tilespmem:s31+$0x20]  }
0x89: {  	v3 =	vld [tilespmem:s31+$0xFFFFFFA0];
	v0 =	vshll.u32 v0, $0x2  }
0x8a: {  	[tilespmem:s23+$0xFFFFFF30] =	vst v4  }
0x8b: {  	s26 =	simm.s32 $0x480;
	v1 =	vld.idx.msk [tilespmem:v1+s3+$0x0], $0xffff  }
0x8c: {  	v4 =	vld [tilespmem:s26+$0x0]  }
0x8d: {  	v5 =	vld [tilespmem:s26+$0xFFFFFF80];
	v2 =	vshll.u32 v2, $0x2  }
0x8e: {  	v3 =	vshll.u32 v3, $0x2;
	v6 =	vld.idx.msk [tilespmem:v0+s3+$0x0], $0xffff  }
0x8f: {  	v7 =	vor.u32 $0x1, v0  }
0x90: {  	[tilespmem:s23+$0xFFFFFFB0] =	vst v1  }
0x91: {  	v4 =	vshll.u32 v4, $0x2;
	v1 =	vld [tilespmem:s14+$0xFFFFFFC0]  }
0x92: {  	v5 =	vshll.u32 v5, $0x2;
	v8 =	vld.idx.msk [tilespmem:v2+s3+$0x0], $0xffff  }
0x93: {  	v10 =	vor.u32 $0x1, v2;
	v9 =	vld.idx.msk [tilespmem:v3+s3+$0x0], $0xffff;
	[tilespmem:s23+$0x40] =	vst v6  }
0x94: {  	v6 =	vor.u32 $0x1, v3;
	v7 =	vld.idx.msk [tilespmem:v7+s3+$0x0], $0xffff  }
0x95: {  	v11 =	vor.u32 $0x2, v0  }
0x96: {  	v12 =	vld.idx.msk [tilespmem:v4+s3+$0x0], $0xffff;
	v1 =	vshll.u32 v1, $0x2  }
0x97: {  	v13 =	vld.idx.msk [tilespmem:v5+s3+$0x0], $0xffff;
	v14 =	vor.u32 $0x1, v4;
	[tilespmem:s24+$0x20] =	vst v8  }
0x98: {  	v8 =	vor.u32 $0x1, v5;
	[tilespmem:s24+$0xFFFFFE20] =	vst v9;
	v9 =	vld.idx.msk [tilespmem:v10+s3+$0x0], $0xffff  }
0x99: {  	v10 =	vor.u32 $0x2, v2;
	v6 =	vld.idx.msk [tilespmem:v6+s3+$0x0], $0xffff;
	[tilespmem:s23+$0xC0] =	vst v7  }
0x9a: {  	s25 =	simm.s32 $0x4C00;
	v7 =	vor.u32 $0x2, v3;
	v11 =	vld.idx.msk [tilespmem:v11+s3+$0x0], $0xffff  }
0x9b: {  	v0 =	vor.u32 $0x3, v0;
	[tilespmem:s25+$0x0] =	vst v12;
	v15 =	vld.idx.msk [tilespmem:v1+s3+$0x0], $0xffff  }
0x9c: {  	[tilespmem:s25+$0xFFFFFE00] =	vst v13;
	v12 =	vor.u32 $0x1, v1;
	v13 =	vld.idx.msk [tilespmem:v14+s3+$0x0], $0xffff  }
0x9d: {  	v14 =	vor.u32 $0x2, v4;
	v8 =	vld.idx.msk [tilespmem:v8+s3+$0x0], $0xffff;
	[tilespmem:s24+$0xA0] =	vst v9  }
0x9e: {  	v9 =	vor.u32 $0x2, v5;
	[tilespmem:s24+$0xFFFFFEA0] =	vst v6;
	v6 =	vld.idx.msk [tilespmem:v10+s3+$0x0], $0xffff  }
0x9f: {  	v2 =	vor.u32 $0x3, v2;
	v7 =	vld.idx.msk [tilespmem:v7+s3+$0x0], $0xffff;
	[tilespmem:s23+$0x140] =	vst v11  }
0xa0: {  	v3 =	vor.u32 $0x3, v3;
	[tilespmem:s23+$0xFFFFFE40] =	vst v15;
	v0 =	vld.idx.msk [tilespmem:v0+s3+$0x0], $0xffff  }
0xa1: {  	[tilespmem:s25+$0x80] =	vst v13;
	v10 =	vld.idx.msk [tilespmem:v12+s3+$0x0], $0xffff  }
0xa2: {  	v11 =	vor.u32 $0x2, v1;
	[tilespmem:s25+$0xFFFFFE80] =	vst v8;
	v8 =	vld.idx.msk [tilespmem:v14+s3+$0x0], $0xffff  }
0xa3: {  	v4 =	vor.u32 $0x3, v4;
	v9 =	vld.idx.msk [tilespmem:v9+s3+$0x0], $0xffff;
	[tilespmem:s24+$0x120] =	vst v6  }
0xa4: {  	v5 =	vor.u32 $0x3, v5;
	[tilespmem:s24+$0xFFFFFF20] =	vst v7;
	v2 =	vld.idx.msk [tilespmem:v2+s3+$0x0], $0xffff  }
0xa5: {  	v3 =	vld.idx.msk [tilespmem:v3+s3+$0x0], $0xffff;
	[tilespmem:s23+$0x1C0] =	vst v0  }
0xa6: {  	[tilespmem:s23+$0xFFFFFEC0] =	vst v10;
	v0 =	vld [tilespmem:s14+$0x50]  }
0xa7: {  	[tilespmem:s25+$0x100] =	vst v8;
	v6 =	vld.idx.msk [tilespmem:v11+s3+$0x0], $0xffff  }
0xa8: {  	v1 =	vor.u32 $0x3, v1;
	[tilespmem:s25+$0xFFFFFF00] =	vst v9;
	v4 =	vld.idx.msk [tilespmem:v4+s3+$0x0], $0xffff  }
0xa9: {  	v5 =	vld.idx.msk [tilespmem:v5+s3+$0x0], $0xffff;
	[tilespmem:s24+$0x1A0] =	vst v2  }
0xaa: {  	[tilespmem:s24+$0xFFFFFFA0] =	vst v3;
	v2 =	vld [tilespmem:s31+$0x30]  }
0xab: {  	v3 =	vld [tilespmem:s31+$0xFFFFFFB0];
	v0 =	vshll.u32 v0, $0x2  }
0xac: {  	[tilespmem:s23+$0xFFFFFF40] =	vst v6  }
0xad: {  	[tilespmem:s25+$0x180] =	vst v4;
	v1 =	vld.idx.msk [tilespmem:v1+s3+$0x0], $0xffff  }
0xae: {  	[tilespmem:s25+$0xFFFFFF80] =	vst v5;
	v4 =	vld [tilespmem:s26+$0x10]  }
0xaf: {  	v5 =	vld [tilespmem:s26+$0xFFFFFF90];
	v2 =	vshll.u32 v2, $0x2  }
0xb0: {  	v3 =	vshll.u32 v3, $0x2;
	v6 =	vld.idx.msk [tilespmem:v0+s3+$0x0], $0xffff  }
0xb1: {  	v7 =	vor.u32 $0x1, v0  }
0xb2: {  	[tilespmem:s23+$0xFFFFFFC0] =	vst v1  }
0xb3: {  	v4 =	vshll.u32 v4, $0x2;
	v1 =	vld [tilespmem:s14+$0xFFFFFFD0]  }
0xb4: {  	v5 =	vshll.u32 v5, $0x2;
	v8 =	vld.idx.msk [tilespmem:v2+s3+$0x0], $0xffff  }
0xb5: {  	v10 =	vor.u32 $0x1, v2;
	v9 =	vld.idx.msk [tilespmem:v3+s3+$0x0], $0xffff;
	[tilespmem:s23+$0x50] =	vst v6  }
0xb6: {  	v6 =	vor.u32 $0x1, v3;
	v7 =	vld.idx.msk [tilespmem:v7+s3+$0x0], $0xffff  }
0xb7: {  	v11 =	vor.u32 $0x2, v0  }
0xb8: {  	v12 =	vld.idx.msk [tilespmem:v4+s3+$0x0], $0xffff;
	v1 =	vshll.u32 v1, $0x2  }
0xb9: {  	v14 =	vor.u32 $0x1, v4;
	v13 =	vld.idx.msk [tilespmem:v5+s3+$0x0], $0xffff;
	[tilespmem:s24+$0x30] =	vst v8  }
0xba: {  	v8 =	vor.u32 $0x1, v5;
	[tilespmem:s24+$0xFFFFFE30] =	vst v9;
	v9 =	vld.idx.msk [tilespmem:v10+s3+$0x0], $0xffff  }
0xbb: {  	v10 =	vor.u32 $0x2, v2;
	v6 =	vld.idx.msk [tilespmem:v6+s3+$0x0], $0xffff;
	[tilespmem:s23+$0xD0] =	vst v7  }
0xbc: {  	v7 =	vor.u32 $0x2, v3;
	v11 =	vld.idx.msk [tilespmem:v11+s3+$0x0], $0xffff  }
0xbd: {  	v0 =	vor.u32 $0x3, v0;
	[tilespmem:s25+$0x10] =	vst v12;
	v15 =	vld.idx.msk [tilespmem:v1+s3+$0x0], $0xffff  }
0xbe: {  	v12 =	vor.u32 $0x1, v1;
	[tilespmem:s25+$0xFFFFFE10] =	vst v13;
	v13 =	vld.idx.msk [tilespmem:v14+s3+$0x0], $0xffff  }
0xbf: {  	v14 =	vor.u32 $0x2, v4;
	v8 =	vld.idx.msk [tilespmem:v8+s3+$0x0], $0xffff;
	[tilespmem:s24+$0xB0] =	vst v9  }
0xc0: {  	v9 =	vor.u32 $0x2, v5;
	[tilespmem:s24+$0xFFFFFEB0] =	vst v6;
	v6 =	vld.idx.msk [tilespmem:v10+s3+$0x0], $0xffff  }
0xc1: {  	v2 =	vor.u32 $0x3, v2;
	v7 =	vld.idx.msk [tilespmem:v7+s3+$0x0], $0xffff;
	[tilespmem:s23+$0x150] =	vst v11  }
0xc2: {  	v3 =	vor.u32 $0x3, v3;
	[tilespmem:s23+$0xFFFFFE50] =	vst v15;
	v0 =	vld.idx.msk [tilespmem:v0+s3+$0x0], $0xffff  }
0xc3: {  	[tilespmem:s25+$0x90] =	vst v13;
	v10 =	vld.idx.msk [tilespmem:v12+s3+$0x0], $0xffff  }
0xc4: {  	v11 =	vor.u32 $0x2, v1;
	[tilespmem:s25+$0xFFFFFE90] =	vst v8;
	v8 =	vld.idx.msk [tilespmem:v14+s3+$0x0], $0xffff  }
0xc5: {  	v4 =	vor.u32 $0x3, v4;
	v9 =	vld.idx.msk [tilespmem:v9+s3+$0x0], $0xffff;
	[tilespmem:s24+$0x130] =	vst v6  }
0xc6: {  	v5 =	vor.u32 $0x3, v5;
	[tilespmem:s24+$0xFFFFFF30] =	vst v7;
	v2 =	vld.idx.msk [tilespmem:v2+s3+$0x0], $0xffff  }
0xc7: {  	v3 =	vld.idx.msk [tilespmem:v3+s3+$0x0], $0xffff;
	[tilespmem:s23+$0x1D0] =	vst v0  }
0xc8: {  	[tilespmem:s23+$0xFFFFFED0] =	vst v10;
	v0 =	vld [tilespmem:s14+$0x60]  }
0xc9: {  	[tilespmem:s25+$0x110] =	vst v8;
	v6 =	vld.idx.msk [tilespmem:v11+s3+$0x0], $0xffff  }
0xca: {  	v1 =	vor.u32 $0x3, v1;
	[tilespmem:s25+$0xFFFFFF10] =	vst v9;
	v4 =	vld.idx.msk [tilespmem:v4+s3+$0x0], $0xffff  }
0xcb: {  	v5 =	vld.idx.msk [tilespmem:v5+s3+$0x0], $0xffff;
	[tilespmem:s24+$0x1B0] =	vst v2  }
0xcc: {  	v2 =	vld [tilespmem:s31+$0x40]  }
0xcd: {  	[tilespmem:s24+$0xFFFFFFB0] =	vst v3  }
0xce: {  	v3 =	vld [tilespmem:s31+$0xFFFFFFC0];
	v0 =	vshll.u32 v0, $0x2;
	[tilespmem:s23+$0xFFFFFF50] =	vst v6  }
0xcf: {  	[tilespmem:s25+$0x190] =	vst v4;
	v1 =	vld.idx.msk [tilespmem:v1+s3+$0x0], $0xffff  }
0xd0: {  	[tilespmem:s25+$0xFFFFFF90] =	vst v5;
	v4 =	vld [tilespmem:s26+$0x20]  }
0xd1: {  	s29 =	simm.s32 $0x580;
	v5 =	vld [tilespmem:s26+$0xFFFFFFA0];
	v2 =	vshll.u32 v2, $0x2  }
0xd2: {  	v7 =	vld [tilespmem:s29+$0x0]  }
0xd3: {  	v3 =	vshll.u32 v3, $0x2;
	v6 =	vld.idx.msk [tilespmem:v0+s3+$0x0], $0xffff  }
0xd4: {  	v9 =	vld [tilespmem:s29+$0xFFFFFF80];
	v8 =	vor.u32 $0x1, v0  }
0xd5: {  	v4 =	vshll.u32 v4, $0x2  }
0xd6: {  	[tilespmem:s23+$0xFFFFFFD0] =	vst v1;
	v5 =	vshll.u32 v5, $0x2;
	v10 =	vld.idx.msk [tilespmem:v2+s3+$0x0], $0xffff  }
0xd7: {  	v11 =	vor.u32 $0x1, v2;
	v12 =	vld [tilespmem:s14+$0xFFFFFFE0]  }
0xd8: {  	v1 =	vld.idx.msk [tilespmem:v3+s3+$0x0], $0xffff;
	[tilespmem:s23+$0x60] =	vst v6;
	v6 =	vshll.u32 v7, $0x2  }
0xd9: {  	v7 =	vld.idx.msk [tilespmem:v8+s3+$0x0], $0xffff;
	v8 =	vshll.u32 v9, $0x2  }
0xda: {  	v13 =	vor.u32 $0x2, v0;
	v9 =	vld.idx.msk [tilespmem:v4+s3+$0x0], $0xffff  }
0xdb: {  	v15 =	vor.u32 $0x1, v4;
	v14 =	vld.idx.msk [tilespmem:v5+s3+$0x0], $0xffff;
	[tilespmem:s24+$0x40] =	vst v10  }
0xdc: {  	v16 =	vor.u32 $0x1, v3;
	v11 =	vld.idx.msk [tilespmem:v11+s3+$0x0], $0xffff  }
0xdd: {  	v10 =	vor.u32 $0x1, v5;
	[tilespmem:s24+$0xFFFFFE40] =	vst v1;
	v17 =	vld.idx.msk [tilespmem:v6+s3+$0x0], $0xffff  }
0xde: {  	v19 =	vor.u32 $0x2, v2;
	v18 =	vld.idx.msk [tilespmem:v8+s3+$0x0], $0xffff;
	[tilespmem:s23+$0xE0] =	vst v7  }
0xdf: {  	v7 =	vor.u32 $0x1, v6;
	[tilespmem:s25+$0x20] =	vst v9;
	v9 =	vld.idx.msk [tilespmem:v13+s3+$0x0], $0xffff  }
0xe0: {  	v13 =	vor.u32 $0x1, v8;
	[tilespmem:s25+$0xFFFFFE20] =	vst v14;
	v14 =	vld.idx.msk [tilespmem:v15+s3+$0x0], $0xffff  }
0xe1: {  	v0 =	vor.u32 $0x3, v0;
	v15 =	vld.idx.msk [tilespmem:v16+s3+$0x0], $0xffff  }
0xe2: {  	s28 =	simm.s32 $0x5000;
	v1 =	vld.idx.msk [tilespmem:v10+s3+$0x0], $0xffff;
	v10 =	vor.u32 $0x2, v4;
	[tilespmem:s24+$0xC0] =	vst v11  }
0xe3: {  	v11 =	vor.u32 $0x2, v5;
	[tilespmem:s28+$0x0] =	vst v17;
	v33 =	vld.idx.msk [tilespmem:v19+s3+$0x0], $0xffff  }
0xe4: {  	v34 =	vor.u32 $0x2, v3;
	[tilespmem:s28+$0xFFFFFE00] =	vst v18;
	v7 =	vld.idx.msk [tilespmem:v7+s3+$0x0], $0xffff  }
0xe5: {  	v2 =	vor.u32 $0x3, v2;
	v13 =	vld.idx.msk [tilespmem:v13+s3+$0x0], $0xffff;
	[tilespmem:s23+$0x160] =	vst v9  }
0xe6: {  	v9 =	vor.u32 $0x2, v6;
	[tilespmem:s25+$0xA0] =	vst v14;
	v0 =	vld.idx.msk [tilespmem:v0+s3+$0x0], $0xffff  }
0xe7: {  	v14 =	vor.u32 $0x2, v8;
	[tilespmem:s25+$0xFFFFFEA0] =	vst v1;
	v1 =	vld.idx.msk [tilespmem:v10+s3+$0x0], $0xffff  }
0xe8: {  	[tilespmem:s24+$0xFFFFFEC0] =	vst v15;
	v10 =	vld.idx.msk [tilespmem:v11+s3+$0x0], $0xffff  }
0xe9: {  	v4 =	vor.u32 $0x3, v4;
	v11 =	vld.idx.msk [tilespmem:v34+s3+$0x0], $0xffff;
	[tilespmem:s24+$0x140] =	vst v33  }
0xea: {  	v5 =	vor.u32 $0x3, v5;
	[tilespmem:s28+$0x80] =	vst v7;
	v2 =	vld.idx.msk [tilespmem:v2+s3+$0x0], $0xffff  }
0xeb: {  	v3 =	vor.u32 $0x3, v3;
	[tilespmem:s28+$0xFFFFFE80] =	vst v13;
	v7 =	vld.idx.msk [tilespmem:v9+s3+$0x0], $0xffff  }
0xec: {  	v9 =	vld.idx.msk [tilespmem:v14+s3+$0x0], $0xffff;
	[tilespmem:s23+$0x1E0] =	vst v0  }
0xed: {  	v0 =	vor.u32 $0x3, v6;
	[tilespmem:s25+$0x120] =	vst v1;
	v1 =	vld [tilespmem:s14+$0x70]  }
0xee: {  	v6 =	vor.u32 $0x3, v8;
	[tilespmem:s25+$0xFFFFFF20] =	vst v10;
	v4 =	vld.idx.msk [tilespmem:v4+s3+$0x0], $0xffff  }
0xef: {  	v8 =	vshll.u32 v12, $0x2;
	[tilespmem:s24+$0xFFFFFF40] =	vst v11;
	v5 =	vld.idx.msk [tilespmem:v5+s3+$0x0], $0xffff  }
0xf0: {  	v3 =	vld.idx.msk [tilespmem:v3+s3+$0x0], $0xffff;
	[tilespmem:s24+$0x1C0] =	vst v2  }
0xf1: {  	[tilespmem:s28+$0x100] =	vst v7;
	v2 =	vld [tilespmem:s31+$0x50]  }
0xf2: {  	[tilespmem:s28+$0xFFFFFF00] =	vst v9;
	v0 =	vld.idx.msk [tilespmem:v0+s3+$0x0], $0xffff  }
0xf3: {  	v1 =	vshll.u32 v1, $0x2;
	v6 =	vld.idx.msk [tilespmem:v6+s3+$0x0], $0xffff  }
0xf4: {  	[tilespmem:s25+$0x1A0] =	vst v4;
	v4 =	vld.idx.msk [tilespmem:v8+s3+$0x0], $0xffff  }
0xf5: {  	[tilespmem:s25+$0xFFFFFFA0] =	vst v5;
	v5 =	vld [tilespmem:s26+$0x30]  }
0xf6: {  	[tilespmem:s24+$0xFFFFFFC0] =	vst v3;
	v7 =	vld [tilespmem:s26+$0xFFFFFFB0]  }
0xf7: {  	v12 =	vld [tilespmem:s31+$0xFFFFFFD0];
	v2 =	vshll.u32 v2, $0x2  }
0xf8: {  	[tilespmem:s28+$0x180] =	vst v0;
	v0 =	vor.u32 $0x1, v8;
	v9 =	vld.idx.msk [tilespmem:v1+s3+$0x0], $0xffff  }
0xf9: {  	v10 =	vor.u32 $0x1, v1;
	[tilespmem:s28+$0xFFFFFF80] =	vst v6;
	v6 =	vld [tilespmem:s29+$0x10]  }
0xfa: {  	v11 =	vld [tilespmem:s29+$0xFFFFFF90];
	v5 =	vshll.u32 v5, $0x2  }
0xfb: {  	v3 =	vshll.u32 v7, $0x2  }
0xfc: {  	[tilespmem:s23+$0xFFFFFE60] =	vst v4;
	v12 =	vshll.u32 v12, $0x2;
	v7 =	vld.idx.msk [tilespmem:v2+s3+$0x0], $0xffff  }
0xfd: {  	v4 =	vor.u32 $0x1, v2;
	v13 =	vld.idx.msk [tilespmem:v0+s3+$0x0], $0xffff;
	[tilespmem:s23+$0x70] =	vst v9  }
0xfe: {  	v6 =	vshll.u32 v6, $0x2;
	v0 =	vld.idx.msk [tilespmem:v10+s3+$0x0], $0xffff  }
0xff: {  	v9 =	vshll.u32 v11, $0x2;
	v10 =	vld.idx.msk [tilespmem:v5+s3+$0x0], $0xffff  }
0x100: {  	v11 =	vor.u32 $0x2, v1;
	v14 =	vld.idx.msk [tilespmem:v3+s3+$0x0], $0xffff  }
0x101: {  	v15 =	vor.u32 $0x1, v5;
	v38 =	vld.idx.msk [tilespmem:v12+s3+$0x0], $0xffff;
	[tilespmem:s24+$0x50] =	vst v7  }
0x102: {  	v7 =	vor.u32 $0x1, v3;
	v4 =	vld.idx.msk [tilespmem:v4+s3+$0x0], $0xffff  }
0x103: {  	v37 =	vor.u32 $0x2, v2;
	v35 =	vld.idx.msk [tilespmem:v6+s3+$0x0], $0xffff;
	[tilespmem:s23+$0xF0] =	vst v0  }
0x104: {  	v36 =	vld.idx.msk [tilespmem:v9+s3+$0x0], $0xffff;
	v0 =	vor.u32 $0x1, v6;
	[tilespmem:s25+$0x30] =	vst v10  }
0x105: {  	v10 =	vld.idx.msk [tilespmem:v11+s3+$0x0], $0xffff;
	v11 =	vor.u32 $0x1, v9;
	[tilespmem:s25+$0xFFFFFE30] =	vst v14  }
0x106: {  	v1 =	vor.u32 $0x3, v1;
	v14 =	vld.idx.msk [tilespmem:v15+s3+$0x0], $0xffff;
	[tilespmem:s24+$0xFFFFFE50] =	vst v38  }
0x107: {  	v15 =	vor.u32 $0x2, v5;
	v7 =	vld.idx.msk [tilespmem:v7+s3+$0x0], $0xffff;
	[tilespmem:s24+$0xD0] =	vst v4  }
0x108: {  	v40 =	vor.u32 $0x1, v12;
	[tilespmem:s28+$0x10] =	vst v35;
	v39 =	vld.idx.msk [tilespmem:v37+s3+$0x0], $0xffff  }
0x109: {  	v4 =	vor.u32 $0x2, v3;
	[tilespmem:s28+$0xFFFFFE10] =	vst v36;
	v41 =	vld.idx.msk [tilespmem:v0+s3+$0x0], $0xffff  }
0x10a: {  	v2 =	vor.u32 $0x3, v2;
	v11 =	vld.idx.msk [tilespmem:v11+s3+$0x0], $0xffff;
	[tilespmem:s23+$0x170] =	vst v10  }
0x10b: {  	v10 =	vor.u32 $0x2, v6;
	[tilespmem:s25+$0xB0] =	vst v14;
	v0 =	vld.idx.msk [tilespmem:v1+s3+$0x0], $0xffff  }
0x10c: {  	v1 =	vor.u32 $0x2, v9;
	[tilespmem:s25+$0xFFFFFEB0] =	vst v7;
	v7 =	vld.idx.msk [tilespmem:v15+s3+$0x0], $0xffff  }
0x10d: {  	[tilespmem:s23+$0xFFFFFEE0] =	vst v13;
	v14 =	vor.u32 $0x2, v8;
	v15 =	vld.idx.msk [tilespmem:v40+s3+$0x0], $0xffff  }
0x10e: {  	v5 =	vor.u32 $0x3, v5;
	v4 =	vld.idx.msk [tilespmem:v4+s3+$0x0], $0xffff;
	[tilespmem:s24+$0x150] =	vst v39  }
0x10f: {  	v3 =	vor.u32 $0x3, v3;
	[tilespmem:s28+$0x90] =	vst v41;
	v2 =	vld.idx.msk [tilespmem:v2+s3+$0x0], $0xffff  }
0x110: {  	[tilespmem:s28+$0xFFFFFE90] =	vst v11;
	v10 =	vld.idx.msk [tilespmem:v10+s3+$0x0], $0xffff  }
0x111: {  	v11 =	vor.u32 $0x2, v12;
	v1 =	vld.idx.msk [tilespmem:v1+s3+$0x0], $0xffff;
	[tilespmem:s25+$0x130] =	vst v7  }
0x112: {  	v6 =	vor.u32 $0x3, v6;
	v7 =	vld.idx.msk [tilespmem:v14+s3+$0x0], $0xffff;
	[tilespmem:s24+$0xFFFFFED0] =	vst v15  }
0x113: {  	v9 =	vor.u32 $0x3, v9;
	[tilespmem:s25+$0xFFFFFF30] =	vst v4;
	v4 =	vld.idx.msk [tilespmem:v5+s3+$0x0], $0xffff  }
0x114: {  	v3 =	vld.idx.msk [tilespmem:v3+s3+$0x0], $0xffff;
	[tilespmem:s24+$0x1D0] =	vst v2  }
0x115: {  	v5 =	vor.u32 $0x3, v8;
	v2 =	vld [tilespmem:s31+$0x60];
	[tilespmem:s28+$0x110] =	vst v10  }
0x116: {  	v8 =	vld.idx.msk [tilespmem:v11+s3+$0x0], $0xffff;
	[tilespmem:s28+$0xFFFFFF10] =	vst v1  }
0x117: {  	v10 =	vor.u32 $0x3, v12;
	v1 =	vld.idx.msk [tilespmem:v6+s3+$0x0], $0xffff;
	[tilespmem:s23+$0xFFFFFF60] =	vst v7  }
0x118: {  	v6 =	vld.idx.msk [tilespmem:v9+s3+$0x0], $0xffff;
	[tilespmem:s25+$0x1B0] =	vst v4  }
0x119: {  	[tilespmem:s25+$0xFFFFFFB0] =	vst v3;
	v3 =	vld [tilespmem:s26+$0x40]  }
0x11a: {  	v5 =	vld.idx.msk [tilespmem:v5+s3+$0x0], $0xffff  }
0x11b: {  	v4 =	vld [tilespmem:s26+$0xFFFFFFC0];
	v2 =	vshll.u32 v2, $0x2;
	[tilespmem:s24+$0xFFFFFF50] =	vst v8  }
0x11c: {  	v7 =	vld.idx.msk [tilespmem:v10+s3+$0x0], $0xffff;
	[tilespmem:s28+$0x190] =	vst v1  }
0x11d: {  	[tilespmem:s28+$0xFFFFFF90] =	vst v6;
	v1 =	vld [tilespmem:s29+$0x20]  }
0x11e: {  	s30 =	simm.s32 $0x680;
	v6 =	vld [tilespmem:s29+$0xFFFFFFA0];
	v3 =	vshll.u32 v3, $0x2  }
0x11f: {  	v9 =	vld [tilespmem:s30+$0x0]  }
0x120: {  	v4 =	vshll.u32 v4, $0x2;
	v8 =	vld.idx.msk [tilespmem:v2+s3+$0x0], $0xffff  }
0x121: {  	v10 =	vld [tilespmem:s30+$0xFFFFFF80];
	[tilespmem:s23+$0xFFFFFFE0] =	vst v5;
	v5 =	vor.u32 $0x1, v2  }
0x122: {  	v11 =	vld [tilespmem:s14+$0xFFFFFFF0];
	v1 =	vshll.u32 v1, $0x2  }
0x123: {  	[tilespmem:s24+$0xFFFFFFD0] =	vst v7;
	v6 =	vshll.u32 v6, $0x2;
	v12 =	vld.idx.msk [tilespmem:v3+s3+$0x0], $0xffff  }
0x124: {  	v13 =	vor.u32 $0x1, v3;
	v14 =	vld [tilespmem:s31+$0xFFFFFFE0]  }
0x125: {  	v7 =	vld.idx.msk [tilespmem:v4+s3+$0x0], $0xffff;
	[tilespmem:s24+$0x60] =	vst v8;
	v8 =	vshll.u32 v9, $0x2  }
0x126: {  	v9 =	vshll.u32 v10, $0x2;
	v5 =	vld.idx.msk [tilespmem:v5+s3+$0x0], $0xffff  }
0x127: {  	v44 =	vor.u32 $0x1, v4;
	v10 =	vld.idx.msk [tilespmem:v1+s3+$0x0], $0xffff  }
0x128: {  	v15 =	vor.u32 $0x2, v2;
	v42 =	vld.idx.msk [tilespmem:v6+s3+$0x0], $0xffff;
	[tilespmem:s25+$0x40] =	vst v12  }
0x129: {  	v43 =	vor.u32 $0x1, v1;
	v13 =	vld.idx.msk [tilespmem:v13+s3+$0x0], $0xffff  }
0x12a: {  	v12 =	vor.u32 $0x1, v6;
	v45 =	vld.idx.msk [tilespmem:v8+s3+$0x0], $0xffff  }
0x12b: {  	v21 =	vor.u32 $0x2, v3;
	[tilespmem:s25+$0xFFFFFE40] =	vst v7;
	v20 =	vld.idx.msk [tilespmem:v9+s3+$0x0], $0xffff  }
0x12c: {  	v47 =	vld.idx.msk [tilespmem:v44+s3+$0x0], $0xffff;
	[tilespmem:s24+$0xE0] =	vst v5;
	v5 =	vor.u32 $0x1, v8  }
0x12d: {  	[tilespmem:s28+$0x20] =	vst v10;
	v10 =	vld.idx.msk [tilespmem:v15+s3+$0x0], $0xffff;
	v15 =	vor.u32 $0x1, v9  }
0x12e: {  	v2 =	vor.u32 $0x3, v2;
	[tilespmem:s28+$0xFFFFFE20] =	vst v42;
	v46 =	vld.idx.msk [tilespmem:v43+s3+$0x0], $0xffff  }
0x12f: {  	s0 =	simm.s32 $0x5400;
	v7 =	vld.idx.msk [tilespmem:v12+s3+$0x0], $0xffff;
	v12 =	vor.u32 $0x2, v1;
	[tilespmem:s25+$0xC0] =	vst v13  }
0x130: {  	v13 =	vor.u32 $0x2, v6;
	[tilespmem:s0+$0x0] =	vst v45;
	v48 =	vld.idx.msk [tilespmem:v21+s3+$0x0], $0xffff  }
0x131: {  	v49 =	vor.u32 $0x2, v4;
	[tilespmem:s0+$0xFFFFFE00] =	vst v20;
	v5 =	vld.idx.msk [tilespmem:v5+s3+$0x0], $0xffff  }
0x132: {  	v3 =	vor.u32 $0x3, v3;
	v15 =	vld.idx.msk [tilespmem:v15+s3+$0x0], $0xffff;
	[tilespmem:s24+$0x160] =	vst v10  }
0x133: {  	v10 =	vor.u32 $0x2, v8;
	[tilespmem:s28+$0xA0] =	vst v46;
	v2 =	vld.idx.msk [tilespmem:v2+s3+$0x0], $0xffff  }
0x134: {  	v50 =	vor.u32 $0x2, v9;
	[tilespmem:s28+$0xFFFFFEA0] =	vst v7;
	v7 =	vld.idx.msk [tilespmem:v12+s3+$0x0], $0xffff  }
0x135: {  	[tilespmem:s25+$0xFFFFFEC0] =	vst v47;
	v12 =	vld.idx.msk [tilespmem:v13+s3+$0x0], $0xffff  }
0x136: {  	v1 =	vor.u32 $0x3, v1;
	v13 =	vld.idx.msk [tilespmem:v49+s3+$0x0], $0xffff;
	[tilespmem:s25+$0x140] =	vst v48  }
0x137: {  	v6 =	vor.u32 $0x3, v6;
	[tilespmem:s0+$0x80] =	vst v5;
	v3 =	vld.idx.msk [tilespmem:v3+s3+$0x0], $0xffff  }
0x138: {  	v4 =	vor.u32 $0x3, v4;
	[tilespmem:s0+$0xFFFFFE80] =	vst v15;
	v5 =	vld.idx.msk [tilespmem:v10+s3+$0x0], $0xffff  }
0x139: {  	v10 =	vld.idx.msk [tilespmem:v50+s3+$0x0], $0xffff;
	[tilespmem:s24+$0x1E0] =	vst v2  }
0x13a: {  	v2 =	vor.u32 $0x3, v8;
	[tilespmem:s28+$0x120] =	vst v7;
	v7 =	vld [tilespmem:s31+$0x70]  }
0x13b: {  	v8 =	vor.u32 $0x3, v9;
	[tilespmem:s28+$0xFFFFFF20] =	vst v12;
	v1 =	vld.idx.msk [tilespmem:v1+s3+$0x0], $0xffff  }
0x13c: {  	v9 =	vshll.u32 v14, $0x2;
	[tilespmem:s25+$0xFFFFFF40] =	vst v13;
	v6 =	vld.idx.msk [tilespmem:v6+s3+$0x0], $0xffff  }
0x13d: {  	v4 =	vld.idx.msk [tilespmem:v4+s3+$0x0], $0xffff;
	[tilespmem:s25+$0x1C0] =	vst v3  }
0x13e: {  	[tilespmem:s0+$0x100] =	vst v5;
	v3 =	vld [tilespmem:s26+$0x50]  }
0x13f: {  	[tilespmem:s0+$0xFFFFFF00] =	vst v10;
	v2 =	vld.idx.msk [tilespmem:v2+s3+$0x0], $0xffff  }
0x140: {  	v5 =	vshll.u32 v7, $0x2;
	v7 =	vld.idx.msk [tilespmem:v8+s3+$0x0], $0xffff  }
0x141: {  	[tilespmem:s28+$0x1A0] =	vst v1;
	v1 =	vld.idx.msk [tilespmem:v9+s3+$0x0], $0xffff  }
0x142: {  	[tilespmem:s28+$0xFFFFFFA0] =	vst v6;
	v6 =	vld [tilespmem:s29+$0x30]  }
0x143: {  	v10 =	vor.u32 $0x1, v9;
	[tilespmem:s25+$0xFFFFFFC0] =	vst v4;
	v8 =	vld [tilespmem:s29+$0xFFFFFFB0]  }
0x144: {  	v3 =	vshll.u32 v3, $0x2;
	v13 =	vld [tilespmem:s26+$0xFFFFFFD0]  }
0x145: {  	[tilespmem:s0+$0x180] =	vst v2;
	v2 =	vshll.u32 v11, $0x2;
	v12 =	vld.idx.msk [tilespmem:v5+s3+$0x0], $0xffff  }
0x146: {  	v4 =	vor.u32 $0x1, v5;
	[tilespmem:s0+$0xFFFFFF80] =	vst v7;
	v7 =	vld [tilespmem:s30+$0x10]  }
0x147: {  	v11 =	vld [tilespmem:s30+$0xFFFFFF90];
	[tilespmem:s24+$0xFFFFFE60] =	vst v1;
	v6 =	vshll.u32 v6, $0x2  }
0x148: {  	v10 =	vld.idx.msk [tilespmem:v10+s3+$0x0], $0xffff;
	v1 =	vshll.u32 v8, $0x2  }
0x149: {  	v8 =	vld.idx.msk [tilespmem:v3+s3+$0x0], $0xffff;
	v13 =	vshll.u32 v13, $0x2  }
0x14a: {  	v14 =	vor.u32 $0x1, v3;
	[tilespmem:s24+$0x70] =	vst v12;
	v12 =	vld.idx.msk [tilespmem:v2+s3+$0x0], $0xffff  }
0x14b: {  	v7 =	vshll.u32 v7, $0x2;
	v4 =	vld.idx.msk [tilespmem:v4+s3+$0x0], $0xffff  }
0x14c: {  	v11 =	vshll.u32 v11, $0x2;
	v15 =	vld.idx.msk [tilespmem:v6+s3+$0x0], $0xffff  }
0x14d: {  	v51 =	vor.u32 $0x2, v5;
	v52 =	vld.idx.msk [tilespmem:v1+s3+$0x0], $0xffff  }
0x14e: {  	v53 =	vor.u32 $0x1, v6;
	[tilespmem:s25+$0x50] =	vst v8;
	v22 =	vld.idx.msk [tilespmem:v13+s3+$0x0], $0xffff  }
0x14f: {  	v8 =	vor.u32 $0x1, v1;
	v14 =	vld.idx.msk [tilespmem:v14+s3+$0x0], $0xffff  }
0x150: {  	v60 =	vor.u32 $0x1, v13;
	v54 =	vld.idx.msk [tilespmem:v7+s3+$0x0], $0xffff  }
0x151: {  	v55 =	vor.u32 $0x2, v3;
	v20 =	vld.idx.msk [tilespmem:v11+s3+$0x0], $0xffff;
	[tilespmem:s24+$0xF0] =	vst v4  }
0x152: {  	v4 =	vor.u32 $0x1, v7;
	[tilespmem:s28+$0x30] =	vst v15;
	v15 =	vld.idx.msk [tilespmem:v51+s3+$0x0], $0xffff  }
0x153: {  	v56 =	vor.u32 $0x1, v11;
	[tilespmem:s28+$0xFFFFFE30] =	vst v52;
	v57 =	vld.idx.msk [tilespmem:v53+s3+$0x0], $0xffff  }
0x154: {  	v5 =	vor.u32 $0x3, v5;
	[tilespmem:s25+$0xFFFFFE50] =	vst v22;
	v8 =	vld.idx.msk [tilespmem:v8+s3+$0x0], $0xffff  }
0x155: {  	v58 =	vor.u32 $0x2, v6;
	[tilespmem:s25+$0xD0] =	vst v14;
	v63 =	vld.idx.msk [tilespmem:v60+s3+$0x0], $0xffff  }
0x156: {  	v14 =	vor.u32 $0x2, v1;
	[tilespmem:s0+$0x10] =	vst v54;
	v59 =	vld.idx.msk [tilespmem:v55+s3+$0x0], $0xffff  }
0x157: {  	v3 =	vor.u32 $0x3, v3;
	[tilespmem:s0+$0xFFFFFE10] =	vst v20;
	v4 =	vld.idx.msk [tilespmem:v4+s3+$0x0], $0xffff  }
0x158: {  	v16 =	vld.idx.msk [tilespmem:v56+s3+$0x0], $0xffff;
	[tilespmem:s24+$0x170] =	vst v15;
	v15 =	vor.u32 $0x2, v7  }
0x159: {  	v61 =	vor.u32 $0x2, v11;
	[tilespmem:s28+$0xB0] =	vst v57;
	v5 =	vld.idx.msk [tilespmem:v5+s3+$0x0], $0xffff  }
0x15a: {  	v62 =	vor.u32 $0x2, v9;
	[tilespmem:s28+$0xFFFFFEB0] =	vst v8;
	v8 =	vld.idx.msk [tilespmem:v58+s3+$0x0], $0xffff  }
0x15b: {  	v6 =	vor.u32 $0x3, v6;
	v14 =	vld.idx.msk [tilespmem:v14+s3+$0x0], $0xffff;
	[tilespmem:s25+$0x150] =	vst v59  }
0x15c: {  	v1 =	vor.u32 $0x3, v1;
	[tilespmem:s0+$0x90] =	vst v4;
	v3 =	vld.idx.msk [tilespmem:v3+s3+$0x0], $0xffff  }
0x15d: {  	v4 =	vor.u32 $0x2, v13;
	[tilespmem:s0+$0xFFFFFE90] =	vst v16;
	v15 =	vld.idx.msk [tilespmem:v15+s3+$0x0], $0xffff  }
0x15e: {  	[tilespmem:s24+$0xFFFFFEE0] =	vst v10;
	v10 =	vld.idx.msk [tilespmem:v61+s3+$0x0], $0xffff  }
0x15f: {  	v7 =	vor.u32 $0x3, v7;
	[tilespmem:s28+$0x130] =	vst v8;
	v8 =	vld.idx.msk [tilespmem:v62+s3+$0x0], $0xffff  }
0x160: {  	v11 =	vor.u32 $0x3, v11;
	[tilespmem:s28+$0xFFFFFF30] =	vst v14;
	v6 =	vld.idx.msk [tilespmem:v6+s3+$0x0], $0xffff  }
0x161: {  	v9 =	vor.u32 $0x3, v9;
	[tilespmem:s25+$0xFFFFFED0] =	vst v63;
	v1 =	vld.idx.msk [tilespmem:v1+s3+$0x0], $0xffff  }
0x162: {  	v4 =	vld.idx.msk [tilespmem:v4+s3+$0x0], $0xffff;
	[tilespmem:s25+$0x1D0] =	vst v3  }
0x163: {  	[tilespmem:s0+$0x110] =	vst v15;
	v3 =	vld [tilespmem:s26+$0x60]  }
0x164: {  	v13 =	vor.u32 $0x3, v13;
	[tilespmem:s0+$0xFFFFFF10] =	vst v10;
	v7 =	vld.idx.msk [tilespmem:v7+s3+$0x0], $0xffff  }
0x165: {  	v10 =	vor.u32 $0x1, v2;
	v11 =	vld.idx.msk [tilespmem:v11+s3+$0x0], $0xffff;
	[tilespmem:s24+$0xFFFFFF60] =	vst v8  }
0x166: {  	[tilespmem:s28+$0x1B0] =	vst v6;
	v9 =	vld.idx.msk [tilespmem:v9+s3+$0x0], $0xffff  }
0x167: {  	[tilespmem:s28+$0xFFFFFFB0] =	vst v1;
	v8 =	vld [tilespmem:s29+$0x40]  }
0x168: {  	[tilespmem:s25+$0xFFFFFF50] =	vst v4;
	v14 =	vld [tilespmem:s29+$0xFFFFFFC0]  }
0x169: {  	[tilespmem:s23+$0xFFFFFE70] =	vst v12;
	v3 =	vshll.u32 v3, $0x2;
	v6 =	vld.idx.msk [tilespmem:v13+s3+$0x0], $0xffff  }
0x16a: {  	[tilespmem:s0+$0x190] =	vst v7;
	v4 =	vld.idx.msk [tilespmem:v10+s3+$0x0], $0xffff  }
0x16b: {  	[tilespmem:s0+$0xFFFFFF90] =	vst v11;
	v12 =	vld [tilespmem:s30+$0x20]  }
0x16c: {  	v13 =	vld [tilespmem:s30+$0xFFFFFFA0];
	[tilespmem:s24+$0xFFFFFFE0] =	vst v9;
	v8 =	vshll.u32 v8, $0x2  }
0x16d: {  	[tilespmem:s23+$0x1F0] =	vst v0;
	v0 =	vor.u32 $0x3, v2;
	v1 =	vor.u32 $0x2, v2;
	v2 =	vld [tilespmem:s31+$0xFFFFFFF0];
	v11 =	vshll.u32 v14, $0x2  }
0x16e: {  	s1 =	simm.s32 $0x8;
	s2 =	simm.s32 $0x780;
	[tilespmem:s24+$0x1F0] =	vst v5;
	s31 =	simm.s32 $0x5400;
	v9 =	vld.idx.msk [tilespmem:v3+s3+$0x0], $0xffff;
	v10 =	vor.u32 $0x1, v11;
	v7 =	vor.u32 $0x2, v11;
	v5 =	vor.u32 $0x3, v11  }
.LBB2_2:
0x16f: {  	v14 =	vld [tilespmem:s2+$0x0];
	s1 =	sadd.s32 $0x2, s1;
	[tilespmem:s25+$0xFFFFFFD0] =	vst v6;
	v6 =	vor.u32 $0x1, v3;
	s14 =	smov.u32 s30;
	s30 =	smov.u32 s2  }
0x170: {  	v15 =	vld [tilespmem:s2+$0xFFFFFF80];
	p0 =	slt.u32 s1, $0x3E;
	v12 =	vshll.u32 v12, $0x2;
	[tilespmem:s23+$0xFFFFFEF0] =	vst v4  }
0x171: {  	v4 =	vshll.u32 v13, $0x2;
	v13 =	vld.idx.msk [tilespmem:v8+s3+$0x0], $0xffff  }
0x172: {  	v16 =	vor.u32 $0x1, v4;
	v17 =	vor.u32 $0x2, v4;
	v18 =	vor.u32 $0x3, v4;
	v19 =	vld.idx.msk [tilespmem:v11+s3+$0x0], $0xffff  }
0x173: {  	v20 =	vor.u32 $0x1, v8;
	v21 =	vld [tilespmem:s26+$0xFFFFFFE0];
	[tilespmem:s25+$0x60] =	vst v9;
	v11 =	vshll.u32 v2, $0x2  }
0x174: {  	v14 =	vshll.u32 v14, $0x2;
	v22 =	vld.idx.msk [tilespmem:v6+s3+$0x0], $0xffff;
	v2 =	vor.u32 $0x1, v11;
	v6 =	vor.u32 $0x2, v11  }
0x175: {  	v9 =	vor.u32 $0x3, v11;
	v15 =	vshll.u32 v15, $0x2;
	v23 =	vld.idx.msk [tilespmem:v12+s3+$0x0], $0xffff  }
0x176: {  	v27 =	vor.u32 $0x2, v3;
	v24 =	vor.u32 $0x1, v15;
	v25 =	vor.u32 $0x2, v15;
	v26 =	vld.idx.msk [tilespmem:v4+s3+$0x0], $0xffff  }
0x177: {  	v29 =	vor.u32 $0x1, v12;
	v28 =	vor.u32 $0x3, v15;
	[tilespmem:s28+$0x40] =	vst v13;
	v13 =	vld.idx.msk [tilespmem:v1+s3+$0x0], $0xffff;
	v1 =	vmov v6  }
0x178: {  	[tilespmem:s28+$0xFFFFFE40] =	vst v19;
	v19 =	vld.idx.msk [tilespmem:v20+s3+$0x0], $0xffff;
	v20 =	vshll.u32 v21, $0x2  }
0x179: {  	v21 =	vld.idx.msk [tilespmem:v14+s3+$0x0], $0xffff;
	v30 =	vor.u32 $0x1, v20;
	v6 =	vor.u32 $0x2, v20;
	v4 =	vor.u32 $0x3, v20  }
0x17a: {  	v31 =	vor.u32 $0x2, v8;
	v15 =	vld.idx.msk [tilespmem:v15+s3+$0x0], $0xffff;
	[tilespmem:s25+$0xE0] =	vst v22  }
0x17b: {  	v22 =	vor.u32 $0x1, v14;
	[tilespmem:s0+$0x20] =	vst v23;
	v23 =	vld.idx.msk [tilespmem:v27+s3+$0x0], $0xffff  }
0x17c: {  	[tilespmem:s0+$0xFFFFFE20] =	vst v26;
	v26 =	vld.idx.msk [tilespmem:v29+s3+$0x0], $0xffff  }
0x17d: {  	v3 =	vor.u32 $0x3, v3;
	v16 =	vld.idx.msk [tilespmem:v16+s3+$0x0], $0xffff;
	[tilespmem:s23+$0xFFFFFF70] =	vst v13  }
0x17e: {  	s0 =	sadd.s32 $0x400, s0;
	v13 =	vor.u32 $0x2, v12;
	v10 =	vld.idx.msk [tilespmem:v10+s3+$0x0], $0xffff;
	[tilespmem:s28+$0xC0] =	vst v19  }
0x17f: {  	[tilespmem:s0+$0x0] =	vst v21;
	v19 =	vld.idx.msk [tilespmem:v31+s3+$0x0], $0xffff  }
0x180: {  	[tilespmem:s0+$0xFFFFFE00] =	vst v15;
	v15 =	vld.idx.msk [tilespmem:v22+s3+$0x0], $0xffff  }
0x181: {  	v8 =	vor.u32 $0x3, v8;
	v21 =	vld.idx.msk [tilespmem:v24+s3+$0x0], $0xffff;
	[tilespmem:s25+$0x160] =	vst v23  }
0x182: {  	v22 =	vor.u32 $0x2, v14;
	[tilespmem:s31+$0xA0] =	vst v26;
	v3 =	vld.idx.msk [tilespmem:v3+s3+$0x0], $0xffff  }
0x183: {  	[tilespmem:s31+$0xFFFFFEA0] =	vst v16;
	v13 =	vld.idx.msk [tilespmem:v13+s3+$0x0], $0xffff  }
0x184: {  	v16 =	vld.idx.msk [tilespmem:v17+s3+$0x0], $0xffff;
	[tilespmem:s28+$0xFFFFFEC0] =	vst v10  }
0x185: {  	v10 =	vor.u32 $0x3, v12;
	v7 =	vld.idx.msk [tilespmem:v7+s3+$0x0], $0xffff;
	[tilespmem:s28+$0x140] =	vst v19  }
0x186: {  	[tilespmem:s0+$0x80] =	vst v15;
	v8 =	vld.idx.msk [tilespmem:v8+s3+$0x0], $0xffff  }
0x187: {  	[tilespmem:s0+$0xFFFFFE80] =	vst v21;
	v12 =	vld.idx.msk [tilespmem:v22+s3+$0x0], $0xffff  }
0x188: {  	v15 =	vld.idx.msk [tilespmem:v25+s3+$0x0], $0xffff;
	[tilespmem:s25+$0x1E0] =	vst v3  }
0x189: {  	v3 =	vor.u32 $0x3, v14;
	[tilespmem:s31+$0x120] =	vst v13;
	v13 =	vld [tilespmem:s26+$0x70]  }
0x18a: {  	[tilespmem:s31+$0xFFFFFF20] =	vst v16;
	v10 =	vld.idx.msk [tilespmem:v10+s3+$0x0], $0xffff  }
0x18b: {  	v14 =	vld.idx.msk [tilespmem:v18+s3+$0x0], $0xffff;
	[tilespmem:s28+$0xFFFFFF40] =	vst v7  }
0x18c: {  	v5 =	vld.idx.msk [tilespmem:v5+s3+$0x0], $0xffff;
	[tilespmem:s28+$0x1C0] =	vst v8  }
0x18d: {  	[tilespmem:s0+$0x100] =	vst v12;
	v7 =	vld [tilespmem:s29+$0x50]  }
0x18e: {  	[tilespmem:s0+$0xFFFFFF00] =	vst v15;
	v3 =	vld.idx.msk [tilespmem:v3+s3+$0x0], $0xffff;
	v8 =	vshll.u32 v13, $0x2  }
0x18f: {  	v12 =	vld.idx.msk [tilespmem:v28+s3+$0x0], $0xffff  }
0x190: {  	[tilespmem:s31+$0x1A0] =	vst v10;
	v10 =	vld.idx.msk [tilespmem:v20+s3+$0x0], $0xffff  }
0x191: {  	[tilespmem:s31+$0xFFFFFFA0] =	vst v14;
	v13 =	vld [tilespmem:s14+$0x30]  }
0x192: {  	v14 =	vld [tilespmem:s14+$0xFFFFFFB0];
	[tilespmem:s28+$0xFFFFFFC0] =	vst v5;
	v5 =	vshll.u32 v7, $0x2  }
0x193: {  	v7 =	vld.idx.msk [tilespmem:v8+s3+$0x0], $0xffff  }
0x194: {  	[tilespmem:s0+$0x180] =	vst v3;
	v3 =	vld [tilespmem:s29+$0xFFFFFFD0]  }
0x195: {  	v15 =	vor.u32 $0x1, v8;
	[tilespmem:s0+$0xFFFFFF80] =	vst v12;
	v12 =	vld [tilespmem:s2+$0x10]  }
0x196: {  	v16 =	vld [tilespmem:s2+$0xFFFFFF90];
	v13 =	vshll.u32 v13, $0x2;
	[tilespmem:s25+$0xFFFFFE60] =	vst v10  }
0x197: {  	v10 =	vshll.u32 v14, $0x2;
	v14 =	vld.idx.msk [tilespmem:v5+s3+$0x0], $0xffff  }
0x198: {  	v17 =	vor.u32 $0x1, v10;
	v18 =	vor.u32 $0x2, v10;
	v19 =	vor.u32 $0x3, v10;
	v20 =	vld.idx.msk [tilespmem:v30+s3+$0x0], $0xffff  }
0x199: {  	v21 =	vor.u32 $0x1, v5;
	v3 =	vshll.u32 v3, $0x2;
	[tilespmem:s25+$0x70] =	vst v7;
	v7 =	vld.idx.msk [tilespmem:v11+s3+$0x0], $0xffff  }
0x19a: {  	v11 =	vshll.u32 v12, $0x2;
	v12 =	vor.u32 $0x1, v3;
	v22 =	vor.u32 $0x2, v3;
	v15 =	vld.idx.msk [tilespmem:v15+s3+$0x0], $0xffff  }
0x19b: {  	v24 =	vor.u32 $0x3, v3;
	v16 =	vshll.u32 v16, $0x2;
	v23 =	vld.idx.msk [tilespmem:v13+s3+$0x0], $0xffff  }
0x19c: {  	v27 =	vor.u32 $0x2, v8;
	v25 =	vor.u32 $0x1, v16;
	v26 =	vor.u32 $0x2, v16;
	v10 =	vld.idx.msk [tilespmem:v10+s3+$0x0], $0xffff  }
0x19d: {  	v29 =	vor.u32 $0x1, v13;
	v28 =	vor.u32 $0x3, v16;
	[tilespmem:s28+$0x50] =	vst v14;
	v14 =	vld.idx.msk [tilespmem:v0+s3+$0x0], $0xffff;
	v0 =	vmov v9  }
0x19e: {  	v9 =	vld.idx.msk [tilespmem:v21+s3+$0x0], $0xffff;
	[tilespmem:s25+$0xFFFFFEE0] =	vst v20  }
0x19f: {  	v20 =	vld.idx.msk [tilespmem:v11+s3+$0x0], $0xffff;
	[tilespmem:s24+$0xFFFFFE70] =	vst v7  }
0x1a0: {  	v7 =	vld.idx.msk [tilespmem:v16+s3+$0x0], $0xffff;
	v16 =	vor.u32 $0x2, v5;
	[tilespmem:s25+$0xF0] =	vst v15  }
0x1a1: {  	v15 =	vor.u32 $0x1, v11;
	[tilespmem:s31+$0x30] =	vst v23;
	v21 =	vld.idx.msk [tilespmem:v27+s3+$0x0], $0xffff  }
0x1a2: {  	[tilespmem:s31+$0xFFFFFE30] =	vst v10;
	v10 =	vld.idx.msk [tilespmem:v29+s3+$0x0], $0xffff  }
0x1a3: {  	v8 =	vor.u32 $0x3, v8;
	v17 =	vld.idx.msk [tilespmem:v17+s3+$0x0], $0xffff;
	[tilespmem:s23+$0xFFFFFFF0] =	vst v14;
	s23 =	smov.u32 s24;
	s24 =	smov.u32 s25;
	s25 =	smov.u32 s28  }
0x1a4: {  	v14 =	vor.u32 $0x2, v13;
	s28 =	smov.u32 s31;
	s31 =	smov.u32 s0;
	v3 =	vld.idx.msk [tilespmem:v3+s3+$0x0], $0xffff;
	[tilespmem:s25+$0xD0] =	vst v9  }
0x1a5: {  	[tilespmem:s0+$0x10] =	vst v20;
	v9 =	vld.idx.msk [tilespmem:v16+s3+$0x0], $0xffff  }
0x1a6: {  	[tilespmem:s0+$0xFFFFFE10] =	vst v7;
	v7 =	vld.idx.msk [tilespmem:v15+s3+$0x0], $0xffff  }
0x1a7: {  	v5 =	vor.u32 $0x3, v5;
	v15 =	vld.idx.msk [tilespmem:v25+s3+$0x0], $0xffff;
	[tilespmem:s24+$0x170] =	vst v21  }
0x1a8: {  	v16 =	vor.u32 $0x2, v11;
	[tilespmem:s28+$0xB0] =	vst v10;
	v8 =	vld.idx.msk [tilespmem:v8+s3+$0x0], $0xffff  }
0x1a9: {  	[tilespmem:s28+$0xFFFFFEB0] =	vst v17;
	v10 =	vld.idx.msk [tilespmem:v14+s3+$0x0], $0xffff  }
0x1aa: {  	v14 =	vld.idx.msk [tilespmem:v18+s3+$0x0], $0xffff;
	[tilespmem:s25+$0xFFFFFE50] =	vst v3  }
0x1ab: {  	v3 =	vor.u32 $0x3, v13;
	v12 =	vld.idx.msk [tilespmem:v12+s3+$0x0], $0xffff;
	[tilespmem:s25+$0x150] =	vst v9  }
0x1ac: {  	[tilespmem:s0+$0x90] =	vst v7;
	v5 =	vld.idx.msk [tilespmem:v5+s3+$0x0], $0xffff  }
0x1ad: {  	[tilespmem:s0+$0xFFFFFE90] =	vst v15;
	v7 =	vld.idx.msk [tilespmem:v16+s3+$0x0], $0xffff  }
0x1ae: {  	v9 =	vld.idx.msk [tilespmem:v26+s3+$0x0], $0xffff;
	[tilespmem:s24+$0x1F0] =	vst v8  }
0x1af: {  	v8 =	vor.u32 $0x3, v11;
	[tilespmem:s28+$0x130] =	vst v10;
	v6 =	vld.idx.msk [tilespmem:v6+s3+$0x0], $0xffff  }
0x1b0: {  	[tilespmem:s28+$0xFFFFFF30] =	vst v14;
	v3 =	vld.idx.msk [tilespmem:v3+s3+$0x0], $0xffff  }
0x1b1: {  	v10 =	vld.idx.msk [tilespmem:v19+s3+$0x0], $0xffff;
	[tilespmem:s25+$0xFFFFFED0] =	vst v12  }
0x1b2: {  	v11 =	vld.idx.msk [tilespmem:v22+s3+$0x0], $0xffff;
	[tilespmem:s25+$0x1D0] =	vst v5  }
0x1b3: {  	[tilespmem:s0+$0x110] =	vst v7;
	v5 =	vld [tilespmem:s29+$0x60]  }
0x1b4: {  	[tilespmem:s0+$0xFFFFFF10] =	vst v9;
	v7 =	vld.idx.msk [tilespmem:v8+s3+$0x0], $0xffff  }
0x1b5: {  	v8 =	vld.idx.msk [tilespmem:v28+s3+$0x0], $0xffff;
	[tilespmem:s24+$0xFFFFFF60] =	vst v6  }
0x1b6: {  	[tilespmem:s28+$0x1B0] =	vst v3;
	v9 =	vld.idx.msk [tilespmem:v4+s3+$0x0], $0xffff  }
0x1b7: {  	[tilespmem:s28+$0xFFFFFFB0] =	vst v10;
	v10 =	vld [tilespmem:s14+$0x40]  }
0x1b8: {  	v14 =	vld [tilespmem:s14+$0xFFFFFFC0];
	[tilespmem:s25+$0xFFFFFF50] =	vst v11;
	v3 =	vshll.u32 v5, $0x2  }
0x1b9: {  	v6 =	vld.idx.msk [tilespmem:v24+s3+$0x0], $0xffff  }
.Ltmp0:
0x1ba: {  	[tilespmem:s0+$0x190] =	vst v7;
	v4 =	vld.idx.msk [tilespmem:v2+s3+$0x0], $0xffff;
	(pc) =	sbr.rel @p0 .LBB2_2-.Ltmp0, $4  }
0x1bb: {  	[tilespmem:s0+$0xFFFFFF90] =	vst v8;
	v12 =	vld [tilespmem:s2+$0x20]  }
0x1bc: {  	v13 =	vld [tilespmem:s2+$0xFFFFFFA0];
	v8 =	vshll.u32 v10, $0x2;
	[tilespmem:s24+$0xFFFFFFE0] =	vst v9  }
0x1bd: {  	v11 =	vshll.u32 v14, $0x2;
	v9 =	vld.idx.msk [tilespmem:v3+s3+$0x0], $0xffff  }
0x1be: {  	s2 =	sadd.s32 $0x100, s2;
	v10 =	vor.u32 $0x1, v11;
	v7 =	vor.u32 $0x2, v11;
	v5 =	vor.u32 $0x3, v11;
	v2 =	vld [tilespmem:s26+$0xFFFFFFF0];
	s26 =	smov.u32 s29;
	s29 =	smov.u32 s14  }
0x1bf: {  	_ = 	snop  }
0x1c0: {  	v12 =	vshll.u32 v12, $0x2;
	_ =	sdelay $0x1  }
0x1c1: {  	v13 =	vshll.u32 v13, $0x2;
	_ =	sdelay $0x2  }
0x1c2: {  	v14 =	vld.idx.msk [tilespmem:v12+s3+$0x0], $0xffff  }
0x1c3: {  	v15 =	vor.u32 $0x1, v12  }
0x1c4: {  	v16 =	vld.idx.msk [tilespmem:v13+s3+$0x0], $0xffff  }
0x1c5: {  	v17 =	vor.u32 $0x1, v13;
	_ =	sdelay $0x1  }
0x1c6: {  	[tilespmem:s0+$0x20] =	vst v14  }
0x1c7: {  	v14 =	vld.idx.msk [tilespmem:v15+s3+$0x0], $0xffff  }
0x1c8: {  	[tilespmem:s0+$0xFFFFFE20] =	vst v16;
	v15 =	vor.u32 $0x2, v12  }
0x1c9: {  	v16 =	vld.idx.msk [tilespmem:v17+s3+$0x0], $0xffff  }
0x1ca: {  	v53 =	vor.u32 $0x2, v13;
	_ =	sdelay $0x1  }
0x1cb: {  	[tilespmem:s31+$0xA0] =	vst v14  }
0x1cc: {  	v14 =	vld.idx.msk [tilespmem:v15+s3+$0x0], $0xffff  }
0x1cd: {  	v12 =	vor.u32 $0x3, v12;
	[tilespmem:s31+$0xFFFFFEA0] =	vst v16  }
0x1ce: {  	v15 =	vld.idx.msk [tilespmem:v53+s3+$0x0], $0xffff  }
0x1cf: {  	v13 =	vor.u32 $0x3, v13;
	_ =	sdelay $0x1  }
0x1d0: {  	[tilespmem:s31+$0x120] =	vst v14  }
0x1d1: {  	v12 =	vld.idx.msk [tilespmem:v12+s3+$0x0], $0xffff  }
0x1d2: {  	[tilespmem:s31+$0xFFFFFF20] =	vst v15  }
0x1d3: {  	v13 =	vld.idx.msk [tilespmem:v13+s3+$0x0], $0xffff;
	_ =	sdelay $0x2  }
0x1d4: {  	[tilespmem:s31+$0x1A0] =	vst v12  }
0x1d5: {  	v12 =	vld [tilespmem:s30+$0x30]  }
0x1d6: {  	[tilespmem:s31+$0xFFFFFFA0] =	vst v13  }
0x1d7: {  	v13 =	vld [tilespmem:s30+$0xFFFFFFB0];
	_ =	sdelay $0x2  }
0x1d8: {  	v12 =	vshll.u32 v12, $0x2;
	_ =	sdelay $0x1  }
0x1d9: {  	v13 =	vshll.u32 v13, $0x2;
	_ =	sdelay $0x2  }
0x1da: {  	v14 =	vld.idx.msk [tilespmem:v12+s3+$0x0], $0xffff  }
0x1db: {  	v15 =	vor.u32 $0x1, v12  }
0x1dc: {  	v16 =	vld.idx.msk [tilespmem:v13+s3+$0x0], $0xffff  }
0x1dd: {  	v54 =	vor.u32 $0x1, v13;
	_ =	sdelay $0x1  }
0x1de: {  	[tilespmem:s31+$0x30] =	vst v14  }
0x1df: {  	v14 =	vld.idx.msk [tilespmem:v15+s3+$0x0], $0xffff  }
0x1e0: {  	[tilespmem:s31+$0xFFFFFE30] =	vst v16;
	v15 =	vor.u32 $0x2, v12  }
0x1e1: {  	v16 =	vld.idx.msk [tilespmem:v54+s3+$0x0], $0xffff  }
0x1e2: {  	v55 =	vor.u32 $0x2, v13;
	_ =	sdelay $0x1  }
0x1e3: {  	[tilespmem:s31+$0xB0] =	vst v14  }
0x1e4: {  	v14 =	vld.idx.msk [tilespmem:v15+s3+$0x0], $0xffff  }
0x1e5: {  	v12 =	vor.u32 $0x3, v12;
	[tilespmem:s31+$0xFFFFFEB0] =	vst v16  }
0x1e6: {  	v15 =	vld.idx.msk [tilespmem:v55+s3+$0x0], $0xffff  }
0x1e7: {  	v13 =	vor.u32 $0x3, v13;
	_ =	sdelay $0x1  }
0x1e8: {  	[tilespmem:s31+$0x130] =	vst v14  }
0x1e9: {  	v12 =	vld.idx.msk [tilespmem:v12+s3+$0x0], $0xffff  }
0x1ea: {  	[tilespmem:s31+$0xFFFFFF30] =	vst v15  }
0x1eb: {  	v13 =	vld.idx.msk [tilespmem:v13+s3+$0x0], $0xffff;
	_ =	sdelay $0x2  }
0x1ec: {  	[tilespmem:s31+$0x1B0] =	vst v12  }
0x1ed: {  	v12 =	vld [tilespmem:s30+$0x40]  }
0x1ee: {  	[tilespmem:s31+$0xFFFFFFB0] =	vst v13  }
0x1ef: {  	v13 =	vld [tilespmem:s30+$0xFFFFFFC0];
	_ =	sdelay $0x2  }
0x1f0: {  	v12 =	vshll.u32 v12, $0x2;
	_ =	sdelay $0x1  }
0x1f1: {  	v14 =	vld.idx.msk [tilespmem:v8+s3+$0x0], $0xffff;
	v13 =	vshll.u32 v13, $0x2  }
0x1f2: {  	v15 =	vor.u32 $0x1, v8;
	_ =	sdelay $0x1  }
0x1f3: {  	v56 =	vld.idx.msk [tilespmem:v12+s3+$0x0], $0xffff  }
0x1f4: {  	v11 =	vld.idx.msk [tilespmem:v11+s3+$0x0], $0xffff;
	v57 =	vor.u32 $0x1, v12  }
0x1f5: {  	[tilespmem:s28+$0x40] =	vst v14;
	v18 =	vld.idx.msk [tilespmem:v13+s3+$0x0], $0xffff  }
0x1f6: {  	v15 =	vld.idx.msk [tilespmem:v15+s3+$0x0], $0xffff;
	v14 =	vor.u32 $0x1, v13  }
0x1f7: {  	v19 =	vor.u32 $0x2, v8  }
0x1f8: {  	[tilespmem:s31+$0x40] =	vst v56  }
0x1f9: {  	[tilespmem:s28+$0xFFFFFE40] =	vst v11;
	v11 =	vld.idx.msk [tilespmem:v57+s3+$0x0], $0xffff  }
0x1fa: {  	v10 =	vld.idx.msk [tilespmem:v10+s3+$0x0], $0xffff;
	v58 =	vor.u32 $0x2, v12;
	[tilespmem:s31+$0xFFFFFE40] =	vst v18  }
0x1fb: {  	[tilespmem:s28+$0xC0] =	vst v15;
	v14 =	vld.idx.msk [tilespmem:v14+s3+$0x0], $0xffff  }
0x1fc: {  	v59 =	vld.idx.msk [tilespmem:v19+s3+$0x0], $0xffff;
	v15 =	vor.u32 $0x2, v13  }
0x1fd: {  	v8 =	vor.u32 $0x3, v8  }
0x1fe: {  	[tilespmem:s31+$0xC0] =	vst v11  }
0x1ff: {  	[tilespmem:s28+$0xFFFFFEC0] =	vst v10;
	v10 =	vld.idx.msk [tilespmem:v58+s3+$0x0], $0xffff  }
0x200: {  	v7 =	vld.idx.msk [tilespmem:v7+s3+$0x0], $0xffff;
	v11 =	vor.u32 $0x3, v12;
	[tilespmem:s31+$0xFFFFFEC0] =	vst v14  }
0x201: {  	[tilespmem:s28+$0x140] =	vst v59;
	v12 =	vld.idx.msk [tilespmem:v15+s3+$0x0], $0xffff  }
0x202: {  	v13 =	vor.u32 $0x3, v13;
	v8 =	vld.idx.msk [tilespmem:v8+s3+$0x0], $0xffff;
	_ =	sdelay $0x1  }
0x203: {  	[tilespmem:s31+$0x140] =	vst v10  }
0x204: {  	[tilespmem:s28+$0xFFFFFF40] =	vst v7;
	v7 =	vld.idx.msk [tilespmem:v11+s3+$0x0], $0xffff  }
0x205: {  	v5 =	vld.idx.msk [tilespmem:v5+s3+$0x0], $0xffff;
	[tilespmem:s31+$0xFFFFFF40] =	vst v12  }
0x206: {  	[tilespmem:s28+$0x1C0] =	vst v8;
	v10 =	vld.idx.msk [tilespmem:v13+s3+$0x0], $0xffff  }
0x207: {  	v8 =	vld [tilespmem:s29+$0x50];
	_ =	sdelay $0x1  }
0x208: {  	[tilespmem:s31+$0x1C0] =	vst v7  }
0x209: {  	[tilespmem:s28+$0xFFFFFFC0] =	vst v5;
	v5 =	vld [tilespmem:s30+$0x50]  }
0x20a: {  	v7 =	vld [tilespmem:s29+$0xFFFFFFD0];
	[tilespmem:s31+$0xFFFFFFC0] =	vst v10  }
0x20b: {  	v8 =	vshll.u32 v8, $0x2;
	v10 =	vld [tilespmem:s30+$0xFFFFFFD0];
	_ =	sdelay $0x2  }
0x20c: {  	v5 =	vshll.u32 v5, $0x2  }
0x20d: {  	v7 =	vshll.u32 v7, $0x2  }
0x20e: {  	v11 =	vld.idx.msk [tilespmem:v8+s3+$0x0], $0xffff;
	v10 =	vshll.u32 v10, $0x2  }
0x20f: {  	v12 =	vor.u32 $0x1, v8;
	_ =	sdelay $0x1  }
0x210: {  	v13 =	vld.idx.msk [tilespmem:v5+s3+$0x0], $0xffff  }
0x211: {  	v15 =	vor.u32 $0x1, v5;
	v14 =	vld.idx.msk [tilespmem:v7+s3+$0x0], $0xffff  }
0x212: {  	[tilespmem:s28+$0x50] =	vst v11;
	v60 =	vor.u32 $0x1, v7;
	v61 =	vld.idx.msk [tilespmem:v10+s3+$0x0], $0xffff  }
0x213: {  	v12 =	vld.idx.msk [tilespmem:v12+s3+$0x0], $0xffff;
	v11 =	vor.u32 $0x1, v10  }
0x214: {  	v62 =	vor.u32 $0x2, v8  }
0x215: {  	[tilespmem:s31+$0x50] =	vst v13  }
0x216: {  	[tilespmem:s28+$0xFFFFFE50] =	vst v14;
	v13 =	vor.u32 $0x1, v3;
	v14 =	vld.idx.msk [tilespmem:v15+s3+$0x0], $0xffff  }
0x217: {  	v63 =	vor.u32 $0x2, v5;
	v15 =	vld.idx.msk [tilespmem:v60+s3+$0x0], $0xffff;
	[tilespmem:s31+$0xFFFFFE50] =	vst v61  }
0x218: {  	v20 =	vor.u32 $0x2, v7;
	[tilespmem:s28+$0xD0] =	vst v12;
	v11 =	vld.idx.msk [tilespmem:v11+s3+$0x0], $0xffff  }
0x219: {  	[tilespmem:s25+$0x60] =	vst v9;
	v9 =	vld.idx.msk [tilespmem:v62+s3+$0x0], $0xffff;
	v12 =	vor.u32 $0x2, v10  }
0x21a: {  	v8 =	vor.u32 $0x3, v8  }
0x21b: {  	v13 =	vld.idx.msk [tilespmem:v13+s3+$0x0], $0xffff;
	[tilespmem:s31+$0xD0] =	vst v14  }
0x21c: {  	v14 =	vor.u32 $0x2, v3;
	[tilespmem:s28+$0xFFFFFED0] =	vst v15;
	v15 =	vld.idx.msk [tilespmem:v63+s3+$0x0], $0xffff  }
0x21d: {  	v5 =	vor.u32 $0x3, v5;
	v21 =	vld.idx.msk [tilespmem:v20+s3+$0x0], $0xffff;
	[tilespmem:s31+$0xFFFFFED0] =	vst v11  }
0x21e: {  	v7 =	vor.u32 $0x3, v7;
	[tilespmem:s28+$0x150] =	vst v9;
	v11 =	vld.idx.msk [tilespmem:v12+s3+$0x0], $0xffff  }
0x21f: {  	[tilespmem:s25+$0xFFFFFFD0] =	vst v6;
	v9 =	vor.u32 $0x3, v10;
	v8 =	vld.idx.msk [tilespmem:v8+s3+$0x0], $0xffff  }
0x220: {  	[tilespmem:s25+$0xE0] =	vst v13  }
0x221: {  	v10 =	vld.idx.msk [tilespmem:v14+s3+$0x0], $0xffff;
	[tilespmem:s31+$0x150] =	vst v15  }
0x222: {  	v3 =	vor.u32 $0x3, v3;
	[tilespmem:s28+$0xFFFFFF50] =	vst v21;
	v5 =	vld.idx.msk [tilespmem:v5+s3+$0x0], $0xffff  }
0x223: {  	v7 =	vld.idx.msk [tilespmem:v7+s3+$0x0], $0xffff;
	[tilespmem:s31+$0xFFFFFF50] =	vst v11  }
0x224: {  	[tilespmem:s28+$0x1D0] =	vst v8;
	v6 =	vld.idx.msk [tilespmem:v9+s3+$0x0], $0xffff  }
0x225: {  	v8 =	vld [tilespmem:s29+$0x60]  }
0x226: {  	v9 =	vld [tilespmem:s26+$0xFFFFFFE0];
	[tilespmem:s25+$0x160] =	vst v10  }
0x227: {  	v3 =	vld.idx.msk [tilespmem:v3+s3+$0x0], $0xffff;
	[tilespmem:s31+$0x1D0] =	vst v5  }
0x228: {  	[tilespmem:s28+$0xFFFFFFD0] =	vst v7;
	v5 =	vld [tilespmem:s30+$0x60]  }
0x229: {  	v7 =	vld [tilespmem:s29+$0xFFFFFFE0];
	[tilespmem:s31+$0xFFFFFFD0] =	vst v6  }
0x22a: {  	v8 =	vshll.u32 v8, $0x2;
	v6 =	vld [tilespmem:s30+$0xFFFFFFE0]  }
0x22b: {  	v9 =	vshll.u32 v9, $0x2;
	_ =	sdelay $0x1  }
0x22c: {  	v5 =	vshll.u32 v5, $0x2  }
0x22d: {  	[tilespmem:s25+$0x1E0] =	vst v3;
	v3 =	vshll.u32 v7, $0x2  }
0x22e: {  	v10 =	vld.idx.msk [tilespmem:v8+s3+$0x0], $0xffff;
	v6 =	vshll.u32 v6, $0x2  }
0x22f: {  	v12 =	vor.u32 $0x1, v8;
	v11 =	vld.idx.msk [tilespmem:v9+s3+$0x0], $0xffff  }
0x230: {  	v13 =	vor.u32 $0x1, v9;
	v7 =	vld [tilespmem:s26+$0x70]  }
0x231: {  	v14 =	vld.idx.msk [tilespmem:v5+s3+$0x0], $0xffff  }
0x232: {  	[tilespmem:s23+$0xFFFFFEF0] =	vst v4;
	v22 =	vor.u32 $0x1, v5;
	v15 =	vld.idx.msk [tilespmem:v3+s3+$0x0], $0xffff  }
0x233: {  	[tilespmem:s28+$0x60] =	vst v10;
	v4 =	vor.u32 $0x1, v3;
	v23 =	vld.idx.msk [tilespmem:v6+s3+$0x0], $0xffff  }
0x234: {  	v10 =	vor.u32 $0x1, v6;
	[tilespmem:s25+$0xFFFFFE60] =	vst v11;
	v11 =	vld.idx.msk [tilespmem:v12+s3+$0x0], $0xffff  }
0x235: {  	v12 =	vld.idx.msk [tilespmem:v13+s3+$0x0], $0xffff;
	v13 =	vor.u32 $0x2, v8  }
0x236: {  	v1 =	vld.idx.msk [tilespmem:v1+s3+$0x0], $0xffff;
	v7 =	vshll.u32 v7, $0x2;
	[tilespmem:s31+$0x60] =	vst v14  }
0x237: {  	v14 =	vor.u32 $0x2, v9;
	[tilespmem:s28+$0xFFFFFE60] =	vst v15;
	v15 =	vld.idx.msk [tilespmem:v22+s3+$0x0], $0xffff  }
0x238: {  	v24 =	vor.u32 $0x2, v5;
	v4 =	vld.idx.msk [tilespmem:v4+s3+$0x0], $0xffff;
	[tilespmem:s31+$0xFFFFFE60] =	vst v23  }
0x239: {  	v25 =	vor.u32 $0x2, v3;
	[tilespmem:s28+$0xE0] =	vst v11;
	v10 =	vld.idx.msk [tilespmem:v10+s3+$0x0], $0xffff  }
0x23a: {  	v11 =	vor.u32 $0x2, v6;
	[tilespmem:s25+$0xFFFFFEE0] =	vst v12;
	v12 =	vld.idx.msk [tilespmem:v13+s3+$0x0], $0xffff  }
0x23b: {  	v8 =	vor.u32 $0x3, v8;
	v26 =	vld.idx.msk [tilespmem:v7+s3+$0x0], $0xffff  }
0x23c: {  	v27 =	vor.u32 $0x1, v7;
	v13 =	vld.idx.msk [tilespmem:v14+s3+$0x0], $0xffff;
	[tilespmem:s31+$0xE0] =	vst v15  }
0x23d: {  	v9 =	vor.u32 $0x3, v9;
	[tilespmem:s28+$0xFFFFFEE0] =	vst v4;
	v4 =	vld.idx.msk [tilespmem:v24+s3+$0x0], $0xffff  }
0x23e: {  	v5 =	vor.u32 $0x3, v5;
	v14 =	vld.idx.msk [tilespmem:v25+s3+$0x0], $0xffff;
	[tilespmem:s31+$0xFFFFFEE0] =	vst v10  }
0x23f: {  	v3 =	vor.u32 $0x3, v3;
	[tilespmem:s28+$0x160] =	vst v12;
	v10 =	vld.idx.msk [tilespmem:v11+s3+$0x0], $0xffff  }
0x240: {  	v6 =	vor.u32 $0x3, v6;
	[tilespmem:s25+$0x70] =	vst v26;
	v8 =	vld.idx.msk [tilespmem:v8+s3+$0x0], $0xffff  }
0x241: {  	v11 =	vld.idx.msk [tilespmem:v27+s3+$0x0], $0xffff;
	[tilespmem:s25+$0xFFFFFF60] =	vst v13  }
0x242: {  	v12 =	vor.u32 $0x2, v7;
	v9 =	vld.idx.msk [tilespmem:v9+s3+$0x0], $0xffff;
	[tilespmem:s31+$0x160] =	vst v4  }
0x243: {  	[tilespmem:s28+$0xFFFFFF60] =	vst v14;
	v4 =	vld.idx.msk [tilespmem:v5+s3+$0x0], $0xffff  }
0x244: {  	v3 =	vld.idx.msk [tilespmem:v3+s3+$0x0], $0xffff;
	[tilespmem:s31+$0xFFFFFF60] =	vst v10  }
0x245: {  	[tilespmem:s28+$0x1E0] =	vst v8;
	v5 =	vld.idx.msk [tilespmem:v6+s3+$0x0], $0xffff  }
0x246: {  	[tilespmem:s25+$0xF0] =	vst v11;
	v8 =	vld [tilespmem:s29+$0x70]  }
0x247: {  	v6 =	vld.idx.msk [tilespmem:v12+s3+$0x0], $0xffff;
	[tilespmem:s25+$0xFFFFFFE0] =	vst v9  }
0x248: {  	v9 =	vld [tilespmem:s26+$0xFFFFFFF0];
	[tilespmem:s31+$0x1E0] =	vst v4  }
0x249: {  	v2 =	vshll.u32 v2, $0x2;
	[tilespmem:s28+$0xFFFFFFE0] =	vst v3;
	v3 =	vld [tilespmem:s30+$0x70]  }
0x24a: {  	v4 =	vld [tilespmem:s29+$0xFFFFFFF0];
	[tilespmem:s31+$0xFFFFFFE0] =	vst v5  }
0x24b: {  	v5 =	vor.u32 $0x3, v7;
	v7 =	vld [tilespmem:s30+$0xFFFFFFF0]  }
0x24c: {  	v8 =	vshll.u32 v8, $0x2  }
0x24d: {  	v9 =	vshll.u32 v9, $0x2  }
0x24e: {  	[tilespmem:s23+$0xFFFFFF70] =	vst v1;
	v1 =	vld.idx.msk [tilespmem:v2+s3+$0x0], $0xffff;
	v3 =	vshll.u32 v3, $0x2  }
0x24f: {  	v0 =	vld.idx.msk [tilespmem:v0+s3+$0x0], $0xffff;
	[tilespmem:s25+$0x170] =	vst v6;
	v4 =	vshll.u32 v4, $0x2  }
0x250: {  	v5 =	vld.idx.msk [tilespmem:v5+s3+$0x0], $0xffff;
	v6 =	vshll.u32 v7, $0x2  }
0x251: {  	v10 =	vld.idx.msk [tilespmem:v8+s3+$0x0], $0xffff;
	v7 =	vor.u32 $0x1, v2  }
0x252: {  	v11 =	vor.u32 $0x1, v8;
	v12 =	vld.idx.msk [tilespmem:v9+s3+$0x0], $0xffff  }
0x253: {  	[tilespmem:s24+$0xFFFFFE70] =	vst v1;
	v1 =	vor.u32 $0x1, v9;
	v13 =	vld.idx.msk [tilespmem:v3+s3+$0x0], $0xffff  }
0x254: {  	[tilespmem:s23+$0xFFFFFFF0] =	vst v0;
	v0 =	vor.u32 $0x1, v3;
	v14 =	vld.idx.msk [tilespmem:v4+s3+$0x0], $0xffff  }
0x255: {  	[tilespmem:s25+$0x1F0] =	vst v5;
	v5 =	vor.u32 $0x1, v4;
	v15 =	vld.idx.msk [tilespmem:v6+s3+$0x0], $0xffff  }
0x256: {  	[tilespmem:s28+$0x70] =	vst v10;
	v10 =	vor.u32 $0x1, v6;
	v7 =	vld.idx.msk [tilespmem:v7+s3+$0x0], $0xffff  }
0x257: {  	v28 =	vor.u32 $0x2, v2;
	v11 =	vld.idx.msk [tilespmem:v11+s3+$0x0], $0xffff;
	[tilespmem:s25+$0xFFFFFE70] =	vst v12  }
0x258: {  	v12 =	vor.u32 $0x2, v8;
	v1 =	vld.idx.msk [tilespmem:v1+s3+$0x0], $0xffff;
	[tilespmem:s31+$0x70] =	vst v13  }
0x259: {  	v13 =	vor.u32 $0x2, v9;
	[tilespmem:s28+$0xFFFFFE70] =	vst v14;
	v0 =	vld.idx.msk [tilespmem:v0+s3+$0x0], $0xffff  }
0x25a: {  	v14 =	vor.u32 $0x2, v3;
	v5 =	vld.idx.msk [tilespmem:v5+s3+$0x0], $0xffff;
	[tilespmem:s31+$0xFFFFFE70] =	vst v15  }
0x25b: {  	[tilespmem:s24+$0xFFFFFEF0] =	vst v7;
	v7 =	vor.u32 $0x2, v4;
	v10 =	vld.idx.msk [tilespmem:v10+s3+$0x0], $0xffff  }
0x25c: {  	[tilespmem:s28+$0xF0] =	vst v11;
	v11 =	vor.u32 $0x2, v6;
	v15 =	vld.idx.msk [tilespmem:v28+s3+$0x0], $0xffff  }
0x25d: {  	v2 =	vor.u32 $0x3, v2;
	v12 =	vld.idx.msk [tilespmem:v12+s3+$0x0], $0xffff;
	[tilespmem:s25+$0xFFFFFEF0] =	vst v1  }
0x25e: {  	v1 =	vor.u32 $0x3, v8;
	v8 =	vld.idx.msk [tilespmem:v13+s3+$0x0], $0xffff;
	[tilespmem:s31+$0xF0] =	vst v0  }
0x25f: {  	v0 =	vor.u32 $0x3, v9;
	[tilespmem:s28+$0xFFFFFEF0] =	vst v5;
	v9 =	vld.idx.msk [tilespmem:v14+s3+$0x0], $0xffff  }
0x260: {  	v3 =	vor.u32 $0x3, v3;
	v5 =	vld.idx.msk [tilespmem:v7+s3+$0x0], $0xffff;
	[tilespmem:s31+$0xFFFFFEF0] =	vst v10  }
0x261: {  	v4 =	vor.u32 $0x3, v4;
	[tilespmem:s24+$0xFFFFFF70] =	vst v15;
	v7 =	vld.idx.msk [tilespmem:v11+s3+$0x0], $0xffff  }
0x262: {  	v6 =	vor.u32 $0x3, v6;
	v2 =	vld.idx.msk [tilespmem:v2+s3+$0x0], $0xffff;
	[tilespmem:s28+$0x170] =	vst v12  }
0x263: {  	v1 =	vld.idx.msk [tilespmem:v1+s3+$0x0], $0xffff;
	[tilespmem:s25+$0xFFFFFF70] =	vst v8  }
0x264: {  	v0 =	vld.idx.msk [tilespmem:v0+s3+$0x0], $0xffff;
	[tilespmem:s31+$0x170] =	vst v9  }
0x265: {  	[tilespmem:s28+$0xFFFFFF70] =	vst v5;
	v3 =	vld.idx.msk [tilespmem:v3+s3+$0x0], $0xffff  }
0x266: {  	v4 =	vld.idx.msk [tilespmem:v4+s3+$0x0], $0xffff;
	[tilespmem:s31+$0xFFFFFF70] =	vst v7  }
0x267: {  	[tilespmem:s24+$0xFFFFFFF0] =	vst v2;
	v2 =	vld.idx.msk [tilespmem:v6+s3+$0x0], $0xffff  }
0x268: {  	[tilespmem:s28+$0x1F0] =	vst v1  }
0x269: {  	[tilespmem:s25+$0xFFFFFFF0] =	vst v0  }
0x26a: {  	[tilespmem:s31+$0x1F0] =	vst v3  }
0x26b: {  	[tilespmem:s28+$0xFFFFFFF0] =	vst v4  }
0x26c: {  	[tilespmem:s31+$0xFFFFFFF0] =	vst v2  }
0x26d: {  	[hbm4b:s6+s3] =	stream.linear.scatter [tilespmem:s17], [sflag:$0x3], $0x8000, $0x38;
	[tilespmem:$0x14200] =	vst v63  }
0x26e: {  	s2 =	simm.s32 $0x200  }
0x26f: {  	[tilespmem:s2], [sflag:$0x1] =	stream.linear.gather [hbm4b:s7+s3], $0x2000, $0x38;
	[tilespmem:$0x14200] =	vst v63  }
0x270: {  	_ =	swait.ge [sflag:s18], $0x2000  }
0x271: {  	[sflag:s18] =	ssyncset.done $0x0  }
0x272: {  	s14 =	simm.s32 $0x2280;
	[sflag:s18] =	ssyncadd.s32 $0xFFFFE000  }
0x273: {  	v0 =	vld [tilespmem:s14+$0x0];
	_ =	sdelay $0x4  }
0x274: {  	v0 =	vshll.u32 v0, $0x2;
	_ =	sdelay $0x4  }
0x275: {  	v1 =	vld.idx.msk [tilespmem:v0+s3+$0x0], $0xffff  }
0x276: {  	v2 =	vor.u32 $0x1, v0;
	_ =	sdelay $0x1  }
0x277: {  	v3 =	vld [tilespmem:s14+$0xFFFFFF80]  }
0x278: {  	s23 =	simm.s32 $0xC400  }
0x279: {  	[tilespmem:s23+$0x0] =	vst v1  }
0x27a: {  	v1 =	vld.idx.msk [tilespmem:v2+s3+$0x0], $0xffff  }
0x27b: {  	v2 =	vor.u32 $0x2, v0  }
0x27c: {  	v3 =	vshll.u32 v3, $0x2;
	_ =	sdelay $0x2  }
0x27d: {  	[tilespmem:s23+$0x80] =	vst v1  }
0x27e: {  	v1 =	vld.idx.msk [tilespmem:v2+s3+$0x0], $0xffff  }
0x27f: {  	v0 =	vor.u32 $0x3, v0;
	v2 =	vld.idx.msk [tilespmem:v3+s3+$0x0], $0xffff  }
0x280: {  	v4 =	vor.u32 $0x1, v3;
	_ =	sdelay $0x2  }
0x281: {  	[tilespmem:s23+$0x100] =	vst v1  }
0x282: {  	[tilespmem:s23+$0xFFFFFE00] =	vst v2;
	v0 =	vld.idx.msk [tilespmem:v0+s3+$0x0], $0xffff  }
0x283: {  	v1 =	vld.idx.msk [tilespmem:v4+s3+$0x0], $0xffff  }
0x284: {  	v2 =	vor.u32 $0x2, v3;
	_ =	sdelay $0x2  }
0x285: {  	[tilespmem:s23+$0x180] =	vst v0  }
0x286: {  	[tilespmem:s23+$0xFFFFFE80] =	vst v1;
	v0 =	vld [tilespmem:s14+$0x10]  }
0x287: {  	v1 =	vld.idx.msk [tilespmem:v2+s3+$0x0], $0xffff  }
0x288: {  	v2 =	vor.u32 $0x3, v3;
	_ =	sdelay $0x2  }
0x289: {  	v0 =	vshll.u32 v0, $0x2  }
0x28a: {  	[tilespmem:s23+$0xFFFFFF00] =	vst v1  }
0x28b: {  	v1 =	vld.idx.msk [tilespmem:v2+s3+$0x0], $0xffff;
	_ =	sdelay $0x2  }
0x28c: {  	v2 =	vld.idx.msk [tilespmem:v0+s3+$0x0], $0xffff  }
0x28d: {  	v3 =	vor.u32 $0x1, v0  }
0x28e: {  	[tilespmem:s23+$0xFFFFFF80] =	vst v1  }
0x28f: {  	v1 =	vld [tilespmem:s14+$0xFFFFFF90];
	_ =	sdelay $0x1  }
0x290: {  	[tilespmem:s23+$0x10] =	vst v2  }
0x291: {  	v2 =	vld.idx.msk [tilespmem:v3+s3+$0x0], $0xffff  }
0x292: {  	v3 =	vor.u32 $0x2, v0  }
0x293: {  	v1 =	vshll.u32 v1, $0x2;
	_ =	sdelay $0x2  }
0x294: {  	[tilespmem:s23+$0x90] =	vst v2  }
0x295: {  	v2 =	vld.idx.msk [tilespmem:v3+s3+$0x0], $0xffff  }
0x296: {  	v0 =	vor.u32 $0x3, v0;
	v3 =	vld.idx.msk [tilespmem:v1+s3+$0x0], $0xffff  }
0x297: {  	v4 =	vor.u32 $0x1, v1;
	_ =	sdelay $0x2  }
0x298: {  	[tilespmem:s23+$0x110] =	vst v2  }
0x299: {  	[tilespmem:s23+$0xFFFFFE10] =	vst v3;
	v0 =	vld.idx.msk [tilespmem:v0+s3+$0x0], $0xffff  }
0x29a: {  	v2 =	vld.idx.msk [tilespmem:v4+s3+$0x0], $0xffff  }
0x29b: {  	v3 =	vor.u32 $0x2, v1;
	_ =	sdelay $0x2  }
0x29c: {  	[tilespmem:s23+$0x190] =	vst v0  }
0x29d: {  	[tilespmem:s23+$0xFFFFFE90] =	vst v2;
	v0 =	vld [tilespmem:s14+$0x20]  }
0x29e: {  	v2 =	vld.idx.msk [tilespmem:v3+s3+$0x0], $0xffff  }
0x29f: {  	v1 =	vor.u32 $0x3, v1  }
0x2a0: {  	s31 =	simm.s32 $0x2380  }
0x2a1: {  	v3 =	vld [tilespmem:s31+$0x0]  }
0x2a2: {  	v4 =	vld [tilespmem:s31+$0xFFFFFF80];
	v0 =	vshll.u32 v0, $0x2  }
0x2a3: {  	[tilespmem:s23+$0xFFFFFF10] =	vst v2  }
0x2a4: {  	v1 =	vld.idx.msk [tilespmem:v1+s3+$0x0], $0xffff;
	_ =	sdelay $0x1  }
0x2a5: {  	v2 =	vshll.u32 v3, $0x2  }
0x2a6: {  	v3 =	vshll.u32 v4, $0x2;
	v4 =	vld.idx.msk [tilespmem:v0+s3+$0x0], $0xffff  }
0x2a7: {  	v5 =	vor.u32 $0x1, v0  }
0x2a8: {  	[tilespmem:s23+$0xFFFFFF90] =	vst v1  }
0x2a9: {  	v1 =	vld [tilespmem:s14+$0xFFFFFFA0]  }
0x2aa: {  	v6 =	vld.idx.msk [tilespmem:v2+s3+$0x0], $0xffff  }
0x2ab: {  	v8 =	vor.u32 $0x1, v2;
	v7 =	vld.idx.msk [tilespmem:v3+s3+$0x0], $0xffff;
	[tilespmem:s23+$0x20] =	vst v4  }
0x2ac: {  	v4 =	vor.u32 $0x1, v3;
	v5 =	vld.idx.msk [tilespmem:v5+s3+$0x0], $0xffff  }
0x2ad: {  	v9 =	vor.u32 $0x2, v0  }
0x2ae: {  	s24 =	simm.s32 $0xC800;
	v1 =	vshll.u32 v1, $0x2  }
0x2af: {  	[tilespmem:s24+$0x0] =	vst v6  }
0x2b0: {  	[tilespmem:s24+$0xFFFFFE00] =	vst v7;
	v6 =	vld.idx.msk [tilespmem:v8+s3+$0x0], $0xffff  }
0x2b1: {  	v7 =	vor.u32 $0x2, v2;
	v4 =	vld.idx.msk [tilespmem:v4+s3+$0x0], $0xffff;
	[tilespmem:s23+$0xA0] =	vst v5  }
0x2b2: {  	v5 =	vor.u32 $0x2, v3;
	v8 =	vld.idx.msk [tilespmem:v9+s3+$0x0], $0xffff  }
0x2b3: {  	v0 =	vor.u32 $0x3, v0;
	v9 =	vld.idx.msk [tilespmem:v1+s3+$0x0], $0xffff  }
0x2b4: {  	v10 =	vor.u32 $0x1, v1  }
0x2b5: {  	[tilespmem:s24+$0x80] =	vst v6  }
0x2b6: {  	[tilespmem:s24+$0xFFFFFE80] =	vst v4;
	v4 =	vld.idx.msk [tilespmem:v7+s3+$0x0], $0xffff  }
0x2b7: {  	v2 =	vor.u32 $0x3, v2;
	v5 =	vld.idx.msk [tilespmem:v5+s3+$0x0], $0xffff;
	[tilespmem:s23+$0x120] =	vst v8  }
0x2b8: {  	v3 =	vor.u32 $0x3, v3;
	[tilespmem:s23+$0xFFFFFE20] =	vst v9;
	v0 =	vld.idx.msk [tilespmem:v0+s3+$0x0], $0xffff  }
0x2b9: {  	v6 =	vld.idx.msk [tilespmem:v10+s3+$0x0], $0xffff  }
0x2ba: {  	v7 =	vor.u32 $0x2, v1  }
0x2bb: {  	[tilespmem:s24+$0x100] =	vst v4  }
0x2bc: {  	[tilespmem:s24+$0xFFFFFF00] =	vst v5;
	v2 =	vld.idx.msk [tilespmem:v2+s3+$0x0], $0xffff  }
0x2bd: {  	v3 =	vld.idx.msk [tilespmem:v3+s3+$0x0], $0xffff;
	[tilespmem:s23+$0x1A0] =	vst v0  }
0x2be: {  	[tilespmem:s23+$0xFFFFFEA0] =	vst v6;
	v0 =	vld [tilespmem:s14+$0x30]  }
0x2bf: {  	v4 =	vld.idx.msk [tilespmem:v7+s3+$0x0], $0xffff  }
0x2c0: {  	v1 =	vor.u32 $0x3, v1  }
0x2c1: {  	[tilespmem:s24+$0x180] =	vst v2  }
0x2c2: {  	[tilespmem:s24+$0xFFFFFF80] =	vst v3;
	v2 =	vld [tilespmem:s31+$0x10]  }
0x2c3: {  	v3 =	vld [tilespmem:s31+$0xFFFFFF90];
	v0 =	vshll.u32 v0, $0x2  }
0x2c4: {  	[tilespmem:s23+$0xFFFFFF20] =	vst v4  }
0x2c5: {  	v1 =	vld.idx.msk [tilespmem:v1+s3+$0x0], $0xffff;
	_ =	sdelay $0x1  }
0x2c6: {  	v2 =	vshll.u32 v2, $0x2  }
0x2c7: {  	v3 =	vshll.u32 v3, $0x2;
	v4 =	vld.idx.msk [tilespmem:v0+s3+$0x0], $0xffff  }
0x2c8: {  	v5 =	vor.u32 $0x1, v0  }
0x2c9: {  	[tilespmem:s23+$0xFFFFFFA0] =	vst v1  }
0x2ca: {  	v1 =	vld [tilespmem:s14+$0xFFFFFFB0]  }
0x2cb: {  	v6 =	vld.idx.msk [tilespmem:v2+s3+$0x0], $0xffff  }
0x2cc: {  	v8 =	vor.u32 $0x1, v2;
	v7 =	vld.idx.msk [tilespmem:v3+s3+$0x0], $0xffff;
	[tilespmem:s23+$0x30] =	vst v4  }
0x2cd: {  	v4 =	vor.u32 $0x1, v3;
	v5 =	vld.idx.msk [tilespmem:v5+s3+$0x0], $0xffff  }
0x2ce: {  	v9 =	vor.u32 $0x2, v0  }
0x2cf: {  	v1 =	vshll.u32 v1, $0x2  }
0x2d0: {  	[tilespmem:s24+$0x10] =	vst v6  }
0x2d1: {  	[tilespmem:s24+$0xFFFFFE10] =	vst v7;
	v6 =	vld.idx.msk [tilespmem:v8+s3+$0x0], $0xffff  }
0x2d2: {  	v7 =	vor.u32 $0x2, v2;
	v4 =	vld.idx.msk [tilespmem:v4+s3+$0x0], $0xffff;
	[tilespmem:s23+$0xB0] =	vst v5  }
0x2d3: {  	v5 =	vor.u32 $0x2, v3;
	v8 =	vld.idx.msk [tilespmem:v9+s3+$0x0], $0xffff  }
0x2d4: {  	v0 =	vor.u32 $0x3, v0;
	v9 =	vld.idx.msk [tilespmem:v1+s3+$0x0], $0xffff  }
0x2d5: {  	v10 =	vor.u32 $0x1, v1  }
0x2d6: {  	[tilespmem:s24+$0x90] =	vst v6  }
0x2d7: {  	[tilespmem:s24+$0xFFFFFE90] =	vst v4;
	v4 =	vld.idx.msk [tilespmem:v7+s3+$0x0], $0xffff  }
0x2d8: {  	v2 =	vor.u32 $0x3, v2;
	v5 =	vld.idx.msk [tilespmem:v5+s3+$0x0], $0xffff;
	[tilespmem:s23+$0x130] =	vst v8  }
0x2d9: {  	v3 =	vor.u32 $0x3, v3;
	[tilespmem:s23+$0xFFFFFE30] =	vst v9;
	v0 =	vld.idx.msk [tilespmem:v0+s3+$0x0], $0xffff  }
0x2da: {  	v6 =	vld.idx.msk [tilespmem:v10+s3+$0x0], $0xffff  }
0x2db: {  	v7 =	vor.u32 $0x2, v1  }
0x2dc: {  	[tilespmem:s24+$0x110] =	vst v4  }
0x2dd: {  	[tilespmem:s24+$0xFFFFFF10] =	vst v5;
	v2 =	vld.idx.msk [tilespmem:v2+s3+$0x0], $0xffff  }
0x2de: {  	v3 =	vld.idx.msk [tilespmem:v3+s3+$0x0], $0xffff;
	[tilespmem:s23+$0x1B0] =	vst v0  }
0x2df: {  	[tilespmem:s23+$0xFFFFFEB0] =	vst v6;
	v0 =	vld [tilespmem:s14+$0x40]  }
0x2e0: {  	v4 =	vld.idx.msk [tilespmem:v7+s3+$0x0], $0xffff  }
0x2e1: {  	v1 =	vor.u32 $0x3, v1  }
0x2e2: {  	[tilespmem:s24+$0x190] =	vst v2  }
0x2e3: {  	[tilespmem:s24+$0xFFFFFF90] =	vst v3;
	v2 =	vld [tilespmem:s31+$0x20]  }
0x2e4: {  	v3 =	vld [tilespmem:s31+$0xFFFFFFA0];
	v0 =	vshll.u32 v0, $0x2  }
0x2e5: {  	[tilespmem:s23+$0xFFFFFF30] =	vst v4  }
0x2e6: {  	s26 =	simm.s32 $0x2480;
	v1 =	vld.idx.msk [tilespmem:v1+s3+$0x0], $0xffff  }
0x2e7: {  	v4 =	vld [tilespmem:s26+$0x0]  }
0x2e8: {  	v5 =	vld [tilespmem:s26+$0xFFFFFF80];
	v2 =	vshll.u32 v2, $0x2  }
0x2e9: {  	v3 =	vshll.u32 v3, $0x2;
	v6 =	vld.idx.msk [tilespmem:v0+s3+$0x0], $0xffff  }
0x2ea: {  	v7 =	vor.u32 $0x1, v0  }
0x2eb: {  	[tilespmem:s23+$0xFFFFFFB0] =	vst v1  }
0x2ec: {  	v4 =	vshll.u32 v4, $0x2;
	v1 =	vld [tilespmem:s14+$0xFFFFFFC0]  }
0x2ed: {  	v5 =	vshll.u32 v5, $0x2;
	v8 =	vld.idx.msk [tilespmem:v2+s3+$0x0], $0xffff  }
0x2ee: {  	v10 =	vor.u32 $0x1, v2;
	v9 =	vld.idx.msk [tilespmem:v3+s3+$0x0], $0xffff;
	[tilespmem:s23+$0x40] =	vst v6  }
0x2ef: {  	v6 =	vor.u32 $0x1, v3;
	v7 =	vld.idx.msk [tilespmem:v7+s3+$0x0], $0xffff  }
0x2f0: {  	v11 =	vor.u32 $0x2, v0  }
0x2f1: {  	v12 =	vld.idx.msk [tilespmem:v4+s3+$0x0], $0xffff;
	v1 =	vshll.u32 v1, $0x2  }
0x2f2: {  	v13 =	vld.idx.msk [tilespmem:v5+s3+$0x0], $0xffff;
	v14 =	vor.u32 $0x1, v4;
	[tilespmem:s24+$0x20] =	vst v8  }
0x2f3: {  	v8 =	vor.u32 $0x1, v5;
	[tilespmem:s24+$0xFFFFFE20] =	vst v9;
	v9 =	vld.idx.msk [tilespmem:v10+s3+$0x0], $0xffff  }
0x2f4: {  	v10 =	vor.u32 $0x2, v2;
	v6 =	vld.idx.msk [tilespmem:v6+s3+$0x0], $0xffff;
	[tilespmem:s23+$0xC0] =	vst v7  }
0x2f5: {  	s25 =	simm.s32 $0xCC00;
	v7 =	vor.u32 $0x2, v3;
	v11 =	vld.idx.msk [tilespmem:v11+s3+$0x0], $0xffff  }
0x2f6: {  	v0 =	vor.u32 $0x3, v0;
	[tilespmem:s25+$0x0] =	vst v12;
	v15 =	vld.idx.msk [tilespmem:v1+s3+$0x0], $0xffff  }
0x2f7: {  	[tilespmem:s25+$0xFFFFFE00] =	vst v13;
	v12 =	vor.u32 $0x1, v1;
	v13 =	vld.idx.msk [tilespmem:v14+s3+$0x0], $0xffff  }
0x2f8: {  	v14 =	vor.u32 $0x2, v4;
	v8 =	vld.idx.msk [tilespmem:v8+s3+$0x0], $0xffff;
	[tilespmem:s24+$0xA0] =	vst v9  }
0x2f9: {  	v9 =	vor.u32 $0x2, v5;
	[tilespmem:s24+$0xFFFFFEA0] =	vst v6;
	v6 =	vld.idx.msk [tilespmem:v10+s3+$0x0], $0xffff  }
0x2fa: {  	v2 =	vor.u32 $0x3, v2;
	v7 =	vld.idx.msk [tilespmem:v7+s3+$0x0], $0xffff;
	[tilespmem:s23+$0x140] =	vst v11  }
0x2fb: {  	v3 =	vor.u32 $0x3, v3;
	[tilespmem:s23+$0xFFFFFE40] =	vst v15;
	v0 =	vld.idx.msk [tilespmem:v0+s3+$0x0], $0xffff  }
0x2fc: {  	[tilespmem:s25+$0x80] =	vst v13;
	v10 =	vld.idx.msk [tilespmem:v12+s3+$0x0], $0xffff  }
0x2fd: {  	v11 =	vor.u32 $0x2, v1;
	[tilespmem:s25+$0xFFFFFE80] =	vst v8;
	v8 =	vld.idx.msk [tilespmem:v14+s3+$0x0], $0xffff  }
0x2fe: {  	v4 =	vor.u32 $0x3, v4;
	v9 =	vld.idx.msk [tilespmem:v9+s3+$0x0], $0xffff;
	[tilespmem:s24+$0x120] =	vst v6  }
0x2ff: {  	v5 =	vor.u32 $0x3, v5;
	[tilespmem:s24+$0xFFFFFF20] =	vst v7;
	v2 =	vld.idx.msk [tilespmem:v2+s3+$0x0], $0xffff  }
0x300: {  	v3 =	vld.idx.msk [tilespmem:v3+s3+$0x0], $0xffff;
	[tilespmem:s23+$0x1C0] =	vst v0  }
0x301: {  	[tilespmem:s23+$0xFFFFFEC0] =	vst v10;
	v0 =	vld [tilespmem:s14+$0x50]  }
0x302: {  	[tilespmem:s25+$0x100] =	vst v8;
	v6 =	vld.idx.msk [tilespmem:v11+s3+$0x0], $0xffff  }
0x303: {  	v1 =	vor.u32 $0x3, v1;
	[tilespmem:s25+$0xFFFFFF00] =	vst v9;
	v4 =	vld.idx.msk [tilespmem:v4+s3+$0x0], $0xffff  }
0x304: {  	v5 =	vld.idx.msk [tilespmem:v5+s3+$0x0], $0xffff;
	[tilespmem:s24+$0x1A0] =	vst v2  }
0x305: {  	[tilespmem:s24+$0xFFFFFFA0] =	vst v3;
	v2 =	vld [tilespmem:s31+$0x30]  }
0x306: {  	v3 =	vld [tilespmem:s31+$0xFFFFFFB0];
	v0 =	vshll.u32 v0, $0x2  }
0x307: {  	[tilespmem:s23+$0xFFFFFF40] =	vst v6  }
0x308: {  	[tilespmem:s25+$0x180] =	vst v4;
	v1 =	vld.idx.msk [tilespmem:v1+s3+$0x0], $0xffff  }
0x309: {  	[tilespmem:s25+$0xFFFFFF80] =	vst v5;
	v4 =	vld [tilespmem:s26+$0x10]  }
0x30a: {  	v5 =	vld [tilespmem:s26+$0xFFFFFF90];
	v2 =	vshll.u32 v2, $0x2  }
0x30b: {  	v3 =	vshll.u32 v3, $0x2;
	v6 =	vld.idx.msk [tilespmem:v0+s3+$0x0], $0xffff  }
0x30c: {  	v7 =	vor.u32 $0x1, v0  }
0x30d: {  	[tilespmem:s23+$0xFFFFFFC0] =	vst v1  }
0x30e: {  	v4 =	vshll.u32 v4, $0x2;
	v1 =	vld [tilespmem:s14+$0xFFFFFFD0]  }
0x30f: {  	v5 =	vshll.u32 v5, $0x2;
	v8 =	vld.idx.msk [tilespmem:v2+s3+$0x0], $0xffff  }
0x310: {  	v10 =	vor.u32 $0x1, v2;
	v9 =	vld.idx.msk [tilespmem:v3+s3+$0x0], $0xffff;
	[tilespmem:s23+$0x50] =	vst v6  }
0x311: {  	v6 =	vor.u32 $0x1, v3;
	v7 =	vld.idx.msk [tilespmem:v7+s3+$0x0], $0xffff  }
0x312: {  	v11 =	vor.u32 $0x2, v0  }
0x313: {  	v12 =	vld.idx.msk [tilespmem:v4+s3+$0x0], $0xffff;
	v1 =	vshll.u32 v1, $0x2  }
0x314: {  	v14 =	vor.u32 $0x1, v4;
	v13 =	vld.idx.msk [tilespmem:v5+s3+$0x0], $0xffff;
	[tilespmem:s24+$0x30] =	vst v8  }
0x315: {  	v8 =	vor.u32 $0x1, v5;
	[tilespmem:s24+$0xFFFFFE30] =	vst v9;
	v9 =	vld.idx.msk [tilespmem:v10+s3+$0x0], $0xffff  }
0x316: {  	v10 =	vor.u32 $0x2, v2;
	v6 =	vld.idx.msk [tilespmem:v6+s3+$0x0], $0xffff;
	[tilespmem:s23+$0xD0] =	vst v7  }
0x317: {  	v7 =	vor.u32 $0x2, v3;
	v11 =	vld.idx.msk [tilespmem:v11+s3+$0x0], $0xffff  }
0x318: {  	v0 =	vor.u32 $0x3, v0;
	[tilespmem:s25+$0x10] =	vst v12;
	v15 =	vld.idx.msk [tilespmem:v1+s3+$0x0], $0xffff  }
0x319: {  	v12 =	vor.u32 $0x1, v1;
	[tilespmem:s25+$0xFFFFFE10] =	vst v13;
	v13 =	vld.idx.msk [tilespmem:v14+s3+$0x0], $0xffff  }
0x31a: {  	v14 =	vor.u32 $0x2, v4;
	v8 =	vld.idx.msk [tilespmem:v8+s3+$0x0], $0xffff;
	[tilespmem:s24+$0xB0] =	vst v9  }
0x31b: {  	v9 =	vor.u32 $0x2, v5;
	[tilespmem:s24+$0xFFFFFEB0] =	vst v6;
	v6 =	vld.idx.msk [tilespmem:v10+s3+$0x0], $0xffff  }
0x31c: {  	v2 =	vor.u32 $0x3, v2;
	v7 =	vld.idx.msk [tilespmem:v7+s3+$0x0], $0xffff;
	[tilespmem:s23+$0x150] =	vst v11  }
0x31d: {  	v3 =	vor.u32 $0x3, v3;
	[tilespmem:s23+$0xFFFFFE50] =	vst v15;
	v0 =	vld.idx.msk [tilespmem:v0+s3+$0x0], $0xffff  }
0x31e: {  	[tilespmem:s25+$0x90] =	vst v13;
	v10 =	vld.idx.msk [tilespmem:v12+s3+$0x0], $0xffff  }
0x31f: {  	v11 =	vor.u32 $0x2, v1;
	[tilespmem:s25+$0xFFFFFE90] =	vst v8;
	v8 =	vld.idx.msk [tilespmem:v14+s3+$0x0], $0xffff  }
0x320: {  	v4 =	vor.u32 $0x3, v4;
	v9 =	vld.idx.msk [tilespmem:v9+s3+$0x0], $0xffff;
	[tilespmem:s24+$0x130] =	vst v6  }
0x321: {  	v5 =	vor.u32 $0x3, v5;
	[tilespmem:s24+$0xFFFFFF30] =	vst v7;
	v2 =	vld.idx.msk [tilespmem:v2+s3+$0x0], $0xffff  }
0x322: {  	v3 =	vld.idx.msk [tilespmem:v3+s3+$0x0], $0xffff;
	[tilespmem:s23+$0x1D0] =	vst v0  }
0x323: {  	[tilespmem:s23+$0xFFFFFED0] =	vst v10;
	v0 =	vld [tilespmem:s14+$0x60]  }
0x324: {  	[tilespmem:s25+$0x110] =	vst v8;
	v6 =	vld.idx.msk [tilespmem:v11+s3+$0x0], $0xffff  }
0x325: {  	v1 =	vor.u32 $0x3, v1;
	[tilespmem:s25+$0xFFFFFF10] =	vst v9;
	v4 =	vld.idx.msk [tilespmem:v4+s3+$0x0], $0xffff  }
0x326: {  	v5 =	vld.idx.msk [tilespmem:v5+s3+$0x0], $0xffff;
	[tilespmem:s24+$0x1B0] =	vst v2  }
0x327: {  	v2 =	vld [tilespmem:s31+$0x40]  }
0x328: {  	[tilespmem:s24+$0xFFFFFFB0] =	vst v3  }
0x329: {  	v3 =	vld [tilespmem:s31+$0xFFFFFFC0];
	v0 =	vshll.u32 v0, $0x2;
	[tilespmem:s23+$0xFFFFFF50] =	vst v6  }
0x32a: {  	[tilespmem:s25+$0x190] =	vst v4;
	v1 =	vld.idx.msk [tilespmem:v1+s3+$0x0], $0xffff  }
0x32b: {  	[tilespmem:s25+$0xFFFFFF90] =	vst v5;
	v4 =	vld [tilespmem:s26+$0x20]  }
0x32c: {  	s29 =	simm.s32 $0x2580;
	v5 =	vld [tilespmem:s26+$0xFFFFFFA0];
	v2 =	vshll.u32 v2, $0x2  }
0x32d: {  	v7 =	vld [tilespmem:s29+$0x0]  }
0x32e: {  	v3 =	vshll.u32 v3, $0x2;
	v6 =	vld.idx.msk [tilespmem:v0+s3+$0x0], $0xffff  }
0x32f: {  	v9 =	vld [tilespmem:s29+$0xFFFFFF80];
	v8 =	vor.u32 $0x1, v0  }
0x330: {  	v4 =	vshll.u32 v4, $0x2  }
0x331: {  	[tilespmem:s23+$0xFFFFFFD0] =	vst v1;
	v5 =	vshll.u32 v5, $0x2;
	v10 =	vld.idx.msk [tilespmem:v2+s3+$0x0], $0xffff  }
0x332: {  	v11 =	vor.u32 $0x1, v2;
	v12 =	vld [tilespmem:s14+$0xFFFFFFE0]  }
0x333: {  	v1 =	vld.idx.msk [tilespmem:v3+s3+$0x0], $0xffff;
	[tilespmem:s23+$0x60] =	vst v6;
	v6 =	vshll.u32 v7, $0x2  }
0x334: {  	v7 =	vld.idx.msk [tilespmem:v8+s3+$0x0], $0xffff;
	v8 =	vshll.u32 v9, $0x2  }
0x335: {  	v13 =	vor.u32 $0x2, v0;
	v9 =	vld.idx.msk [tilespmem:v4+s3+$0x0], $0xffff  }
0x336: {  	v15 =	vor.u32 $0x1, v4;
	v14 =	vld.idx.msk [tilespmem:v5+s3+$0x0], $0xffff;
	[tilespmem:s24+$0x40] =	vst v10  }
0x337: {  	v29 =	vor.u32 $0x1, v3;
	v11 =	vld.idx.msk [tilespmem:v11+s3+$0x0], $0xffff  }
0x338: {  	v10 =	vor.u32 $0x1, v5;
	[tilespmem:s24+$0xFFFFFE40] =	vst v1;
	v30 =	vld.idx.msk [tilespmem:v6+s3+$0x0], $0xffff  }
0x339: {  	v32 =	vor.u32 $0x2, v2;
	v31 =	vld.idx.msk [tilespmem:v8+s3+$0x0], $0xffff;
	[tilespmem:s23+$0xE0] =	vst v7  }
0x33a: {  	v7 =	vor.u32 $0x1, v6;
	[tilespmem:s25+$0x20] =	vst v9;
	v9 =	vld.idx.msk [tilespmem:v13+s3+$0x0], $0xffff  }
0x33b: {  	v13 =	vor.u32 $0x1, v8;
	[tilespmem:s25+$0xFFFFFE20] =	vst v14;
	v14 =	vld.idx.msk [tilespmem:v15+s3+$0x0], $0xffff  }
0x33c: {  	v0 =	vor.u32 $0x3, v0;
	v15 =	vld.idx.msk [tilespmem:v29+s3+$0x0], $0xffff  }
0x33d: {  	s28 =	simm.s32 $0xD000;
	v1 =	vld.idx.msk [tilespmem:v10+s3+$0x0], $0xffff;
	v10 =	vor.u32 $0x2, v4;
	[tilespmem:s24+$0xC0] =	vst v11  }
0x33e: {  	v11 =	vor.u32 $0x2, v5;
	[tilespmem:s28+$0x0] =	vst v30;
	v33 =	vld.idx.msk [tilespmem:v32+s3+$0x0], $0xffff  }
0x33f: {  	v34 =	vor.u32 $0x2, v3;
	[tilespmem:s28+$0xFFFFFE00] =	vst v31;
	v7 =	vld.idx.msk [tilespmem:v7+s3+$0x0], $0xffff  }
0x340: {  	v2 =	vor.u32 $0x3, v2;
	v13 =	vld.idx.msk [tilespmem:v13+s3+$0x0], $0xffff;
	[tilespmem:s23+$0x160] =	vst v9  }
0x341: {  	v9 =	vor.u32 $0x2, v6;
	[tilespmem:s25+$0xA0] =	vst v14;
	v0 =	vld.idx.msk [tilespmem:v0+s3+$0x0], $0xffff  }
0x342: {  	v14 =	vor.u32 $0x2, v8;
	[tilespmem:s25+$0xFFFFFEA0] =	vst v1;
	v1 =	vld.idx.msk [tilespmem:v10+s3+$0x0], $0xffff  }
0x343: {  	[tilespmem:s24+$0xFFFFFEC0] =	vst v15;
	v10 =	vld.idx.msk [tilespmem:v11+s3+$0x0], $0xffff  }
0x344: {  	v4 =	vor.u32 $0x3, v4;
	v11 =	vld.idx.msk [tilespmem:v34+s3+$0x0], $0xffff;
	[tilespmem:s24+$0x140] =	vst v33  }
0x345: {  	v5 =	vor.u32 $0x3, v5;
	[tilespmem:s28+$0x80] =	vst v7;
	v2 =	vld.idx.msk [tilespmem:v2+s3+$0x0], $0xffff  }
0x346: {  	v3 =	vor.u32 $0x3, v3;
	[tilespmem:s28+$0xFFFFFE80] =	vst v13;
	v7 =	vld.idx.msk [tilespmem:v9+s3+$0x0], $0xffff  }
0x347: {  	v9 =	vld.idx.msk [tilespmem:v14+s3+$0x0], $0xffff;
	[tilespmem:s23+$0x1E0] =	vst v0  }
0x348: {  	v0 =	vor.u32 $0x3, v6;
	[tilespmem:s25+$0x120] =	vst v1;
	v1 =	vld [tilespmem:s14+$0x70]  }
0x349: {  	v6 =	vor.u32 $0x3, v8;
	[tilespmem:s25+$0xFFFFFF20] =	vst v10;
	v4 =	vld.idx.msk [tilespmem:v4+s3+$0x0], $0xffff  }
0x34a: {  	v8 =	vshll.u32 v12, $0x2;
	[tilespmem:s24+$0xFFFFFF40] =	vst v11;
	v5 =	vld.idx.msk [tilespmem:v5+s3+$0x0], $0xffff  }
0x34b: {  	v3 =	vld.idx.msk [tilespmem:v3+s3+$0x0], $0xffff;
	[tilespmem:s24+$0x1C0] =	vst v2  }
0x34c: {  	[tilespmem:s28+$0x100] =	vst v7;
	v2 =	vld [tilespmem:s31+$0x50]  }
0x34d: {  	[tilespmem:s28+$0xFFFFFF00] =	vst v9;
	v0 =	vld.idx.msk [tilespmem:v0+s3+$0x0], $0xffff  }
0x34e: {  	v1 =	vshll.u32 v1, $0x2;
	v6 =	vld.idx.msk [tilespmem:v6+s3+$0x0], $0xffff  }
0x34f: {  	[tilespmem:s25+$0x1A0] =	vst v4;
	v4 =	vld.idx.msk [tilespmem:v8+s3+$0x0], $0xffff  }
0x350: {  	[tilespmem:s25+$0xFFFFFFA0] =	vst v5;
	v5 =	vld [tilespmem:s26+$0x30]  }
0x351: {  	[tilespmem:s24+$0xFFFFFFC0] =	vst v3;
	v7 =	vld [tilespmem:s26+$0xFFFFFFB0]  }
0x352: {  	v12 =	vld [tilespmem:s31+$0xFFFFFFD0];
	v2 =	vshll.u32 v2, $0x2  }
0x353: {  	[tilespmem:s28+$0x180] =	vst v0;
	v0 =	vor.u32 $0x1, v8;
	v9 =	vld.idx.msk [tilespmem:v1+s3+$0x0], $0xffff  }
0x354: {  	v10 =	vor.u32 $0x1, v1;
	[tilespmem:s28+$0xFFFFFF80] =	vst v6;
	v6 =	vld [tilespmem:s29+$0x10]  }
0x355: {  	v11 =	vld [tilespmem:s29+$0xFFFFFF90];
	v5 =	vshll.u32 v5, $0x2  }
0x356: {  	v3 =	vshll.u32 v7, $0x2  }
0x357: {  	[tilespmem:s23+$0xFFFFFE60] =	vst v4;
	v12 =	vshll.u32 v12, $0x2;
	v7 =	vld.idx.msk [tilespmem:v2+s3+$0x0], $0xffff  }
0x358: {  	v4 =	vor.u32 $0x1, v2;
	v13 =	vld.idx.msk [tilespmem:v0+s3+$0x0], $0xffff;
	[tilespmem:s23+$0x70] =	vst v9  }
0x359: {  	v6 =	vshll.u32 v6, $0x2;
	v0 =	vld.idx.msk [tilespmem:v10+s3+$0x0], $0xffff  }
0x35a: {  	v9 =	vshll.u32 v11, $0x2;
	v10 =	vld.idx.msk [tilespmem:v5+s3+$0x0], $0xffff  }
0x35b: {  	v11 =	vor.u32 $0x2, v1;
	v14 =	vld.idx.msk [tilespmem:v3+s3+$0x0], $0xffff  }
0x35c: {  	v15 =	vor.u32 $0x1, v5;
	v38 =	vld.idx.msk [tilespmem:v12+s3+$0x0], $0xffff;
	[tilespmem:s24+$0x50] =	vst v7  }
0x35d: {  	v7 =	vor.u32 $0x1, v3;
	v4 =	vld.idx.msk [tilespmem:v4+s3+$0x0], $0xffff  }
0x35e: {  	v37 =	vor.u32 $0x2, v2;
	v35 =	vld.idx.msk [tilespmem:v6+s3+$0x0], $0xffff;
	[tilespmem:s23+$0xF0] =	vst v0  }
0x35f: {  	v36 =	vld.idx.msk [tilespmem:v9+s3+$0x0], $0xffff;
	v0 =	vor.u32 $0x1, v6;
	[tilespmem:s25+$0x30] =	vst v10  }
0x360: {  	v10 =	vld.idx.msk [tilespmem:v11+s3+$0x0], $0xffff;
	v11 =	vor.u32 $0x1, v9;
	[tilespmem:s25+$0xFFFFFE30] =	vst v14  }
0x361: {  	v1 =	vor.u32 $0x3, v1;
	v14 =	vld.idx.msk [tilespmem:v15+s3+$0x0], $0xffff;
	[tilespmem:s24+$0xFFFFFE50] =	vst v38  }
0x362: {  	v15 =	vor.u32 $0x2, v5;
	v7 =	vld.idx.msk [tilespmem:v7+s3+$0x0], $0xffff;
	[tilespmem:s24+$0xD0] =	vst v4  }
0x363: {  	v40 =	vor.u32 $0x1, v12;
	[tilespmem:s28+$0x10] =	vst v35;
	v39 =	vld.idx.msk [tilespmem:v37+s3+$0x0], $0xffff  }
0x364: {  	v4 =	vor.u32 $0x2, v3;
	[tilespmem:s28+$0xFFFFFE10] =	vst v36;
	v41 =	vld.idx.msk [tilespmem:v0+s3+$0x0], $0xffff  }
0x365: {  	v2 =	vor.u32 $0x3, v2;
	v11 =	vld.idx.msk [tilespmem:v11+s3+$0x0], $0xffff;
	[tilespmem:s23+$0x170] =	vst v10  }
0x366: {  	v10 =	vor.u32 $0x2, v6;
	[tilespmem:s25+$0xB0] =	vst v14;
	v0 =	vld.idx.msk [tilespmem:v1+s3+$0x0], $0xffff  }
0x367: {  	v1 =	vor.u32 $0x2, v9;
	[tilespmem:s25+$0xFFFFFEB0] =	vst v7;
	v7 =	vld.idx.msk [tilespmem:v15+s3+$0x0], $0xffff  }
0x368: {  	[tilespmem:s23+$0xFFFFFEE0] =	vst v13;
	v14 =	vor.u32 $0x2, v8;
	v15 =	vld.idx.msk [tilespmem:v40+s3+$0x0], $0xffff  }
0x369: {  	v5 =	vor.u32 $0x3, v5;
	v4 =	vld.idx.msk [tilespmem:v4+s3+$0x0], $0xffff;
	[tilespmem:s24+$0x150] =	vst v39  }
0x36a: {  	v3 =	vor.u32 $0x3, v3;
	[tilespmem:s28+$0x90] =	vst v41;
	v2 =	vld.idx.msk [tilespmem:v2+s3+$0x0], $0xffff  }
0x36b: {  	[tilespmem:s28+$0xFFFFFE90] =	vst v11;
	v10 =	vld.idx.msk [tilespmem:v10+s3+$0x0], $0xffff  }
0x36c: {  	v11 =	vor.u32 $0x2, v12;
	v1 =	vld.idx.msk [tilespmem:v1+s3+$0x0], $0xffff;
	[tilespmem:s25+$0x130] =	vst v7  }
0x36d: {  	v6 =	vor.u32 $0x3, v6;
	v7 =	vld.idx.msk [tilespmem:v14+s3+$0x0], $0xffff;
	[tilespmem:s24+$0xFFFFFED0] =	vst v15  }
0x36e: {  	v9 =	vor.u32 $0x3, v9;
	[tilespmem:s25+$0xFFFFFF30] =	vst v4;
	v4 =	vld.idx.msk [tilespmem:v5+s3+$0x0], $0xffff  }
0x36f: {  	v3 =	vld.idx.msk [tilespmem:v3+s3+$0x0], $0xffff;
	[tilespmem:s24+$0x1D0] =	vst v2  }
0x370: {  	v5 =	vor.u32 $0x3, v8;
	v2 =	vld [tilespmem:s31+$0x60];
	[tilespmem:s28+$0x110] =	vst v10  }
0x371: {  	v8 =	vld.idx.msk [tilespmem:v11+s3+$0x0], $0xffff;
	[tilespmem:s28+$0xFFFFFF10] =	vst v1  }
0x372: {  	v10 =	vor.u32 $0x3, v12;
	v1 =	vld.idx.msk [tilespmem:v6+s3+$0x0], $0xffff;
	[tilespmem:s23+$0xFFFFFF60] =	vst v7  }
0x373: {  	v6 =	vld.idx.msk [tilespmem:v9+s3+$0x0], $0xffff;
	[tilespmem:s25+$0x1B0] =	vst v4  }
0x374: {  	[tilespmem:s25+$0xFFFFFFB0] =	vst v3;
	v3 =	vld [tilespmem:s26+$0x40]  }
0x375: {  	v5 =	vld.idx.msk [tilespmem:v5+s3+$0x0], $0xffff  }
0x376: {  	v4 =	vld [tilespmem:s26+$0xFFFFFFC0];
	v2 =	vshll.u32 v2, $0x2;
	[tilespmem:s24+$0xFFFFFF50] =	vst v8  }
0x377: {  	v7 =	vld.idx.msk [tilespmem:v10+s3+$0x0], $0xffff;
	[tilespmem:s28+$0x190] =	vst v1  }
0x378: {  	[tilespmem:s28+$0xFFFFFF90] =	vst v6;
	v1 =	vld [tilespmem:s29+$0x20]  }
0x379: {  	s30 =	simm.s32 $0x2680;
	v6 =	vld [tilespmem:s29+$0xFFFFFFA0];
	v3 =	vshll.u32 v3, $0x2  }
0x37a: {  	v9 =	vld [tilespmem:s30+$0x0]  }
0x37b: {  	v4 =	vshll.u32 v4, $0x2;
	v8 =	vld.idx.msk [tilespmem:v2+s3+$0x0], $0xffff  }
0x37c: {  	v10 =	vld [tilespmem:s30+$0xFFFFFF80];
	[tilespmem:s23+$0xFFFFFFE0] =	vst v5;
	v5 =	vor.u32 $0x1, v2  }
0x37d: {  	v11 =	vld [tilespmem:s14+$0xFFFFFFF0];
	v1 =	vshll.u32 v1, $0x2  }
0x37e: {  	[tilespmem:s24+$0xFFFFFFD0] =	vst v7;
	v6 =	vshll.u32 v6, $0x2;
	v12 =	vld.idx.msk [tilespmem:v3+s3+$0x0], $0xffff  }
0x37f: {  	v13 =	vor.u32 $0x1, v3;
	v14 =	vld [tilespmem:s31+$0xFFFFFFE0]  }
0x380: {  	v7 =	vld.idx.msk [tilespmem:v4+s3+$0x0], $0xffff;
	[tilespmem:s24+$0x60] =	vst v8;
	v8 =	vshll.u32 v9, $0x2  }
0x381: {  	v9 =	vshll.u32 v10, $0x2;
	v5 =	vld.idx.msk [tilespmem:v5+s3+$0x0], $0xffff  }
0x382: {  	v44 =	vor.u32 $0x1, v4;
	v10 =	vld.idx.msk [tilespmem:v1+s3+$0x0], $0xffff  }
0x383: {  	v15 =	vor.u32 $0x2, v2;
	v42 =	vld.idx.msk [tilespmem:v6+s3+$0x0], $0xffff;
	[tilespmem:s25+$0x40] =	vst v12  }
0x384: {  	v43 =	vor.u32 $0x1, v1;
	v13 =	vld.idx.msk [tilespmem:v13+s3+$0x0], $0xffff  }
0x385: {  	v12 =	vor.u32 $0x1, v6;
	v45 =	vld.idx.msk [tilespmem:v8+s3+$0x0], $0xffff  }
0x386: {  	v21 =	vor.u32 $0x2, v3;
	[tilespmem:s25+$0xFFFFFE40] =	vst v7;
	v20 =	vld.idx.msk [tilespmem:v9+s3+$0x0], $0xffff  }
0x387: {  	v47 =	vld.idx.msk [tilespmem:v44+s3+$0x0], $0xffff;
	[tilespmem:s24+$0xE0] =	vst v5;
	v5 =	vor.u32 $0x1, v8  }
0x388: {  	[tilespmem:s28+$0x20] =	vst v10;
	v10 =	vld.idx.msk [tilespmem:v15+s3+$0x0], $0xffff;
	v15 =	vor.u32 $0x1, v9  }
0x389: {  	v2 =	vor.u32 $0x3, v2;
	[tilespmem:s28+$0xFFFFFE20] =	vst v42;
	v46 =	vld.idx.msk [tilespmem:v43+s3+$0x0], $0xffff  }
0x38a: {  	s0 =	simm.s32 $0xD400;
	v7 =	vld.idx.msk [tilespmem:v12+s3+$0x0], $0xffff;
	v12 =	vor.u32 $0x2, v1;
	[tilespmem:s25+$0xC0] =	vst v13  }
0x38b: {  	v13 =	vor.u32 $0x2, v6;
	[tilespmem:s0+$0x0] =	vst v45;
	v48 =	vld.idx.msk [tilespmem:v21+s3+$0x0], $0xffff  }
0x38c: {  	v49 =	vor.u32 $0x2, v4;
	[tilespmem:s0+$0xFFFFFE00] =	vst v20;
	v5 =	vld.idx.msk [tilespmem:v5+s3+$0x0], $0xffff  }
0x38d: {  	v3 =	vor.u32 $0x3, v3;
	v15 =	vld.idx.msk [tilespmem:v15+s3+$0x0], $0xffff;
	[tilespmem:s24+$0x160] =	vst v10  }
0x38e: {  	v10 =	vor.u32 $0x2, v8;
	[tilespmem:s28+$0xA0] =	vst v46;
	v2 =	vld.idx.msk [tilespmem:v2+s3+$0x0], $0xffff  }
0x38f: {  	v50 =	vor.u32 $0x2, v9;
	[tilespmem:s28+$0xFFFFFEA0] =	vst v7;
	v7 =	vld.idx.msk [tilespmem:v12+s3+$0x0], $0xffff  }
0x390: {  	[tilespmem:s25+$0xFFFFFEC0] =	vst v47;
	v12 =	vld.idx.msk [tilespmem:v13+s3+$0x0], $0xffff  }
0x391: {  	v1 =	vor.u32 $0x3, v1;
	v13 =	vld.idx.msk [tilespmem:v49+s3+$0x0], $0xffff;
	[tilespmem:s25+$0x140] =	vst v48  }
0x392: {  	v6 =	vor.u32 $0x3, v6;
	[tilespmem:s0+$0x80] =	vst v5;
	v3 =	vld.idx.msk [tilespmem:v3+s3+$0x0], $0xffff  }
0x393: {  	v4 =	vor.u32 $0x3, v4;
	[tilespmem:s0+$0xFFFFFE80] =	vst v15;
	v5 =	vld.idx.msk [tilespmem:v10+s3+$0x0], $0xffff  }
0x394: {  	v10 =	vld.idx.msk [tilespmem:v50+s3+$0x0], $0xffff;
	[tilespmem:s24+$0x1E0] =	vst v2  }
0x395: {  	v2 =	vor.u32 $0x3, v8;
	[tilespmem:s28+$0x120] =	vst v7;
	v7 =	vld [tilespmem:s31+$0x70]  }
0x396: {  	v8 =	vor.u32 $0x3, v9;
	[tilespmem:s28+$0xFFFFFF20] =	vst v12;
	v1 =	vld.idx.msk [tilespmem:v1+s3+$0x0], $0xffff  }
0x397: {  	v9 =	vshll.u32 v14, $0x2;
	[tilespmem:s25+$0xFFFFFF40] =	vst v13;
	v6 =	vld.idx.msk [tilespmem:v6+s3+$0x0], $0xffff  }
0x398: {  	v4 =	vld.idx.msk [tilespmem:v4+s3+$0x0], $0xffff;
	[tilespmem:s25+$0x1C0] =	vst v3  }
0x399: {  	[tilespmem:s0+$0x100] =	vst v5;
	v3 =	vld [tilespmem:s26+$0x50]  }
0x39a: {  	[tilespmem:s0+$0xFFFFFF00] =	vst v10;
	v2 =	vld.idx.msk [tilespmem:v2+s3+$0x0], $0xffff  }
0x39b: {  	v5 =	vshll.u32 v7, $0x2;
	v7 =	vld.idx.msk [tilespmem:v8+s3+$0x0], $0xffff  }
0x39c: {  	[tilespmem:s28+$0x1A0] =	vst v1;
	v1 =	vld.idx.msk [tilespmem:v9+s3+$0x0], $0xffff  }
0x39d: {  	[tilespmem:s28+$0xFFFFFFA0] =	vst v6;
	v6 =	vld [tilespmem:s29+$0x30]  }
0x39e: {  	v10 =	vor.u32 $0x1, v9;
	[tilespmem:s25+$0xFFFFFFC0] =	vst v4;
	v8 =	vld [tilespmem:s29+$0xFFFFFFB0]  }
0x39f: {  	v3 =	vshll.u32 v3, $0x2;
	v13 =	vld [tilespmem:s26+$0xFFFFFFD0]  }
0x3a0: {  	[tilespmem:s0+$0x180] =	vst v2;
	v2 =	vshll.u32 v11, $0x2;
	v12 =	vld.idx.msk [tilespmem:v5+s3+$0x0], $0xffff  }
0x3a1: {  	v4 =	vor.u32 $0x1, v5;
	[tilespmem:s0+$0xFFFFFF80] =	vst v7;
	v7 =	vld [tilespmem:s30+$0x10]  }
0x3a2: {  	v11 =	vld [tilespmem:s30+$0xFFFFFF90];
	[tilespmem:s24+$0xFFFFFE60] =	vst v1;
	v6 =	vshll.u32 v6, $0x2  }
0x3a3: {  	v10 =	vld.idx.msk [tilespmem:v10+s3+$0x0], $0xffff;
	v1 =	vshll.u32 v8, $0x2  }
0x3a4: {  	v8 =	vld.idx.msk [tilespmem:v3+s3+$0x0], $0xffff;
	v13 =	vshll.u32 v13, $0x2  }
0x3a5: {  	v14 =	vor.u32 $0x1, v3;
	[tilespmem:s24+$0x70] =	vst v12;
	v12 =	vld.idx.msk [tilespmem:v2+s3+$0x0], $0xffff  }
0x3a6: {  	v7 =	vshll.u32 v7, $0x2;
	v4 =	vld.idx.msk [tilespmem:v4+s3+$0x0], $0xffff  }
0x3a7: {  	v11 =	vshll.u32 v11, $0x2;
	v15 =	vld.idx.msk [tilespmem:v6+s3+$0x0], $0xffff  }
0x3a8: {  	v51 =	vor.u32 $0x2, v5;
	v52 =	vld.idx.msk [tilespmem:v1+s3+$0x0], $0xffff  }
0x3a9: {  	v53 =	vor.u32 $0x1, v6;
	[tilespmem:s25+$0x50] =	vst v8;
	v22 =	vld.idx.msk [tilespmem:v13+s3+$0x0], $0xffff  }
0x3aa: {  	v8 =	vor.u32 $0x1, v1;
	v14 =	vld.idx.msk [tilespmem:v14+s3+$0x0], $0xffff  }
0x3ab: {  	v60 =	vor.u32 $0x1, v13;
	v54 =	vld.idx.msk [tilespmem:v7+s3+$0x0], $0xffff  }
0x3ac: {  	v55 =	vor.u32 $0x2, v3;
	v20 =	vld.idx.msk [tilespmem:v11+s3+$0x0], $0xffff;
	[tilespmem:s24+$0xF0] =	vst v4  }
0x3ad: {  	v4 =	vor.u32 $0x1, v7;
	[tilespmem:s28+$0x30] =	vst v15;
	v15 =	vld.idx.msk [tilespmem:v51+s3+$0x0], $0xffff  }
0x3ae: {  	v56 =	vor.u32 $0x1, v11;
	[tilespmem:s28+$0xFFFFFE30] =	vst v52;
	v57 =	vld.idx.msk [tilespmem:v53+s3+$0x0], $0xffff  }
0x3af: {  	v5 =	vor.u32 $0x3, v5;
	[tilespmem:s25+$0xFFFFFE50] =	vst v22;
	v8 =	vld.idx.msk [tilespmem:v8+s3+$0x0], $0xffff  }
0x3b0: {  	v58 =	vor.u32 $0x2, v6;
	[tilespmem:s25+$0xD0] =	vst v14;
	v63 =	vld.idx.msk [tilespmem:v60+s3+$0x0], $0xffff  }
0x3b1: {  	v14 =	vor.u32 $0x2, v1;
	[tilespmem:s0+$0x10] =	vst v54;
	v59 =	vld.idx.msk [tilespmem:v55+s3+$0x0], $0xffff  }
0x3b2: {  	v3 =	vor.u32 $0x3, v3;
	[tilespmem:s0+$0xFFFFFE10] =	vst v20;
	v4 =	vld.idx.msk [tilespmem:v4+s3+$0x0], $0xffff  }
0x3b3: {  	v16 =	vld.idx.msk [tilespmem:v56+s3+$0x0], $0xffff;
	[tilespmem:s24+$0x170] =	vst v15;
	v15 =	vor.u32 $0x2, v7  }
0x3b4: {  	v61 =	vor.u32 $0x2, v11;
	[tilespmem:s28+$0xB0] =	vst v57;
	v5 =	vld.idx.msk [tilespmem:v5+s3+$0x0], $0xffff  }
0x3b5: {  	v62 =	vor.u32 $0x2, v9;
	[tilespmem:s28+$0xFFFFFEB0] =	vst v8;
	v8 =	vld.idx.msk [tilespmem:v58+s3+$0x0], $0xffff  }
0x3b6: {  	v6 =	vor.u32 $0x3, v6;
	v14 =	vld.idx.msk [tilespmem:v14+s3+$0x0], $0xffff;
	[tilespmem:s25+$0x150] =	vst v59  }
0x3b7: {  	v1 =	vor.u32 $0x3, v1;
	[tilespmem:s0+$0x90] =	vst v4;
	v3 =	vld.idx.msk [tilespmem:v3+s3+$0x0], $0xffff  }
0x3b8: {  	v4 =	vor.u32 $0x2, v13;
	[tilespmem:s0+$0xFFFFFE90] =	vst v16;
	v15 =	vld.idx.msk [tilespmem:v15+s3+$0x0], $0xffff  }
0x3b9: {  	[tilespmem:s24+$0xFFFFFEE0] =	vst v10;
	v10 =	vld.idx.msk [tilespmem:v61+s3+$0x0], $0xffff  }
0x3ba: {  	v7 =	vor.u32 $0x3, v7;
	[tilespmem:s28+$0x130] =	vst v8;
	v8 =	vld.idx.msk [tilespmem:v62+s3+$0x0], $0xffff  }
0x3bb: {  	v11 =	vor.u32 $0x3, v11;
	[tilespmem:s28+$0xFFFFFF30] =	vst v14;
	v6 =	vld.idx.msk [tilespmem:v6+s3+$0x0], $0xffff  }
0x3bc: {  	v9 =	vor.u32 $0x3, v9;
	[tilespmem:s25+$0xFFFFFED0] =	vst v63;
	v1 =	vld.idx.msk [tilespmem:v1+s3+$0x0], $0xffff  }
0x3bd: {  	v4 =	vld.idx.msk [tilespmem:v4+s3+$0x0], $0xffff;
	[tilespmem:s25+$0x1D0] =	vst v3  }
0x3be: {  	[tilespmem:s0+$0x110] =	vst v15;
	v3 =	vld [tilespmem:s26+$0x60]  }
0x3bf: {  	v13 =	vor.u32 $0x3, v13;
	[tilespmem:s0+$0xFFFFFF10] =	vst v10;
	v7 =	vld.idx.msk [tilespmem:v7+s3+$0x0], $0xffff  }
0x3c0: {  	v10 =	vor.u32 $0x1, v2;
	v11 =	vld.idx.msk [tilespmem:v11+s3+$0x0], $0xffff;
	[tilespmem:s24+$0xFFFFFF60] =	vst v8  }
0x3c1: {  	[tilespmem:s28+$0x1B0] =	vst v6;
	v9 =	vld.idx.msk [tilespmem:v9+s3+$0x0], $0xffff  }
0x3c2: {  	[tilespmem:s28+$0xFFFFFFB0] =	vst v1;
	v8 =	vld [tilespmem:s29+$0x40]  }
0x3c3: {  	[tilespmem:s25+$0xFFFFFF50] =	vst v4;
	v14 =	vld [tilespmem:s29+$0xFFFFFFC0]  }
0x3c4: {  	[tilespmem:s23+$0xFFFFFE70] =	vst v12;
	v3 =	vshll.u32 v3, $0x2;
	v6 =	vld.idx.msk [tilespmem:v13+s3+$0x0], $0xffff  }
0x3c5: {  	[tilespmem:s0+$0x190] =	vst v7;
	v4 =	vld.idx.msk [tilespmem:v10+s3+$0x0], $0xffff  }
0x3c6: {  	[tilespmem:s0+$0xFFFFFF90] =	vst v11;
	v12 =	vld [tilespmem:s30+$0x20]  }
0x3c7: {  	v13 =	vld [tilespmem:s30+$0xFFFFFFA0];
	[tilespmem:s24+$0xFFFFFFE0] =	vst v9;
	v8 =	vshll.u32 v8, $0x2  }
0x3c8: {  	[tilespmem:s23+$0x1F0] =	vst v0;
	v0 =	vor.u32 $0x3, v2;
	v1 =	vor.u32 $0x2, v2;
	v2 =	vld [tilespmem:s31+$0xFFFFFFF0];
	v11 =	vshll.u32 v14, $0x2  }
0x3c9: {  	s1 =	simm.s32 $0x8;
	s2 =	simm.s32 $0x2780;
	[tilespmem:s24+$0x1F0] =	vst v5;
	s31 =	simm.s32 $0xD400;
	v9 =	vld.idx.msk [tilespmem:v3+s3+$0x0], $0xffff;
	v10 =	vor.u32 $0x1, v11;
	v7 =	vor.u32 $0x2, v11;
	v5 =	vor.u32 $0x3, v11  }
.LBB2_4:
0x3ca: {  	v14 =	vld [tilespmem:s2+$0x0];
	s1 =	sadd.s32 $0x2, s1;
	[tilespmem:s25+$0xFFFFFFD0] =	vst v6;
	v6 =	vor.u32 $0x1, v3;
	s14 =	smov.u32 s30;
	s30 =	smov.u32 s2  }
0x3cb: {  	v15 =	vld [tilespmem:s2+$0xFFFFFF80];
	p0 =	slt.u32 s1, $0x3E;
	v12 =	vshll.u32 v12, $0x2;
	[tilespmem:s23+$0xFFFFFEF0] =	vst v4  }
0x3cc: {  	v4 =	vshll.u32 v13, $0x2;
	v13 =	vld.idx.msk [tilespmem:v8+s3+$0x0], $0xffff  }
0x3cd: {  	v16 =	vor.u32 $0x1, v4;
	v17 =	vor.u32 $0x2, v4;
	v18 =	vor.u32 $0x3, v4;
	v19 =	vld.idx.msk [tilespmem:v11+s3+$0x0], $0xffff  }
0x3ce: {  	v20 =	vor.u32 $0x1, v8;
	v21 =	vld [tilespmem:s26+$0xFFFFFFE0];
	[tilespmem:s25+$0x60] =	vst v9;
	v11 =	vshll.u32 v2, $0x2  }
0x3cf: {  	v14 =	vshll.u32 v14, $0x2;
	v22 =	vld.idx.msk [tilespmem:v6+s3+$0x0], $0xffff;
	v2 =	vor.u32 $0x1, v11;
	v6 =	vor.u32 $0x2, v11  }
0x3d0: {  	v9 =	vor.u32 $0x3, v11;
	v15 =	vshll.u32 v15, $0x2;
	v23 =	vld.idx.msk [tilespmem:v12+s3+$0x0], $0xffff  }
0x3d1: {  	v27 =	vor.u32 $0x2, v3;
	v24 =	vor.u32 $0x1, v15;
	v25 =	vor.u32 $0x2, v15;
	v26 =	vld.idx.msk [tilespmem:v4+s3+$0x0], $0xffff  }
0x3d2: {  	v29 =	vor.u32 $0x1, v12;
	v28 =	vor.u32 $0x3, v15;
	[tilespmem:s28+$0x40] =	vst v13;
	v13 =	vld.idx.msk [tilespmem:v1+s3+$0x0], $0xffff;
	v1 =	vmov v6  }
0x3d3: {  	[tilespmem:s28+$0xFFFFFE40] =	vst v19;
	v19 =	vld.idx.msk [tilespmem:v20+s3+$0x0], $0xffff;
	v20 =	vshll.u32 v21, $0x2  }
0x3d4: {  	v21 =	vld.idx.msk [tilespmem:v14+s3+$0x0], $0xffff;
	v30 =	vor.u32 $0x1, v20;
	v6 =	vor.u32 $0x2, v20;
	v4 =	vor.u32 $0x3, v20  }
0x3d5: {  	v31 =	vor.u32 $0x2, v8;
	v15 =	vld.idx.msk [tilespmem:v15+s3+$0x0], $0xffff;
	[tilespmem:s25+$0xE0] =	vst v22  }
0x3d6: {  	v22 =	vor.u32 $0x1, v14;
	[tilespmem:s0+$0x20] =	vst v23;
	v23 =	vld.idx.msk [tilespmem:v27+s3+$0x0], $0xffff  }
0x3d7: {  	[tilespmem:s0+$0xFFFFFE20] =	vst v26;
	v26 =	vld.idx.msk [tilespmem:v29+s3+$0x0], $0xffff  }
0x3d8: {  	v3 =	vor.u32 $0x3, v3;
	v16 =	vld.idx.msk [tilespmem:v16+s3+$0x0], $0xffff;
	[tilespmem:s23+$0xFFFFFF70] =	vst v13  }
0x3d9: {  	s0 =	sadd.s32 $0x400, s0;
	v13 =	vor.u32 $0x2, v12;
	v10 =	vld.idx.msk [tilespmem:v10+s3+$0x0], $0xffff;
	[tilespmem:s28+$0xC0] =	vst v19  }
0x3da: {  	[tilespmem:s0+$0x0] =	vst v21;
	v19 =	vld.idx.msk [tilespmem:v31+s3+$0x0], $0xffff  }
0x3db: {  	[tilespmem:s0+$0xFFFFFE00] =	vst v15;
	v15 =	vld.idx.msk [tilespmem:v22+s3+$0x0], $0xffff  }
0x3dc: {  	v8 =	vor.u32 $0x3, v8;
	v21 =	vld.idx.msk [tilespmem:v24+s3+$0x0], $0xffff;
	[tilespmem:s25+$0x160] =	vst v23  }
0x3dd: {  	v22 =	vor.u32 $0x2, v14;
	[tilespmem:s31+$0xA0] =	vst v26;
	v3 =	vld.idx.msk [tilespmem:v3+s3+$0x0], $0xffff  }
0x3de: {  	[tilespmem:s31+$0xFFFFFEA0] =	vst v16;
	v13 =	vld.idx.msk [tilespmem:v13+s3+$0x0], $0xffff  }
0x3df: {  	v16 =	vld.idx.msk [tilespmem:v17+s3+$0x0], $0xffff;
	[tilespmem:s28+$0xFFFFFEC0] =	vst v10  }
0x3e0: {  	v10 =	vor.u32 $0x3, v12;
	v7 =	vld.idx.msk [tilespmem:v7+s3+$0x0], $0xffff;
	[tilespmem:s28+$0x140] =	vst v19  }
0x3e1: {  	[tilespmem:s0+$0x80] =	vst v15;
	v8 =	vld.idx.msk [tilespmem:v8+s3+$0x0], $0xffff  }
0x3e2: {  	[tilespmem:s0+$0xFFFFFE80] =	vst v21;
	v12 =	vld.idx.msk [tilespmem:v22+s3+$0x0], $0xffff  }
0x3e3: {  	v15 =	vld.idx.msk [tilespmem:v25+s3+$0x0], $0xffff;
	[tilespmem:s25+$0x1E0] =	vst v3  }
0x3e4: {  	v3 =	vor.u32 $0x3, v14;
	[tilespmem:s31+$0x120] =	vst v13;
	v13 =	vld [tilespmem:s26+$0x70]  }
0x3e5: {  	[tilespmem:s31+$0xFFFFFF20] =	vst v16;
	v10 =	vld.idx.msk [tilespmem:v10+s3+$0x0], $0xffff  }
0x3e6: {  	v14 =	vld.idx.msk [tilespmem:v18+s3+$0x0], $0xffff;
	[tilespmem:s28+$0xFFFFFF40] =	vst v7  }
0x3e7: {  	v5 =	vld.idx.msk [tilespmem:v5+s3+$0x0], $0xffff;
	[tilespmem:s28+$0x1C0] =	vst v8  }
0x3e8: {  	[tilespmem:s0+$0x100] =	vst v12;
	v7 =	vld [tilespmem:s29+$0x50]  }
0x3e9: {  	[tilespmem:s0+$0xFFFFFF00] =	vst v15;
	v3 =	vld.idx.msk [tilespmem:v3+s3+$0x0], $0xffff;
	v8 =	vshll.u32 v13, $0x2  }
0x3ea: {  	v12 =	vld.idx.msk [tilespmem:v28+s3+$0x0], $0xffff  }
0x3eb: {  	[tilespmem:s31+$0x1A0] =	vst v10;
	v10 =	vld.idx.msk [tilespmem:v20+s3+$0x0], $0xffff  }
0x3ec: {  	[tilespmem:s31+$0xFFFFFFA0] =	vst v14;
	v13 =	vld [tilespmem:s14+$0x30]  }
0x3ed: {  	v14 =	vld [tilespmem:s14+$0xFFFFFFB0];
	[tilespmem:s28+$0xFFFFFFC0] =	vst v5;
	v5 =	vshll.u32 v7, $0x2  }
0x3ee: {  	v7 =	vld.idx.msk [tilespmem:v8+s3+$0x0], $0xffff  }
0x3ef: {  	[tilespmem:s0+$0x180] =	vst v3;
	v3 =	vld [tilespmem:s29+$0xFFFFFFD0]  }
0x3f0: {  	v15 =	vor.u32 $0x1, v8;
	[tilespmem:s0+$0xFFFFFF80] =	vst v12;
	v12 =	vld [tilespmem:s2+$0x10]  }
0x3f1: {  	v16 =	vld [tilespmem:s2+$0xFFFFFF90];
	v13 =	vshll.u32 v13, $0x2;
	[tilespmem:s25+$0xFFFFFE60] =	vst v10  }
0x3f2: {  	v10 =	vshll.u32 v14, $0x2;
	v14 =	vld.idx.msk [tilespmem:v5+s3+$0x0], $0xffff  }
0x3f3: {  	v17 =	vor.u32 $0x1, v10;
	v18 =	vor.u32 $0x2, v10;
	v19 =	vor.u32 $0x3, v10;
	v20 =	vld.idx.msk [tilespmem:v30+s3+$0x0], $0xffff  }
0x3f4: {  	v21 =	vor.u32 $0x1, v5;
	v3 =	vshll.u32 v3, $0x2;
	[tilespmem:s25+$0x70] =	vst v7;
	v7 =	vld.idx.msk [tilespmem:v11+s3+$0x0], $0xffff  }
0x3f5: {  	v11 =	vshll.u32 v12, $0x2;
	v12 =	vor.u32 $0x1, v3;
	v22 =	vor.u32 $0x2, v3;
	v15 =	vld.idx.msk [tilespmem:v15+s3+$0x0], $0xffff  }
0x3f6: {  	v24 =	vor.u32 $0x3, v3;
	v16 =	vshll.u32 v16, $0x2;
	v23 =	vld.idx.msk [tilespmem:v13+s3+$0x0], $0xffff  }
0x3f7: {  	v27 =	vor.u32 $0x2, v8;
	v25 =	vor.u32 $0x1, v16;
	v26 =	vor.u32 $0x2, v16;
	v10 =	vld.idx.msk [tilespmem:v10+s3+$0x0], $0xffff  }
0x3f8: {  	v29 =	vor.u32 $0x1, v13;
	v28 =	vor.u32 $0x3, v16;
	[tilespmem:s28+$0x50] =	vst v14;
	v14 =	vld.idx.msk [tilespmem:v0+s3+$0x0], $0xffff;
	v0 =	vmov v9  }
0x3f9: {  	v9 =	vld.idx.msk [tilespmem:v21+s3+$0x0], $0xffff;
	[tilespmem:s25+$0xFFFFFEE0] =	vst v20  }
0x3fa: {  	v20 =	vld.idx.msk [tilespmem:v11+s3+$0x0], $0xffff;
	[tilespmem:s24+$0xFFFFFE70] =	vst v7  }
0x3fb: {  	v7 =	vld.idx.msk [tilespmem:v16+s3+$0x0], $0xffff;
	v16 =	vor.u32 $0x2, v5;
	[tilespmem:s25+$0xF0] =	vst v15  }
0x3fc: {  	v15 =	vor.u32 $0x1, v11;
	[tilespmem:s31+$0x30] =	vst v23;
	v21 =	vld.idx.msk [tilespmem:v27+s3+$0x0], $0xffff  }
0x3fd: {  	[tilespmem:s31+$0xFFFFFE30] =	vst v10;
	v10 =	vld.idx.msk [tilespmem:v29+s3+$0x0], $0xffff  }
0x3fe: {  	v8 =	vor.u32 $0x3, v8;
	v17 =	vld.idx.msk [tilespmem:v17+s3+$0x0], $0xffff;
	[tilespmem:s23+$0xFFFFFFF0] =	vst v14;
	s23 =	smov.u32 s24;
	s24 =	smov.u32 s25;
	s25 =	smov.u32 s28  }
0x3ff: {  	v14 =	vor.u32 $0x2, v13;
	s28 =	smov.u32 s31;
	s31 =	smov.u32 s0;
	v3 =	vld.idx.msk [tilespmem:v3+s3+$0x0], $0xffff;
	[tilespmem:s25+$0xD0] =	vst v9  }
0x400: {  	[tilespmem:s0+$0x10] =	vst v20;
	v9 =	vld.idx.msk [tilespmem:v16+s3+$0x0], $0xffff  }
0x401: {  	[tilespmem:s0+$0xFFFFFE10] =	vst v7;
	v7 =	vld.idx.msk [tilespmem:v15+s3+$0x0], $0xffff  }
0x402: {  	v5 =	vor.u32 $0x3, v5;
	v15 =	vld.idx.msk [tilespmem:v25+s3+$0x0], $0xffff;
	[tilespmem:s24+$0x170] =	vst v21  }
0x403: {  	v16 =	vor.u32 $0x2, v11;
	[tilespmem:s28+$0xB0] =	vst v10;
	v8 =	vld.idx.msk [tilespmem:v8+s3+$0x0], $0xffff  }
0x404: {  	[tilespmem:s28+$0xFFFFFEB0] =	vst v17;
	v10 =	vld.idx.msk [tilespmem:v14+s3+$0x0], $0xffff  }
0x405: {  	v14 =	vld.idx.msk [tilespmem:v18+s3+$0x0], $0xffff;
	[tilespmem:s25+$0xFFFFFE50] =	vst v3  }
0x406: {  	v3 =	vor.u32 $0x3, v13;
	v12 =	vld.idx.msk [tilespmem:v12+s3+$0x0], $0xffff;
	[tilespmem:s25+$0x150] =	vst v9  }
0x407: {  	[tilespmem:s0+$0x90] =	vst v7;
	v5 =	vld.idx.msk [tilespmem:v5+s3+$0x0], $0xffff  }
0x408: {  	[tilespmem:s0+$0xFFFFFE90] =	vst v15;
	v7 =	vld.idx.msk [tilespmem:v16+s3+$0x0], $0xffff  }
0x409: {  	v9 =	vld.idx.msk [tilespmem:v26+s3+$0x0], $0xffff;
	[tilespmem:s24+$0x1F0] =	vst v8  }
0x40a: {  	v8 =	vor.u32 $0x3, v11;
	[tilespmem:s28+$0x130] =	vst v10;
	v6 =	vld.idx.msk [tilespmem:v6+s3+$0x0], $0xffff  }
0x40b: {  	[tilespmem:s28+$0xFFFFFF30] =	vst v14;
	v3 =	vld.idx.msk [tilespmem:v3+s3+$0x0], $0xffff  }
0x40c: {  	v10 =	vld.idx.msk [tilespmem:v19+s3+$0x0], $0xffff;
	[tilespmem:s25+$0xFFFFFED0] =	vst v12  }
0x40d: {  	v11 =	vld.idx.msk [tilespmem:v22+s3+$0x0], $0xffff;
	[tilespmem:s25+$0x1D0] =	vst v5  }
0x40e: {  	[tilespmem:s0+$0x110] =	vst v7;
	v5 =	vld [tilespmem:s29+$0x60]  }
0x40f: {  	[tilespmem:s0+$0xFFFFFF10] =	vst v9;
	v7 =	vld.idx.msk [tilespmem:v8+s3+$0x0], $0xffff  }
0x410: {  	v8 =	vld.idx.msk [tilespmem:v28+s3+$0x0], $0xffff;
	[tilespmem:s24+$0xFFFFFF60] =	vst v6  }
0x411: {  	[tilespmem:s28+$0x1B0] =	vst v3;
	v9 =	vld.idx.msk [tilespmem:v4+s3+$0x0], $0xffff  }
0x412: {  	[tilespmem:s28+$0xFFFFFFB0] =	vst v10;
	v10 =	vld [tilespmem:s14+$0x40]  }
0x413: {  	v14 =	vld [tilespmem:s14+$0xFFFFFFC0];
	[tilespmem:s25+$0xFFFFFF50] =	vst v11;
	v3 =	vshll.u32 v5, $0x2  }
0x414: {  	v6 =	vld.idx.msk [tilespmem:v24+s3+$0x0], $0xffff  }
.Ltmp1:
0x415: {  	[tilespmem:s0+$0x190] =	vst v7;
	v4 =	vld.idx.msk [tilespmem:v2+s3+$0x0], $0xffff;
	(pc) =	sbr.rel @p0 .LBB2_4-.Ltmp1, $4  }
0x416: {  	[tilespmem:s0+$0xFFFFFF90] =	vst v8;
	v12 =	vld [tilespmem:s2+$0x20]  }
0x417: {  	v13 =	vld [tilespmem:s2+$0xFFFFFFA0];
	v8 =	vshll.u32 v10, $0x2;
	[tilespmem:s24+$0xFFFFFFE0] =	vst v9  }
0x418: {  	v11 =	vshll.u32 v14, $0x2;
	v9 =	vld.idx.msk [tilespmem:v3+s3+$0x0], $0xffff  }
0x419: {  	s2 =	sadd.s32 $0x100, s2;
	v10 =	vor.u32 $0x1, v11;
	v7 =	vor.u32 $0x2, v11;
	v5 =	vor.u32 $0x3, v11;
	v2 =	vld [tilespmem:s26+$0xFFFFFFF0];
	s26 =	smov.u32 s29;
	s29 =	smov.u32 s14  }
0x41a: {  	_ = 	snop  }
0x41b: {  	v12 =	vshll.u32 v12, $0x2;
	_ =	sdelay $0x1  }
0x41c: {  	v13 =	vshll.u32 v13, $0x2;
	_ =	sdelay $0x2  }
0x41d: {  	v14 =	vld.idx.msk [tilespmem:v12+s3+$0x0], $0xffff  }
0x41e: {  	v15 =	vor.u32 $0x1, v12  }
0x41f: {  	v16 =	vld.idx.msk [tilespmem:v13+s3+$0x0], $0xffff  }
0x420: {  	v17 =	vor.u32 $0x1, v13;
	_ =	sdelay $0x1  }
0x421: {  	[tilespmem:s0+$0x20] =	vst v14  }
0x422: {  	v14 =	vld.idx.msk [tilespmem:v15+s3+$0x0], $0xffff  }
0x423: {  	[tilespmem:s0+$0xFFFFFE20] =	vst v16;
	v15 =	vor.u32 $0x2, v12  }
0x424: {  	v16 =	vld.idx.msk [tilespmem:v17+s3+$0x0], $0xffff  }
0x425: {  	v53 =	vor.u32 $0x2, v13;
	_ =	sdelay $0x1  }
0x426: {  	[tilespmem:s31+$0xA0] =	vst v14  }
0x427: {  	v14 =	vld.idx.msk [tilespmem:v15+s3+$0x0], $0xffff  }
0x428: {  	v12 =	vor.u32 $0x3, v12;
	[tilespmem:s31+$0xFFFFFEA0] =	vst v16  }
0x429: {  	v15 =	vld.idx.msk [tilespmem:v53+s3+$0x0], $0xffff  }
0x42a: {  	v13 =	vor.u32 $0x3, v13;
	_ =	sdelay $0x1  }
0x42b: {  	[tilespmem:s31+$0x120] =	vst v14  }
0x42c: {  	v12 =	vld.idx.msk [tilespmem:v12+s3+$0x0], $0xffff  }
0x42d: {  	[tilespmem:s31+$0xFFFFFF20] =	vst v15  }
0x42e: {  	v13 =	vld.idx.msk [tilespmem:v13+s3+$0x0], $0xffff;
	_ =	sdelay $0x2  }
0x42f: {  	[tilespmem:s31+$0x1A0] =	vst v12  }
0x430: {  	v12 =	vld [tilespmem:s30+$0x30]  }
0x431: {  	[tilespmem:s31+$0xFFFFFFA0] =	vst v13  }
0x432: {  	v13 =	vld [tilespmem:s30+$0xFFFFFFB0];
	_ =	sdelay $0x2  }
0x433: {  	v12 =	vshll.u32 v12, $0x2;
	_ =	sdelay $0x1  }
0x434: {  	v13 =	vshll.u32 v13, $0x2;
	_ =	sdelay $0x2  }
0x435: {  	v14 =	vld.idx.msk [tilespmem:v12+s3+$0x0], $0xffff  }
0x436: {  	v15 =	vor.u32 $0x1, v12  }
0x437: {  	v16 =	vld.idx.msk [tilespmem:v13+s3+$0x0], $0xffff  }
0x438: {  	v54 =	vor.u32 $0x1, v13;
	_ =	sdelay $0x1  }
0x439: {  	[tilespmem:s31+$0x30] =	vst v14  }
0x43a: {  	v14 =	vld.idx.msk [tilespmem:v15+s3+$0x0], $0xffff  }
0x43b: {  	[tilespmem:s31+$0xFFFFFE30] =	vst v16;
	v15 =	vor.u32 $0x2, v12  }
0x43c: {  	v16 =	vld.idx.msk [tilespmem:v54+s3+$0x0], $0xffff  }
0x43d: {  	v55 =	vor.u32 $0x2, v13;
	_ =	sdelay $0x1  }
0x43e: {  	[tilespmem:s31+$0xB0] =	vst v14  }
0x43f: {  	v14 =	vld.idx.msk [tilespmem:v15+s3+$0x0], $0xffff  }
0x440: {  	v12 =	vor.u32 $0x3, v12;
	[tilespmem:s31+$0xFFFFFEB0] =	vst v16  }
0x441: {  	v15 =	vld.idx.msk [tilespmem:v55+s3+$0x0], $0xffff  }
0x442: {  	v13 =	vor.u32 $0x3, v13;
	_ =	sdelay $0x1  }
0x443: {  	[tilespmem:s31+$0x130] =	vst v14  }
0x444: {  	v12 =	vld.idx.msk [tilespmem:v12+s3+$0x0], $0xffff  }
0x445: {  	[tilespmem:s31+$0xFFFFFF30] =	vst v15  }
0x446: {  	v13 =	vld.idx.msk [tilespmem:v13+s3+$0x0], $0xffff;
	_ =	sdelay $0x2  }
0x447: {  	[tilespmem:s31+$0x1B0] =	vst v12  }
0x448: {  	v12 =	vld [tilespmem:s30+$0x40]  }
0x449: {  	[tilespmem:s31+$0xFFFFFFB0] =	vst v13  }
0x44a: {  	v13 =	vld [tilespmem:s30+$0xFFFFFFC0];
	_ =	sdelay $0x2  }
0x44b: {  	v12 =	vshll.u32 v12, $0x2;
	_ =	sdelay $0x1  }
0x44c: {  	v14 =	vld.idx.msk [tilespmem:v8+s3+$0x0], $0xffff;
	v13 =	vshll.u32 v13, $0x2  }
0x44d: {  	v15 =	vor.u32 $0x1, v8;
	_ =	sdelay $0x1  }
0x44e: {  	v56 =	vld.idx.msk [tilespmem:v12+s3+$0x0], $0xffff  }
0x44f: {  	v11 =	vld.idx.msk [tilespmem:v11+s3+$0x0], $0xffff;
	v57 =	vor.u32 $0x1, v12  }
0x450: {  	[tilespmem:s28+$0x40] =	vst v14;
	v18 =	vld.idx.msk [tilespmem:v13+s3+$0x0], $0xffff  }
0x451: {  	v15 =	vld.idx.msk [tilespmem:v15+s3+$0x0], $0xffff;
	v14 =	vor.u32 $0x1, v13  }
0x452: {  	v19 =	vor.u32 $0x2, v8  }
0x453: {  	[tilespmem:s31+$0x40] =	vst v56  }
0x454: {  	[tilespmem:s28+$0xFFFFFE40] =	vst v11;
	v11 =	vld.idx.msk [tilespmem:v57+s3+$0x0], $0xffff  }
0x455: {  	v10 =	vld.idx.msk [tilespmem:v10+s3+$0x0], $0xffff;
	v58 =	vor.u32 $0x2, v12;
	[tilespmem:s31+$0xFFFFFE40] =	vst v18  }
0x456: {  	[tilespmem:s28+$0xC0] =	vst v15;
	v14 =	vld.idx.msk [tilespmem:v14+s3+$0x0], $0xffff  }
0x457: {  	v59 =	vld.idx.msk [tilespmem:v19+s3+$0x0], $0xffff;
	v15 =	vor.u32 $0x2, v13  }
0x458: {  	v8 =	vor.u32 $0x3, v8  }
0x459: {  	[tilespmem:s31+$0xC0] =	vst v11  }
0x45a: {  	[tilespmem:s28+$0xFFFFFEC0] =	vst v10;
	v10 =	vld.idx.msk [tilespmem:v58+s3+$0x0], $0xffff  }
0x45b: {  	v7 =	vld.idx.msk [tilespmem:v7+s3+$0x0], $0xffff;
	v11 =	vor.u32 $0x3, v12;
	[tilespmem:s31+$0xFFFFFEC0] =	vst v14  }
0x45c: {  	[tilespmem:s28+$0x140] =	vst v59;
	v12 =	vld.idx.msk [tilespmem:v15+s3+$0x0], $0xffff  }
0x45d: {  	v13 =	vor.u32 $0x3, v13;
	v8 =	vld.idx.msk [tilespmem:v8+s3+$0x0], $0xffff;
	_ =	sdelay $0x1  }
0x45e: {  	[tilespmem:s31+$0x140] =	vst v10  }
0x45f: {  	[tilespmem:s28+$0xFFFFFF40] =	vst v7;
	v7 =	vld.idx.msk [tilespmem:v11+s3+$0x0], $0xffff  }
0x460: {  	v5 =	vld.idx.msk [tilespmem:v5+s3+$0x0], $0xffff;
	[tilespmem:s31+$0xFFFFFF40] =	vst v12  }
0x461: {  	[tilespmem:s28+$0x1C0] =	vst v8;
	v10 =	vld.idx.msk [tilespmem:v13+s3+$0x0], $0xffff  }
0x462: {  	v8 =	vld [tilespmem:s29+$0x50];
	_ =	sdelay $0x1  }
0x463: {  	[tilespmem:s31+$0x1C0] =	vst v7  }
0x464: {  	[tilespmem:s28+$0xFFFFFFC0] =	vst v5;
	v5 =	vld [tilespmem:s30+$0x50]  }
0x465: {  	v7 =	vld [tilespmem:s29+$0xFFFFFFD0];
	[tilespmem:s31+$0xFFFFFFC0] =	vst v10  }
0x466: {  	v8 =	vshll.u32 v8, $0x2;
	v10 =	vld [tilespmem:s30+$0xFFFFFFD0];
	_ =	sdelay $0x2  }
0x467: {  	v5 =	vshll.u32 v5, $0x2  }
0x468: {  	v7 =	vshll.u32 v7, $0x2  }
0x469: {  	v11 =	vld.idx.msk [tilespmem:v8+s3+$0x0], $0xffff;
	v10 =	vshll.u32 v10, $0x2  }
0x46a: {  	v12 =	vor.u32 $0x1, v8;
	_ =	sdelay $0x1  }
0x46b: {  	v13 =	vld.idx.msk [tilespmem:v5+s3+$0x0], $0xffff  }
0x46c: {  	v15 =	vor.u32 $0x1, v5;
	v14 =	vld.idx.msk [tilespmem:v7+s3+$0x0], $0xffff  }
0x46d: {  	[tilespmem:s28+$0x50] =	vst v11;
	v60 =	vor.u32 $0x1, v7;
	v61 =	vld.idx.msk [tilespmem:v10+s3+$0x0], $0xffff  }
0x46e: {  	v12 =	vld.idx.msk [tilespmem:v12+s3+$0x0], $0xffff;
	v11 =	vor.u32 $0x1, v10  }
0x46f: {  	v62 =	vor.u32 $0x2, v8  }
0x470: {  	[tilespmem:s31+$0x50] =	vst v13  }
0x471: {  	[tilespmem:s28+$0xFFFFFE50] =	vst v14;
	v13 =	vor.u32 $0x1, v3;
	v14 =	vld.idx.msk [tilespmem:v15+s3+$0x0], $0xffff  }
0x472: {  	v63 =	vor.u32 $0x2, v5;
	v15 =	vld.idx.msk [tilespmem:v60+s3+$0x0], $0xffff;
	[tilespmem:s31+$0xFFFFFE50] =	vst v61  }
0x473: {  	v20 =	vor.u32 $0x2, v7;
	[tilespmem:s28+$0xD0] =	vst v12;
	v11 =	vld.idx.msk [tilespmem:v11+s3+$0x0], $0xffff  }
0x474: {  	[tilespmem:s25+$0x60] =	vst v9;
	v9 =	vld.idx.msk [tilespmem:v62+s3+$0x0], $0xffff;
	v12 =	vor.u32 $0x2, v10  }
0x475: {  	v8 =	vor.u32 $0x3, v8  }
0x476: {  	v13 =	vld.idx.msk [tilespmem:v13+s3+$0x0], $0xffff;
	[tilespmem:s31+$0xD0] =	vst v14  }
0x477: {  	v14 =	vor.u32 $0x2, v3;
	[tilespmem:s28+$0xFFFFFED0] =	vst v15;
	v15 =	vld.idx.msk [tilespmem:v63+s3+$0x0], $0xffff  }
0x478: {  	v5 =	vor.u32 $0x3, v5;
	v21 =	vld.idx.msk [tilespmem:v20+s3+$0x0], $0xffff;
	[tilespmem:s31+$0xFFFFFED0] =	vst v11  }
0x479: {  	v7 =	vor.u32 $0x3, v7;
	[tilespmem:s28+$0x150] =	vst v9;
	v11 =	vld.idx.msk [tilespmem:v12+s3+$0x0], $0xffff  }
0x47a: {  	[tilespmem:s25+$0xFFFFFFD0] =	vst v6;
	v9 =	vor.u32 $0x3, v10;
	v8 =	vld.idx.msk [tilespmem:v8+s3+$0x0], $0xffff  }
0x47b: {  	[tilespmem:s25+$0xE0] =	vst v13  }
0x47c: {  	v10 =	vld.idx.msk [tilespmem:v14+s3+$0x0], $0xffff;
	[tilespmem:s31+$0x150] =	vst v15  }
0x47d: {  	v3 =	vor.u32 $0x3, v3;
	[tilespmem:s28+$0xFFFFFF50] =	vst v21;
	v5 =	vld.idx.msk [tilespmem:v5+s3+$0x0], $0xffff  }
0x47e: {  	v7 =	vld.idx.msk [tilespmem:v7+s3+$0x0], $0xffff;
	[tilespmem:s31+$0xFFFFFF50] =	vst v11  }
0x47f: {  	[tilespmem:s28+$0x1D0] =	vst v8;
	v6 =	vld.idx.msk [tilespmem:v9+s3+$0x0], $0xffff  }
0x480: {  	v8 =	vld [tilespmem:s29+$0x60]  }
0x481: {  	v9 =	vld [tilespmem:s26+$0xFFFFFFE0];
	[tilespmem:s25+$0x160] =	vst v10  }
0x482: {  	v3 =	vld.idx.msk [tilespmem:v3+s3+$0x0], $0xffff;
	[tilespmem:s31+$0x1D0] =	vst v5  }
0x483: {  	[tilespmem:s28+$0xFFFFFFD0] =	vst v7;
	v5 =	vld [tilespmem:s30+$0x60]  }
0x484: {  	v7 =	vld [tilespmem:s29+$0xFFFFFFE0];
	[tilespmem:s31+$0xFFFFFFD0] =	vst v6  }
0x485: {  	v8 =	vshll.u32 v8, $0x2;
	v6 =	vld [tilespmem:s30+$0xFFFFFFE0]  }
0x486: {  	v9 =	vshll.u32 v9, $0x2;
	_ =	sdelay $0x1  }
0x487: {  	v5 =	vshll.u32 v5, $0x2  }
0x488: {  	[tilespmem:s25+$0x1E0] =	vst v3;
	v3 =	vshll.u32 v7, $0x2  }
0x489: {  	v10 =	vld.idx.msk [tilespmem:v8+s3+$0x0], $0xffff;
	v6 =	vshll.u32 v6, $0x2  }
0x48a: {  	v12 =	vor.u32 $0x1, v8;
	v11 =	vld.idx.msk [tilespmem:v9+s3+$0x0], $0xffff  }
0x48b: {  	v13 =	vor.u32 $0x1, v9;
	v7 =	vld [tilespmem:s26+$0x70]  }
0x48c: {  	v14 =	vld.idx.msk [tilespmem:v5+s3+$0x0], $0xffff  }
0x48d: {  	[tilespmem:s23+$0xFFFFFEF0] =	vst v4;
	v22 =	vor.u32 $0x1, v5;
	v15 =	vld.idx.msk [tilespmem:v3+s3+$0x0], $0xffff  }
0x48e: {  	[tilespmem:s28+$0x60] =	vst v10;
	v4 =	vor.u32 $0x1, v3;
	v23 =	vld.idx.msk [tilespmem:v6+s3+$0x0], $0xffff  }
0x48f: {  	v10 =	vor.u32 $0x1, v6;
	[tilespmem:s25+$0xFFFFFE60] =	vst v11;
	v11 =	vld.idx.msk [tilespmem:v12+s3+$0x0], $0xffff  }
0x490: {  	v12 =	vld.idx.msk [tilespmem:v13+s3+$0x0], $0xffff;
	v13 =	vor.u32 $0x2, v8  }
0x491: {  	v1 =	vld.idx.msk [tilespmem:v1+s3+$0x0], $0xffff;
	v7 =	vshll.u32 v7, $0x2;
	[tilespmem:s31+$0x60] =	vst v14  }
0x492: {  	v14 =	vor.u32 $0x2, v9;
	[tilespmem:s28+$0xFFFFFE60] =	vst v15;
	v15 =	vld.idx.msk [tilespmem:v22+s3+$0x0], $0xffff  }
0x493: {  	v24 =	vor.u32 $0x2, v5;
	v4 =	vld.idx.msk [tilespmem:v4+s3+$0x0], $0xffff;
	[tilespmem:s31+$0xFFFFFE60] =	vst v23  }
0x494: {  	v25 =	vor.u32 $0x2, v3;
	[tilespmem:s28+$0xE0] =	vst v11;
	v10 =	vld.idx.msk [tilespmem:v10+s3+$0x0], $0xffff  }
0x495: {  	v11 =	vor.u32 $0x2, v6;
	[tilespmem:s25+$0xFFFFFEE0] =	vst v12;
	v12 =	vld.idx.msk [tilespmem:v13+s3+$0x0], $0xffff  }
0x496: {  	v8 =	vor.u32 $0x3, v8;
	v26 =	vld.idx.msk [tilespmem:v7+s3+$0x0], $0xffff  }
0x497: {  	v27 =	vor.u32 $0x1, v7;
	v13 =	vld.idx.msk [tilespmem:v14+s3+$0x0], $0xffff;
	[tilespmem:s31+$0xE0] =	vst v15  }
0x498: {  	v9 =	vor.u32 $0x3, v9;
	[tilespmem:s28+$0xFFFFFEE0] =	vst v4;
	v4 =	vld.idx.msk [tilespmem:v24+s3+$0x0], $0xffff  }
0x499: {  	v5 =	vor.u32 $0x3, v5;
	v14 =	vld.idx.msk [tilespmem:v25+s3+$0x0], $0xffff;
	[tilespmem:s31+$0xFFFFFEE0] =	vst v10  }
0x49a: {  	v3 =	vor.u32 $0x3, v3;
	[tilespmem:s28+$0x160] =	vst v12;
	v10 =	vld.idx.msk [tilespmem:v11+s3+$0x0], $0xffff  }
0x49b: {  	v6 =	vor.u32 $0x3, v6;
	[tilespmem:s25+$0x70] =	vst v26;
	v8 =	vld.idx.msk [tilespmem:v8+s3+$0x0], $0xffff  }
0x49c: {  	v11 =	vld.idx.msk [tilespmem:v27+s3+$0x0], $0xffff;
	[tilespmem:s25+$0xFFFFFF60] =	vst v13  }
0x49d: {  	v12 =	vor.u32 $0x2, v7;
	v9 =	vld.idx.msk [tilespmem:v9+s3+$0x0], $0xffff;
	[tilespmem:s31+$0x160] =	vst v4  }
0x49e: {  	[tilespmem:s28+$0xFFFFFF60] =	vst v14;
	v4 =	vld.idx.msk [tilespmem:v5+s3+$0x0], $0xffff  }
0x49f: {  	v3 =	vld.idx.msk [tilespmem:v3+s3+$0x0], $0xffff;
	[tilespmem:s31+$0xFFFFFF60] =	vst v10  }
0x4a0: {  	[tilespmem:s28+$0x1E0] =	vst v8;
	v5 =	vld.idx.msk [tilespmem:v6+s3+$0x0], $0xffff  }
0x4a1: {  	[tilespmem:s25+$0xF0] =	vst v11;
	v8 =	vld [tilespmem:s29+$0x70]  }
0x4a2: {  	v6 =	vld.idx.msk [tilespmem:v12+s3+$0x0], $0xffff;
	[tilespmem:s25+$0xFFFFFFE0] =	vst v9  }
0x4a3: {  	v9 =	vld [tilespmem:s26+$0xFFFFFFF0];
	[tilespmem:s31+$0x1E0] =	vst v4  }
0x4a4: {  	v2 =	vshll.u32 v2, $0x2;
	[tilespmem:s28+$0xFFFFFFE0] =	vst v3;
	v3 =	vld [tilespmem:s30+$0x70]  }
0x4a5: {  	v4 =	vld [tilespmem:s29+$0xFFFFFFF0];
	[tilespmem:s31+$0xFFFFFFE0] =	vst v5  }
0x4a6: {  	v5 =	vor.u32 $0x3, v7;
	v7 =	vld [tilespmem:s30+$0xFFFFFFF0]  }
0x4a7: {  	v8 =	vshll.u32 v8, $0x2  }
0x4a8: {  	v9 =	vshll.u32 v9, $0x2  }
0x4a9: {  	[tilespmem:s23+$0xFFFFFF70] =	vst v1;
	v1 =	vld.idx.msk [tilespmem:v2+s3+$0x0], $0xffff;
	v3 =	vshll.u32 v3, $0x2  }
0x4aa: {  	v0 =	vld.idx.msk [tilespmem:v0+s3+$0x0], $0xffff;
	[tilespmem:s25+$0x170] =	vst v6;
	v4 =	vshll.u32 v4, $0x2  }
0x4ab: {  	v5 =	vld.idx.msk [tilespmem:v5+s3+$0x0], $0xffff;
	v6 =	vshll.u32 v7, $0x2  }
0x4ac: {  	v10 =	vld.idx.msk [tilespmem:v8+s3+$0x0], $0xffff;
	v7 =	vor.u32 $0x1, v2  }
0x4ad: {  	v11 =	vor.u32 $0x1, v8;
	v12 =	vld.idx.msk [tilespmem:v9+s3+$0x0], $0xffff  }
0x4ae: {  	[tilespmem:s24+$0xFFFFFE70] =	vst v1;
	v1 =	vor.u32 $0x1, v9;
	v13 =	vld.idx.msk [tilespmem:v3+s3+$0x0], $0xffff  }
0x4af: {  	[tilespmem:s23+$0xFFFFFFF0] =	vst v0;
	v0 =	vor.u32 $0x1, v3;
	v14 =	vld.idx.msk [tilespmem:v4+s3+$0x0], $0xffff  }
0x4b0: {  	[tilespmem:s25+$0x1F0] =	vst v5;
	v5 =	vor.u32 $0x1, v4;
	v15 =	vld.idx.msk [tilespmem:v6+s3+$0x0], $0xffff  }
0x4b1: {  	[tilespmem:s28+$0x70] =	vst v10;
	v10 =	vor.u32 $0x1, v6;
	v7 =	vld.idx.msk [tilespmem:v7+s3+$0x0], $0xffff  }
0x4b2: {  	v28 =	vor.u32 $0x2, v2;
	v11 =	vld.idx.msk [tilespmem:v11+s3+$0x0], $0xffff;
	[tilespmem:s25+$0xFFFFFE70] =	vst v12  }
0x4b3: {  	v12 =	vor.u32 $0x2, v8;
	v1 =	vld.idx.msk [tilespmem:v1+s3+$0x0], $0xffff;
	[tilespmem:s31+$0x70] =	vst v13  }
0x4b4: {  	v13 =	vor.u32 $0x2, v9;
	[tilespmem:s28+$0xFFFFFE70] =	vst v14;
	v0 =	vld.idx.msk [tilespmem:v0+s3+$0x0], $0xffff  }
0x4b5: {  	v14 =	vor.u32 $0x2, v3;
	v5 =	vld.idx.msk [tilespmem:v5+s3+$0x0], $0xffff;
	[tilespmem:s31+$0xFFFFFE70] =	vst v15  }
0x4b6: {  	[tilespmem:s24+$0xFFFFFEF0] =	vst v7;
	v7 =	vor.u32 $0x2, v4;
	v10 =	vld.idx.msk [tilespmem:v10+s3+$0x0], $0xffff  }
0x4b7: {  	[tilespmem:s28+$0xF0] =	vst v11;
	v11 =	vor.u32 $0x2, v6;
	v15 =	vld.idx.msk [tilespmem:v28+s3+$0x0], $0xffff  }
0x4b8: {  	v2 =	vor.u32 $0x3, v2;
	v12 =	vld.idx.msk [tilespmem:v12+s3+$0x0], $0xffff;
	[tilespmem:s25+$0xFFFFFEF0] =	vst v1  }
0x4b9: {  	v1 =	vor.u32 $0x3, v8;
	v8 =	vld.idx.msk [tilespmem:v13+s3+$0x0], $0xffff;
	[tilespmem:s31+$0xF0] =	vst v0  }
0x4ba: {  	v0 =	vor.u32 $0x3, v9;
	[tilespmem:s28+$0xFFFFFEF0] =	vst v5;
	v9 =	vld.idx.msk [tilespmem:v14+s3+$0x0], $0xffff  }
0x4bb: {  	v3 =	vor.u32 $0x3, v3;
	v5 =	vld.idx.msk [tilespmem:v7+s3+$0x0], $0xffff;
	[tilespmem:s31+$0xFFFFFEF0] =	vst v10  }
0x4bc: {  	v4 =	vor.u32 $0x3, v4;
	[tilespmem:s24+$0xFFFFFF70] =	vst v15;
	v7 =	vld.idx.msk [tilespmem:v11+s3+$0x0], $0xffff  }
0x4bd: {  	v6 =	vor.u32 $0x3, v6;
	v2 =	vld.idx.msk [tilespmem:v2+s3+$0x0], $0xffff;
	[tilespmem:s28+$0x170] =	vst v12  }
0x4be: {  	v1 =	vld.idx.msk [tilespmem:v1+s3+$0x0], $0xffff;
	[tilespmem:s25+$0xFFFFFF70] =	vst v8  }
0x4bf: {  	v0 =	vld.idx.msk [tilespmem:v0+s3+$0x0], $0xffff;
	[tilespmem:s31+$0x170] =	vst v9  }
0x4c0: {  	[tilespmem:s28+$0xFFFFFF70] =	vst v5;
	v3 =	vld.idx.msk [tilespmem:v3+s3+$0x0], $0xffff  }
0x4c1: {  	v4 =	vld.idx.msk [tilespmem:v4+s3+$0x0], $0xffff;
	[tilespmem:s31+$0xFFFFFF70] =	vst v7  }
0x4c2: {  	[tilespmem:s24+$0xFFFFFFF0] =	vst v2;
	v2 =	vld.idx.msk [tilespmem:v6+s3+$0x0], $0xffff  }
0x4c3: {  	[tilespmem:s28+$0x1F0] =	vst v1  }
0x4c4: {  	[tilespmem:s25+$0xFFFFFFF0] =	vst v0  }
0x4c5: {  	[tilespmem:s31+$0x1F0] =	vst v3  }
0x4c6: {  	[tilespmem:s28+$0xFFFFFFF0] =	vst v4  }
0x4c7: {  	[tilespmem:s31+$0xFFFFFFF0] =	vst v2  }
0x4c8: {  	[hbm4b:s8+s3] =	stream.linear.scatter [tilespmem:s19], [sflag:$0x4], $0x8000, $0x38;
	[tilespmem:$0x14200] =	vst v63  }
0x4c9: {  	_ = 	snop  }
0x4ca: {  	[tilespmem:s15], [sflag:$0x2] =	stream.linear.gather [hbm4b:s9+s3], $0x2000, $0x38;
	[tilespmem:$0x14200] =	vst v63  }
0x4cb: {  	_ =	swait.ge [sflag:s20], $0x8000  }
0x4cc: {  	[sflag:s20] =	ssyncset.done $0x0  }
0x4cd: {  	[sflag:s20] =	ssyncadd.s32 $0xFFFF8000  }
0x4ce: {  	_ =	swait.ge [sflag:s16], $0x2000  }
0x4cf: {  	[sflag:s16] =	ssyncset.done $0x0  }
0x4d0: {  	s14 =	simm.s32 $0x280;
	[sflag:s16] =	ssyncadd.s32 $0xFFFFE000  }
0x4d1: {  	v0 =	vld [tilespmem:s14+$0x0];
	_ =	sdelay $0x4  }
0x4d2: {  	v0 =	vshll.u32 v0, $0x2;
	_ =	sdelay $0x4  }
0x4d3: {  	v1 =	vld.idx.msk [tilespmem:v0+s3+$0x0], $0xffff  }
0x4d4: {  	v2 =	vor.u32 $0x1, v0;
	_ =	sdelay $0x1  }
0x4d5: {  	v3 =	vld [tilespmem:s14+$0xFFFFFF80]  }
0x4d6: {  	s23 =	simm.s32 $0x4400  }
0x4d7: {  	[tilespmem:s23+$0x0] =	vst v1  }
0x4d8: {  	v1 =	vld.idx.msk [tilespmem:v2+s3+$0x0], $0xffff  }
0x4d9: {  	v2 =	vor.u32 $0x2, v0  }
0x4da: {  	v3 =	vshll.u32 v3, $0x2;
	_ =	sdelay $0x2  }
0x4db: {  	[tilespmem:s23+$0x80] =	vst v1  }
0x4dc: {  	v1 =	vld.idx.msk [tilespmem:v2+s3+$0x0], $0xffff  }
0x4dd: {  	v0 =	vor.u32 $0x3, v0;
	v2 =	vld.idx.msk [tilespmem:v3+s3+$0x0], $0xffff  }
0x4de: {  	v4 =	vor.u32 $0x1, v3;
	_ =	sdelay $0x2  }
0x4df: {  	[tilespmem:s23+$0x100] =	vst v1  }
0x4e0: {  	[tilespmem:s23+$0xFFFFFE00] =	vst v2;
	v0 =	vld.idx.msk [tilespmem:v0+s3+$0x0], $0xffff  }
0x4e1: {  	v1 =	vld.idx.msk [tilespmem:v4+s3+$0x0], $0xffff  }
0x4e2: {  	v2 =	vor.u32 $0x2, v3;
	_ =	sdelay $0x2  }
0x4e3: {  	[tilespmem:s23+$0x180] =	vst v0  }
0x4e4: {  	[tilespmem:s23+$0xFFFFFE80] =	vst v1;
	v0 =	vld [tilespmem:s14+$0x10]  }
0x4e5: {  	v1 =	vld.idx.msk [tilespmem:v2+s3+$0x0], $0xffff  }
0x4e6: {  	v2 =	vor.u32 $0x3, v3;
	_ =	sdelay $0x2  }
0x4e7: {  	v0 =	vshll.u32 v0, $0x2  }
0x4e8: {  	[tilespmem:s23+$0xFFFFFF00] =	vst v1  }
0x4e9: {  	v1 =	vld.idx.msk [tilespmem:v2+s3+$0x0], $0xffff;
	_ =	sdelay $0x2  }
0x4ea: {  	v2 =	vld.idx.msk [tilespmem:v0+s3+$0x0], $0xffff  }
0x4eb: {  	v3 =	vor.u32 $0x1, v0  }
0x4ec: {  	[tilespmem:s23+$0xFFFFFF80] =	vst v1  }
0x4ed: {  	v1 =	vld [tilespmem:s14+$0xFFFFFF90];
	_ =	sdelay $0x1  }
0x4ee: {  	[tilespmem:s23+$0x10] =	vst v2  }
0x4ef: {  	v2 =	vld.idx.msk [tilespmem:v3+s3+$0x0], $0xffff  }
0x4f0: {  	v3 =	vor.u32 $0x2, v0  }
0x4f1: {  	v1 =	vshll.u32 v1, $0x2;
	_ =	sdelay $0x2  }
0x4f2: {  	[tilespmem:s23+$0x90] =	vst v2  }
0x4f3: {  	v2 =	vld.idx.msk [tilespmem:v3+s3+$0x0], $0xffff  }
0x4f4: {  	v0 =	vor.u32 $0x3, v0;
	v3 =	vld.idx.msk [tilespmem:v1+s3+$0x0], $0xffff  }
0x4f5: {  	v4 =	vor.u32 $0x1, v1;
	_ =	sdelay $0x2  }
0x4f6: {  	[tilespmem:s23+$0x110] =	vst v2  }
0x4f7: {  	[tilespmem:s23+$0xFFFFFE10] =	vst v3;
	v0 =	vld.idx.msk [tilespmem:v0+s3+$0x0], $0xffff  }
0x4f8: {  	v2 =	vld.idx.msk [tilespmem:v4+s3+$0x0], $0xffff  }
0x4f9: {  	v3 =	vor.u32 $0x2, v1;
	_ =	sdelay $0x2  }
0x4fa: {  	[tilespmem:s23+$0x190] =	vst v0  }
0x4fb: {  	[tilespmem:s23+$0xFFFFFE90] =	vst v2;
	v0 =	vld [tilespmem:s14+$0x20]  }
0x4fc: {  	v2 =	vld.idx.msk [tilespmem:v3+s3+$0x0], $0xffff  }
0x4fd: {  	v1 =	vor.u32 $0x3, v1  }
0x4fe: {  	s31 =	simm.s32 $0x380  }
0x4ff: {  	v3 =	vld [tilespmem:s31+$0x0]  }
0x500: {  	v4 =	vld [tilespmem:s31+$0xFFFFFF80];
	v0 =	vshll.u32 v0, $0x2  }
0x501: {  	[tilespmem:s23+$0xFFFFFF10] =	vst v2  }
0x502: {  	v1 =	vld.idx.msk [tilespmem:v1+s3+$0x0], $0xffff;
	_ =	sdelay $0x1  }
0x503: {  	v2 =	vshll.u32 v3, $0x2  }
0x504: {  	v3 =	vshll.u32 v4, $0x2;
	v4 =	vld.idx.msk [tilespmem:v0+s3+$0x0], $0xffff  }
0x505: {  	v5 =	vor.u32 $0x1, v0  }
0x506: {  	[tilespmem:s23+$0xFFFFFF90] =	vst v1  }
0x507: {  	v1 =	vld [tilespmem:s14+$0xFFFFFFA0]  }
0x508: {  	v6 =	vld.idx.msk [tilespmem:v2+s3+$0x0], $0xffff  }
0x509: {  	v8 =	vor.u32 $0x1, v2;
	v7 =	vld.idx.msk [tilespmem:v3+s3+$0x0], $0xffff;
	[tilespmem:s23+$0x20] =	vst v4  }
0x50a: {  	v4 =	vor.u32 $0x1, v3;
	v5 =	vld.idx.msk [tilespmem:v5+s3+$0x0], $0xffff  }
0x50b: {  	v9 =	vor.u32 $0x2, v0  }
0x50c: {  	s24 =	simm.s32 $0x4800;
	v1 =	vshll.u32 v1, $0x2  }
0x50d: {  	[tilespmem:s24+$0x0] =	vst v6  }
0x50e: {  	[tilespmem:s24+$0xFFFFFE00] =	vst v7;
	v6 =	vld.idx.msk [tilespmem:v8+s3+$0x0], $0xffff  }
0x50f: {  	v7 =	vor.u32 $0x2, v2;
	v4 =	vld.idx.msk [tilespmem:v4+s3+$0x0], $0xffff;
	[tilespmem:s23+$0xA0] =	vst v5  }
0x510: {  	v5 =	vor.u32 $0x2, v3;
	v8 =	vld.idx.msk [tilespmem:v9+s3+$0x0], $0xffff  }
0x511: {  	v0 =	vor.u32 $0x3, v0;
	v9 =	vld.idx.msk [tilespmem:v1+s3+$0x0], $0xffff  }
0x512: {  	v10 =	vor.u32 $0x1, v1  }
0x513: {  	[tilespmem:s24+$0x80] =	vst v6  }
0x514: {  	[tilespmem:s24+$0xFFFFFE80] =	vst v4;
	v4 =	vld.idx.msk [tilespmem:v7+s3+$0x0], $0xffff  }
0x515: {  	v2 =	vor.u32 $0x3, v2;
	v5 =	vld.idx.msk [tilespmem:v5+s3+$0x0], $0xffff;
	[tilespmem:s23+$0x120] =	vst v8  }
0x516: {  	v3 =	vor.u32 $0x3, v3;
	[tilespmem:s23+$0xFFFFFE20] =	vst v9;
	v0 =	vld.idx.msk [tilespmem:v0+s3+$0x0], $0xffff  }
0x517: {  	v6 =	vld.idx.msk [tilespmem:v10+s3+$0x0], $0xffff  }
0x518: {  	v7 =	vor.u32 $0x2, v1  }
0x519: {  	[tilespmem:s24+$0x100] =	vst v4  }
0x51a: {  	[tilespmem:s24+$0xFFFFFF00] =	vst v5;
	v2 =	vld.idx.msk [tilespmem:v2+s3+$0x0], $0xffff  }
0x51b: {  	v3 =	vld.idx.msk [tilespmem:v3+s3+$0x0], $0xffff;
	[tilespmem:s23+$0x1A0] =	vst v0  }
0x51c: {  	[tilespmem:s23+$0xFFFFFEA0] =	vst v6;
	v0 =	vld [tilespmem:s14+$0x30]  }
0x51d: {  	v4 =	vld.idx.msk [tilespmem:v7+s3+$0x0], $0xffff  }
0x51e: {  	v1 =	vor.u32 $0x3, v1  }
0x51f: {  	[tilespmem:s24+$0x180] =	vst v2  }
0x520: {  	[tilespmem:s24+$0xFFFFFF80] =	vst v3;
	v2 =	vld [tilespmem:s31+$0x10]  }
0x521: {  	v3 =	vld [tilespmem:s31+$0xFFFFFF90];
	v0 =	vshll.u32 v0, $0x2  }
0x522: {  	[tilespmem:s23+$0xFFFFFF20] =	vst v4  }
0x523: {  	v1 =	vld.idx.msk [tilespmem:v1+s3+$0x0], $0xffff;
	_ =	sdelay $0x1  }
0x524: {  	v2 =	vshll.u32 v2, $0x2  }
0x525: {  	v3 =	vshll.u32 v3, $0x2;
	v4 =	vld.idx.msk [tilespmem:v0+s3+$0x0], $0xffff  }
0x526: {  	v5 =	vor.u32 $0x1, v0  }
0x527: {  	[tilespmem:s23+$0xFFFFFFA0] =	vst v1  }
0x528: {  	v1 =	vld [tilespmem:s14+$0xFFFFFFB0]  }
0x529: {  	v6 =	vld.idx.msk [tilespmem:v2+s3+$0x0], $0xffff  }
0x52a: {  	v8 =	vor.u32 $0x1, v2;
	v7 =	vld.idx.msk [tilespmem:v3+s3+$0x0], $0xffff;
	[tilespmem:s23+$0x30] =	vst v4  }
0x52b: {  	v4 =	vor.u32 $0x1, v3;
	v5 =	vld.idx.msk [tilespmem:v5+s3+$0x0], $0xffff  }
0x52c: {  	v9 =	vor.u32 $0x2, v0  }
0x52d: {  	v1 =	vshll.u32 v1, $0x2  }
0x52e: {  	[tilespmem:s24+$0x10] =	vst v6  }
0x52f: {  	[tilespmem:s24+$0xFFFFFE10] =	vst v7;
	v6 =	vld.idx.msk [tilespmem:v8+s3+$0x0], $0xffff  }
0x530: {  	v7 =	vor.u32 $0x2, v2;
	v4 =	vld.idx.msk [tilespmem:v4+s3+$0x0], $0xffff;
	[tilespmem:s23+$0xB0] =	vst v5  }
0x531: {  	v5 =	vor.u32 $0x2, v3;
	v8 =	vld.idx.msk [tilespmem:v9+s3+$0x0], $0xffff  }
0x532: {  	v0 =	vor.u32 $0x3, v0;
	v9 =	vld.idx.msk [tilespmem:v1+s3+$0x0], $0xffff  }
0x533: {  	v10 =	vor.u32 $0x1, v1  }
0x534: {  	[tilespmem:s24+$0x90] =	vst v6  }
0x535: {  	[tilespmem:s24+$0xFFFFFE90] =	vst v4;
	v4 =	vld.idx.msk [tilespmem:v7+s3+$0x0], $0xffff  }
0x536: {  	v2 =	vor.u32 $0x3, v2;
	v5 =	vld.idx.msk [tilespmem:v5+s3+$0x0], $0xffff;
	[tilespmem:s23+$0x130] =	vst v8  }
0x537: {  	v3 =	vor.u32 $0x3, v3;
	[tilespmem:s23+$0xFFFFFE30] =	vst v9;
	v0 =	vld.idx.msk [tilespmem:v0+s3+$0x0], $0xffff  }
0x538: {  	v6 =	vld.idx.msk [tilespmem:v10+s3+$0x0], $0xffff  }
0x539: {  	v7 =	vor.u32 $0x2, v1  }
0x53a: {  	[tilespmem:s24+$0x110] =	vst v4  }
0x53b: {  	[tilespmem:s24+$0xFFFFFF10] =	vst v5;
	v2 =	vld.idx.msk [tilespmem:v2+s3+$0x0], $0xffff  }
0x53c: {  	v3 =	vld.idx.msk [tilespmem:v3+s3+$0x0], $0xffff;
	[tilespmem:s23+$0x1B0] =	vst v0  }
0x53d: {  	[tilespmem:s23+$0xFFFFFEB0] =	vst v6;
	v0 =	vld [tilespmem:s14+$0x40]  }
0x53e: {  	v4 =	vld.idx.msk [tilespmem:v7+s3+$0x0], $0xffff  }
0x53f: {  	v1 =	vor.u32 $0x3, v1  }
0x540: {  	[tilespmem:s24+$0x190] =	vst v2  }
0x541: {  	[tilespmem:s24+$0xFFFFFF90] =	vst v3;
	v2 =	vld [tilespmem:s31+$0x20]  }
0x542: {  	v3 =	vld [tilespmem:s31+$0xFFFFFFA0];
	v0 =	vshll.u32 v0, $0x2  }
0x543: {  	[tilespmem:s23+$0xFFFFFF30] =	vst v4  }
0x544: {  	s26 =	simm.s32 $0x480;
	v1 =	vld.idx.msk [tilespmem:v1+s3+$0x0], $0xffff  }
0x545: {  	v4 =	vld [tilespmem:s26+$0x0]  }
0x546: {  	v5 =	vld [tilespmem:s26+$0xFFFFFF80];
	v2 =	vshll.u32 v2, $0x2  }
0x547: {  	v3 =	vshll.u32 v3, $0x2;
	v6 =	vld.idx.msk [tilespmem:v0+s3+$0x0], $0xffff  }
0x548: {  	v7 =	vor.u32 $0x1, v0  }
0x549: {  	[tilespmem:s23+$0xFFFFFFB0] =	vst v1  }
0x54a: {  	v4 =	vshll.u32 v4, $0x2;
	v1 =	vld [tilespmem:s14+$0xFFFFFFC0]  }
0x54b: {  	v5 =	vshll.u32 v5, $0x2;
	v8 =	vld.idx.msk [tilespmem:v2+s3+$0x0], $0xffff  }
0x54c: {  	v10 =	vor.u32 $0x1, v2;
	v9 =	vld.idx.msk [tilespmem:v3+s3+$0x0], $0xffff;
	[tilespmem:s23+$0x40] =	vst v6  }
0x54d: {  	v6 =	vor.u32 $0x1, v3;
	v7 =	vld.idx.msk [tilespmem:v7+s3+$0x0], $0xffff  }
0x54e: {  	v11 =	vor.u32 $0x2, v0  }
0x54f: {  	v12 =	vld.idx.msk [tilespmem:v4+s3+$0x0], $0xffff;
	v1 =	vshll.u32 v1, $0x2  }
0x550: {  	v13 =	vld.idx.msk [tilespmem:v5+s3+$0x0], $0xffff;
	v14 =	vor.u32 $0x1, v4;
	[tilespmem:s24+$0x20] =	vst v8  }
0x551: {  	v8 =	vor.u32 $0x1, v5;
	[tilespmem:s24+$0xFFFFFE20] =	vst v9;
	v9 =	vld.idx.msk [tilespmem:v10+s3+$0x0], $0xffff  }
0x552: {  	v10 =	vor.u32 $0x2, v2;
	v6 =	vld.idx.msk [tilespmem:v6+s3+$0x0], $0xffff;
	[tilespmem:s23+$0xC0] =	vst v7  }
0x553: {  	s25 =	simm.s32 $0x4C00;
	v7 =	vor.u32 $0x2, v3;
	v11 =	vld.idx.msk [tilespmem:v11+s3+$0x0], $0xffff  }
0x554: {  	v0 =	vor.u32 $0x3, v0;
	[tilespmem:s25+$0x0] =	vst v12;
	v15 =	vld.idx.msk [tilespmem:v1+s3+$0x0], $0xffff  }
0x555: {  	[tilespmem:s25+$0xFFFFFE00] =	vst v13;
	v12 =	vor.u32 $0x1, v1;
	v13 =	vld.idx.msk [tilespmem:v14+s3+$0x0], $0xffff  }
0x556: {  	v14 =	vor.u32 $0x2, v4;
	v8 =	vld.idx.msk [tilespmem:v8+s3+$0x0], $0xffff;
	[tilespmem:s24+$0xA0] =	vst v9  }
0x557: {  	v9 =	vor.u32 $0x2, v5;
	[tilespmem:s24+$0xFFFFFEA0] =	vst v6;
	v6 =	vld.idx.msk [tilespmem:v10+s3+$0x0], $0xffff  }
0x558: {  	v2 =	vor.u32 $0x3, v2;
	v7 =	vld.idx.msk [tilespmem:v7+s3+$0x0], $0xffff;
	[tilespmem:s23+$0x140] =	vst v11  }
0x559: {  	v3 =	vor.u32 $0x3, v3;
	[tilespmem:s23+$0xFFFFFE40] =	vst v15;
	v0 =	vld.idx.msk [tilespmem:v0+s3+$0x0], $0xffff  }
0x55a: {  	[tilespmem:s25+$0x80] =	vst v13;
	v10 =	vld.idx.msk [tilespmem:v12+s3+$0x0], $0xffff  }
0x55b: {  	v11 =	vor.u32 $0x2, v1;
	[tilespmem:s25+$0xFFFFFE80] =	vst v8;
	v8 =	vld.idx.msk [tilespmem:v14+s3+$0x0], $0xffff  }
0x55c: {  	v4 =	vor.u32 $0x3, v4;
	v9 =	vld.idx.msk [tilespmem:v9+s3+$0x0], $0xffff;
	[tilespmem:s24+$0x120] =	vst v6  }
0x55d: {  	v5 =	vor.u32 $0x3, v5;
	[tilespmem:s24+$0xFFFFFF20] =	vst v7;
	v2 =	vld.idx.msk [tilespmem:v2+s3+$0x0], $0xffff  }
0x55e: {  	v3 =	vld.idx.msk [tilespmem:v3+s3+$0x0], $0xffff;
	[tilespmem:s23+$0x1C0] =	vst v0  }
0x55f: {  	[tilespmem:s23+$0xFFFFFEC0] =	vst v10;
	v0 =	vld [tilespmem:s14+$0x50]  }
0x560: {  	[tilespmem:s25+$0x100] =	vst v8;
	v6 =	vld.idx.msk [tilespmem:v11+s3+$0x0], $0xffff  }
0x561: {  	v1 =	vor.u32 $0x3, v1;
	[tilespmem:s25+$0xFFFFFF00] =	vst v9;
	v4 =	vld.idx.msk [tilespmem:v4+s3+$0x0], $0xffff  }
0x562: {  	v5 =	vld.idx.msk [tilespmem:v5+s3+$0x0], $0xffff;
	[tilespmem:s24+$0x1A0] =	vst v2  }
0x563: {  	[tilespmem:s24+$0xFFFFFFA0] =	vst v3;
	v2 =	vld [tilespmem:s31+$0x30]  }
0x564: {  	v3 =	vld [tilespmem:s31+$0xFFFFFFB0];
	v0 =	vshll.u32 v0, $0x2  }
0x565: {  	[tilespmem:s23+$0xFFFFFF40] =	vst v6  }
0x566: {  	[tilespmem:s25+$0x180] =	vst v4;
	v1 =	vld.idx.msk [tilespmem:v1+s3+$0x0], $0xffff  }
0x567: {  	[tilespmem:s25+$0xFFFFFF80] =	vst v5;
	v4 =	vld [tilespmem:s26+$0x10]  }
0x568: {  	v5 =	vld [tilespmem:s26+$0xFFFFFF90];
	v2 =	vshll.u32 v2, $0x2  }
0x569: {  	v3 =	vshll.u32 v3, $0x2;
	v6 =	vld.idx.msk [tilespmem:v0+s3+$0x0], $0xffff  }
0x56a: {  	v7 =	vor.u32 $0x1, v0  }
0x56b: {  	[tilespmem:s23+$0xFFFFFFC0] =	vst v1  }
0x56c: {  	v4 =	vshll.u32 v4, $0x2;
	v1 =	vld [tilespmem:s14+$0xFFFFFFD0]  }
0x56d: {  	v5 =	vshll.u32 v5, $0x2;
	v8 =	vld.idx.msk [tilespmem:v2+s3+$0x0], $0xffff  }
0x56e: {  	v10 =	vor.u32 $0x1, v2;
	v9 =	vld.idx.msk [tilespmem:v3+s3+$0x0], $0xffff;
	[tilespmem:s23+$0x50] =	vst v6  }
0x56f: {  	v6 =	vor.u32 $0x1, v3;
	v7 =	vld.idx.msk [tilespmem:v7+s3+$0x0], $0xffff  }
0x570: {  	v11 =	vor.u32 $0x2, v0  }
0x571: {  	v12 =	vld.idx.msk [tilespmem:v4+s3+$0x0], $0xffff;
	v1 =	vshll.u32 v1, $0x2  }
0x572: {  	v14 =	vor.u32 $0x1, v4;
	v13 =	vld.idx.msk [tilespmem:v5+s3+$0x0], $0xffff;
	[tilespmem:s24+$0x30] =	vst v8  }
0x573: {  	v8 =	vor.u32 $0x1, v5;
	[tilespmem:s24+$0xFFFFFE30] =	vst v9;
	v9 =	vld.idx.msk [tilespmem:v10+s3+$0x0], $0xffff  }
0x574: {  	v10 =	vor.u32 $0x2, v2;
	v6 =	vld.idx.msk [tilespmem:v6+s3+$0x0], $0xffff;
	[tilespmem:s23+$0xD0] =	vst v7  }
0x575: {  	v7 =	vor.u32 $0x2, v3;
	v11 =	vld.idx.msk [tilespmem:v11+s3+$0x0], $0xffff  }
0x576: {  	v0 =	vor.u32 $0x3, v0;
	[tilespmem:s25+$0x10] =	vst v12;
	v15 =	vld.idx.msk [tilespmem:v1+s3+$0x0], $0xffff  }
0x577: {  	v12 =	vor.u32 $0x1, v1;
	[tilespmem:s25+$0xFFFFFE10] =	vst v13;
	v13 =	vld.idx.msk [tilespmem:v14+s3+$0x0], $0xffff  }
0x578: {  	v14 =	vor.u32 $0x2, v4;
	v8 =	vld.idx.msk [tilespmem:v8+s3+$0x0], $0xffff;
	[tilespmem:s24+$0xB0] =	vst v9  }
0x579: {  	v9 =	vor.u32 $0x2, v5;
	[tilespmem:s24+$0xFFFFFEB0] =	vst v6;
	v6 =	vld.idx.msk [tilespmem:v10+s3+$0x0], $0xffff  }
0x57a: {  	v2 =	vor.u32 $0x3, v2;
	v7 =	vld.idx.msk [tilespmem:v7+s3+$0x0], $0xffff;
	[tilespmem:s23+$0x150] =	vst v11  }
0x57b: {  	v3 =	vor.u32 $0x3, v3;
	[tilespmem:s23+$0xFFFFFE50] =	vst v15;
	v0 =	vld.idx.msk [tilespmem:v0+s3+$0x0], $0xffff  }
0x57c: {  	[tilespmem:s25+$0x90] =	vst v13;
	v10 =	vld.idx.msk [tilespmem:v12+s3+$0x0], $0xffff  }
0x57d: {  	v11 =	vor.u32 $0x2, v1;
	[tilespmem:s25+$0xFFFFFE90] =	vst v8;
	v8 =	vld.idx.msk [tilespmem:v14+s3+$0x0], $0xffff  }
0x57e: {  	v4 =	vor.u32 $0x3, v4;
	v9 =	vld.idx.msk [tilespmem:v9+s3+$0x0], $0xffff;
	[tilespmem:s24+$0x130] =	vst v6  }
0x57f: {  	v5 =	vor.u32 $0x3, v5;
	[tilespmem:s24+$0xFFFFFF30] =	vst v7;
	v2 =	vld.idx.msk [tilespmem:v2+s3+$0x0], $0xffff  }
0x580: {  	v3 =	vld.idx.msk [tilespmem:v3+s3+$0x0], $0xffff;
	[tilespmem:s23+$0x1D0] =	vst v0  }
0x581: {  	[tilespmem:s23+$0xFFFFFED0] =	vst v10;
	v0 =	vld [tilespmem:s14+$0x60]  }
0x582: {  	[tilespmem:s25+$0x110] =	vst v8;
	v6 =	vld.idx.msk [tilespmem:v11+s3+$0x0], $0xffff  }
0x583: {  	v1 =	vor.u32 $0x3, v1;
	[tilespmem:s25+$0xFFFFFF10] =	vst v9;
	v4 =	vld.idx.msk [tilespmem:v4+s3+$0x0], $0xffff  }
0x584: {  	v5 =	vld.idx.msk [tilespmem:v5+s3+$0x0], $0xffff;
	[tilespmem:s24+$0x1B0] =	vst v2  }
0x585: {  	v2 =	vld [tilespmem:s31+$0x40]  }
0x586: {  	[tilespmem:s24+$0xFFFFFFB0] =	vst v3  }
0x587: {  	v3 =	vld [tilespmem:s31+$0xFFFFFFC0];
	v0 =	vshll.u32 v0, $0x2;
	[tilespmem:s23+$0xFFFFFF50] =	vst v6  }
0x588: {  	[tilespmem:s25+$0x190] =	vst v4;
	v1 =	vld.idx.msk [tilespmem:v1+s3+$0x0], $0xffff  }
0x589: {  	[tilespmem:s25+$0xFFFFFF90] =	vst v5;
	v4 =	vld [tilespmem:s26+$0x20]  }
0x58a: {  	s29 =	simm.s32 $0x580;
	v5 =	vld [tilespmem:s26+$0xFFFFFFA0];
	v2 =	vshll.u32 v2, $0x2  }
0x58b: {  	v7 =	vld [tilespmem:s29+$0x0]  }
0x58c: {  	v3 =	vshll.u32 v3, $0x2;
	v6 =	vld.idx.msk [tilespmem:v0+s3+$0x0], $0xffff  }
0x58d: {  	v9 =	vld [tilespmem:s29+$0xFFFFFF80];
	v8 =	vor.u32 $0x1, v0  }
0x58e: {  	v4 =	vshll.u32 v4, $0x2  }
0x58f: {  	[tilespmem:s23+$0xFFFFFFD0] =	vst v1;
	v5 =	vshll.u32 v5, $0x2;
	v10 =	vld.idx.msk [tilespmem:v2+s3+$0x0], $0xffff  }
0x590: {  	v11 =	vor.u32 $0x1, v2;
	v12 =	vld [tilespmem:s14+$0xFFFFFFE0]  }
0x591: {  	v1 =	vld.idx.msk [tilespmem:v3+s3+$0x0], $0xffff;
	[tilespmem:s23+$0x60] =	vst v6;
	v6 =	vshll.u32 v7, $0x2  }
0x592: {  	v7 =	vld.idx.msk [tilespmem:v8+s3+$0x0], $0xffff;
	v8 =	vshll.u32 v9, $0x2  }
0x593: {  	v13 =	vor.u32 $0x2, v0;
	v9 =	vld.idx.msk [tilespmem:v4+s3+$0x0], $0xffff  }
0x594: {  	v15 =	vor.u32 $0x1, v4;
	v14 =	vld.idx.msk [tilespmem:v5+s3+$0x0], $0xffff;
	[tilespmem:s24+$0x40] =	vst v10  }
0x595: {  	v29 =	vor.u32 $0x1, v3;
	v11 =	vld.idx.msk [tilespmem:v11+s3+$0x0], $0xffff  }
0x596: {  	v10 =	vor.u32 $0x1, v5;
	[tilespmem:s24+$0xFFFFFE40] =	vst v1;
	v30 =	vld.idx.msk [tilespmem:v6+s3+$0x0], $0xffff  }
0x597: {  	v32 =	vor.u32 $0x2, v2;
	v31 =	vld.idx.msk [tilespmem:v8+s3+$0x0], $0xffff;
	[tilespmem:s23+$0xE0] =	vst v7  }
0x598: {  	v7 =	vor.u32 $0x1, v6;
	[tilespmem:s25+$0x20] =	vst v9;
	v9 =	vld.idx.msk [tilespmem:v13+s3+$0x0], $0xffff  }
0x599: {  	v13 =	vor.u32 $0x1, v8;
	[tilespmem:s25+$0xFFFFFE20] =	vst v14;
	v14 =	vld.idx.msk [tilespmem:v15+s3+$0x0], $0xffff  }
0x59a: {  	v0 =	vor.u32 $0x3, v0;
	v15 =	vld.idx.msk [tilespmem:v29+s3+$0x0], $0xffff  }
0x59b: {  	s28 =	simm.s32 $0x5000;
	v1 =	vld.idx.msk [tilespmem:v10+s3+$0x0], $0xffff;
	v10 =	vor.u32 $0x2, v4;
	[tilespmem:s24+$0xC0] =	vst v11  }
0x59c: {  	v11 =	vor.u32 $0x2, v5;
	[tilespmem:s28+$0x0] =	vst v30;
	v33 =	vld.idx.msk [tilespmem:v32+s3+$0x0], $0xffff  }
0x59d: {  	v34 =	vor.u32 $0x2, v3;
	[tilespmem:s28+$0xFFFFFE00] =	vst v31;
	v7 =	vld.idx.msk [tilespmem:v7+s3+$0x0], $0xffff  }
0x59e: {  	v2 =	vor.u32 $0x3, v2;
	v13 =	vld.idx.msk [tilespmem:v13+s3+$0x0], $0xffff;
	[tilespmem:s23+$0x160] =	vst v9  }
0x59f: {  	v9 =	vor.u32 $0x2, v6;
	[tilespmem:s25+$0xA0] =	vst v14;
	v0 =	vld.idx.msk [tilespmem:v0+s3+$0x0], $0xffff  }
0x5a0: {  	v14 =	vor.u32 $0x2, v8;
	[tilespmem:s25+$0xFFFFFEA0] =	vst v1;
	v1 =	vld.idx.msk [tilespmem:v10+s3+$0x0], $0xffff  }
0x5a1: {  	[tilespmem:s24+$0xFFFFFEC0] =	vst v15;
	v10 =	vld.idx.msk [tilespmem:v11+s3+$0x0], $0xffff  }
0x5a2: {  	v4 =	vor.u32 $0x3, v4;
	v11 =	vld.idx.msk [tilespmem:v34+s3+$0x0], $0xffff;
	[tilespmem:s24+$0x140] =	vst v33  }
0x5a3: {  	v5 =	vor.u32 $0x3, v5;
	[tilespmem:s28+$0x80] =	vst v7;
	v2 =	vld.idx.msk [tilespmem:v2+s3+$0x0], $0xffff  }
0x5a4: {  	v3 =	vor.u32 $0x3, v3;
	[tilespmem:s28+$0xFFFFFE80] =	vst v13;
	v7 =	vld.idx.msk [tilespmem:v9+s3+$0x0], $0xffff  }
0x5a5: {  	v9 =	vld.idx.msk [tilespmem:v14+s3+$0x0], $0xffff;
	[tilespmem:s23+$0x1E0] =	vst v0  }
0x5a6: {  	v0 =	vor.u32 $0x3, v6;
	[tilespmem:s25+$0x120] =	vst v1;
	v1 =	vld [tilespmem:s14+$0x70]  }
0x5a7: {  	v6 =	vor.u32 $0x3, v8;
	[tilespmem:s25+$0xFFFFFF20] =	vst v10;
	v4 =	vld.idx.msk [tilespmem:v4+s3+$0x0], $0xffff  }
0x5a8: {  	v8 =	vshll.u32 v12, $0x2;
	[tilespmem:s24+$0xFFFFFF40] =	vst v11;
	v5 =	vld.idx.msk [tilespmem:v5+s3+$0x0], $0xffff  }
0x5a9: {  	v3 =	vld.idx.msk [tilespmem:v3+s3+$0x0], $0xffff;
	[tilespmem:s24+$0x1C0] =	vst v2  }
0x5aa: {  	[tilespmem:s28+$0x100] =	vst v7;
	v2 =	vld [tilespmem:s31+$0x50]  }
0x5ab: {  	[tilespmem:s28+$0xFFFFFF00] =	vst v9;
	v0 =	vld.idx.msk [tilespmem:v0+s3+$0x0], $0xffff  }
0x5ac: {  	v1 =	vshll.u32 v1, $0x2;
	v6 =	vld.idx.msk [tilespmem:v6+s3+$0x0], $0xffff  }
0x5ad: {  	[tilespmem:s25+$0x1A0] =	vst v4;
	v4 =	vld.idx.msk [tilespmem:v8+s3+$0x0], $0xffff  }
0x5ae: {  	[tilespmem:s25+$0xFFFFFFA0] =	vst v5;
	v5 =	vld [tilespmem:s26+$0x30]  }
0x5af: {  	[tilespmem:s24+$0xFFFFFFC0] =	vst v3;
	v7 =	vld [tilespmem:s26+$0xFFFFFFB0]  }
0x5b0: {  	v12 =	vld [tilespmem:s31+$0xFFFFFFD0];
	v2 =	vshll.u32 v2, $0x2  }
0x5b1: {  	[tilespmem:s28+$0x180] =	vst v0;
	v0 =	vor.u32 $0x1, v8;
	v9 =	vld.idx.msk [tilespmem:v1+s3+$0x0], $0xffff  }
0x5b2: {  	v10 =	vor.u32 $0x1, v1;
	[tilespmem:s28+$0xFFFFFF80] =	vst v6;
	v6 =	vld [tilespmem:s29+$0x10]  }
0x5b3: {  	v11 =	vld [tilespmem:s29+$0xFFFFFF90];
	v5 =	vshll.u32 v5, $0x2  }
0x5b4: {  	v3 =	vshll.u32 v7, $0x2  }
0x5b5: {  	[tilespmem:s23+$0xFFFFFE60] =	vst v4;
	v12 =	vshll.u32 v12, $0x2;
	v7 =	vld.idx.msk [tilespmem:v2+s3+$0x0], $0xffff  }
0x5b6: {  	v4 =	vor.u32 $0x1, v2;
	v13 =	vld.idx.msk [tilespmem:v0+s3+$0x0], $0xffff;
	[tilespmem:s23+$0x70] =	vst v9  }
0x5b7: {  	v6 =	vshll.u32 v6, $0x2;
	v0 =	vld.idx.msk [tilespmem:v10+s3+$0x0], $0xffff  }
0x5b8: {  	v9 =	vshll.u32 v11, $0x2;
	v10 =	vld.idx.msk [tilespmem:v5+s3+$0x0], $0xffff  }
0x5b9: {  	v11 =	vor.u32 $0x2, v1;
	v14 =	vld.idx.msk [tilespmem:v3+s3+$0x0], $0xffff  }
0x5ba: {  	v15 =	vor.u32 $0x1, v5;
	v38 =	vld.idx.msk [tilespmem:v12+s3+$0x0], $0xffff;
	[tilespmem:s24+$0x50] =	vst v7  }
0x5bb: {  	v7 =	vor.u32 $0x1, v3;
	v4 =	vld.idx.msk [tilespmem:v4+s3+$0x0], $0xffff  }
0x5bc: {  	v37 =	vor.u32 $0x2, v2;
	v35 =	vld.idx.msk [tilespmem:v6+s3+$0x0], $0xffff;
	[tilespmem:s23+$0xF0] =	vst v0  }
0x5bd: {  	v36 =	vld.idx.msk [tilespmem:v9+s3+$0x0], $0xffff;
	v0 =	vor.u32 $0x1, v6;
	[tilespmem:s25+$0x30] =	vst v10  }
0x5be: {  	v10 =	vld.idx.msk [tilespmem:v11+s3+$0x0], $0xffff;
	v11 =	vor.u32 $0x1, v9;
	[tilespmem:s25+$0xFFFFFE30] =	vst v14  }
0x5bf: {  	v1 =	vor.u32 $0x3, v1;
	v14 =	vld.idx.msk [tilespmem:v15+s3+$0x0], $0xffff;
	[tilespmem:s24+$0xFFFFFE50] =	vst v38  }
0x5c0: {  	v15 =	vor.u32 $0x2, v5;
	v7 =	vld.idx.msk [tilespmem:v7+s3+$0x0], $0xffff;
	[tilespmem:s24+$0xD0] =	vst v4  }
0x5c1: {  	v40 =	vor.u32 $0x1, v12;
	[tilespmem:s28+$0x10] =	vst v35;
	v39 =	vld.idx.msk [tilespmem:v37+s3+$0x0], $0xffff  }
0x5c2: {  	v4 =	vor.u32 $0x2, v3;
	[tilespmem:s28+$0xFFFFFE10] =	vst v36;
	v41 =	vld.idx.msk [tilespmem:v0+s3+$0x0], $0xffff  }
0x5c3: {  	v2 =	vor.u32 $0x3, v2;
	v11 =	vld.idx.msk [tilespmem:v11+s3+$0x0], $0xffff;
	[tilespmem:s23+$0x170] =	vst v10  }
0x5c4: {  	v10 =	vor.u32 $0x2, v6;
	[tilespmem:s25+$0xB0] =	vst v14;
	v0 =	vld.idx.msk [tilespmem:v1+s3+$0x0], $0xffff  }
0x5c5: {  	v1 =	vor.u32 $0x2, v9;
	[tilespmem:s25+$0xFFFFFEB0] =	vst v7;
	v7 =	vld.idx.msk [tilespmem:v15+s3+$0x0], $0xffff  }
0x5c6: {  	[tilespmem:s23+$0xFFFFFEE0] =	vst v13;
	v14 =	vor.u32 $0x2, v8;
	v15 =	vld.idx.msk [tilespmem:v40+s3+$0x0], $0xffff  }
0x5c7: {  	v5 =	vor.u32 $0x3, v5;
	v4 =	vld.idx.msk [tilespmem:v4+s3+$0x0], $0xffff;
	[tilespmem:s24+$0x150] =	vst v39  }
0x5c8: {  	v3 =	vor.u32 $0x3, v3;
	[tilespmem:s28+$0x90] =	vst v41;
	v2 =	vld.idx.msk [tilespmem:v2+s3+$0x0], $0xffff  }
0x5c9: {  	[tilespmem:s28+$0xFFFFFE90] =	vst v11;
	v10 =	vld.idx.msk [tilespmem:v10+s3+$0x0], $0xffff  }
0x5ca: {  	v11 =	vor.u32 $0x2, v12;
	v1 =	vld.idx.msk [tilespmem:v1+s3+$0x0], $0xffff;
	[tilespmem:s25+$0x130] =	vst v7  }
0x5cb: {  	v6 =	vor.u32 $0x3, v6;
	v7 =	vld.idx.msk [tilespmem:v14+s3+$0x0], $0xffff;
	[tilespmem:s24+$0xFFFFFED0] =	vst v15  }
0x5cc: {  	v9 =	vor.u32 $0x3, v9;
	[tilespmem:s25+$0xFFFFFF30] =	vst v4;
	v4 =	vld.idx.msk [tilespmem:v5+s3+$0x0], $0xffff  }
0x5cd: {  	v3 =	vld.idx.msk [tilespmem:v3+s3+$0x0], $0xffff;
	[tilespmem:s24+$0x1D0] =	vst v2  }
0x5ce: {  	v5 =	vor.u32 $0x3, v8;
	v2 =	vld [tilespmem:s31+$0x60];
	[tilespmem:s28+$0x110] =	vst v10  }
0x5cf: {  	v8 =	vld.idx.msk [tilespmem:v11+s3+$0x0], $0xffff;
	[tilespmem:s28+$0xFFFFFF10] =	vst v1  }
0x5d0: {  	v10 =	vor.u32 $0x3, v12;
	v1 =	vld.idx.msk [tilespmem:v6+s3+$0x0], $0xffff;
	[tilespmem:s23+$0xFFFFFF60] =	vst v7  }
0x5d1: {  	v6 =	vld.idx.msk [tilespmem:v9+s3+$0x0], $0xffff;
	[tilespmem:s25+$0x1B0] =	vst v4  }
0x5d2: {  	[tilespmem:s25+$0xFFFFFFB0] =	vst v3;
	v3 =	vld [tilespmem:s26+$0x40]  }
0x5d3: {  	v5 =	vld.idx.msk [tilespmem:v5+s3+$0x0], $0xffff  }
0x5d4: {  	v4 =	vld [tilespmem:s26+$0xFFFFFFC0];
	v2 =	vshll.u32 v2, $0x2;
	[tilespmem:s24+$0xFFFFFF50] =	vst v8  }
0x5d5: {  	v7 =	vld.idx.msk [tilespmem:v10+s3+$0x0], $0xffff;
	[tilespmem:s28+$0x190] =	vst v1  }
0x5d6: {  	[tilespmem:s28+$0xFFFFFF90] =	vst v6;
	v1 =	vld [tilespmem:s29+$0x20]  }
0x5d7: {  	s30 =	simm.s32 $0x680;
	v6 =	vld [tilespmem:s29+$0xFFFFFFA0];
	v3 =	vshll.u32 v3, $0x2  }
0x5d8: {  	v9 =	vld [tilespmem:s30+$0x0]  }
0x5d9: {  	v4 =	vshll.u32 v4, $0x2;
	v8 =	vld.idx.msk [tilespmem:v2+s3+$0x0], $0xffff  }
0x5da: {  	v10 =	vld [tilespmem:s30+$0xFFFFFF80];
	[tilespmem:s23+$0xFFFFFFE0] =	vst v5;
	v5 =	vor.u32 $0x1, v2  }
0x5db: {  	v11 =	vld [tilespmem:s14+$0xFFFFFFF0];
	v1 =	vshll.u32 v1, $0x2  }
0x5dc: {  	[tilespmem:s24+$0xFFFFFFD0] =	vst v7;
	v6 =	vshll.u32 v6, $0x2;
	v12 =	vld.idx.msk [tilespmem:v3+s3+$0x0], $0xffff  }
0x5dd: {  	v13 =	vor.u32 $0x1, v3;
	v14 =	vld [tilespmem:s31+$0xFFFFFFE0]  }
0x5de: {  	v7 =	vld.idx.msk [tilespmem:v4+s3+$0x0], $0xffff;
	[tilespmem:s24+$0x60] =	vst v8;
	v8 =	vshll.u32 v9, $0x2  }
0x5df: {  	v9 =	vshll.u32 v10, $0x2;
	v5 =	vld.idx.msk [tilespmem:v5+s3+$0x0], $0xffff  }
0x5e0: {  	v44 =	vor.u32 $0x1, v4;
	v10 =	vld.idx.msk [tilespmem:v1+s3+$0x0], $0xffff  }
0x5e1: {  	v15 =	vor.u32 $0x2, v2;
	v42 =	vld.idx.msk [tilespmem:v6+s3+$0x0], $0xffff;
	[tilespmem:s25+$0x40] =	vst v12  }
0x5e2: {  	v43 =	vor.u32 $0x1, v1;
	v13 =	vld.idx.msk [tilespmem:v13+s3+$0x0], $0xffff  }
0x5e3: {  	v12 =	vor.u32 $0x1, v6;
	v45 =	vld.idx.msk [tilespmem:v8+s3+$0x0], $0xffff  }
0x5e4: {  	v21 =	vor.u32 $0x2, v3;
	[tilespmem:s25+$0xFFFFFE40] =	vst v7;
	v20 =	vld.idx.msk [tilespmem:v9+s3+$0x0], $0xffff  }
0x5e5: {  	v47 =	vld.idx.msk [tilespmem:v44+s3+$0x0], $0xffff;
	[tilespmem:s24+$0xE0] =	vst v5;
	v5 =	vor.u32 $0x1, v8  }
0x5e6: {  	[tilespmem:s28+$0x20] =	vst v10;
	v10 =	vld.idx.msk [tilespmem:v15+s3+$0x0], $0xffff;
	v15 =	vor.u32 $0x1, v9  }
0x5e7: {  	v2 =	vor.u32 $0x3, v2;
	[tilespmem:s28+$0xFFFFFE20] =	vst v42;
	v46 =	vld.idx.msk [tilespmem:v43+s3+$0x0], $0xffff  }
0x5e8: {  	s0 =	simm.s32 $0x5400;
	v7 =	vld.idx.msk [tilespmem:v12+s3+$0x0], $0xffff;
	v12 =	vor.u32 $0x2, v1;
	[tilespmem:s25+$0xC0] =	vst v13  }
0x5e9: {  	v13 =	vor.u32 $0x2, v6;
	[tilespmem:s0+$0x0] =	vst v45;
	v48 =	vld.idx.msk [tilespmem:v21+s3+$0x0], $0xffff  }
0x5ea: {  	v49 =	vor.u32 $0x2, v4;
	[tilespmem:s0+$0xFFFFFE00] =	vst v20;
	v5 =	vld.idx.msk [tilespmem:v5+s3+$0x0], $0xffff  }
0x5eb: {  	v3 =	vor.u32 $0x3, v3;
	v15 =	vld.idx.msk [tilespmem:v15+s3+$0x0], $0xffff;
	[tilespmem:s24+$0x160] =	vst v10  }
0x5ec: {  	v10 =	vor.u32 $0x2, v8;
	[tilespmem:s28+$0xA0] =	vst v46;
	v2 =	vld.idx.msk [tilespmem:v2+s3+$0x0], $0xffff  }
0x5ed: {  	v50 =	vor.u32 $0x2, v9;
	[tilespmem:s28+$0xFFFFFEA0] =	vst v7;
	v7 =	vld.idx.msk [tilespmem:v12+s3+$0x0], $0xffff  }
0x5ee: {  	[tilespmem:s25+$0xFFFFFEC0] =	vst v47;
	v12 =	vld.idx.msk [tilespmem:v13+s3+$0x0], $0xffff  }
0x5ef: {  	v1 =	vor.u32 $0x3, v1;
	v13 =	vld.idx.msk [tilespmem:v49+s3+$0x0], $0xffff;
	[tilespmem:s25+$0x140] =	vst v48  }
0x5f0: {  	v6 =	vor.u32 $0x3, v6;
	[tilespmem:s0+$0x80] =	vst v5;
	v3 =	vld.idx.msk [tilespmem:v3+s3+$0x0], $0xffff  }
0x5f1: {  	v4 =	vor.u32 $0x3, v4;
	[tilespmem:s0+$0xFFFFFE80] =	vst v15;
	v5 =	vld.idx.msk [tilespmem:v10+s3+$0x0], $0xffff  }
0x5f2: {  	v10 =	vld.idx.msk [tilespmem:v50+s3+$0x0], $0xffff;
	[tilespmem:s24+$0x1E0] =	vst v2  }
0x5f3: {  	v2 =	vor.u32 $0x3, v8;
	[tilespmem:s28+$0x120] =	vst v7;
	v7 =	vld [tilespmem:s31+$0x70]  }
0x5f4: {  	v8 =	vor.u32 $0x3, v9;
	[tilespmem:s28+$0xFFFFFF20] =	vst v12;
	v1 =	vld.idx.msk [tilespmem:v1+s3+$0x0], $0xffff  }
0x5f5: {  	v9 =	vshll.u32 v14, $0x2;
	[tilespmem:s25+$0xFFFFFF40] =	vst v13;
	v6 =	vld.idx.msk [tilespmem:v6+s3+$0x0], $0xffff  }
0x5f6: {  	v4 =	vld.idx.msk [tilespmem:v4+s3+$0x0], $0xffff;
	[tilespmem:s25+$0x1C0] =	vst v3  }
0x5f7: {  	[tilespmem:s0+$0x100] =	vst v5;
	v3 =	vld [tilespmem:s26+$0x50]  }
0x5f8: {  	[tilespmem:s0+$0xFFFFFF00] =	vst v10;
	v2 =	vld.idx.msk [tilespmem:v2+s3+$0x0], $0xffff  }
0x5f9: {  	v5 =	vshll.u32 v7, $0x2;
	v7 =	vld.idx.msk [tilespmem:v8+s3+$0x0], $0xffff  }
0x5fa: {  	[tilespmem:s28+$0x1A0] =	vst v1;
	v1 =	vld.idx.msk [tilespmem:v9+s3+$0x0], $0xffff  }
0x5fb: {  	[tilespmem:s28+$0xFFFFFFA0] =	vst v6;
	v6 =	vld [tilespmem:s29+$0x30]  }
0x5fc: {  	v10 =	vor.u32 $0x1, v9;
	[tilespmem:s25+$0xFFFFFFC0] =	vst v4;
	v8 =	vld [tilespmem:s29+$0xFFFFFFB0]  }
0x5fd: {  	v3 =	vshll.u32 v3, $0x2;
	v13 =	vld [tilespmem:s26+$0xFFFFFFD0]  }
0x5fe: {  	[tilespmem:s0+$0x180] =	vst v2;
	v2 =	vshll.u32 v11, $0x2;
	v12 =	vld.idx.msk [tilespmem:v5+s3+$0x0], $0xffff  }
0x5ff: {  	v4 =	vor.u32 $0x1, v5;
	[tilespmem:s0+$0xFFFFFF80] =	vst v7;
	v7 =	vld [tilespmem:s30+$0x10]  }
0x600: {  	v11 =	vld [tilespmem:s30+$0xFFFFFF90];
	[tilespmem:s24+$0xFFFFFE60] =	vst v1;
	v6 =	vshll.u32 v6, $0x2  }
0x601: {  	v10 =	vld.idx.msk [tilespmem:v10+s3+$0x0], $0xffff;
	v1 =	vshll.u32 v8, $0x2  }
0x602: {  	v8 =	vld.idx.msk [tilespmem:v3+s3+$0x0], $0xffff;
	v13 =	vshll.u32 v13, $0x2  }
0x603: {  	v14 =	vor.u32 $0x1, v3;
	[tilespmem:s24+$0x70] =	vst v12;
	v12 =	vld.idx.msk [tilespmem:v2+s3+$0x0], $0xffff  }
0x604: {  	v7 =	vshll.u32 v7, $0x2;
	v4 =	vld.idx.msk [tilespmem:v4+s3+$0x0], $0xffff  }
0x605: {  	v11 =	vshll.u32 v11, $0x2;
	v15 =	vld.idx.msk [tilespmem:v6+s3+$0x0], $0xffff  }
0x606: {  	v51 =	vor.u32 $0x2, v5;
	v52 =	vld.idx.msk [tilespmem:v1+s3+$0x0], $0xffff  }
0x607: {  	v53 =	vor.u32 $0x1, v6;
	[tilespmem:s25+$0x50] =	vst v8;
	v22 =	vld.idx.msk [tilespmem:v13+s3+$0x0], $0xffff  }
0x608: {  	v8 =	vor.u32 $0x1, v1;
	v14 =	vld.idx.msk [tilespmem:v14+s3+$0x0], $0xffff  }
0x609: {  	v60 =	vor.u32 $0x1, v13;
	v54 =	vld.idx.msk [tilespmem:v7+s3+$0x0], $0xffff  }
0x60a: {  	v55 =	vor.u32 $0x2, v3;
	v20 =	vld.idx.msk [tilespmem:v11+s3+$0x0], $0xffff;
	[tilespmem:s24+$0xF0] =	vst v4  }
0x60b: {  	v4 =	vor.u32 $0x1, v7;
	[tilespmem:s28+$0x30] =	vst v15;
	v15 =	vld.idx.msk [tilespmem:v51+s3+$0x0], $0xffff  }
0x60c: {  	v56 =	vor.u32 $0x1, v11;
	[tilespmem:s28+$0xFFFFFE30] =	vst v52;
	v57 =	vld.idx.msk [tilespmem:v53+s3+$0x0], $0xffff  }
0x60d: {  	v5 =	vor.u32 $0x3, v5;
	[tilespmem:s25+$0xFFFFFE50] =	vst v22;
	v8 =	vld.idx.msk [tilespmem:v8+s3+$0x0], $0xffff  }
0x60e: {  	v58 =	vor.u32 $0x2, v6;
	[tilespmem:s25+$0xD0] =	vst v14;
	v63 =	vld.idx.msk [tilespmem:v60+s3+$0x0], $0xffff  }
0x60f: {  	v14 =	vor.u32 $0x2, v1;
	[tilespmem:s0+$0x10] =	vst v54;
	v59 =	vld.idx.msk [tilespmem:v55+s3+$0x0], $0xffff  }
0x610: {  	v3 =	vor.u32 $0x3, v3;
	[tilespmem:s0+$0xFFFFFE10] =	vst v20;
	v4 =	vld.idx.msk [tilespmem:v4+s3+$0x0], $0xffff  }
0x611: {  	v16 =	vld.idx.msk [tilespmem:v56+s3+$0x0], $0xffff;
	[tilespmem:s24+$0x170] =	vst v15;
	v15 =	vor.u32 $0x2, v7  }
0x612: {  	v61 =	vor.u32 $0x2, v11;
	[tilespmem:s28+$0xB0] =	vst v57;
	v5 =	vld.idx.msk [tilespmem:v5+s3+$0x0], $0xffff  }
0x613: {  	v62 =	vor.u32 $0x2, v9;
	[tilespmem:s28+$0xFFFFFEB0] =	vst v8;
	v8 =	vld.idx.msk [tilespmem:v58+s3+$0x0], $0xffff  }
0x614: {  	v6 =	vor.u32 $0x3, v6;
	v14 =	vld.idx.msk [tilespmem:v14+s3+$0x0], $0xffff;
	[tilespmem:s25+$0x150] =	vst v59  }
0x615: {  	v1 =	vor.u32 $0x3, v1;
	[tilespmem:s0+$0x90] =	vst v4;
	v3 =	vld.idx.msk [tilespmem:v3+s3+$0x0], $0xffff  }
0x616: {  	v4 =	vor.u32 $0x2, v13;
	[tilespmem:s0+$0xFFFFFE90] =	vst v16;
	v15 =	vld.idx.msk [tilespmem:v15+s3+$0x0], $0xffff  }
0x617: {  	[tilespmem:s24+$0xFFFFFEE0] =	vst v10;
	v10 =	vld.idx.msk [tilespmem:v61+s3+$0x0], $0xffff  }
0x618: {  	v7 =	vor.u32 $0x3, v7;
	[tilespmem:s28+$0x130] =	vst v8;
	v8 =	vld.idx.msk [tilespmem:v62+s3+$0x0], $0xffff  }
0x619: {  	v11 =	vor.u32 $0x3, v11;
	[tilespmem:s28+$0xFFFFFF30] =	vst v14;
	v6 =	vld.idx.msk [tilespmem:v6+s3+$0x0], $0xffff  }
0x61a: {  	v9 =	vor.u32 $0x3, v9;
	[tilespmem:s25+$0xFFFFFED0] =	vst v63;
	v1 =	vld.idx.msk [tilespmem:v1+s3+$0x0], $0xffff  }
0x61b: {  	v4 =	vld.idx.msk [tilespmem:v4+s3+$0x0], $0xffff;
	[tilespmem:s25+$0x1D0] =	vst v3  }
0x61c: {  	[tilespmem:s0+$0x110] =	vst v15;
	v3 =	vld [tilespmem:s26+$0x60]  }
0x61d: {  	v13 =	vor.u32 $0x3, v13;
	[tilespmem:s0+$0xFFFFFF10] =	vst v10;
	v7 =	vld.idx.msk [tilespmem:v7+s3+$0x0], $0xffff  }
0x61e: {  	v10 =	vor.u32 $0x1, v2;
	v11 =	vld.idx.msk [tilespmem:v11+s3+$0x0], $0xffff;
	[tilespmem:s24+$0xFFFFFF60] =	vst v8  }
0x61f: {  	[tilespmem:s28+$0x1B0] =	vst v6;
	v9 =	vld.idx.msk [tilespmem:v9+s3+$0x0], $0xffff  }
0x620: {  	[tilespmem:s28+$0xFFFFFFB0] =	vst v1;
	v8 =	vld [tilespmem:s29+$0x40]  }
0x621: {  	[tilespmem:s25+$0xFFFFFF50] =	vst v4;
	v14 =	vld [tilespmem:s29+$0xFFFFFFC0]  }
0x622: {  	[tilespmem:s23+$0xFFFFFE70] =	vst v12;
	v3 =	vshll.u32 v3, $0x2;
	v6 =	vld.idx.msk [tilespmem:v13+s3+$0x0], $0xffff  }
0x623: {  	[tilespmem:s0+$0x190] =	vst v7;
	v4 =	vld.idx.msk [tilespmem:v10+s3+$0x0], $0xffff  }
0x624: {  	[tilespmem:s0+$0xFFFFFF90] =	vst v11;
	v12 =	vld [tilespmem:s30+$0x20]  }
0x625: {  	v13 =	vld [tilespmem:s30+$0xFFFFFFA0];
	[tilespmem:s24+$0xFFFFFFE0] =	vst v9;
	v8 =	vshll.u32 v8, $0x2  }
0x626: {  	[tilespmem:s23+$0x1F0] =	vst v0;
	v0 =	vor.u32 $0x3, v2;
	v1 =	vor.u32 $0x2, v2;
	v2 =	vld [tilespmem:s31+$0xFFFFFFF0];
	v11 =	vshll.u32 v14, $0x2  }
0x627: {  	s1 =	simm.s32 $0x8;
	s2 =	simm.s32 $0x780;
	[tilespmem:s24+$0x1F0] =	vst v5;
	s31 =	simm.s32 $0x5400;
	v9 =	vld.idx.msk [tilespmem:v3+s3+$0x0], $0xffff;
	v10 =	vor.u32 $0x1, v11;
	v7 =	vor.u32 $0x2, v11;
	v5 =	vor.u32 $0x3, v11  }
.LBB2_6:
0x628: {  	v14 =	vld [tilespmem:s2+$0x0];
	s1 =	sadd.s32 $0x2, s1;
	[tilespmem:s25+$0xFFFFFFD0] =	vst v6;
	v6 =	vor.u32 $0x1, v3;
	s14 =	smov.u32 s30;
	s30 =	smov.u32 s2  }
0x629: {  	v15 =	vld [tilespmem:s2+$0xFFFFFF80];
	p0 =	slt.u32 s1, $0x3E;
	v12 =	vshll.u32 v12, $0x2;
	[tilespmem:s23+$0xFFFFFEF0] =	vst v4  }
0x62a: {  	v4 =	vshll.u32 v13, $0x2;
	v13 =	vld.idx.msk [tilespmem:v8+s3+$0x0], $0xffff  }
0x62b: {  	v16 =	vor.u32 $0x1, v4;
	v17 =	vor.u32 $0x2, v4;
	v18 =	vor.u32 $0x3, v4;
	v19 =	vld.idx.msk [tilespmem:v11+s3+$0x0], $0xffff  }
0x62c: {  	v20 =	vor.u32 $0x1, v8;
	v21 =	vld [tilespmem:s26+$0xFFFFFFE0];
	[tilespmem:s25+$0x60] =	vst v9;
	v11 =	vshll.u32 v2, $0x2  }
0x62d: {  	v14 =	vshll.u32 v14, $0x2;
	v22 =	vld.idx.msk [tilespmem:v6+s3+$0x0], $0xffff;
	v2 =	vor.u32 $0x1, v11;
	v6 =	vor.u32 $0x2, v11  }
0x62e: {  	v9 =	vor.u32 $0x3, v11;
	v15 =	vshll.u32 v15, $0x2;
	v23 =	vld.idx.msk [tilespmem:v12+s3+$0x0], $0xffff  }
0x62f: {  	v27 =	vor.u32 $0x2, v3;
	v24 =	vor.u32 $0x1, v15;
	v25 =	vor.u32 $0x2, v15;
	v26 =	vld.idx.msk [tilespmem:v4+s3+$0x0], $0xffff  }
0x630: {  	v29 =	vor.u32 $0x1, v12;
	v28 =	vor.u32 $0x3, v15;
	[tilespmem:s28+$0x40] =	vst v13;
	v13 =	vld.idx.msk [tilespmem:v1+s3+$0x0], $0xffff;
	v1 =	vmov v6  }
0x631: {  	[tilespmem:s28+$0xFFFFFE40] =	vst v19;
	v19 =	vld.idx.msk [tilespmem:v20+s3+$0x0], $0xffff;
	v20 =	vshll.u32 v21, $0x2  }
0x632: {  	v21 =	vld.idx.msk [tilespmem:v14+s3+$0x0], $0xffff;
	v30 =	vor.u32 $0x1, v20;
	v6 =	vor.u32 $0x2, v20;
	v4 =	vor.u32 $0x3, v20  }
0x633: {  	v31 =	vor.u32 $0x2, v8;
	v15 =	vld.idx.msk [tilespmem:v15+s3+$0x0], $0xffff;
	[tilespmem:s25+$0xE0] =	vst v22  }
0x634: {  	v22 =	vor.u32 $0x1, v14;
	[tilespmem:s0+$0x20] =	vst v23;
	v23 =	vld.idx.msk [tilespmem:v27+s3+$0x0], $0xffff  }
0x635: {  	[tilespmem:s0+$0xFFFFFE20] =	vst v26;
	v26 =	vld.idx.msk [tilespmem:v29+s3+$0x0], $0xffff  }
0x636: {  	v3 =	vor.u32 $0x3, v3;
	v16 =	vld.idx.msk [tilespmem:v16+s3+$0x0], $0xffff;
	[tilespmem:s23+$0xFFFFFF70] =	vst v13  }
0x637: {  	s0 =	sadd.s32 $0x400, s0;
	v13 =	vor.u32 $0x2, v12;
	v10 =	vld.idx.msk [tilespmem:v10+s3+$0x0], $0xffff;
	[tilespmem:s28+$0xC0] =	vst v19  }
0x638: {  	[tilespmem:s0+$0x0] =	vst v21;
	v19 =	vld.idx.msk [tilespmem:v31+s3+$0x0], $0xffff  }
0x639: {  	[tilespmem:s0+$0xFFFFFE00] =	vst v15;
	v15 =	vld.idx.msk [tilespmem:v22+s3+$0x0], $0xffff  }
0x63a: {  	v8 =	vor.u32 $0x3, v8;
	v21 =	vld.idx.msk [tilespmem:v24+s3+$0x0], $0xffff;
	[tilespmem:s25+$0x160] =	vst v23  }
0x63b: {  	v22 =	vor.u32 $0x2, v14;
	[tilespmem:s31+$0xA0] =	vst v26;
	v3 =	vld.idx.msk [tilespmem:v3+s3+$0x0], $0xffff  }
0x63c: {  	[tilespmem:s31+$0xFFFFFEA0] =	vst v16;
	v13 =	vld.idx.msk [tilespmem:v13+s3+$0x0], $0xffff  }
0x63d: {  	v16 =	vld.idx.msk [tilespmem:v17+s3+$0x0], $0xffff;
	[tilespmem:s28+$0xFFFFFEC0] =	vst v10  }
0x63e: {  	v10 =	vor.u32 $0x3, v12;
	v7 =	vld.idx.msk [tilespmem:v7+s3+$0x0], $0xffff;
	[tilespmem:s28+$0x140] =	vst v19  }
0x63f: {  	[tilespmem:s0+$0x80] =	vst v15;
	v8 =	vld.idx.msk [tilespmem:v8+s3+$0x0], $0xffff  }
0x640: {  	[tilespmem:s0+$0xFFFFFE80] =	vst v21;
	v12 =	vld.idx.msk [tilespmem:v22+s3+$0x0], $0xffff  }
0x641: {  	v15 =	vld.idx.msk [tilespmem:v25+s3+$0x0], $0xffff;
	[tilespmem:s25+$0x1E0] =	vst v3  }
0x642: {  	v3 =	vor.u32 $0x3, v14;
	[tilespmem:s31+$0x120] =	vst v13;
	v13 =	vld [tilespmem:s26+$0x70]  }
0x643: {  	[tilespmem:s31+$0xFFFFFF20] =	vst v16;
	v10 =	vld.idx.msk [tilespmem:v10+s3+$0x0], $0xffff  }
0x644: {  	v14 =	vld.idx.msk [tilespmem:v18+s3+$0x0], $0xffff;
	[tilespmem:s28+$0xFFFFFF40] =	vst v7  }
0x645: {  	v5 =	vld.idx.msk [tilespmem:v5+s3+$0x0], $0xffff;
	[tilespmem:s28+$0x1C0] =	vst v8  }
0x646: {  	[tilespmem:s0+$0x100] =	vst v12;
	v7 =	vld [tilespmem:s29+$0x50]  }
0x647: {  	[tilespmem:s0+$0xFFFFFF00] =	vst v15;
	v3 =	vld.idx.msk [tilespmem:v3+s3+$0x0], $0xffff;
	v8 =	vshll.u32 v13, $0x2  }
0x648: {  	v12 =	vld.idx.msk [tilespmem:v28+s3+$0x0], $0xffff  }
0x649: {  	[tilespmem:s31+$0x1A0] =	vst v10;
	v10 =	vld.idx.msk [tilespmem:v20+s3+$0x0], $0xffff  }
0x64a: {  	[tilespmem:s31+$0xFFFFFFA0] =	vst v14;
	v13 =	vld [tilespmem:s14+$0x30]  }
0x64b: {  	v14 =	vld [tilespmem:s14+$0xFFFFFFB0];
	[tilespmem:s28+$0xFFFFFFC0] =	vst v5;
	v5 =	vshll.u32 v7, $0x2  }
0x64c: {  	v7 =	vld.idx.msk [tilespmem:v8+s3+$0x0], $0xffff  }
0x64d: {  	[tilespmem:s0+$0x180] =	vst v3;
	v3 =	vld [tilespmem:s29+$0xFFFFFFD0]  }
0x64e: {  	v15 =	vor.u32 $0x1, v8;
	[tilespmem:s0+$0xFFFFFF80] =	vst v12;
	v12 =	vld [tilespmem:s2+$0x10]  }
0x64f: {  	v16 =	vld [tilespmem:s2+$0xFFFFFF90];
	v13 =	vshll.u32 v13, $0x2;
	[tilespmem:s25+$0xFFFFFE60] =	vst v10  }
0x650: {  	v10 =	vshll.u32 v14, $0x2;
	v14 =	vld.idx.msk [tilespmem:v5+s3+$0x0], $0xffff  }
0x651: {  	v17 =	vor.u32 $0x1, v10;
	v18 =	vor.u32 $0x2, v10;
	v19 =	vor.u32 $0x3, v10;
	v20 =	vld.idx.msk [tilespmem:v30+s3+$0x0], $0xffff  }
0x652: {  	v21 =	vor.u32 $0x1, v5;
	v3 =	vshll.u32 v3, $0x2;
	[tilespmem:s25+$0x70] =	vst v7;
	v7 =	vld.idx.msk [tilespmem:v11+s3+$0x0], $0xffff  }
0x653: {  	v11 =	vshll.u32 v12, $0x2;
	v12 =	vor.u32 $0x1, v3;
	v22 =	vor.u32 $0x2, v3;
	v15 =	vld.idx.msk [tilespmem:v15+s3+$0x0], $0xffff  }
0x654: {  	v24 =	vor.u32 $0x3, v3;
	v16 =	vshll.u32 v16, $0x2;
	v23 =	vld.idx.msk [tilespmem:v13+s3+$0x0], $0xffff  }
0x655: {  	v27 =	vor.u32 $0x2, v8;
	v25 =	vor.u32 $0x1, v16;
	v26 =	vor.u32 $0x2, v16;
	v10 =	vld.idx.msk [tilespmem:v10+s3+$0x0], $0xffff  }
0x656: {  	v29 =	vor.u32 $0x1, v13;
	v28 =	vor.u32 $0x3, v16;
	[tilespmem:s28+$0x50] =	vst v14;
	v14 =	vld.idx.msk [tilespmem:v0+s3+$0x0], $0xffff;
	v0 =	vmov v9  }
0x657: {  	v9 =	vld.idx.msk [tilespmem:v21+s3+$0x0], $0xffff;
	[tilespmem:s25+$0xFFFFFEE0] =	vst v20  }
0x658: {  	v20 =	vld.idx.msk [tilespmem:v11+s3+$0x0], $0xffff;
	[tilespmem:s24+$0xFFFFFE70] =	vst v7  }
0x659: {  	v7 =	vld.idx.msk [tilespmem:v16+s3+$0x0], $0xffff;
	v16 =	vor.u32 $0x2, v5;
	[tilespmem:s25+$0xF0] =	vst v15  }
0x65a: {  	v15 =	vor.u32 $0x1, v11;
	[tilespmem:s31+$0x30] =	vst v23;
	v21 =	vld.idx.msk [tilespmem:v27+s3+$0x0], $0xffff  }
0x65b: {  	[tilespmem:s31+$0xFFFFFE30] =	vst v10;
	v10 =	vld.idx.msk [tilespmem:v29+s3+$0x0], $0xffff  }
0x65c: {  	v8 =	vor.u32 $0x3, v8;
	v17 =	vld.idx.msk [tilespmem:v17+s3+$0x0], $0xffff;
	[tilespmem:s23+$0xFFFFFFF0] =	vst v14;
	s23 =	smov.u32 s24;
	s24 =	smov.u32 s25;
	s25 =	smov.u32 s28  }
0x65d: {  	v14 =	vor.u32 $0x2, v13;
	s28 =	smov.u32 s31;
	s31 =	smov.u32 s0;
	v3 =	vld.idx.msk [tilespmem:v3+s3+$0x0], $0xffff;
	[tilespmem:s25+$0xD0] =	vst v9  }
0x65e: {  	[tilespmem:s0+$0x10] =	vst v20;
	v9 =	vld.idx.msk [tilespmem:v16+s3+$0x0], $0xffff  }
0x65f: {  	[tilespmem:s0+$0xFFFFFE10] =	vst v7;
	v7 =	vld.idx.msk [tilespmem:v15+s3+$0x0], $0xffff  }
0x660: {  	v5 =	vor.u32 $0x3, v5;
	v15 =	vld.idx.msk [tilespmem:v25+s3+$0x0], $0xffff;
	[tilespmem:s24+$0x170] =	vst v21  }
0x661: {  	v16 =	vor.u32 $0x2, v11;
	[tilespmem:s28+$0xB0] =	vst v10;
	v8 =	vld.idx.msk [tilespmem:v8+s3+$0x0], $0xffff  }
0x662: {  	[tilespmem:s28+$0xFFFFFEB0] =	vst v17;
	v10 =	vld.idx.msk [tilespmem:v14+s3+$0x0], $0xffff  }
0x663: {  	v14 =	vld.idx.msk [tilespmem:v18+s3+$0x0], $0xffff;
	[tilespmem:s25+$0xFFFFFE50] =	vst v3  }
0x664: {  	v3 =	vor.u32 $0x3, v13;
	v12 =	vld.idx.msk [tilespmem:v12+s3+$0x0], $0xffff;
	[tilespmem:s25+$0x150] =	vst v9  }
0x665: {  	[tilespmem:s0+$0x90] =	vst v7;
	v5 =	vld.idx.msk [tilespmem:v5+s3+$0x0], $0xffff  }
0x666: {  	[tilespmem:s0+$0xFFFFFE90] =	vst v15;
	v7 =	vld.idx.msk [tilespmem:v16+s3+$0x0], $0xffff  }
0x667: {  	v9 =	vld.idx.msk [tilespmem:v26+s3+$0x0], $0xffff;
	[tilespmem:s24+$0x1F0] =	vst v8  }
0x668: {  	v8 =	vor.u32 $0x3, v11;
	[tilespmem:s28+$0x130] =	vst v10;
	v6 =	vld.idx.msk [tilespmem:v6+s3+$0x0], $0xffff  }
0x669: {  	[tilespmem:s28+$0xFFFFFF30] =	vst v14;
	v3 =	vld.idx.msk [tilespmem:v3+s3+$0x0], $0xffff  }
0x66a: {  	v10 =	vld.idx.msk [tilespmem:v19+s3+$0x0], $0xffff;
	[tilespmem:s25+$0xFFFFFED0] =	vst v12  }
0x66b: {  	v11 =	vld.idx.msk [tilespmem:v22+s3+$0x0], $0xffff;
	[tilespmem:s25+$0x1D0] =	vst v5  }
0x66c: {  	[tilespmem:s0+$0x110] =	vst v7;
	v5 =	vld [tilespmem:s29+$0x60]  }
0x66d: {  	[tilespmem:s0+$0xFFFFFF10] =	vst v9;
	v7 =	vld.idx.msk [tilespmem:v8+s3+$0x0], $0xffff  }
0x66e: {  	v8 =	vld.idx.msk [tilespmem:v28+s3+$0x0], $0xffff;
	[tilespmem:s24+$0xFFFFFF60] =	vst v6  }
0x66f: {  	[tilespmem:s28+$0x1B0] =	vst v3;
	v9 =	vld.idx.msk [tilespmem:v4+s3+$0x0], $0xffff  }
0x670: {  	[tilespmem:s28+$0xFFFFFFB0] =	vst v10;
	v10 =	vld [tilespmem:s14+$0x40]  }
0x671: {  	v14 =	vld [tilespmem:s14+$0xFFFFFFC0];
	[tilespmem:s25+$0xFFFFFF50] =	vst v11;
	v3 =	vshll.u32 v5, $0x2  }
0x672: {  	v6 =	vld.idx.msk [tilespmem:v24+s3+$0x0], $0xffff  }
.Ltmp2:
0x673: {  	[tilespmem:s0+$0x190] =	vst v7;
	v4 =	vld.idx.msk [tilespmem:v2+s3+$0x0], $0xffff;
	(pc) =	sbr.rel @p0 .LBB2_6-.Ltmp2, $4  }
0x674: {  	[tilespmem:s0+$0xFFFFFF90] =	vst v8;
	v12 =	vld [tilespmem:s2+$0x20]  }
0x675: {  	v13 =	vld [tilespmem:s2+$0xFFFFFFA0];
	v8 =	vshll.u32 v10, $0x2;
	[tilespmem:s24+$0xFFFFFFE0] =	vst v9  }
0x676: {  	v11 =	vshll.u32 v14, $0x2;
	v9 =	vld.idx.msk [tilespmem:v3+s3+$0x0], $0xffff  }
0x677: {  	s2 =	sadd.s32 $0x100, s2;
	v10 =	vor.u32 $0x1, v11;
	v7 =	vor.u32 $0x2, v11;
	v5 =	vor.u32 $0x3, v11;
	v2 =	vld [tilespmem:s26+$0xFFFFFFF0];
	s26 =	smov.u32 s29;
	s29 =	smov.u32 s14  }
0x678: {  	_ = 	snop  }
0x679: {  	v12 =	vshll.u32 v12, $0x2;
	_ =	sdelay $0x1  }
0x67a: {  	v13 =	vshll.u32 v13, $0x2;
	_ =	sdelay $0x2  }
0x67b: {  	v14 =	vld.idx.msk [tilespmem:v12+s3+$0x0], $0xffff  }
0x67c: {  	v15 =	vor.u32 $0x1, v12  }
0x67d: {  	v16 =	vld.idx.msk [tilespmem:v13+s3+$0x0], $0xffff  }
0x67e: {  	v17 =	vor.u32 $0x1, v13;
	_ =	sdelay $0x1  }
0x67f: {  	[tilespmem:s0+$0x20] =	vst v14  }
0x680: {  	v14 =	vld.idx.msk [tilespmem:v15+s3+$0x0], $0xffff  }
0x681: {  	[tilespmem:s0+$0xFFFFFE20] =	vst v16;
	v15 =	vor.u32 $0x2, v12  }
0x682: {  	v16 =	vld.idx.msk [tilespmem:v17+s3+$0x0], $0xffff  }
0x683: {  	v53 =	vor.u32 $0x2, v13;
	_ =	sdelay $0x1  }
0x684: {  	[tilespmem:s31+$0xA0] =	vst v14  }
0x685: {  	v14 =	vld.idx.msk [tilespmem:v15+s3+$0x0], $0xffff  }
0x686: {  	v12 =	vor.u32 $0x3, v12;
	[tilespmem:s31+$0xFFFFFEA0] =	vst v16  }
0x687: {  	v15 =	vld.idx.msk [tilespmem:v53+s3+$0x0], $0xffff  }
0x688: {  	v13 =	vor.u32 $0x3, v13;
	_ =	sdelay $0x1  }
0x689: {  	[tilespmem:s31+$0x120] =	vst v14  }
0x68a: {  	v12 =	vld.idx.msk [tilespmem:v12+s3+$0x0], $0xffff  }
0x68b: {  	[tilespmem:s31+$0xFFFFFF20] =	vst v15  }
0x68c: {  	v13 =	vld.idx.msk [tilespmem:v13+s3+$0x0], $0xffff;
	_ =	sdelay $0x2  }
0x68d: {  	[tilespmem:s31+$0x1A0] =	vst v12  }
0x68e: {  	v12 =	vld [tilespmem:s30+$0x30]  }
0x68f: {  	[tilespmem:s31+$0xFFFFFFA0] =	vst v13  }
0x690: {  	v13 =	vld [tilespmem:s30+$0xFFFFFFB0];
	_ =	sdelay $0x2  }
0x691: {  	v12 =	vshll.u32 v12, $0x2;
	_ =	sdelay $0x1  }
0x692: {  	v13 =	vshll.u32 v13, $0x2;
	_ =	sdelay $0x2  }
0x693: {  	v14 =	vld.idx.msk [tilespmem:v12+s3+$0x0], $0xffff  }
0x694: {  	v15 =	vor.u32 $0x1, v12  }
0x695: {  	v16 =	vld.idx.msk [tilespmem:v13+s3+$0x0], $0xffff  }
0x696: {  	v54 =	vor.u32 $0x1, v13;
	_ =	sdelay $0x1  }
0x697: {  	[tilespmem:s31+$0x30] =	vst v14  }
0x698: {  	v14 =	vld.idx.msk [tilespmem:v15+s3+$0x0], $0xffff  }
0x699: {  	[tilespmem:s31+$0xFFFFFE30] =	vst v16;
	v15 =	vor.u32 $0x2, v12  }
0x69a: {  	v16 =	vld.idx.msk [tilespmem:v54+s3+$0x0], $0xffff  }
0x69b: {  	v55 =	vor.u32 $0x2, v13;
	_ =	sdelay $0x1  }
0x69c: {  	[tilespmem:s31+$0xB0] =	vst v14  }
0x69d: {  	v14 =	vld.idx.msk [tilespmem:v15+s3+$0x0], $0xffff  }
0x69e: {  	v12 =	vor.u32 $0x3, v12;
	[tilespmem:s31+$0xFFFFFEB0] =	vst v16  }
0x69f: {  	v15 =	vld.idx.msk [tilespmem:v55+s3+$0x0], $0xffff  }
0x6a0: {  	v13 =	vor.u32 $0x3, v13;
	_ =	sdelay $0x1  }
0x6a1: {  	[tilespmem:s31+$0x130] =	vst v14  }
0x6a2: {  	v12 =	vld.idx.msk [tilespmem:v12+s3+$0x0], $0xffff  }
0x6a3: {  	[tilespmem:s31+$0xFFFFFF30] =	vst v15  }
0x6a4: {  	v13 =	vld.idx.msk [tilespmem:v13+s3+$0x0], $0xffff;
	_ =	sdelay $0x2  }
0x6a5: {  	[tilespmem:s31+$0x1B0] =	vst v12  }
0x6a6: {  	v12 =	vld [tilespmem:s30+$0x40]  }
0x6a7: {  	[tilespmem:s31+$0xFFFFFFB0] =	vst v13  }
0x6a8: {  	v13 =	vld [tilespmem:s30+$0xFFFFFFC0];
	_ =	sdelay $0x2  }
0x6a9: {  	v12 =	vshll.u32 v12, $0x2;
	_ =	sdelay $0x1  }
0x6aa: {  	v14 =	vld.idx.msk [tilespmem:v8+s3+$0x0], $0xffff;
	v13 =	vshll.u32 v13, $0x2  }
0x6ab: {  	v15 =	vor.u32 $0x1, v8;
	_ =	sdelay $0x1  }
0x6ac: {  	v56 =	vld.idx.msk [tilespmem:v12+s3+$0x0], $0xffff  }
0x6ad: {  	v11 =	vld.idx.msk [tilespmem:v11+s3+$0x0], $0xffff;
	v57 =	vor.u32 $0x1, v12  }
0x6ae: {  	[tilespmem:s28+$0x40] =	vst v14;
	v18 =	vld.idx.msk [tilespmem:v13+s3+$0x0], $0xffff  }
0x6af: {  	v15 =	vld.idx.msk [tilespmem:v15+s3+$0x0], $0xffff;
	v14 =	vor.u32 $0x1, v13  }
0x6b0: {  	v19 =	vor.u32 $0x2, v8  }
0x6b1: {  	[tilespmem:s31+$0x40] =	vst v56  }
0x6b2: {  	[tilespmem:s28+$0xFFFFFE40] =	vst v11;
	v11 =	vld.idx.msk [tilespmem:v57+s3+$0x0], $0xffff  }
0x6b3: {  	v10 =	vld.idx.msk [tilespmem:v10+s3+$0x0], $0xffff;
	v58 =	vor.u32 $0x2, v12;
	[tilespmem:s31+$0xFFFFFE40] =	vst v18  }
0x6b4: {  	[tilespmem:s28+$0xC0] =	vst v15;
	v14 =	vld.idx.msk [tilespmem:v14+s3+$0x0], $0xffff  }
0x6b5: {  	v59 =	vld.idx.msk [tilespmem:v19+s3+$0x0], $0xffff;
	v15 =	vor.u32 $0x2, v13  }
0x6b6: {  	v8 =	vor.u32 $0x3, v8  }
0x6b7: {  	[tilespmem:s31+$0xC0] =	vst v11  }
0x6b8: {  	[tilespmem:s28+$0xFFFFFEC0] =	vst v10;
	v10 =	vld.idx.msk [tilespmem:v58+s3+$0x0], $0xffff  }
0x6b9: {  	v7 =	vld.idx.msk [tilespmem:v7+s3+$0x0], $0xffff;
	v11 =	vor.u32 $0x3, v12;
	[tilespmem:s31+$0xFFFFFEC0] =	vst v14  }
0x6ba: {  	[tilespmem:s28+$0x140] =	vst v59;
	v12 =	vld.idx.msk [tilespmem:v15+s3+$0x0], $0xffff  }
0x6bb: {  	v13 =	vor.u32 $0x3, v13;
	v8 =	vld.idx.msk [tilespmem:v8+s3+$0x0], $0xffff;
	_ =	sdelay $0x1  }
0x6bc: {  	[tilespmem:s31+$0x140] =	vst v10  }
0x6bd: {  	[tilespmem:s28+$0xFFFFFF40] =	vst v7;
	v7 =	vld.idx.msk [tilespmem:v11+s3+$0x0], $0xffff  }
0x6be: {  	v5 =	vld.idx.msk [tilespmem:v5+s3+$0x0], $0xffff;
	[tilespmem:s31+$0xFFFFFF40] =	vst v12  }
0x6bf: {  	[tilespmem:s28+$0x1C0] =	vst v8;
	v10 =	vld.idx.msk [tilespmem:v13+s3+$0x0], $0xffff  }
0x6c0: {  	v8 =	vld [tilespmem:s29+$0x50];
	_ =	sdelay $0x1  }
0x6c1: {  	[tilespmem:s31+$0x1C0] =	vst v7  }
0x6c2: {  	[tilespmem:s28+$0xFFFFFFC0] =	vst v5;
	v5 =	vld [tilespmem:s30+$0x50]  }
0x6c3: {  	v7 =	vld [tilespmem:s29+$0xFFFFFFD0];
	[tilespmem:s31+$0xFFFFFFC0] =	vst v10  }
0x6c4: {  	v8 =	vshll.u32 v8, $0x2;
	v10 =	vld [tilespmem:s30+$0xFFFFFFD0];
	_ =	sdelay $0x2  }
0x6c5: {  	v5 =	vshll.u32 v5, $0x2  }
0x6c6: {  	v7 =	vshll.u32 v7, $0x2  }
0x6c7: {  	v11 =	vld.idx.msk [tilespmem:v8+s3+$0x0], $0xffff;
	v10 =	vshll.u32 v10, $0x2  }
0x6c8: {  	v12 =	vor.u32 $0x1, v8;
	_ =	sdelay $0x1  }
0x6c9: {  	v13 =	vld.idx.msk [tilespmem:v5+s3+$0x0], $0xffff  }
0x6ca: {  	v15 =	vor.u32 $0x1, v5;
	v14 =	vld.idx.msk [tilespmem:v7+s3+$0x0], $0xffff  }
0x6cb: {  	[tilespmem:s28+$0x50] =	vst v11;
	v60 =	vor.u32 $0x1, v7;
	v61 =	vld.idx.msk [tilespmem:v10+s3+$0x0], $0xffff  }
0x6cc: {  	v12 =	vld.idx.msk [tilespmem:v12+s3+$0x0], $0xffff;
	v11 =	vor.u32 $0x1, v10  }
0x6cd: {  	v62 =	vor.u32 $0x2, v8  }
0x6ce: {  	[tilespmem:s31+$0x50] =	vst v13  }
0x6cf: {  	[tilespmem:s28+$0xFFFFFE50] =	vst v14;
	v13 =	vor.u32 $0x1, v3;
	v14 =	vld.idx.msk [tilespmem:v15+s3+$0x0], $0xffff  }
0x6d0: {  	v63 =	vor.u32 $0x2, v5;
	v15 =	vld.idx.msk [tilespmem:v60+s3+$0x0], $0xffff;
	[tilespmem:s31+$0xFFFFFE50] =	vst v61  }
0x6d1: {  	v20 =	vor.u32 $0x2, v7;
	[tilespmem:s28+$0xD0] =	vst v12;
	v11 =	vld.idx.msk [tilespmem:v11+s3+$0x0], $0xffff  }
0x6d2: {  	[tilespmem:s25+$0x60] =	vst v9;
	v9 =	vld.idx.msk [tilespmem:v62+s3+$0x0], $0xffff;
	v12 =	vor.u32 $0x2, v10  }
0x6d3: {  	v8 =	vor.u32 $0x3, v8  }
0x6d4: {  	v13 =	vld.idx.msk [tilespmem:v13+s3+$0x0], $0xffff;
	[tilespmem:s31+$0xD0] =	vst v14  }
0x6d5: {  	v14 =	vor.u32 $0x2, v3;
	[tilespmem:s28+$0xFFFFFED0] =	vst v15;
	v15 =	vld.idx.msk [tilespmem:v63+s3+$0x0], $0xffff  }
0x6d6: {  	v5 =	vor.u32 $0x3, v5;
	v21 =	vld.idx.msk [tilespmem:v20+s3+$0x0], $0xffff;
	[tilespmem:s31+$0xFFFFFED0] =	vst v11  }
0x6d7: {  	v7 =	vor.u32 $0x3, v7;
	[tilespmem:s28+$0x150] =	vst v9;
	v11 =	vld.idx.msk [tilespmem:v12+s3+$0x0], $0xffff  }
0x6d8: {  	[tilespmem:s25+$0xFFFFFFD0] =	vst v6;
	v9 =	vor.u32 $0x3, v10;
	v8 =	vld.idx.msk [tilespmem:v8+s3+$0x0], $0xffff  }
0x6d9: {  	[tilespmem:s25+$0xE0] =	vst v13  }
0x6da: {  	v10 =	vld.idx.msk [tilespmem:v14+s3+$0x0], $0xffff;
	[tilespmem:s31+$0x150] =	vst v15  }
0x6db: {  	v3 =	vor.u32 $0x3, v3;
	[tilespmem:s28+$0xFFFFFF50] =	vst v21;
	v5 =	vld.idx.msk [tilespmem:v5+s3+$0x0], $0xffff  }
0x6dc: {  	v7 =	vld.idx.msk [tilespmem:v7+s3+$0x0], $0xffff;
	[tilespmem:s31+$0xFFFFFF50] =	vst v11  }
0x6dd: {  	[tilespmem:s28+$0x1D0] =	vst v8;
	v6 =	vld.idx.msk [tilespmem:v9+s3+$0x0], $0xffff  }
0x6de: {  	v8 =	vld [tilespmem:s29+$0x60]  }
0x6df: {  	v9 =	vld [tilespmem:s26+$0xFFFFFFE0];
	[tilespmem:s25+$0x160] =	vst v10  }
0x6e0: {  	v3 =	vld.idx.msk [tilespmem:v3+s3+$0x0], $0xffff;
	[tilespmem:s31+$0x1D0] =	vst v5  }
0x6e1: {  	[tilespmem:s28+$0xFFFFFFD0] =	vst v7;
	v5 =	vld [tilespmem:s30+$0x60]  }
0x6e2: {  	v7 =	vld [tilespmem:s29+$0xFFFFFFE0];
	[tilespmem:s31+$0xFFFFFFD0] =	vst v6  }
0x6e3: {  	v8 =	vshll.u32 v8, $0x2;
	v6 =	vld [tilespmem:s30+$0xFFFFFFE0]  }
0x6e4: {  	v9 =	vshll.u32 v9, $0x2;
	_ =	sdelay $0x1  }
0x6e5: {  	v5 =	vshll.u32 v5, $0x2  }
0x6e6: {  	[tilespmem:s25+$0x1E0] =	vst v3;
	v3 =	vshll.u32 v7, $0x2  }
0x6e7: {  	v10 =	vld.idx.msk [tilespmem:v8+s3+$0x0], $0xffff;
	v6 =	vshll.u32 v6, $0x2  }
0x6e8: {  	v12 =	vor.u32 $0x1, v8;
	v11 =	vld.idx.msk [tilespmem:v9+s3+$0x0], $0xffff  }
0x6e9: {  	v13 =	vor.u32 $0x1, v9;
	v7 =	vld [tilespmem:s26+$0x70]  }
0x6ea: {  	v14 =	vld.idx.msk [tilespmem:v5+s3+$0x0], $0xffff  }
0x6eb: {  	[tilespmem:s23+$0xFFFFFEF0] =	vst v4;
	v22 =	vor.u32 $0x1, v5;
	v15 =	vld.idx.msk [tilespmem:v3+s3+$0x0], $0xffff  }
0x6ec: {  	[tilespmem:s28+$0x60] =	vst v10;
	v4 =	vor.u32 $0x1, v3;
	v23 =	vld.idx.msk [tilespmem:v6+s3+$0x0], $0xffff  }
0x6ed: {  	v10 =	vor.u32 $0x1, v6;
	[tilespmem:s25+$0xFFFFFE60] =	vst v11;
	v11 =	vld.idx.msk [tilespmem:v12+s3+$0x0], $0xffff  }
0x6ee: {  	v12 =	vld.idx.msk [tilespmem:v13+s3+$0x0], $0xffff;
	v13 =	vor.u32 $0x2, v8  }
0x6ef: {  	v1 =	vld.idx.msk [tilespmem:v1+s3+$0x0], $0xffff;
	v7 =	vshll.u32 v7, $0x2;
	[tilespmem:s31+$0x60] =	vst v14  }
0x6f0: {  	v14 =	vor.u32 $0x2, v9;
	[tilespmem:s28+$0xFFFFFE60] =	vst v15;
	v15 =	vld.idx.msk [tilespmem:v22+s3+$0x0], $0xffff  }
0x6f1: {  	v24 =	vor.u32 $0x2, v5;
	v4 =	vld.idx.msk [tilespmem:v4+s3+$0x0], $0xffff;
	[tilespmem:s31+$0xFFFFFE60] =	vst v23  }
0x6f2: {  	v25 =	vor.u32 $0x2, v3;
	[tilespmem:s28+$0xE0] =	vst v11;
	v10 =	vld.idx.msk [tilespmem:v10+s3+$0x0], $0xffff  }
0x6f3: {  	v11 =	vor.u32 $0x2, v6;
	[tilespmem:s25+$0xFFFFFEE0] =	vst v12;
	v12 =	vld.idx.msk [tilespmem:v13+s3+$0x0], $0xffff  }
0x6f4: {  	v8 =	vor.u32 $0x3, v8;
	v26 =	vld.idx.msk [tilespmem:v7+s3+$0x0], $0xffff  }
0x6f5: {  	v27 =	vor.u32 $0x1, v7;
	v13 =	vld.idx.msk [tilespmem:v14+s3+$0x0], $0xffff;
	[tilespmem:s31+$0xE0] =	vst v15  }
0x6f6: {  	v9 =	vor.u32 $0x3, v9;
	[tilespmem:s28+$0xFFFFFEE0] =	vst v4;
	v4 =	vld.idx.msk [tilespmem:v24+s3+$0x0], $0xffff  }
0x6f7: {  	v5 =	vor.u32 $0x3, v5;
	v14 =	vld.idx.msk [tilespmem:v25+s3+$0x0], $0xffff;
	[tilespmem:s31+$0xFFFFFEE0] =	vst v10  }
0x6f8: {  	v3 =	vor.u32 $0x3, v3;
	[tilespmem:s28+$0x160] =	vst v12;
	v10 =	vld.idx.msk [tilespmem:v11+s3+$0x0], $0xffff  }
0x6f9: {  	v6 =	vor.u32 $0x3, v6;
	[tilespmem:s25+$0x70] =	vst v26;
	v8 =	vld.idx.msk [tilespmem:v8+s3+$0x0], $0xffff  }
0x6fa: {  	v11 =	vld.idx.msk [tilespmem:v27+s3+$0x0], $0xffff;
	[tilespmem:s25+$0xFFFFFF60] =	vst v13  }
0x6fb: {  	v12 =	vor.u32 $0x2, v7;
	v9 =	vld.idx.msk [tilespmem:v9+s3+$0x0], $0xffff;
	[tilespmem:s31+$0x160] =	vst v4  }
0x6fc: {  	[tilespmem:s28+$0xFFFFFF60] =	vst v14;
	v4 =	vld.idx.msk [tilespmem:v5+s3+$0x0], $0xffff  }
0x6fd: {  	v3 =	vld.idx.msk [tilespmem:v3+s3+$0x0], $0xffff;
	[tilespmem:s31+$0xFFFFFF60] =	vst v10  }
0x6fe: {  	[tilespmem:s28+$0x1E0] =	vst v8;
	v5 =	vld.idx.msk [tilespmem:v6+s3+$0x0], $0xffff  }
0x6ff: {  	[tilespmem:s25+$0xF0] =	vst v11;
	v8 =	vld [tilespmem:s29+$0x70]  }
0x700: {  	v6 =	vld.idx.msk [tilespmem:v12+s3+$0x0], $0xffff;
	[tilespmem:s25+$0xFFFFFFE0] =	vst v9  }
0x701: {  	v9 =	vld [tilespmem:s26+$0xFFFFFFF0];
	[tilespmem:s31+$0x1E0] =	vst v4  }
0x702: {  	v2 =	vshll.u32 v2, $0x2;
	[tilespmem:s28+$0xFFFFFFE0] =	vst v3;
	v3 =	vld [tilespmem:s30+$0x70]  }
0x703: {  	v4 =	vld [tilespmem:s29+$0xFFFFFFF0];
	[tilespmem:s31+$0xFFFFFFE0] =	vst v5  }
0x704: {  	v5 =	vor.u32 $0x3, v7;
	v7 =	vld [tilespmem:s30+$0xFFFFFFF0]  }
0x705: {  	v8 =	vshll.u32 v8, $0x2  }
0x706: {  	v9 =	vshll.u32 v9, $0x2  }
0x707: {  	[tilespmem:s23+$0xFFFFFF70] =	vst v1;
	v1 =	vld.idx.msk [tilespmem:v2+s3+$0x0], $0xffff;
	v3 =	vshll.u32 v3, $0x2  }
0x708: {  	v0 =	vld.idx.msk [tilespmem:v0+s3+$0x0], $0xffff;
	[tilespmem:s25+$0x170] =	vst v6;
	v4 =	vshll.u32 v4, $0x2  }
0x709: {  	v5 =	vld.idx.msk [tilespmem:v5+s3+$0x0], $0xffff;
	v6 =	vshll.u32 v7, $0x2  }
0x70a: {  	v10 =	vld.idx.msk [tilespmem:v8+s3+$0x0], $0xffff;
	v7 =	vor.u32 $0x1, v2  }
0x70b: {  	v11 =	vor.u32 $0x1, v8;
	v12 =	vld.idx.msk [tilespmem:v9+s3+$0x0], $0xffff  }
0x70c: {  	[tilespmem:s24+$0xFFFFFE70] =	vst v1;
	v1 =	vor.u32 $0x1, v9;
	v13 =	vld.idx.msk [tilespmem:v3+s3+$0x0], $0xffff  }
0x70d: {  	[tilespmem:s23+$0xFFFFFFF0] =	vst v0;
	v0 =	vor.u32 $0x1, v3;
	v14 =	vld.idx.msk [tilespmem:v4+s3+$0x0], $0xffff  }
0x70e: {  	[tilespmem:s25+$0x1F0] =	vst v5;
	v5 =	vor.u32 $0x1, v4;
	v15 =	vld.idx.msk [tilespmem:v6+s3+$0x0], $0xffff  }
0x70f: {  	[tilespmem:s28+$0x70] =	vst v10;
	v10 =	vor.u32 $0x1, v6;
	v7 =	vld.idx.msk [tilespmem:v7+s3+$0x0], $0xffff  }
0x710: {  	v28 =	vor.u32 $0x2, v2;
	v11 =	vld.idx.msk [tilespmem:v11+s3+$0x0], $0xffff;
	[tilespmem:s25+$0xFFFFFE70] =	vst v12  }
0x711: {  	v12 =	vor.u32 $0x2, v8;
	v1 =	vld.idx.msk [tilespmem:v1+s3+$0x0], $0xffff;
	[tilespmem:s31+$0x70] =	vst v13  }
0x712: {  	v13 =	vor.u32 $0x2, v9;
	[tilespmem:s28+$0xFFFFFE70] =	vst v14;
	v0 =	vld.idx.msk [tilespmem:v0+s3+$0x0], $0xffff  }
0x713: {  	v14 =	vor.u32 $0x2, v3;
	v5 =	vld.idx.msk [tilespmem:v5+s3+$0x0], $0xffff;
	[tilespmem:s31+$0xFFFFFE70] =	vst v15  }
0x714: {  	[tilespmem:s24+$0xFFFFFEF0] =	vst v7;
	v7 =	vor.u32 $0x2, v4;
	v10 =	vld.idx.msk [tilespmem:v10+s3+$0x0], $0xffff  }
0x715: {  	[tilespmem:s28+$0xF0] =	vst v11;
	v11 =	vor.u32 $0x2, v6;
	v15 =	vld.idx.msk [tilespmem:v28+s3+$0x0], $0xffff  }
0x716: {  	v2 =	vor.u32 $0x3, v2;
	v12 =	vld.idx.msk [tilespmem:v12+s3+$0x0], $0xffff;
	[tilespmem:s25+$0xFFFFFEF0] =	vst v1  }
0x717: {  	v1 =	vor.u32 $0x3, v8;
	v8 =	vld.idx.msk [tilespmem:v13+s3+$0x0], $0xffff;
	[tilespmem:s31+$0xF0] =	vst v0  }
0x718: {  	v0 =	vor.u32 $0x3, v9;
	[tilespmem:s28+$0xFFFFFEF0] =	vst v5;
	v9 =	vld.idx.msk [tilespmem:v14+s3+$0x0], $0xffff  }
0x719: {  	v3 =	vor.u32 $0x3, v3;
	v5 =	vld.idx.msk [tilespmem:v7+s3+$0x0], $0xffff;
	[tilespmem:s31+$0xFFFFFEF0] =	vst v10  }
0x71a: {  	v4 =	vor.u32 $0x3, v4;
	[tilespmem:s24+$0xFFFFFF70] =	vst v15;
	v7 =	vld.idx.msk [tilespmem:v11+s3+$0x0], $0xffff  }
0x71b: {  	v6 =	vor.u32 $0x3, v6;
	v2 =	vld.idx.msk [tilespmem:v2+s3+$0x0], $0xffff;
	[tilespmem:s28+$0x170] =	vst v12  }
0x71c: {  	v1 =	vld.idx.msk [tilespmem:v1+s3+$0x0], $0xffff;
	[tilespmem:s25+$0xFFFFFF70] =	vst v8  }
0x71d: {  	v0 =	vld.idx.msk [tilespmem:v0+s3+$0x0], $0xffff;
	[tilespmem:s31+$0x170] =	vst v9  }
0x71e: {  	[tilespmem:s28+$0xFFFFFF70] =	vst v5;
	v3 =	vld.idx.msk [tilespmem:v3+s3+$0x0], $0xffff  }
0x71f: {  	v4 =	vld.idx.msk [tilespmem:v4+s3+$0x0], $0xffff;
	[tilespmem:s31+$0xFFFFFF70] =	vst v7  }
0x720: {  	[tilespmem:s24+$0xFFFFFFF0] =	vst v2;
	v2 =	vld.idx.msk [tilespmem:v6+s3+$0x0], $0xffff  }
0x721: {  	[tilespmem:s28+$0x1F0] =	vst v1  }
0x722: {  	[tilespmem:s25+$0xFFFFFFF0] =	vst v0  }
0x723: {  	[tilespmem:s31+$0x1F0] =	vst v3  }
0x724: {  	[tilespmem:s28+$0xFFFFFFF0] =	vst v4  }
0x725: {  	[tilespmem:s31+$0xFFFFFFF0] =	vst v2  }
0x726: {  	[hbm4b:s10+s3] =	stream.linear.scatter [tilespmem:s17], [sflag:$0x3], $0x8000, $0x38;
	[tilespmem:$0x14200] =	vst v63  }
0x727: {  	_ =	swait.ge [sflag:s21], $0x8000  }
0x728: {  	[sflag:s21] =	ssyncset.done $0x0  }
0x729: {  	[sflag:s21] =	ssyncadd.s32 $0xFFFF8000  }
0x72a: {  	_ =	swait.ge [sflag:s18], $0x2000  }
0x72b: {  	[sflag:s18] =	ssyncset.done $0x0  }
0x72c: {  	s14 =	simm.s32 $0x2280;
	[sflag:s18] =	ssyncadd.s32 $0xFFFFE000  }
0x72d: {  	v0 =	vld [tilespmem:s14+$0x0];
	_ =	sdelay $0x4  }
0x72e: {  	v0 =	vshll.u32 v0, $0x2;
	_ =	sdelay $0x4  }
0x72f: {  	v1 =	vld.idx.msk [tilespmem:v0+s3+$0x0], $0xffff  }
0x730: {  	v2 =	vor.u32 $0x1, v0;
	_ =	sdelay $0x1  }
0x731: {  	v3 =	vld [tilespmem:s14+$0xFFFFFF80]  }
0x732: {  	s23 =	simm.s32 $0xC400  }
0x733: {  	[tilespmem:s23+$0x0] =	vst v1  }
0x734: {  	v1 =	vld.idx.msk [tilespmem:v2+s3+$0x0], $0xffff  }
0x735: {  	v2 =	vor.u32 $0x2, v0  }
0x736: {  	v3 =	vshll.u32 v3, $0x2;
	_ =	sdelay $0x2  }
0x737: {  	[tilespmem:s23+$0x80] =	vst v1  }
0x738: {  	v1 =	vld.idx.msk [tilespmem:v2+s3+$0x0], $0xffff  }
0x739: {  	v0 =	vor.u32 $0x3, v0;
	v2 =	vld.idx.msk [tilespmem:v3+s3+$0x0], $0xffff  }
0x73a: {  	v4 =	vor.u32 $0x1, v3;
	_ =	sdelay $0x2  }
0x73b: {  	[tilespmem:s23+$0x100] =	vst v1  }
0x73c: {  	[tilespmem:s23+$0xFFFFFE00] =	vst v2;
	v0 =	vld.idx.msk [tilespmem:v0+s3+$0x0], $0xffff  }
0x73d: {  	v1 =	vld.idx.msk [tilespmem:v4+s3+$0x0], $0xffff  }
0x73e: {  	v2 =	vor.u32 $0x2, v3;
	_ =	sdelay $0x2  }
0x73f: {  	[tilespmem:s23+$0x180] =	vst v0  }
0x740: {  	[tilespmem:s23+$0xFFFFFE80] =	vst v1;
	v0 =	vld [tilespmem:s14+$0x10]  }
0x741: {  	v1 =	vld.idx.msk [tilespmem:v2+s3+$0x0], $0xffff  }
0x742: {  	v2 =	vor.u32 $0x3, v3;
	_ =	sdelay $0x2  }
0x743: {  	v0 =	vshll.u32 v0, $0x2  }
0x744: {  	[tilespmem:s23+$0xFFFFFF00] =	vst v1  }
0x745: {  	v1 =	vld.idx.msk [tilespmem:v2+s3+$0x0], $0xffff;
	_ =	sdelay $0x2  }
0x746: {  	v2 =	vld.idx.msk [tilespmem:v0+s3+$0x0], $0xffff  }
0x747: {  	v3 =	vor.u32 $0x1, v0  }
0x748: {  	[tilespmem:s23+$0xFFFFFF80] =	vst v1  }
0x749: {  	v1 =	vld [tilespmem:s14+$0xFFFFFF90];
	_ =	sdelay $0x1  }
0x74a: {  	[tilespmem:s23+$0x10] =	vst v2  }
0x74b: {  	v2 =	vld.idx.msk [tilespmem:v3+s3+$0x0], $0xffff  }
0x74c: {  	v3 =	vor.u32 $0x2, v0  }
0x74d: {  	v1 =	vshll.u32 v1, $0x2;
	_ =	sdelay $0x2  }
0x74e: {  	[tilespmem:s23+$0x90] =	vst v2  }
0x74f: {  	v2 =	vld.idx.msk [tilespmem:v3+s3+$0x0], $0xffff  }
0x750: {  	v0 =	vor.u32 $0x3, v0;
	v3 =	vld.idx.msk [tilespmem:v1+s3+$0x0], $0xffff  }
0x751: {  	v4 =	vor.u32 $0x1, v1;
	_ =	sdelay $0x2  }
0x752: {  	[tilespmem:s23+$0x110] =	vst v2  }
0x753: {  	[tilespmem:s23+$0xFFFFFE10] =	vst v3;
	v0 =	vld.idx.msk [tilespmem:v0+s3+$0x0], $0xffff  }
0x754: {  	v2 =	vld.idx.msk [tilespmem:v4+s3+$0x0], $0xffff  }
0x755: {  	v3 =	vor.u32 $0x2, v1;
	_ =	sdelay $0x2  }
0x756: {  	[tilespmem:s23+$0x190] =	vst v0  }
0x757: {  	[tilespmem:s23+$0xFFFFFE90] =	vst v2;
	v0 =	vld [tilespmem:s14+$0x20]  }
0x758: {  	v2 =	vld.idx.msk [tilespmem:v3+s3+$0x0], $0xffff  }
0x759: {  	v1 =	vor.u32 $0x3, v1  }
0x75a: {  	s31 =	simm.s32 $0x2380  }
0x75b: {  	v3 =	vld [tilespmem:s31+$0x0]  }
0x75c: {  	v4 =	vld [tilespmem:s31+$0xFFFFFF80];
	v0 =	vshll.u32 v0, $0x2  }
0x75d: {  	[tilespmem:s23+$0xFFFFFF10] =	vst v2  }
0x75e: {  	v1 =	vld.idx.msk [tilespmem:v1+s3+$0x0], $0xffff;
	_ =	sdelay $0x1  }
0x75f: {  	v2 =	vshll.u32 v3, $0x2  }
0x760: {  	v3 =	vshll.u32 v4, $0x2;
	v4 =	vld.idx.msk [tilespmem:v0+s3+$0x0], $0xffff  }
0x761: {  	v5 =	vor.u32 $0x1, v0  }
0x762: {  	[tilespmem:s23+$0xFFFFFF90] =	vst v1  }
0x763: {  	v1 =	vld [tilespmem:s14+$0xFFFFFFA0]  }
0x764: {  	v6 =	vld.idx.msk [tilespmem:v2+s3+$0x0], $0xffff  }
0x765: {  	v8 =	vor.u32 $0x1, v2;
	v7 =	vld.idx.msk [tilespmem:v3+s3+$0x0], $0xffff;
	[tilespmem:s23+$0x20] =	vst v4  }
0x766: {  	v4 =	vor.u32 $0x1, v3;
	v5 =	vld.idx.msk [tilespmem:v5+s3+$0x0], $0xffff  }
0x767: {  	v9 =	vor.u32 $0x2, v0  }
0x768: {  	s24 =	simm.s32 $0xC800;
	v1 =	vshll.u32 v1, $0x2  }
0x769: {  	[tilespmem:s24+$0x0] =	vst v6  }
0x76a: {  	[tilespmem:s24+$0xFFFFFE00] =	vst v7;
	v6 =	vld.idx.msk [tilespmem:v8+s3+$0x0], $0xffff  }
0x76b: {  	v7 =	vor.u32 $0x2, v2;
	v4 =	vld.idx.msk [tilespmem:v4+s3+$0x0], $0xffff;
	[tilespmem:s23+$0xA0] =	vst v5  }
0x76c: {  	v5 =	vor.u32 $0x2, v3;
	v8 =	vld.idx.msk [tilespmem:v9+s3+$0x0], $0xffff  }
0x76d: {  	v0 =	vor.u32 $0x3, v0;
	v9 =	vld.idx.msk [tilespmem:v1+s3+$0x0], $0xffff  }
0x76e: {  	v10 =	vor.u32 $0x1, v1  }
0x76f: {  	[tilespmem:s24+$0x80] =	vst v6  }
0x770: {  	[tilespmem:s24+$0xFFFFFE80] =	vst v4;
	v4 =	vld.idx.msk [tilespmem:v7+s3+$0x0], $0xffff  }
0x771: {  	v2 =	vor.u32 $0x3, v2;
	v5 =	vld.idx.msk [tilespmem:v5+s3+$0x0], $0xffff;
	[tilespmem:s23+$0x120] =	vst v8  }
0x772: {  	v3 =	vor.u32 $0x3, v3;
	[tilespmem:s23+$0xFFFFFE20] =	vst v9;
	v0 =	vld.idx.msk [tilespmem:v0+s3+$0x0], $0xffff  }
0x773: {  	v6 =	vld.idx.msk [tilespmem:v10+s3+$0x0], $0xffff  }
0x774: {  	v7 =	vor.u32 $0x2, v1  }
0x775: {  	[tilespmem:s24+$0x100] =	vst v4  }
0x776: {  	[tilespmem:s24+$0xFFFFFF00] =	vst v5;
	v2 =	vld.idx.msk [tilespmem:v2+s3+$0x0], $0xffff  }
0x777: {  	v3 =	vld.idx.msk [tilespmem:v3+s3+$0x0], $0xffff;
	[tilespmem:s23+$0x1A0] =	vst v0  }
0x778: {  	[tilespmem:s23+$0xFFFFFEA0] =	vst v6;
	v0 =	vld [tilespmem:s14+$0x30]  }
0x779: {  	v4 =	vld.idx.msk [tilespmem:v7+s3+$0x0], $0xffff  }
0x77a: {  	v1 =	vor.u32 $0x3, v1  }
0x77b: {  	[tilespmem:s24+$0x180] =	vst v2  }
0x77c: {  	[tilespmem:s24+$0xFFFFFF80] =	vst v3;
	v2 =	vld [tilespmem:s31+$0x10]  }
0x77d: {  	v3 =	vld [tilespmem:s31+$0xFFFFFF90];
	v0 =	vshll.u32 v0, $0x2  }
0x77e: {  	[tilespmem:s23+$0xFFFFFF20] =	vst v4  }
0x77f: {  	v1 =	vld.idx.msk [tilespmem:v1+s3+$0x0], $0xffff;
	_ =	sdelay $0x1  }
0x780: {  	v2 =	vshll.u32 v2, $0x2  }
0x781: {  	v3 =	vshll.u32 v3, $0x2;
	v4 =	vld.idx.msk [tilespmem:v0+s3+$0x0], $0xffff  }
0x782: {  	v5 =	vor.u32 $0x1, v0  }
0x783: {  	[tilespmem:s23+$0xFFFFFFA0] =	vst v1  }
0x784: {  	v1 =	vld [tilespmem:s14+$0xFFFFFFB0]  }
0x785: {  	v6 =	vld.idx.msk [tilespmem:v2+s3+$0x0], $0xffff  }
0x786: {  	v8 =	vor.u32 $0x1, v2;
	v7 =	vld.idx.msk [tilespmem:v3+s3+$0x0], $0xffff;
	[tilespmem:s23+$0x30] =	vst v4  }
0x787: {  	v4 =	vor.u32 $0x1, v3;
	v5 =	vld.idx.msk [tilespmem:v5+s3+$0x0], $0xffff  }
0x788: {  	v9 =	vor.u32 $0x2, v0  }
0x789: {  	v1 =	vshll.u32 v1, $0x2  }
0x78a: {  	[tilespmem:s24+$0x10] =	vst v6  }
0x78b: {  	[tilespmem:s24+$0xFFFFFE10] =	vst v7;
	v6 =	vld.idx.msk [tilespmem:v8+s3+$0x0], $0xffff  }
0x78c: {  	v7 =	vor.u32 $0x2, v2;
	v4 =	vld.idx.msk [tilespmem:v4+s3+$0x0], $0xffff;
	[tilespmem:s23+$0xB0] =	vst v5  }
0x78d: {  	v5 =	vor.u32 $0x2, v3;
	v8 =	vld.idx.msk [tilespmem:v9+s3+$0x0], $0xffff  }
0x78e: {  	v0 =	vor.u32 $0x3, v0;
	v9 =	vld.idx.msk [tilespmem:v1+s3+$0x0], $0xffff  }
0x78f: {  	v10 =	vor.u32 $0x1, v1  }
0x790: {  	[tilespmem:s24+$0x90] =	vst v6  }
0x791: {  	[tilespmem:s24+$0xFFFFFE90] =	vst v4;
	v4 =	vld.idx.msk [tilespmem:v7+s3+$0x0], $0xffff  }
0x792: {  	v2 =	vor.u32 $0x3, v2;
	v5 =	vld.idx.msk [tilespmem:v5+s3+$0x0], $0xffff;
	[tilespmem:s23+$0x130] =	vst v8  }
0x793: {  	v3 =	vor.u32 $0x3, v3;
	[tilespmem:s23+$0xFFFFFE30] =	vst v9;
	v0 =	vld.idx.msk [tilespmem:v0+s3+$0x0], $0xffff  }
0x794: {  	v6 =	vld.idx.msk [tilespmem:v10+s3+$0x0], $0xffff  }
0x795: {  	v7 =	vor.u32 $0x2, v1  }
0x796: {  	[tilespmem:s24+$0x110] =	vst v4  }
0x797: {  	[tilespmem:s24+$0xFFFFFF10] =	vst v5;
	v2 =	vld.idx.msk [tilespmem:v2+s3+$0x0], $0xffff  }
0x798: {  	v3 =	vld.idx.msk [tilespmem:v3+s3+$0x0], $0xffff;
	[tilespmem:s23+$0x1B0] =	vst v0  }
0x799: {  	[tilespmem:s23+$0xFFFFFEB0] =	vst v6;
	v0 =	vld [tilespmem:s14+$0x40]  }
0x79a: {  	v4 =	vld.idx.msk [tilespmem:v7+s3+$0x0], $0xffff  }
0x79b: {  	v1 =	vor.u32 $0x3, v1  }
0x79c: {  	[tilespmem:s24+$0x190] =	vst v2  }
0x79d: {  	[tilespmem:s24+$0xFFFFFF90] =	vst v3;
	v2 =	vld [tilespmem:s31+$0x20]  }
0x79e: {  	v3 =	vld [tilespmem:s31+$0xFFFFFFA0];
	v0 =	vshll.u32 v0, $0x2  }
0x79f: {  	[tilespmem:s23+$0xFFFFFF30] =	vst v4  }
0x7a0: {  	s26 =	simm.s32 $0x2480;
	v1 =	vld.idx.msk [tilespmem:v1+s3+$0x0], $0xffff  }
0x7a1: {  	v4 =	vld [tilespmem:s26+$0x0]  }
0x7a2: {  	v5 =	vld [tilespmem:s26+$0xFFFFFF80];
	v2 =	vshll.u32 v2, $0x2  }
0x7a3: {  	v3 =	vshll.u32 v3, $0x2;
	v6 =	vld.idx.msk [tilespmem:v0+s3+$0x0], $0xffff  }
0x7a4: {  	v7 =	vor.u32 $0x1, v0  }
0x7a5: {  	[tilespmem:s23+$0xFFFFFFB0] =	vst v1  }
0x7a6: {  	v4 =	vshll.u32 v4, $0x2;
	v1 =	vld [tilespmem:s14+$0xFFFFFFC0]  }
0x7a7: {  	v5 =	vshll.u32 v5, $0x2;
	v8 =	vld.idx.msk [tilespmem:v2+s3+$0x0], $0xffff  }
0x7a8: {  	v10 =	vor.u32 $0x1, v2;
	v9 =	vld.idx.msk [tilespmem:v3+s3+$0x0], $0xffff;
	[tilespmem:s23+$0x40] =	vst v6  }
0x7a9: {  	v6 =	vor.u32 $0x1, v3;
	v7 =	vld.idx.msk [tilespmem:v7+s3+$0x0], $0xffff  }
0x7aa: {  	v11 =	vor.u32 $0x2, v0  }
0x7ab: {  	v12 =	vld.idx.msk [tilespmem:v4+s3+$0x0], $0xffff;
	v1 =	vshll.u32 v1, $0x2  }
0x7ac: {  	v13 =	vld.idx.msk [tilespmem:v5+s3+$0x0], $0xffff;
	v14 =	vor.u32 $0x1, v4;
	[tilespmem:s24+$0x20] =	vst v8  }
0x7ad: {  	v8 =	vor.u32 $0x1, v5;
	[tilespmem:s24+$0xFFFFFE20] =	vst v9;
	v9 =	vld.idx.msk [tilespmem:v10+s3+$0x0], $0xffff  }
0x7ae: {  	v10 =	vor.u32 $0x2, v2;
	v6 =	vld.idx.msk [tilespmem:v6+s3+$0x0], $0xffff;
	[tilespmem:s23+$0xC0] =	vst v7  }
0x7af: {  	s25 =	simm.s32 $0xCC00;
	v7 =	vor.u32 $0x2, v3;
	v11 =	vld.idx.msk [tilespmem:v11+s3+$0x0], $0xffff  }
0x7b0: {  	v0 =	vor.u32 $0x3, v0;
	[tilespmem:s25+$0x0] =	vst v12;
	v15 =	vld.idx.msk [tilespmem:v1+s3+$0x0], $0xffff  }
0x7b1: {  	[tilespmem:s25+$0xFFFFFE00] =	vst v13;
	v12 =	vor.u32 $0x1, v1;
	v13 =	vld.idx.msk [tilespmem:v14+s3+$0x0], $0xffff  }
0x7b2: {  	v14 =	vor.u32 $0x2, v4;
	v8 =	vld.idx.msk [tilespmem:v8+s3+$0x0], $0xffff;
	[tilespmem:s24+$0xA0] =	vst v9  }
0x7b3: {  	v9 =	vor.u32 $0x2, v5;
	[tilespmem:s24+$0xFFFFFEA0] =	vst v6;
	v6 =	vld.idx.msk [tilespmem:v10+s3+$0x0], $0xffff  }
0x7b4: {  	v2 =	vor.u32 $0x3, v2;
	v7 =	vld.idx.msk [tilespmem:v7+s3+$0x0], $0xffff;
	[tilespmem:s23+$0x140] =	vst v11  }
0x7b5: {  	v3 =	vor.u32 $0x3, v3;
	[tilespmem:s23+$0xFFFFFE40] =	vst v15;
	v0 =	vld.idx.msk [tilespmem:v0+s3+$0x0], $0xffff  }
0x7b6: {  	[tilespmem:s25+$0x80] =	vst v13;
	v10 =	vld.idx.msk [tilespmem:v12+s3+$0x0], $0xffff  }
0x7b7: {  	v11 =	vor.u32 $0x2, v1;
	[tilespmem:s25+$0xFFFFFE80] =	vst v8;
	v8 =	vld.idx.msk [tilespmem:v14+s3+$0x0], $0xffff  }
0x7b8: {  	v4 =	vor.u32 $0x3, v4;
	v9 =	vld.idx.msk [tilespmem:v9+s3+$0x0], $0xffff;
	[tilespmem:s24+$0x120] =	vst v6  }
0x7b9: {  	v5 =	vor.u32 $0x3, v5;
	[tilespmem:s24+$0xFFFFFF20] =	vst v7;
	v2 =	vld.idx.msk [tilespmem:v2+s3+$0x0], $0xffff  }
0x7ba: {  	v3 =	vld.idx.msk [tilespmem:v3+s3+$0x0], $0xffff;
	[tilespmem:s23+$0x1C0] =	vst v0  }
0x7bb: {  	[tilespmem:s23+$0xFFFFFEC0] =	vst v10;
	v0 =	vld [tilespmem:s14+$0x50]  }
0x7bc: {  	[tilespmem:s25+$0x100] =	vst v8;
	v6 =	vld.idx.msk [tilespmem:v11+s3+$0x0], $0xffff  }
0x7bd: {  	v1 =	vor.u32 $0x3, v1;
	[tilespmem:s25+$0xFFFFFF00] =	vst v9;
	v4 =	vld.idx.msk [tilespmem:v4+s3+$0x0], $0xffff  }
0x7be: {  	v5 =	vld.idx.msk [tilespmem:v5+s3+$0x0], $0xffff;
	[tilespmem:s24+$0x1A0] =	vst v2  }
0x7bf: {  	[tilespmem:s24+$0xFFFFFFA0] =	vst v3;
	v2 =	vld [tilespmem:s31+$0x30]  }
0x7c0: {  	v3 =	vld [tilespmem:s31+$0xFFFFFFB0];
	v0 =	vshll.u32 v0, $0x2  }
0x7c1: {  	[tilespmem:s23+$0xFFFFFF40] =	vst v6  }
0x7c2: {  	[tilespmem:s25+$0x180] =	vst v4;
	v1 =	vld.idx.msk [tilespmem:v1+s3+$0x0], $0xffff  }
0x7c3: {  	[tilespmem:s25+$0xFFFFFF80] =	vst v5;
	v4 =	vld [tilespmem:s26+$0x10]  }
0x7c4: {  	v5 =	vld [tilespmem:s26+$0xFFFFFF90];
	v2 =	vshll.u32 v2, $0x2  }
0x7c5: {  	v3 =	vshll.u32 v3, $0x2;
	v6 =	vld.idx.msk [tilespmem:v0+s3+$0x0], $0xffff  }
0x7c6: {  	v7 =	vor.u32 $0x1, v0  }
0x7c7: {  	[tilespmem:s23+$0xFFFFFFC0] =	vst v1  }
0x7c8: {  	v4 =	vshll.u32 v4, $0x2;
	v1 =	vld [tilespmem:s14+$0xFFFFFFD0]  }
0x7c9: {  	v5 =	vshll.u32 v5, $0x2;
	v8 =	vld.idx.msk [tilespmem:v2+s3+$0x0], $0xffff  }
0x7ca: {  	v10 =	vor.u32 $0x1, v2;
	v9 =	vld.idx.msk [tilespmem:v3+s3+$0x0], $0xffff;
	[tilespmem:s23+$0x50] =	vst v6  }
0x7cb: {  	v6 =	vor.u32 $0x1, v3;
	v7 =	vld.idx.msk [tilespmem:v7+s3+$0x0], $0xffff  }
0x7cc: {  	v11 =	vor.u32 $0x2, v0  }
0x7cd: {  	v12 =	vld.idx.msk [tilespmem:v4+s3+$0x0], $0xffff;
	v1 =	vshll.u32 v1, $0x2  }
0x7ce: {  	v14 =	vor.u32 $0x1, v4;
	v13 =	vld.idx.msk [tilespmem:v5+s3+$0x0], $0xffff;
	[tilespmem:s24+$0x30] =	vst v8  }
0x7cf: {  	v8 =	vor.u32 $0x1, v5;
	[tilespmem:s24+$0xFFFFFE30] =	vst v9;
	v9 =	vld.idx.msk [tilespmem:v10+s3+$0x0], $0xffff  }
0x7d0: {  	v10 =	vor.u32 $0x2, v2;
	v6 =	vld.idx.msk [tilespmem:v6+s3+$0x0], $0xffff;
	[tilespmem:s23+$0xD0] =	vst v7  }
0x7d1: {  	v7 =	vor.u32 $0x2, v3;
	v11 =	vld.idx.msk [tilespmem:v11+s3+$0x0], $0xffff  }
0x7d2: {  	v0 =	vor.u32 $0x3, v0;
	[tilespmem:s25+$0x10] =	vst v12;
	v15 =	vld.idx.msk [tilespmem:v1+s3+$0x0], $0xffff  }
0x7d3: {  	v12 =	vor.u32 $0x1, v1;
	[tilespmem:s25+$0xFFFFFE10] =	vst v13;
	v13 =	vld.idx.msk [tilespmem:v14+s3+$0x0], $0xffff  }
0x7d4: {  	v14 =	vor.u32 $0x2, v4;
	v8 =	vld.idx.msk [tilespmem:v8+s3+$0x0], $0xffff;
	[tilespmem:s24+$0xB0] =	vst v9  }
0x7d5: {  	v9 =	vor.u32 $0x2, v5;
	[tilespmem:s24+$0xFFFFFEB0] =	vst v6;
	v6 =	vld.idx.msk [tilespmem:v10+s3+$0x0], $0xffff  }
0x7d6: {  	v2 =	vor.u32 $0x3, v2;
	v7 =	vld.idx.msk [tilespmem:v7+s3+$0x0], $0xffff;
	[tilespmem:s23+$0x150] =	vst v11  }
0x7d7: {  	v3 =	vor.u32 $0x3, v3;
	[tilespmem:s23+$0xFFFFFE50] =	vst v15;
	v0 =	vld.idx.msk [tilespmem:v0+s3+$0x0], $0xffff  }
0x7d8: {  	[tilespmem:s25+$0x90] =	vst v13;
	v10 =	vld.idx.msk [tilespmem:v12+s3+$0x0], $0xffff  }
0x7d9: {  	v11 =	vor.u32 $0x2, v1;
	[tilespmem:s25+$0xFFFFFE90] =	vst v8;
	v8 =	vld.idx.msk [tilespmem:v14+s3+$0x0], $0xffff  }
0x7da: {  	v4 =	vor.u32 $0x3, v4;
	v9 =	vld.idx.msk [tilespmem:v9+s3+$0x0], $0xffff;
	[tilespmem:s24+$0x130] =	vst v6  }
0x7db: {  	v5 =	vor.u32 $0x3, v5;
	[tilespmem:s24+$0xFFFFFF30] =	vst v7;
	v2 =	vld.idx.msk [tilespmem:v2+s3+$0x0], $0xffff  }
0x7dc: {  	v3 =	vld.idx.msk [tilespmem:v3+s3+$0x0], $0xffff;
	[tilespmem:s23+$0x1D0] =	vst v0  }
0x7dd: {  	[tilespmem:s23+$0xFFFFFED0] =	vst v10;
	v0 =	vld [tilespmem:s14+$0x60]  }
0x7de: {  	[tilespmem:s25+$0x110] =	vst v8;
	v6 =	vld.idx.msk [tilespmem:v11+s3+$0x0], $0xffff  }
0x7df: {  	v1 =	vor.u32 $0x3, v1;
	[tilespmem:s25+$0xFFFFFF10] =	vst v9;
	v4 =	vld.idx.msk [tilespmem:v4+s3+$0x0], $0xffff  }
0x7e0: {  	v5 =	vld.idx.msk [tilespmem:v5+s3+$0x0], $0xffff;
	[tilespmem:s24+$0x1B0] =	vst v2  }
0x7e1: {  	v2 =	vld [tilespmem:s31+$0x40]  }
0x7e2: {  	[tilespmem:s24+$0xFFFFFFB0] =	vst v3  }
0x7e3: {  	v3 =	vld [tilespmem:s31+$0xFFFFFFC0];
	v0 =	vshll.u32 v0, $0x2;
	[tilespmem:s23+$0xFFFFFF50] =	vst v6  }
0x7e4: {  	[tilespmem:s25+$0x190] =	vst v4;
	v1 =	vld.idx.msk [tilespmem:v1+s3+$0x0], $0xffff  }
0x7e5: {  	[tilespmem:s25+$0xFFFFFF90] =	vst v5;
	v4 =	vld [tilespmem:s26+$0x20]  }
0x7e6: {  	s29 =	simm.s32 $0x2580;
	v5 =	vld [tilespmem:s26+$0xFFFFFFA0];
	v2 =	vshll.u32 v2, $0x2  }
0x7e7: {  	v7 =	vld [tilespmem:s29+$0x0]  }
0x7e8: {  	v3 =	vshll.u32 v3, $0x2;
	v6 =	vld.idx.msk [tilespmem:v0+s3+$0x0], $0xffff  }
0x7e9: {  	v9 =	vld [tilespmem:s29+$0xFFFFFF80];
	v8 =	vor.u32 $0x1, v0  }
0x7ea: {  	v4 =	vshll.u32 v4, $0x2  }
0x7eb: {  	[tilespmem:s23+$0xFFFFFFD0] =	vst v1;
	v5 =	vshll.u32 v5, $0x2;
	v10 =	vld.idx.msk [tilespmem:v2+s3+$0x0], $0xffff  }
0x7ec: {  	v11 =	vor.u32 $0x1, v2;
	v12 =	vld [tilespmem:s14+$0xFFFFFFE0]  }
0x7ed: {  	v1 =	vld.idx.msk [tilespmem:v3+s3+$0x0], $0xffff;
	[tilespmem:s23+$0x60] =	vst v6;
	v6 =	vshll.u32 v7, $0x2  }
0x7ee: {  	v7 =	vld.idx.msk [tilespmem:v8+s3+$0x0], $0xffff;
	v8 =	vshll.u32 v9, $0x2  }
0x7ef: {  	v13 =	vor.u32 $0x2, v0;
	v9 =	vld.idx.msk [tilespmem:v4+s3+$0x0], $0xffff  }
0x7f0: {  	v15 =	vor.u32 $0x1, v4;
	v14 =	vld.idx.msk [tilespmem:v5+s3+$0x0], $0xffff;
	[tilespmem:s24+$0x40] =	vst v10  }
0x7f1: {  	v29 =	vor.u32 $0x1, v3;
	v11 =	vld.idx.msk [tilespmem:v11+s3+$0x0], $0xffff  }
0x7f2: {  	v10 =	vor.u32 $0x1, v5;
	[tilespmem:s24+$0xFFFFFE40] =	vst v1;
	v30 =	vld.idx.msk [tilespmem:v6+s3+$0x0], $0xffff  }
0x7f3: {  	v32 =	vor.u32 $0x2, v2;
	v31 =	vld.idx.msk [tilespmem:v8+s3+$0x0], $0xffff;
	[tilespmem:s23+$0xE0] =	vst v7  }
0x7f4: {  	v7 =	vor.u32 $0x1, v6;
	[tilespmem:s25+$0x20] =	vst v9;
	v9 =	vld.idx.msk [tilespmem:v13+s3+$0x0], $0xffff  }
0x7f5: {  	v13 =	vor.u32 $0x1, v8;
	[tilespmem:s25+$0xFFFFFE20] =	vst v14;
	v14 =	vld.idx.msk [tilespmem:v15+s3+$0x0], $0xffff  }
0x7f6: {  	v0 =	vor.u32 $0x3, v0;
	v15 =	vld.idx.msk [tilespmem:v29+s3+$0x0], $0xffff  }
0x7f7: {  	s28 =	simm.s32 $0xD000;
	v1 =	vld.idx.msk [tilespmem:v10+s3+$0x0], $0xffff;
	v10 =	vor.u32 $0x2, v4;
	[tilespmem:s24+$0xC0] =	vst v11  }
0x7f8: {  	v11 =	vor.u32 $0x2, v5;
	[tilespmem:s28+$0x0] =	vst v30;
	v33 =	vld.idx.msk [tilespmem:v32+s3+$0x0], $0xffff  }
0x7f9: {  	v34 =	vor.u32 $0x2, v3;
	[tilespmem:s28+$0xFFFFFE00] =	vst v31;
	v7 =	vld.idx.msk [tilespmem:v7+s3+$0x0], $0xffff  }
0x7fa: {  	v2 =	vor.u32 $0x3, v2;
	v13 =	vld.idx.msk [tilespmem:v13+s3+$0x0], $0xffff;
	[tilespmem:s23+$0x160] =	vst v9  }
0x7fb: {  	v9 =	vor.u32 $0x2, v6;
	[tilespmem:s25+$0xA0] =	vst v14;
	v0 =	vld.idx.msk [tilespmem:v0+s3+$0x0], $0xffff  }
0x7fc: {  	v14 =	vor.u32 $0x2, v8;
	[tilespmem:s25+$0xFFFFFEA0] =	vst v1;
	v1 =	vld.idx.msk [tilespmem:v10+s3+$0x0], $0xffff  }
0x7fd: {  	[tilespmem:s24+$0xFFFFFEC0] =	vst v15;
	v10 =	vld.idx.msk [tilespmem:v11+s3+$0x0], $0xffff  }
0x7fe: {  	v4 =	vor.u32 $0x3, v4;
	v11 =	vld.idx.msk [tilespmem:v34+s3+$0x0], $0xffff;
	[tilespmem:s24+$0x140] =	vst v33  }
0x7ff: {  	v5 =	vor.u32 $0x3, v5;
	[tilespmem:s28+$0x80] =	vst v7;
	v2 =	vld.idx.msk [tilespmem:v2+s3+$0x0], $0xffff  }
0x800: {  	v3 =	vor.u32 $0x3, v3;
	[tilespmem:s28+$0xFFFFFE80] =	vst v13;
	v7 =	vld.idx.msk [tilespmem:v9+s3+$0x0], $0xffff  }
0x801: {  	v9 =	vld.idx.msk [tilespmem:v14+s3+$0x0], $0xffff;
	[tilespmem:s23+$0x1E0] =	vst v0  }
0x802: {  	v0 =	vor.u32 $0x3, v6;
	[tilespmem:s25+$0x120] =	vst v1;
	v1 =	vld [tilespmem:s14+$0x70]  }
0x803: {  	v6 =	vor.u32 $0x3, v8;
	[tilespmem:s25+$0xFFFFFF20] =	vst v10;
	v4 =	vld.idx.msk [tilespmem:v4+s3+$0x0], $0xffff  }
0x804: {  	v8 =	vshll.u32 v12, $0x2;
	[tilespmem:s24+$0xFFFFFF40] =	vst v11;
	v5 =	vld.idx.msk [tilespmem:v5+s3+$0x0], $0xffff  }
0x805: {  	v3 =	vld.idx.msk [tilespmem:v3+s3+$0x0], $0xffff;
	[tilespmem:s24+$0x1C0] =	vst v2  }
0x806: {  	[tilespmem:s28+$0x100] =	vst v7;
	v2 =	vld [tilespmem:s31+$0x50]  }
0x807: {  	[tilespmem:s28+$0xFFFFFF00] =	vst v9;
	v0 =	vld.idx.msk [tilespmem:v0+s3+$0x0], $0xffff  }
0x808: {  	v1 =	vshll.u32 v1, $0x2;
	v6 =	vld.idx.msk [tilespmem:v6+s3+$0x0], $0xffff  }
0x809: {  	[tilespmem:s25+$0x1A0] =	vst v4;
	v4 =	vld.idx.msk [tilespmem:v8+s3+$0x0], $0xffff  }
0x80a: {  	[tilespmem:s25+$0xFFFFFFA0] =	vst v5;
	v5 =	vld [tilespmem:s26+$0x30]  }
0x80b: {  	[tilespmem:s24+$0xFFFFFFC0] =	vst v3;
	v7 =	vld [tilespmem:s26+$0xFFFFFFB0]  }
0x80c: {  	v12 =	vld [tilespmem:s31+$0xFFFFFFD0];
	v2 =	vshll.u32 v2, $0x2  }
0x80d: {  	[tilespmem:s28+$0x180] =	vst v0;
	v0 =	vor.u32 $0x1, v8;
	v9 =	vld.idx.msk [tilespmem:v1+s3+$0x0], $0xffff  }
0x80e: {  	v10 =	vor.u32 $0x1, v1;
	[tilespmem:s28+$0xFFFFFF80] =	vst v6;
	v6 =	vld [tilespmem:s29+$0x10]  }
0x80f: {  	v11 =	vld [tilespmem:s29+$0xFFFFFF90];
	v5 =	vshll.u32 v5, $0x2  }
0x810: {  	v3 =	vshll.u32 v7, $0x2  }
0x811: {  	[tilespmem:s23+$0xFFFFFE60] =	vst v4;
	v12 =	vshll.u32 v12, $0x2;
	v7 =	vld.idx.msk [tilespmem:v2+s3+$0x0], $0xffff  }
0x812: {  	v4 =	vor.u32 $0x1, v2;
	v13 =	vld.idx.msk [tilespmem:v0+s3+$0x0], $0xffff;
	[tilespmem:s23+$0x70] =	vst v9  }
0x813: {  	v6 =	vshll.u32 v6, $0x2;
	v0 =	vld.idx.msk [tilespmem:v10+s3+$0x0], $0xffff  }
0x814: {  	v9 =	vshll.u32 v11, $0x2;
	v10 =	vld.idx.msk [tilespmem:v5+s3+$0x0], $0xffff  }
0x815: {  	v11 =	vor.u32 $0x2, v1;
	v14 =	vld.idx.msk [tilespmem:v3+s3+$0x0], $0xffff  }
0x816: {  	v15 =	vor.u32 $0x1, v5;
	v38 =	vld.idx.msk [tilespmem:v12+s3+$0x0], $0xffff;
	[tilespmem:s24+$0x50] =	vst v7  }
0x817: {  	v7 =	vor.u32 $0x1, v3;
	v4 =	vld.idx.msk [tilespmem:v4+s3+$0x0], $0xffff  }
0x818: {  	v37 =	vor.u32 $0x2, v2;
	v35 =	vld.idx.msk [tilespmem:v6+s3+$0x0], $0xffff;
	[tilespmem:s23+$0xF0] =	vst v0  }
0x819: {  	v36 =	vld.idx.msk [tilespmem:v9+s3+$0x0], $0xffff;
	v0 =	vor.u32 $0x1, v6;
	[tilespmem:s25+$0x30] =	vst v10  }
0x81a: {  	v10 =	vld.idx.msk [tilespmem:v11+s3+$0x0], $0xffff;
	v11 =	vor.u32 $0x1, v9;
	[tilespmem:s25+$0xFFFFFE30] =	vst v14  }
0x81b: {  	v1 =	vor.u32 $0x3, v1;
	v14 =	vld.idx.msk [tilespmem:v15+s3+$0x0], $0xffff;
	[tilespmem:s24+$0xFFFFFE50] =	vst v38  }
0x81c: {  	v15 =	vor.u32 $0x2, v5;
	v7 =	vld.idx.msk [tilespmem:v7+s3+$0x0], $0xffff;
	[tilespmem:s24+$0xD0] =	vst v4  }
0x81d: {  	v40 =	vor.u32 $0x1, v12;
	[tilespmem:s28+$0x10] =	vst v35;
	v39 =	vld.idx.msk [tilespmem:v37+s3+$0x0], $0xffff  }
0x81e: {  	v4 =	vor.u32 $0x2, v3;
	[tilespmem:s28+$0xFFFFFE10] =	vst v36;
	v41 =	vld.idx.msk [tilespmem:v0+s3+$0x0], $0xffff  }
0x81f: {  	v2 =	vor.u32 $0x3, v2;
	v11 =	vld.idx.msk [tilespmem:v11+s3+$0x0], $0xffff;
	[tilespmem:s23+$0x170] =	vst v10  }
0x820: {  	v10 =	vor.u32 $0x2, v6;
	[tilespmem:s25+$0xB0] =	vst v14;
	v0 =	vld.idx.msk [tilespmem:v1+s3+$0x0], $0xffff  }
0x821: {  	v1 =	vor.u32 $0x2, v9;
	[tilespmem:s25+$0xFFFFFEB0] =	vst v7;
	v7 =	vld.idx.msk [tilespmem:v15+s3+$0x0], $0xffff  }
0x822: {  	[tilespmem:s23+$0xFFFFFEE0] =	vst v13;
	v14 =	vor.u32 $0x2, v8;
	v15 =	vld.idx.msk [tilespmem:v40+s3+$0x0], $0xffff  }
0x823: {  	v5 =	vor.u32 $0x3, v5;
	v4 =	vld.idx.msk [tilespmem:v4+s3+$0x0], $0xffff;
	[tilespmem:s24+$0x150] =	vst v39  }
0x824: {  	v3 =	vor.u32 $0x3, v3;
	[tilespmem:s28+$0x90] =	vst v41;
	v2 =	vld.idx.msk [tilespmem:v2+s3+$0x0], $0xffff  }
0x825: {  	[tilespmem:s28+$0xFFFFFE90] =	vst v11;
	v10 =	vld.idx.msk [tilespmem:v10+s3+$0x0], $0xffff  }
0x826: {  	v11 =	vor.u32 $0x2, v12;
	v1 =	vld.idx.msk [tilespmem:v1+s3+$0x0], $0xffff;
	[tilespmem:s25+$0x130] =	vst v7  }
0x827: {  	v6 =	vor.u32 $0x3, v6;
	v7 =	vld.idx.msk [tilespmem:v14+s3+$0x0], $0xffff;
	[tilespmem:s24+$0xFFFFFED0] =	vst v15  }
0x828: {  	v9 =	vor.u32 $0x3, v9;
	[tilespmem:s25+$0xFFFFFF30] =	vst v4;
	v4 =	vld.idx.msk [tilespmem:v5+s3+$0x0], $0xffff  }
0x829: {  	v3 =	vld.idx.msk [tilespmem:v3+s3+$0x0], $0xffff;
	[tilespmem:s24+$0x1D0] =	vst v2  }
0x82a: {  	v5 =	vor.u32 $0x3, v8;
	v2 =	vld [tilespmem:s31+$0x60];
	[tilespmem:s28+$0x110] =	vst v10  }
0x82b: {  	v8 =	vld.idx.msk [tilespmem:v11+s3+$0x0], $0xffff;
	[tilespmem:s28+$0xFFFFFF10] =	vst v1  }
0x82c: {  	v10 =	vor.u32 $0x3, v12;
	v1 =	vld.idx.msk [tilespmem:v6+s3+$0x0], $0xffff;
	[tilespmem:s23+$0xFFFFFF60] =	vst v7  }
0x82d: {  	v6 =	vld.idx.msk [tilespmem:v9+s3+$0x0], $0xffff;
	[tilespmem:s25+$0x1B0] =	vst v4  }
0x82e: {  	[tilespmem:s25+$0xFFFFFFB0] =	vst v3;
	v3 =	vld [tilespmem:s26+$0x40]  }
0x82f: {  	v5 =	vld.idx.msk [tilespmem:v5+s3+$0x0], $0xffff  }
0x830: {  	v4 =	vld [tilespmem:s26+$0xFFFFFFC0];
	v2 =	vshll.u32 v2, $0x2;
	[tilespmem:s24+$0xFFFFFF50] =	vst v8  }
0x831: {  	v7 =	vld.idx.msk [tilespmem:v10+s3+$0x0], $0xffff;
	[tilespmem:s28+$0x190] =	vst v1  }
0x832: {  	[tilespmem:s28+$0xFFFFFF90] =	vst v6;
	v1 =	vld [tilespmem:s29+$0x20]  }
0x833: {  	s30 =	simm.s32 $0x2680;
	v6 =	vld [tilespmem:s29+$0xFFFFFFA0];
	v3 =	vshll.u32 v3, $0x2  }
0x834: {  	v9 =	vld [tilespmem:s30+$0x0]  }
0x835: {  	v4 =	vshll.u32 v4, $0x2;
	v8 =	vld.idx.msk [tilespmem:v2+s3+$0x0], $0xffff  }
0x836: {  	v10 =	vld [tilespmem:s30+$0xFFFFFF80];
	[tilespmem:s23+$0xFFFFFFE0] =	vst v5;
	v5 =	vor.u32 $0x1, v2  }
0x837: {  	v11 =	vld [tilespmem:s14+$0xFFFFFFF0];
	v1 =	vshll.u32 v1, $0x2  }
0x838: {  	[tilespmem:s24+$0xFFFFFFD0] =	vst v7;
	v6 =	vshll.u32 v6, $0x2;
	v12 =	vld.idx.msk [tilespmem:v3+s3+$0x0], $0xffff  }
0x839: {  	v13 =	vor.u32 $0x1, v3;
	v14 =	vld [tilespmem:s31+$0xFFFFFFE0]  }
0x83a: {  	v7 =	vld.idx.msk [tilespmem:v4+s3+$0x0], $0xffff;
	[tilespmem:s24+$0x60] =	vst v8;
	v8 =	vshll.u32 v9, $0x2  }
0x83b: {  	v9 =	vshll.u32 v10, $0x2;
	v5 =	vld.idx.msk [tilespmem:v5+s3+$0x0], $0xffff  }
0x83c: {  	v44 =	vor.u32 $0x1, v4;
	v10 =	vld.idx.msk [tilespmem:v1+s3+$0x0], $0xffff  }
0x83d: {  	v15 =	vor.u32 $0x2, v2;
	v42 =	vld.idx.msk [tilespmem:v6+s3+$0x0], $0xffff;
	[tilespmem:s25+$0x40] =	vst v12  }
0x83e: {  	v43 =	vor.u32 $0x1, v1;
	v13 =	vld.idx.msk [tilespmem:v13+s3+$0x0], $0xffff  }
0x83f: {  	v12 =	vor.u32 $0x1, v6;
	v45 =	vld.idx.msk [tilespmem:v8+s3+$0x0], $0xffff  }
0x840: {  	v21 =	vor.u32 $0x2, v3;
	[tilespmem:s25+$0xFFFFFE40] =	vst v7;
	v20 =	vld.idx.msk [tilespmem:v9+s3+$0x0], $0xffff  }
0x841: {  	v47 =	vld.idx.msk [tilespmem:v44+s3+$0x0], $0xffff;
	[tilespmem:s24+$0xE0] =	vst v5;
	v5 =	vor.u32 $0x1, v8  }
0x842: {  	[tilespmem:s28+$0x20] =	vst v10;
	v10 =	vld.idx.msk [tilespmem:v15+s3+$0x0], $0xffff;
	v15 =	vor.u32 $0x1, v9  }
0x843: {  	v2 =	vor.u32 $0x3, v2;
	[tilespmem:s28+$0xFFFFFE20] =	vst v42;
	v46 =	vld.idx.msk [tilespmem:v43+s3+$0x0], $0xffff  }
0x844: {  	s0 =	simm.s32 $0xD400;
	v7 =	vld.idx.msk [tilespmem:v12+s3+$0x0], $0xffff;
	v12 =	vor.u32 $0x2, v1;
	[tilespmem:s25+$0xC0] =	vst v13  }
0x845: {  	v13 =	vor.u32 $0x2, v6;
	[tilespmem:s0+$0x0] =	vst v45;
	v48 =	vld.idx.msk [tilespmem:v21+s3+$0x0], $0xffff  }
0x846: {  	v49 =	vor.u32 $0x2, v4;
	[tilespmem:s0+$0xFFFFFE00] =	vst v20;
	v5 =	vld.idx.msk [tilespmem:v5+s3+$0x0], $0xffff  }
0x847: {  	v3 =	vor.u32 $0x3, v3;
	v15 =	vld.idx.msk [tilespmem:v15+s3+$0x0], $0xffff;
	[tilespmem:s24+$0x160] =	vst v10  }
0x848: {  	v10 =	vor.u32 $0x2, v8;
	[tilespmem:s28+$0xA0] =	vst v46;
	v2 =	vld.idx.msk [tilespmem:v2+s3+$0x0], $0xffff  }
0x849: {  	v50 =	vor.u32 $0x2, v9;
	[tilespmem:s28+$0xFFFFFEA0] =	vst v7;
	v7 =	vld.idx.msk [tilespmem:v12+s3+$0x0], $0xffff  }
0x84a: {  	[tilespmem:s25+$0xFFFFFEC0] =	vst v47;
	v12 =	vld.idx.msk [tilespmem:v13+s3+$0x0], $0xffff  }
0x84b: {  	v1 =	vor.u32 $0x3, v1;
	v13 =	vld.idx.msk [tilespmem:v49+s3+$0x0], $0xffff;
	[tilespmem:s25+$0x140] =	vst v48  }
0x84c: {  	v6 =	vor.u32 $0x3, v6;
	[tilespmem:s0+$0x80] =	vst v5;
	v3 =	vld.idx.msk [tilespmem:v3+s3+$0x0], $0xffff  }
0x84d: {  	v4 =	vor.u32 $0x3, v4;
	[tilespmem:s0+$0xFFFFFE80] =	vst v15;
	v5 =	vld.idx.msk [tilespmem:v10+s3+$0x0], $0xffff  }
0x84e: {  	v10 =	vld.idx.msk [tilespmem:v50+s3+$0x0], $0xffff;
	[tilespmem:s24+$0x1E0] =	vst v2  }
0x84f: {  	v2 =	vor.u32 $0x3, v8;
	[tilespmem:s28+$0x120] =	vst v7;
	v7 =	vld [tilespmem:s31+$0x70]  }
0x850: {  	v8 =	vor.u32 $0x3, v9;
	[tilespmem:s28+$0xFFFFFF20] =	vst v12;
	v1 =	vld.idx.msk [tilespmem:v1+s3+$0x0], $0xffff  }
0x851: {  	v9 =	vshll.u32 v14, $0x2;
	[tilespmem:s25+$0xFFFFFF40] =	vst v13;
	v6 =	vld.idx.msk [tilespmem:v6+s3+$0x0], $0xffff  }
0x852: {  	v4 =	vld.idx.msk [tilespmem:v4+s3+$0x0], $0xffff;
	[tilespmem:s25+$0x1C0] =	vst v3  }
0x853: {  	[tilespmem:s0+$0x100] =	vst v5;
	v3 =	vld [tilespmem:s26+$0x50]  }
0x854: {  	[tilespmem:s0+$0xFFFFFF00] =	vst v10;
	v2 =	vld.idx.msk [tilespmem:v2+s3+$0x0], $0xffff  }
0x855: {  	v5 =	vshll.u32 v7, $0x2;
	v7 =	vld.idx.msk [tilespmem:v8+s3+$0x0], $0xffff  }
0x856: {  	[tilespmem:s28+$0x1A0] =	vst v1;
	v1 =	vld.idx.msk [tilespmem:v9+s3+$0x0], $0xffff  }
0x857: {  	[tilespmem:s28+$0xFFFFFFA0] =	vst v6;
	v6 =	vld [tilespmem:s29+$0x30]  }
0x858: {  	v10 =	vor.u32 $0x1, v9;
	[tilespmem:s25+$0xFFFFFFC0] =	vst v4;
	v8 =	vld [tilespmem:s29+$0xFFFFFFB0]  }
0x859: {  	v3 =	vshll.u32 v3, $0x2;
	v13 =	vld [tilespmem:s26+$0xFFFFFFD0]  }
0x85a: {  	[tilespmem:s0+$0x180] =	vst v2;
	v2 =	vshll.u32 v11, $0x2;
	v12 =	vld.idx.msk [tilespmem:v5+s3+$0x0], $0xffff  }
0x85b: {  	v4 =	vor.u32 $0x1, v5;
	[tilespmem:s0+$0xFFFFFF80] =	vst v7;
	v7 =	vld [tilespmem:s30+$0x10]  }
0x85c: {  	v11 =	vld [tilespmem:s30+$0xFFFFFF90];
	[tilespmem:s24+$0xFFFFFE60] =	vst v1;
	v6 =	vshll.u32 v6, $0x2  }
0x85d: {  	v10 =	vld.idx.msk [tilespmem:v10+s3+$0x0], $0xffff;
	v1 =	vshll.u32 v8, $0x2  }
0x85e: {  	v8 =	vld.idx.msk [tilespmem:v3+s3+$0x0], $0xffff;
	v13 =	vshll.u32 v13, $0x2  }
0x85f: {  	v14 =	vor.u32 $0x1, v3;
	[tilespmem:s24+$0x70] =	vst v12;
	v12 =	vld.idx.msk [tilespmem:v2+s3+$0x0], $0xffff  }
0x860: {  	v7 =	vshll.u32 v7, $0x2;
	v4 =	vld.idx.msk [tilespmem:v4+s3+$0x0], $0xffff  }
0x861: {  	v11 =	vshll.u32 v11, $0x2;
	v15 =	vld.idx.msk [tilespmem:v6+s3+$0x0], $0xffff  }
0x862: {  	v51 =	vor.u32 $0x2, v5;
	v52 =	vld.idx.msk [tilespmem:v1+s3+$0x0], $0xffff  }
0x863: {  	v53 =	vor.u32 $0x1, v6;
	[tilespmem:s25+$0x50] =	vst v8;
	v22 =	vld.idx.msk [tilespmem:v13+s3+$0x0], $0xffff  }
0x864: {  	v8 =	vor.u32 $0x1, v1;
	v14 =	vld.idx.msk [tilespmem:v14+s3+$0x0], $0xffff  }
0x865: {  	v60 =	vor.u32 $0x1, v13;
	v54 =	vld.idx.msk [tilespmem:v7+s3+$0x0], $0xffff  }
0x866: {  	v55 =	vor.u32 $0x2, v3;
	v20 =	vld.idx.msk [tilespmem:v11+s3+$0x0], $0xffff;
	[tilespmem:s24+$0xF0] =	vst v4  }
0x867: {  	v4 =	vor.u32 $0x1, v7;
	[tilespmem:s28+$0x30] =	vst v15;
	v15 =	vld.idx.msk [tilespmem:v51+s3+$0x0], $0xffff  }
0x868: {  	v56 =	vor.u32 $0x1, v11;
	[tilespmem:s28+$0xFFFFFE30] =	vst v52;
	v57 =	vld.idx.msk [tilespmem:v53+s3+$0x0], $0xffff  }
0x869: {  	v5 =	vor.u32 $0x3, v5;
	[tilespmem:s25+$0xFFFFFE50] =	vst v22;
	v8 =	vld.idx.msk [tilespmem:v8+s3+$0x0], $0xffff  }
0x86a: {  	v58 =	vor.u32 $0x2, v6;
	[tilespmem:s25+$0xD0] =	vst v14;
	v63 =	vld.idx.msk [tilespmem:v60+s3+$0x0], $0xffff  }
0x86b: {  	v14 =	vor.u32 $0x2, v1;
	[tilespmem:s0+$0x10] =	vst v54;
	v59 =	vld.idx.msk [tilespmem:v55+s3+$0x0], $0xffff  }
0x86c: {  	v3 =	vor.u32 $0x3, v3;
	[tilespmem:s0+$0xFFFFFE10] =	vst v20;
	v4 =	vld.idx.msk [tilespmem:v4+s3+$0x0], $0xffff  }
0x86d: {  	v16 =	vld.idx.msk [tilespmem:v56+s3+$0x0], $0xffff;
	[tilespmem:s24+$0x170] =	vst v15;
	v15 =	vor.u32 $0x2, v7  }
0x86e: {  	v61 =	vor.u32 $0x2, v11;
	[tilespmem:s28+$0xB0] =	vst v57;
	v5 =	vld.idx.msk [tilespmem:v5+s3+$0x0], $0xffff  }
0x86f: {  	v62 =	vor.u32 $0x2, v9;
	[tilespmem:s28+$0xFFFFFEB0] =	vst v8;
	v8 =	vld.idx.msk [tilespmem:v58+s3+$0x0], $0xffff  }
0x870: {  	v6 =	vor.u32 $0x3, v6;
	v14 =	vld.idx.msk [tilespmem:v14+s3+$0x0], $0xffff;
	[tilespmem:s25+$0x150] =	vst v59  }
0x871: {  	v1 =	vor.u32 $0x3, v1;
	[tilespmem:s0+$0x90] =	vst v4;
	v3 =	vld.idx.msk [tilespmem:v3+s3+$0x0], $0xffff  }
0x872: {  	v4 =	vor.u32 $0x2, v13;
	[tilespmem:s0+$0xFFFFFE90] =	vst v16;
	v15 =	vld.idx.msk [tilespmem:v15+s3+$0x0], $0xffff  }
0x873: {  	[tilespmem:s24+$0xFFFFFEE0] =	vst v10;
	v10 =	vld.idx.msk [tilespmem:v61+s3+$0x0], $0xffff  }
0x874: {  	v7 =	vor.u32 $0x3, v7;
	[tilespmem:s28+$0x130] =	vst v8;
	v8 =	vld.idx.msk [tilespmem:v62+s3+$0x0], $0xffff  }
0x875: {  	v11 =	vor.u32 $0x3, v11;
	[tilespmem:s28+$0xFFFFFF30] =	vst v14;
	v6 =	vld.idx.msk [tilespmem:v6+s3+$0x0], $0xffff  }
0x876: {  	v9 =	vor.u32 $0x3, v9;
	[tilespmem:s25+$0xFFFFFED0] =	vst v63;
	v1 =	vld.idx.msk [tilespmem:v1+s3+$0x0], $0xffff  }
0x877: {  	v4 =	vld.idx.msk [tilespmem:v4+s3+$0x0], $0xffff;
	[tilespmem:s25+$0x1D0] =	vst v3  }
0x878: {  	[tilespmem:s0+$0x110] =	vst v15;
	v3 =	vld [tilespmem:s26+$0x60]  }
0x879: {  	v13 =	vor.u32 $0x3, v13;
	[tilespmem:s0+$0xFFFFFF10] =	vst v10;
	v7 =	vld.idx.msk [tilespmem:v7+s3+$0x0], $0xffff  }
0x87a: {  	v10 =	vor.u32 $0x1, v2;
	v11 =	vld.idx.msk [tilespmem:v11+s3+$0x0], $0xffff;
	[tilespmem:s24+$0xFFFFFF60] =	vst v8  }
0x87b: {  	[tilespmem:s28+$0x1B0] =	vst v6;
	v9 =	vld.idx.msk [tilespmem:v9+s3+$0x0], $0xffff  }
0x87c: {  	[tilespmem:s28+$0xFFFFFFB0] =	vst v1;
	v8 =	vld [tilespmem:s29+$0x40]  }
0x87d: {  	[tilespmem:s25+$0xFFFFFF50] =	vst v4;
	v14 =	vld [tilespmem:s29+$0xFFFFFFC0]  }
0x87e: {  	[tilespmem:s23+$0xFFFFFE70] =	vst v12;
	v3 =	vshll.u32 v3, $0x2;
	v6 =	vld.idx.msk [tilespmem:v13+s3+$0x0], $0xffff  }
0x87f: {  	[tilespmem:s0+$0x190] =	vst v7;
	v4 =	vld.idx.msk [tilespmem:v10+s3+$0x0], $0xffff  }
0x880: {  	[tilespmem:s0+$0xFFFFFF90] =	vst v11;
	v12 =	vld [tilespmem:s30+$0x20]  }
0x881: {  	v13 =	vld [tilespmem:s30+$0xFFFFFFA0];
	[tilespmem:s24+$0xFFFFFFE0] =	vst v9;
	v8 =	vshll.u32 v8, $0x2  }
0x882: {  	[tilespmem:s23+$0x1F0] =	vst v0;
	v0 =	vor.u32 $0x3, v2;
	v1 =	vor.u32 $0x2, v2;
	v2 =	vld [tilespmem:s31+$0xFFFFFFF0];
	v11 =	vshll.u32 v14, $0x2  }
0x883: {  	s1 =	simm.s32 $0x8;
	s2 =	simm.s32 $0x2780;
	[tilespmem:s24+$0x1F0] =	vst v5;
	s31 =	simm.s32 $0xD400;
	v9 =	vld.idx.msk [tilespmem:v3+s3+$0x0], $0xffff;
	v10 =	vor.u32 $0x1, v11;
	v7 =	vor.u32 $0x2, v11;
	v5 =	vor.u32 $0x3, v11  }
.LBB2_8:
0x884: {  	v14 =	vld [tilespmem:s2+$0x0];
	s1 =	sadd.s32 $0x2, s1;
	[tilespmem:s25+$0xFFFFFFD0] =	vst v6;
	v6 =	vor.u32 $0x1, v3;
	s14 =	smov.u32 s30;
	s30 =	smov.u32 s2  }
0x885: {  	v15 =	vld [tilespmem:s2+$0xFFFFFF80];
	p0 =	slt.u32 s1, $0x3E;
	v12 =	vshll.u32 v12, $0x2;
	[tilespmem:s23+$0xFFFFFEF0] =	vst v4  }
0x886: {  	v4 =	vshll.u32 v13, $0x2;
	v13 =	vld.idx.msk [tilespmem:v8+s3+$0x0], $0xffff  }
0x887: {  	v16 =	vor.u32 $0x1, v4;
	v17 =	vor.u32 $0x2, v4;
	v18 =	vor.u32 $0x3, v4;
	v19 =	vld.idx.msk [tilespmem:v11+s3+$0x0], $0xffff  }
0x888: {  	v20 =	vor.u32 $0x1, v8;
	v21 =	vld [tilespmem:s26+$0xFFFFFFE0];
	[tilespmem:s25+$0x60] =	vst v9;
	v11 =	vshll.u32 v2, $0x2  }
0x889: {  	v14 =	vshll.u32 v14, $0x2;
	v22 =	vld.idx.msk [tilespmem:v6+s3+$0x0], $0xffff;
	v2 =	vor.u32 $0x1, v11;
	v6 =	vor.u32 $0x2, v11  }
0x88a: {  	v9 =	vor.u32 $0x3, v11;
	v15 =	vshll.u32 v15, $0x2;
	v23 =	vld.idx.msk [tilespmem:v12+s3+$0x0], $0xffff  }
0x88b: {  	v27 =	vor.u32 $0x2, v3;
	v24 =	vor.u32 $0x1, v15;
	v25 =	vor.u32 $0x2, v15;
	v26 =	vld.idx.msk [tilespmem:v4+s3+$0x0], $0xffff  }
0x88c: {  	v29 =	vor.u32 $0x1, v12;
	v28 =	vor.u32 $0x3, v15;
	[tilespmem:s28+$0x40] =	vst v13;
	v13 =	vld.idx.msk [tilespmem:v1+s3+$0x0], $0xffff;
	v1 =	vmov v6  }
0x88d: {  	[tilespmem:s28+$0xFFFFFE40] =	vst v19;
	v19 =	vld.idx.msk [tilespmem:v20+s3+$0x0], $0xffff;
	v20 =	vshll.u32 v21, $0x2  }
0x88e: {  	v21 =	vld.idx.msk [tilespmem:v14+s3+$0x0], $0xffff;
	v30 =	vor.u32 $0x1, v20;
	v6 =	vor.u32 $0x2, v20;
	v4 =	vor.u32 $0x3, v20  }
0x88f: {  	v31 =	vor.u32 $0x2, v8;
	v15 =	vld.idx.msk [tilespmem:v15+s3+$0x0], $0xffff;
	[tilespmem:s25+$0xE0] =	vst v22  }
0x890: {  	v22 =	vor.u32 $0x1, v14;
	[tilespmem:s0+$0x20] =	vst v23;
	v23 =	vld.idx.msk [tilespmem:v27+s3+$0x0], $0xffff  }
0x891: {  	[tilespmem:s0+$0xFFFFFE20] =	vst v26;
	v26 =	vld.idx.msk [tilespmem:v29+s3+$0x0], $0xffff  }
0x892: {  	v3 =	vor.u32 $0x3, v3;
	v16 =	vld.idx.msk [tilespmem:v16+s3+$0x0], $0xffff;
	[tilespmem:s23+$0xFFFFFF70] =	vst v13  }
0x893: {  	s0 =	sadd.s32 $0x400, s0;
	v13 =	vor.u32 $0x2, v12;
	v10 =	vld.idx.msk [tilespmem:v10+s3+$0x0], $0xffff;
	[tilespmem:s28+$0xC0] =	vst v19  }
0x894: {  	[tilespmem:s0+$0x0] =	vst v21;
	v19 =	vld.idx.msk [tilespmem:v31+s3+$0x0], $0xffff  }
0x895: {  	[tilespmem:s0+$0xFFFFFE00] =	vst v15;
	v15 =	vld.idx.msk [tilespmem:v22+s3+$0x0], $0xffff  }
0x896: {  	v8 =	vor.u32 $0x3, v8;
	v21 =	vld.idx.msk [tilespmem:v24+s3+$0x0], $0xffff;
	[tilespmem:s25+$0x160] =	vst v23  }
0x897: {  	v22 =	vor.u32 $0x2, v14;
	[tilespmem:s31+$0xA0] =	vst v26;
	v3 =	vld.idx.msk [tilespmem:v3+s3+$0x0], $0xffff  }
0x898: {  	[tilespmem:s31+$0xFFFFFEA0] =	vst v16;
	v13 =	vld.idx.msk [tilespmem:v13+s3+$0x0], $0xffff  }
0x899: {  	v16 =	vld.idx.msk [tilespmem:v17+s3+$0x0], $0xffff;
	[tilespmem:s28+$0xFFFFFEC0] =	vst v10  }
0x89a: {  	v10 =	vor.u32 $0x3, v12;
	v7 =	vld.idx.msk [tilespmem:v7+s3+$0x0], $0xffff;
	[tilespmem:s28+$0x140] =	vst v19  }
0x89b: {  	[tilespmem:s0+$0x80] =	vst v15;
	v8 =	vld.idx.msk [tilespmem:v8+s3+$0x0], $0xffff  }
0x89c: {  	[tilespmem:s0+$0xFFFFFE80] =	vst v21;
	v12 =	vld.idx.msk [tilespmem:v22+s3+$0x0], $0xffff  }
0x89d: {  	v15 =	vld.idx.msk [tilespmem:v25+s3+$0x0], $0xffff;
	[tilespmem:s25+$0x1E0] =	vst v3  }
0x89e: {  	v3 =	vor.u32 $0x3, v14;
	[tilespmem:s31+$0x120] =	vst v13;
	v13 =	vld [tilespmem:s26+$0x70]  }
0x89f: {  	[tilespmem:s31+$0xFFFFFF20] =	vst v16;
	v10 =	vld.idx.msk [tilespmem:v10+s3+$0x0], $0xffff  }
0x8a0: {  	v14 =	vld.idx.msk [tilespmem:v18+s3+$0x0], $0xffff;
	[tilespmem:s28+$0xFFFFFF40] =	vst v7  }
0x8a1: {  	v5 =	vld.idx.msk [tilespmem:v5+s3+$0x0], $0xffff;
	[tilespmem:s28+$0x1C0] =	vst v8  }
0x8a2: {  	[tilespmem:s0+$0x100] =	vst v12;
	v7 =	vld [tilespmem:s29+$0x50]  }
0x8a3: {  	[tilespmem:s0+$0xFFFFFF00] =	vst v15;
	v3 =	vld.idx.msk [tilespmem:v3+s3+$0x0], $0xffff;
	v8 =	vshll.u32 v13, $0x2  }
0x8a4: {  	v12 =	vld.idx.msk [tilespmem:v28+s3+$0x0], $0xffff  }
0x8a5: {  	[tilespmem:s31+$0x1A0] =	vst v10;
	v10 =	vld.idx.msk [tilespmem:v20+s3+$0x0], $0xffff  }
0x8a6: {  	[tilespmem:s31+$0xFFFFFFA0] =	vst v14;
	v13 =	vld [tilespmem:s14+$0x30]  }
0x8a7: {  	v14 =	vld [tilespmem:s14+$0xFFFFFFB0];
	[tilespmem:s28+$0xFFFFFFC0] =	vst v5;
	v5 =	vshll.u32 v7, $0x2  }
0x8a8: {  	v7 =	vld.idx.msk [tilespmem:v8+s3+$0x0], $0xffff  }
0x8a9: {  	[tilespmem:s0+$0x180] =	vst v3;
	v3 =	vld [tilespmem:s29+$0xFFFFFFD0]  }
0x8aa: {  	v15 =	vor.u32 $0x1, v8;
	[tilespmem:s0+$0xFFFFFF80] =	vst v12;
	v12 =	vld [tilespmem:s2+$0x10]  }
0x8ab: {  	v16 =	vld [tilespmem:s2+$0xFFFFFF90];
	v13 =	vshll.u32 v13, $0x2;
	[tilespmem:s25+$0xFFFFFE60] =	vst v10  }
0x8ac: {  	v10 =	vshll.u32 v14, $0x2;
	v14 =	vld.idx.msk [tilespmem:v5+s3+$0x0], $0xffff  }
0x8ad: {  	v17 =	vor.u32 $0x1, v10;
	v18 =	vor.u32 $0x2, v10;
	v19 =	vor.u32 $0x3, v10;
	v20 =	vld.idx.msk [tilespmem:v30+s3+$0x0], $0xffff  }
0x8ae: {  	v21 =	vor.u32 $0x1, v5;
	v3 =	vshll.u32 v3, $0x2;
	[tilespmem:s25+$0x70] =	vst v7;
	v7 =	vld.idx.msk [tilespmem:v11+s3+$0x0], $0xffff  }
0x8af: {  	v11 =	vshll.u32 v12, $0x2;
	v12 =	vor.u32 $0x1, v3;
	v22 =	vor.u32 $0x2, v3;
	v15 =	vld.idx.msk [tilespmem:v15+s3+$0x0], $0xffff  }
0x8b0: {  	v24 =	vor.u32 $0x3, v3;
	v16 =	vshll.u32 v16, $0x2;
	v23 =	vld.idx.msk [tilespmem:v13+s3+$0x0], $0xffff  }
0x8b1: {  	v27 =	vor.u32 $0x2, v8;
	v25 =	vor.u32 $0x1, v16;
	v26 =	vor.u32 $0x2, v16;
	v10 =	vld.idx.msk [tilespmem:v10+s3+$0x0], $0xffff  }
0x8b2: {  	v29 =	vor.u32 $0x1, v13;
	v28 =	vor.u32 $0x3, v16;
	[tilespmem:s28+$0x50] =	vst v14;
	v14 =	vld.idx.msk [tilespmem:v0+s3+$0x0], $0xffff;
	v0 =	vmov v9  }
0x8b3: {  	v9 =	vld.idx.msk [tilespmem:v21+s3+$0x0], $0xffff;
	[tilespmem:s25+$0xFFFFFEE0] =	vst v20  }
0x8b4: {  	v20 =	vld.idx.msk [tilespmem:v11+s3+$0x0], $0xffff;
	[tilespmem:s24+$0xFFFFFE70] =	vst v7  }
0x8b5: {  	v7 =	vld.idx.msk [tilespmem:v16+s3+$0x0], $0xffff;
	v16 =	vor.u32 $0x2, v5;
	[tilespmem:s25+$0xF0] =	vst v15  }
0x8b6: {  	v15 =	vor.u32 $0x1, v11;
	[tilespmem:s31+$0x30] =	vst v23;
	v21 =	vld.idx.msk [tilespmem:v27+s3+$0x0], $0xffff  }
0x8b7: {  	[tilespmem:s31+$0xFFFFFE30] =	vst v10;
	v10 =	vld.idx.msk [tilespmem:v29+s3+$0x0], $0xffff  }
0x8b8: {  	v8 =	vor.u32 $0x3, v8;
	v17 =	vld.idx.msk [tilespmem:v17+s3+$0x0], $0xffff;
	[tilespmem:s23+$0xFFFFFFF0] =	vst v14;
	s23 =	smov.u32 s24;
	s24 =	smov.u32 s25;
	s25 =	smov.u32 s28  }
0x8b9: {  	v14 =	vor.u32 $0x2, v13;
	s28 =	smov.u32 s31;
	s31 =	smov.u32 s0;
	v3 =	vld.idx.msk [tilespmem:v3+s3+$0x0], $0xffff;
	[tilespmem:s25+$0xD0] =	vst v9  }
0x8ba: {  	[tilespmem:s0+$0x10] =	vst v20;
	v9 =	vld.idx.msk [tilespmem:v16+s3+$0x0], $0xffff  }
0x8bb: {  	[tilespmem:s0+$0xFFFFFE10] =	vst v7;
	v7 =	vld.idx.msk [tilespmem:v15+s3+$0x0], $0xffff  }
0x8bc: {  	v5 =	vor.u32 $0x3, v5;
	v15 =	vld.idx.msk [tilespmem:v25+s3+$0x0], $0xffff;
	[tilespmem:s24+$0x170] =	vst v21  }
0x8bd: {  	v16 =	vor.u32 $0x2, v11;
	[tilespmem:s28+$0xB0] =	vst v10;
	v8 =	vld.idx.msk [tilespmem:v8+s3+$0x0], $0xffff  }
0x8be: {  	[tilespmem:s28+$0xFFFFFEB0] =	vst v17;
	v10 =	vld.idx.msk [tilespmem:v14+s3+$0x0], $0xffff  }
0x8bf: {  	v14 =	vld.idx.msk [tilespmem:v18+s3+$0x0], $0xffff;
	[tilespmem:s25+$0xFFFFFE50] =	vst v3  }
0x8c0: {  	v3 =	vor.u32 $0x3, v13;
	v12 =	vld.idx.msk [tilespmem:v12+s3+$0x0], $0xffff;
	[tilespmem:s25+$0x150] =	vst v9  }
0x8c1: {  	[tilespmem:s0+$0x90] =	vst v7;
	v5 =	vld.idx.msk [tilespmem:v5+s3+$0x0], $0xffff  }
0x8c2: {  	[tilespmem:s0+$0xFFFFFE90] =	vst v15;
	v7 =	vld.idx.msk [tilespmem:v16+s3+$0x0], $0xffff  }
0x8c3: {  	v9 =	vld.idx.msk [tilespmem:v26+s3+$0x0], $0xffff;
	[tilespmem:s24+$0x1F0] =	vst v8  }
0x8c4: {  	v8 =	vor.u32 $0x3, v11;
	[tilespmem:s28+$0x130] =	vst v10;
	v6 =	vld.idx.msk [tilespmem:v6+s3+$0x0], $0xffff  }
0x8c5: {  	[tilespmem:s28+$0xFFFFFF30] =	vst v14;
	v3 =	vld.idx.msk [tilespmem:v3+s3+$0x0], $0xffff  }
0x8c6: {  	v10 =	vld.idx.msk [tilespmem:v19+s3+$0x0], $0xffff;
	[tilespmem:s25+$0xFFFFFED0] =	vst v12  }
0x8c7: {  	v11 =	vld.idx.msk [tilespmem:v22+s3+$0x0], $0xffff;
	[tilespmem:s25+$0x1D0] =	vst v5  }
0x8c8: {  	[tilespmem:s0+$0x110] =	vst v7;
	v5 =	vld [tilespmem:s29+$0x60]  }
0x8c9: {  	[tilespmem:s0+$0xFFFFFF10] =	vst v9;
	v7 =	vld.idx.msk [tilespmem:v8+s3+$0x0], $0xffff  }
0x8ca: {  	v8 =	vld.idx.msk [tilespmem:v28+s3+$0x0], $0xffff;
	[tilespmem:s24+$0xFFFFFF60] =	vst v6  }
0x8cb: {  	[tilespmem:s28+$0x1B0] =	vst v3;
	v9 =	vld.idx.msk [tilespmem:v4+s3+$0x0], $0xffff  }
0x8cc: {  	[tilespmem:s28+$0xFFFFFFB0] =	vst v10;
	v10 =	vld [tilespmem:s14+$0x40]  }
0x8cd: {  	v14 =	vld [tilespmem:s14+$0xFFFFFFC0];
	[tilespmem:s25+$0xFFFFFF50] =	vst v11;
	v3 =	vshll.u32 v5, $0x2  }
0x8ce: {  	v6 =	vld.idx.msk [tilespmem:v24+s3+$0x0], $0xffff  }
.Ltmp3:
0x8cf: {  	[tilespmem:s0+$0x190] =	vst v7;
	v4 =	vld.idx.msk [tilespmem:v2+s3+$0x0], $0xffff;
	(pc) =	sbr.rel @p0 .LBB2_8-.Ltmp3, $4  }
0x8d0: {  	[tilespmem:s0+$0xFFFFFF90] =	vst v8;
	v12 =	vld [tilespmem:s2+$0x20]  }
0x8d1: {  	v13 =	vld [tilespmem:s2+$0xFFFFFFA0];
	v8 =	vshll.u32 v10, $0x2;
	[tilespmem:s24+$0xFFFFFFE0] =	vst v9  }
0x8d2: {  	v11 =	vshll.u32 v14, $0x2;
	v9 =	vld.idx.msk [tilespmem:v3+s3+$0x0], $0xffff  }
0x8d3: {  	s2 =	sadd.s32 $0x100, s2;
	v10 =	vor.u32 $0x1, v11;
	v7 =	vor.u32 $0x2, v11;
	v5 =	vor.u32 $0x3, v11;
	v2 =	vld [tilespmem:s26+$0xFFFFFFF0];
	s26 =	smov.u32 s29;
	s29 =	smov.u32 s14  }
0x8d4: {  	_ = 	snop  }
0x8d5: {  	v12 =	vshll.u32 v12, $0x2  }
0x8d6: {  	v13 =	vshll.u32 v13, $0x2;
	_ =	sdelay $0x3  }
0x8d7: {  	v14 =	vld.idx.msk [tilespmem:v12+s3+$0x0], $0xffff  }
0x8d8: {  	v15 =	vor.u32 $0x1, v12;
	v16 =	vld.idx.msk [tilespmem:v13+s3+$0x0], $0xffff  }
0x8d9: {  	v17 =	vor.u32 $0x1, v13;
	_ =	sdelay $0x2  }
0x8da: {  	[tilespmem:s0+$0x20] =	vst v14  }
0x8db: {  	v14 =	vld.idx.msk [tilespmem:v15+s3+$0x0], $0xffff;
	[tilespmem:s0+$0xFFFFFE20] =	vst v16  }
0x8dc: {  	v46 =	vor.u32 $0x2, v12;
	v16 =	vld.idx.msk [tilespmem:v17+s3+$0x0], $0xffff  }
0x8dd: {  	v47 =	vor.u32 $0x2, v13;
	_ =	sdelay $0x2  }
0x8de: {  	[tilespmem:s31+$0xA0] =	vst v14  }
0x8df: {  	v14 =	vld.idx.msk [tilespmem:v46+s3+$0x0], $0xffff;
	[tilespmem:s31+$0xFFFFFEA0] =	vst v16  }
0x8e0: {  	v12 =	vor.u32 $0x3, v12;
	v48 =	vld.idx.msk [tilespmem:v47+s3+$0x0], $0xffff  }
0x8e1: {  	v13 =	vor.u32 $0x3, v13;
	_ =	sdelay $0x2  }
0x8e2: {  	[tilespmem:s31+$0x120] =	vst v14  }
0x8e3: {  	v12 =	vld.idx.msk [tilespmem:v12+s3+$0x0], $0xffff;
	[tilespmem:s31+$0xFFFFFF20] =	vst v48  }
0x8e4: {  	v13 =	vld.idx.msk [tilespmem:v13+s3+$0x0], $0xffff;
	_ =	sdelay $0x3  }
0x8e5: {  	[tilespmem:s31+$0x1A0] =	vst v12  }
0x8e6: {  	v12 =	vld [tilespmem:s30+$0x30];
	[tilespmem:s31+$0xFFFFFFA0] =	vst v13  }
0x8e7: {  	v13 =	vld [tilespmem:s30+$0xFFFFFFB0];
	_ =	sdelay $0x3  }
0x8e8: {  	v12 =	vshll.u32 v12, $0x2  }
0x8e9: {  	v13 =	vshll.u32 v13, $0x2;
	_ =	sdelay $0x3  }
0x8ea: {  	v14 =	vld.idx.msk [tilespmem:v12+s3+$0x0], $0xffff  }
0x8eb: {  	v49 =	vor.u32 $0x1, v12;
	v16 =	vld.idx.msk [tilespmem:v13+s3+$0x0], $0xffff  }
0x8ec: {  	v50 =	vor.u32 $0x1, v13;
	_ =	sdelay $0x2  }
0x8ed: {  	[tilespmem:s31+$0x30] =	vst v14  }
0x8ee: {  	v14 =	vld.idx.msk [tilespmem:v49+s3+$0x0], $0xffff;
	[tilespmem:s31+$0xFFFFFE30] =	vst v16  }
0x8ef: {  	v51 =	vor.u32 $0x2, v12;
	v16 =	vld.idx.msk [tilespmem:v50+s3+$0x0], $0xffff  }
0x8f0: {  	v52 =	vor.u32 $0x2, v13;
	_ =	sdelay $0x2  }
0x8f1: {  	[tilespmem:s31+$0xB0] =	vst v14  }
0x8f2: {  	v14 =	vld.idx.msk [tilespmem:v51+s3+$0x0], $0xffff;
	[tilespmem:s31+$0xFFFFFEB0] =	vst v16  }
0x8f3: {  	v12 =	vor.u32 $0x3, v12;
	v53 =	vld.idx.msk [tilespmem:v52+s3+$0x0], $0xffff  }
0x8f4: {  	v13 =	vor.u32 $0x3, v13;
	_ =	sdelay $0x2  }
0x8f5: {  	[tilespmem:s31+$0x130] =	vst v14  }
0x8f6: {  	v12 =	vld.idx.msk [tilespmem:v12+s3+$0x0], $0xffff;
	[tilespmem:s31+$0xFFFFFF30] =	vst v53  }
0x8f7: {  	v13 =	vld.idx.msk [tilespmem:v13+s3+$0x0], $0xffff;
	_ =	sdelay $0x3  }
0x8f8: {  	[tilespmem:s31+$0x1B0] =	vst v12  }
0x8f9: {  	v12 =	vld [tilespmem:s30+$0x40];
	[tilespmem:s31+$0xFFFFFFB0] =	vst v13  }
0x8fa: {  	v13 =	vld [tilespmem:s30+$0xFFFFFFC0];
	_ =	sdelay $0x1  }
0x8fb: {  	v11 =	vld.idx.msk [tilespmem:v11+s3+$0x0], $0xffff;
	_ =	sdelay $0x1  }
0x8fc: {  	v12 =	vshll.u32 v12, $0x2  }
0x8fd: {  	v13 =	vshll.u32 v13, $0x2  }
0x8fe: {  	v54 =	vld.idx.msk [tilespmem:v8+s3+$0x0], $0xffff  }
0x8ff: {  	v55 =	vor.u32 $0x1, v8;
	[tilespmem:s28+$0xFFFFFE40] =	vst v11  }
0x900: {  	v10 =	vld.idx.msk [tilespmem:v10+s3+$0x0], $0xffff  }
0x901: {  	v56 =	vld.idx.msk [tilespmem:v12+s3+$0x0], $0xffff  }
0x902: {  	v57 =	vor.u32 $0x1, v12;
	v18 =	vld.idx.msk [tilespmem:v13+s3+$0x0], $0xffff  }
0x903: {  	[tilespmem:s28+$0x40] =	vst v54;
	v58 =	vor.u32 $0x1, v13  }
0x904: {  	v15 =	vld.idx.msk [tilespmem:v55+s3+$0x0], $0xffff  }
0x905: {  	v19 =	vor.u32 $0x2, v8;
	[tilespmem:s28+$0xFFFFFEC0] =	vst v10  }
0x906: {  	v7 =	vld.idx.msk [tilespmem:v7+s3+$0x0], $0xffff;
	[tilespmem:s31+$0x40] =	vst v56  }
0x907: {  	v59 =	vld.idx.msk [tilespmem:v57+s3+$0x0], $0xffff;
	[tilespmem:s31+$0xFFFFFE40] =	vst v18  }
0x908: {  	v60 =	vor.u32 $0x2, v12;
	v14 =	vld.idx.msk [tilespmem:v58+s3+$0x0], $0xffff  }
0x909: {  	[tilespmem:s28+$0xC0] =	vst v15;
	v61 =	vor.u32 $0x2, v13  }
0x90a: {  	v62 =	vld.idx.msk [tilespmem:v19+s3+$0x0], $0xffff  }
0x90b: {  	v63 =	vor.u32 $0x3, v8;
	[tilespmem:s28+$0xFFFFFF40] =	vst v7  }
0x90c: {  	v5 =	vld.idx.msk [tilespmem:v5+s3+$0x0], $0xffff;
	[tilespmem:s31+$0xC0] =	vst v59  }
0x90d: {  	v16 =	vld.idx.msk [tilespmem:v60+s3+$0x0], $0xffff;
	[tilespmem:s31+$0xFFFFFEC0] =	vst v14  }
0x90e: {  	v18 =	vor.u32 $0x3, v12;
	v19 =	vld.idx.msk [tilespmem:v61+s3+$0x0], $0xffff  }
0x90f: {  	[tilespmem:s28+$0x140] =	vst v62;
	v13 =	vor.u32 $0x3, v13  }
0x910: {  	v8 =	vld.idx.msk [tilespmem:v63+s3+$0x0], $0xffff  }
0x911: {  	[tilespmem:s28+$0xFFFFFFC0] =	vst v5  }
0x912: {  	v23 =	vld [tilespmem:s29+$0xFFFFFFD0];
	[tilespmem:s31+$0x140] =	vst v16  }
0x913: {  	v20 =	vld.idx.msk [tilespmem:v18+s3+$0x0], $0xffff;
	[tilespmem:s31+$0xFFFFFF40] =	vst v19  }
0x914: {  	v21 =	vld.idx.msk [tilespmem:v13+s3+$0x0], $0xffff  }
0x915: {  	[tilespmem:s28+$0x1C0] =	vst v8  }
0x916: {  	v8 =	vld [tilespmem:s29+$0x50]  }
0x917: {  	v7 =	vshll.u32 v23, $0x2  }
0x918: {  	[tilespmem:s31+$0x1C0] =	vst v20  }
0x919: {  	v22 =	vld [tilespmem:s30+$0x50];
	[tilespmem:s31+$0xFFFFFFC0] =	vst v21  }
0x91a: {  	v10 =	vld [tilespmem:s30+$0xFFFFFFD0]  }
0x91b: {  	v8 =	vshll.u32 v8, $0x2  }
0x91c: {  	v27 =	vld.idx.msk [tilespmem:v7+s3+$0x0], $0xffff  }
0x91d: {  	v29 =	vor.u32 $0x1, v7  }
0x91e: {  	v5 =	vshll.u32 v22, $0x2  }
0x91f: {  	v10 =	vshll.u32 v10, $0x2  }
0x920: {  	v24 =	vld.idx.msk [tilespmem:v8+s3+$0x0], $0xffff  }
0x921: {  	v25 =	vor.u32 $0x1, v8;
	[tilespmem:s28+$0xFFFFFE50] =	vst v27  }
0x922: {  	v35 =	vld.idx.msk [tilespmem:v29+s3+$0x0], $0xffff  }
0x923: {  	v37 =	vor.u32 $0x2, v7;
	v26 =	vld.idx.msk [tilespmem:v5+s3+$0x0], $0xffff  }
0x924: {  	v28 =	vor.u32 $0x1, v5;
	v30 =	vld.idx.msk [tilespmem:v10+s3+$0x0], $0xffff  }
0x925: {  	[tilespmem:s28+$0x50] =	vst v24;
	v31 =	vor.u32 $0x1, v10  }
0x926: {  	v12 =	vld.idx.msk [tilespmem:v25+s3+$0x0], $0xffff  }
0x927: {  	v32 =	vor.u32 $0x2, v8;
	[tilespmem:s28+$0xFFFFFED0] =	vst v35  }
0x928: {  	v42 =	vld.idx.msk [tilespmem:v37+s3+$0x0], $0xffff;
	[tilespmem:s31+$0x50] =	vst v26  }
0x929: {  	v7 =	vor.u32 $0x3, v7;
	v34 =	vld.idx.msk [tilespmem:v28+s3+$0x0], $0xffff;
	[tilespmem:s31+$0xFFFFFE50] =	vst v30  }
0x92a: {  	v36 =	vor.u32 $0x2, v5;
	v11 =	vld.idx.msk [tilespmem:v31+s3+$0x0], $0xffff  }
0x92b: {  	[tilespmem:s28+$0xD0] =	vst v12;
	v38 =	vor.u32 $0x2, v10  }
0x92c: {  	v39 =	vld.idx.msk [tilespmem:v32+s3+$0x0], $0xffff  }
0x92d: {  	v8 =	vor.u32 $0x3, v8;
	[tilespmem:s28+$0xFFFFFF50] =	vst v42  }
0x92e: {  	v7 =	vld.idx.msk [tilespmem:v7+s3+$0x0], $0xffff;
	[tilespmem:s31+$0xD0] =	vst v34  }
0x92f: {  	v41 =	vld.idx.msk [tilespmem:v36+s3+$0x0], $0xffff;
	[tilespmem:s31+$0xFFFFFED0] =	vst v11  }
0x930: {  	v5 =	vor.u32 $0x3, v5;
	v11 =	vld.idx.msk [tilespmem:v38+s3+$0x0], $0xffff  }
0x931: {  	[tilespmem:s28+$0x150] =	vst v39;
	v43 =	vor.u32 $0x3, v10  }
0x932: {  	v33 =	vor.u32 $0x1, v3;
	[tilespmem:s25+$0xFFFFFFD0] =	vst v6;
	v8 =	vld.idx.msk [tilespmem:v8+s3+$0x0], $0xffff  }
0x933: {  	v47 =	vld [tilespmem:s26+$0xFFFFFFE0];
	[tilespmem:s28+$0xFFFFFFD0] =	vst v7  }
0x934: {  	v7 =	vld [tilespmem:s29+$0xFFFFFFE0];
	[tilespmem:s31+$0x150] =	vst v41  }
0x935: {  	v5 =	vld.idx.msk [tilespmem:v5+s3+$0x0], $0xffff;
	[tilespmem:s31+$0xFFFFFF50] =	vst v11  }
0x936: {  	[tilespmem:s25+$0x60] =	vst v9;
	v46 =	vld.idx.msk [tilespmem:v43+s3+$0x0], $0xffff  }
0x937: {  	v13 =	vld.idx.msk [tilespmem:v33+s3+$0x0], $0xffff;
	[tilespmem:s28+$0x1D0] =	vst v8  }
0x938: {  	v40 =	vor.u32 $0x2, v3;
	v8 =	vld [tilespmem:s29+$0x60]  }
0x939: {  	v9 =	vshll.u32 v47, $0x2  }
0x93a: {  	[tilespmem:s31+$0x1D0] =	vst v5  }
0x93b: {  	v5 =	vld [tilespmem:s30+$0x60];
	[tilespmem:s31+$0xFFFFFFD0] =	vst v46  }
0x93c: {  	v48 =	vshll.u32 v7, $0x2;
	[tilespmem:s25+$0xE0] =	vst v13;
	v6 =	vld [tilespmem:s30+$0xFFFFFFE0]  }
0x93d: {  	v44 =	vld.idx.msk [tilespmem:v40+s3+$0x0], $0xffff;
	v8 =	vshll.u32 v8, $0x2  }
0x93e: {  	v45 =	vor.u32 $0x3, v3;
	v51 =	vld.idx.msk [tilespmem:v9+s3+$0x0], $0xffff  }
0x93f: {  	v53 =	vor.u32 $0x1, v9  }
0x940: {  	v5 =	vshll.u32 v5, $0x2  }
0x941: {  	v55 =	vld.idx.msk [tilespmem:v48+s3+$0x0], $0xffff;
	v6 =	vshll.u32 v6, $0x2  }
0x942: {  	v57 =	vor.u32 $0x1, v48;
	[tilespmem:s25+$0x160] =	vst v44;
	v50 =	vld.idx.msk [tilespmem:v8+s3+$0x0], $0xffff  }
0x943: {  	[tilespmem:s25+$0xFFFFFE60] =	vst v51;
	v52 =	vor.u32 $0x1, v8;
	v3 =	vld.idx.msk [tilespmem:v45+s3+$0x0], $0xffff  }
0x944: {  	v61 =	vld.idx.msk [tilespmem:v53+s3+$0x0], $0xffff  }
0x945: {  	[tilespmem:s23+$0xFFFFFEF0] =	vst v4;
	v63 =	vor.u32 $0x2, v9;
	v54 =	vld.idx.msk [tilespmem:v5+s3+$0x0], $0xffff  }
0x946: {  	[tilespmem:s28+$0xFFFFFE60] =	vst v55;
	v56 =	vor.u32 $0x1, v5;
	v58 =	vld.idx.msk [tilespmem:v6+s3+$0x0], $0xffff  }
0x947: {  	v4 =	vld.idx.msk [tilespmem:v57+s3+$0x0], $0xffff;
	[tilespmem:s28+$0x60] =	vst v50;
	v59 =	vor.u32 $0x1, v6  }
0x948: {  	[tilespmem:s25+$0x1E0] =	vst v3;
	v60 =	vld.idx.msk [tilespmem:v52+s3+$0x0], $0xffff  }
0x949: {  	[tilespmem:s25+$0xFFFFFEE0] =	vst v61;
	v62 =	vor.u32 $0x2, v8;
	v49 =	vld [tilespmem:s26+$0x70]  }
0x94a: {  	v23 =	vor.u32 $0x2, v48;
	v28 =	vld.idx.msk [tilespmem:v63+s3+$0x0], $0xffff;
	[tilespmem:s31+$0x60] =	vst v54  }
0x94b: {  	v9 =	vor.u32 $0x3, v9;
	v21 =	vld.idx.msk [tilespmem:v56+s3+$0x0], $0xffff;
	[tilespmem:s31+$0xFFFFFE60] =	vst v58  }
0x94c: {  	v22 =	vor.u32 $0x2, v5;
	v10 =	vld.idx.msk [tilespmem:v59+s3+$0x0], $0xffff  }
0x94d: {  	[tilespmem:s28+$0xE0] =	vst v60;
	v25 =	vor.u32 $0x2, v6  }
0x94e: {  	[tilespmem:s28+$0xFFFFFEE0] =	vst v4;
	v7 =	vshll.u32 v49, $0x2;
	v27 =	vld.idx.msk [tilespmem:v62+s3+$0x0], $0xffff  }
0x94f: {  	v8 =	vor.u32 $0x3, v8;
	v30 =	vld.idx.msk [tilespmem:v23+s3+$0x0], $0xffff;
	[tilespmem:s25+$0xFFFFFF60] =	vst v28  }
0x950: {  	v3 =	vor.u32 $0x3, v48;
	v9 =	vld.idx.msk [tilespmem:v9+s3+$0x0], $0xffff;
	[tilespmem:s31+$0xE0] =	vst v21  }
0x951: {  	v29 =	vld.idx.msk [tilespmem:v22+s3+$0x0], $0xffff;
	[tilespmem:s31+$0xFFFFFEE0] =	vst v10  }
0x952: {  	v5 =	vor.u32 $0x3, v5;
	v10 =	vld.idx.msk [tilespmem:v25+s3+$0x0], $0xffff  }
0x953: {  	v24 =	vld.idx.msk [tilespmem:v7+s3+$0x0], $0xffff;
	[tilespmem:s28+$0x160] =	vst v27;
	v6 =	vor.u32 $0x3, v6  }
0x954: {  	v26 =	vor.u32 $0x1, v7;
	[tilespmem:s28+$0xFFFFFF60] =	vst v30;
	v8 =	vld.idx.msk [tilespmem:v8+s3+$0x0], $0xffff  }
0x955: {  	v3 =	vld.idx.msk [tilespmem:v3+s3+$0x0], $0xffff;
	[tilespmem:s25+$0xFFFFFFE0] =	vst v9  }
0x956: {  	v9 =	vld [tilespmem:s26+$0xFFFFFFF0];
	[tilespmem:s31+$0x160] =	vst v29  }
0x957: {  	v4 =	vld.idx.msk [tilespmem:v5+s3+$0x0], $0xffff;
	[tilespmem:s31+$0xFFFFFF60] =	vst v10  }
0x958: {  	[tilespmem:s25+$0x70] =	vst v24;
	v33 =	vld.idx.msk [tilespmem:v6+s3+$0x0], $0xffff  }
0x959: {  	v31 =	vld.idx.msk [tilespmem:v26+s3+$0x0], $0xffff;
	[tilespmem:s28+$0x1E0] =	vst v8  }
0x95a: {  	v32 =	vor.u32 $0x2, v7;
	v8 =	vld [tilespmem:s29+$0x70]  }
0x95b: {  	v1 =	vld.idx.msk [tilespmem:v1+s3+$0x0], $0xffff;
	[tilespmem:s28+$0xFFFFFFE0] =	vst v3  }
0x95c: {  	v36 =	vld [tilespmem:s29+$0xFFFFFFF0];
	[tilespmem:s31+$0x1E0] =	vst v4  }
0x95d: {  	v2 =	vshll.u32 v2, $0x2;
	v35 =	vld [tilespmem:s30+$0x70];
	[tilespmem:s31+$0xFFFFFFE0] =	vst v33  }
0x95e: {  	v9 =	vshll.u32 v9, $0x2;
	[tilespmem:s25+$0xF0] =	vst v31;
	v38 =	vld [tilespmem:s30+$0xFFFFFFF0]  }
0x95f: {  	v34 =	vld.idx.msk [tilespmem:v32+s3+$0x0], $0xffff;
	v8 =	vshll.u32 v8, $0x2  }
0x960: {  	[tilespmem:s23+$0xFFFFFF70] =	vst v1;
	v37 =	vor.u32 $0x3, v7  }
0x961: {  	v0 =	vld.idx.msk [tilespmem:v0+s3+$0x0], $0xffff;
	v4 =	vshll.u32 v36, $0x2  }
0x962: {  	v39 =	vld.idx.msk [tilespmem:v2+s3+$0x0], $0xffff;
	v3 =	vshll.u32 v35, $0x2  }
0x963: {  	v44 =	vld.idx.msk [tilespmem:v9+s3+$0x0], $0xffff;
	v40 =	vshll.u32 v38, $0x2  }
0x964: {  	v41 =	vor.u32 $0x1, v2;
	[tilespmem:s25+$0x170] =	vst v34;
	v42 =	vld.idx.msk [tilespmem:v8+s3+$0x0], $0xffff  }
0x965: {  	v43 =	vor.u32 $0x1, v8;
	v5 =	vld.idx.msk [tilespmem:v37+s3+$0x0], $0xffff  }
0x966: {  	[tilespmem:s23+$0xFFFFFFF0] =	vst v0;
	v45 =	vor.u32 $0x1, v9;
	v14 =	vld.idx.msk [tilespmem:v4+s3+$0x0], $0xffff  }
0x967: {  	[tilespmem:s24+$0xFFFFFE70] =	vst v39;
	v48 =	vor.u32 $0x1, v4;
	v46 =	vld.idx.msk [tilespmem:v3+s3+$0x0], $0xffff  }
0x968: {  	[tilespmem:s25+$0xFFFFFE70] =	vst v44;
	v47 =	vor.u32 $0x1, v3;
	v49 =	vld.idx.msk [tilespmem:v40+s3+$0x0], $0xffff  }
0x969: {  	v7 =	vld.idx.msk [tilespmem:v41+s3+$0x0], $0xffff;
	[tilespmem:s28+$0x70] =	vst v42;
	v50 =	vor.u32 $0x1, v40  }
0x96a: {  	v51 =	vor.u32 $0x2, v2;
	v11 =	vld.idx.msk [tilespmem:v43+s3+$0x0], $0xffff;
	[tilespmem:s25+$0x1F0] =	vst v5  }
0x96b: {  	v52 =	vor.u32 $0x2, v8;
	v1 =	vld.idx.msk [tilespmem:v45+s3+$0x0], $0xffff;
	[tilespmem:s28+$0xFFFFFE70] =	vst v14  }
0x96c: {  	v53 =	vor.u32 $0x2, v9;
	v5 =	vld.idx.msk [tilespmem:v48+s3+$0x0], $0xffff;
	[tilespmem:s31+$0x70] =	vst v46  }
0x96d: {  	v55 =	vor.u32 $0x2, v4;
	v0 =	vld.idx.msk [tilespmem:v47+s3+$0x0], $0xffff;
	[tilespmem:s31+$0xFFFFFE70] =	vst v49  }
0x96e: {  	[tilespmem:s24+$0xFFFFFEF0] =	vst v7;
	v54 =	vor.u32 $0x2, v3;
	v10 =	vld.idx.msk [tilespmem:v50+s3+$0x0], $0xffff  }
0x96f: {  	v56 =	vld.idx.msk [tilespmem:v51+s3+$0x0], $0xffff;
	[tilespmem:s28+$0xF0] =	vst v11;
	v57 =	vor.u32 $0x2, v40  }
0x970: {  	v2 =	vor.u32 $0x3, v2;
	[tilespmem:s25+$0xFFFFFEF0] =	vst v1;
	v12 =	vld.idx.msk [tilespmem:v52+s3+$0x0], $0xffff  }
0x971: {  	v58 =	vor.u32 $0x3, v8;
	v59 =	vld.idx.msk [tilespmem:v53+s3+$0x0], $0xffff;
	[tilespmem:s28+$0xFFFFFEF0] =	vst v5  }
0x972: {  	v60 =	vor.u32 $0x3, v9;
	v5 =	vld.idx.msk [tilespmem:v55+s3+$0x0], $0xffff;
	[tilespmem:s31+$0xF0] =	vst v0  }
0x973: {  	v4 =	vor.u32 $0x3, v4;
	v61 =	vld.idx.msk [tilespmem:v54+s3+$0x0], $0xffff;
	[tilespmem:s31+$0xFFFFFEF0] =	vst v10  }
0x974: {  	[tilespmem:s24+$0xFFFFFF70] =	vst v56;
	v3 =	vor.u32 $0x3, v3;
	v62 =	vld.idx.msk [tilespmem:v57+s3+$0x0], $0xffff  }
0x975: {  	v2 =	vld.idx.msk [tilespmem:v2+s3+$0x0], $0xffff;
	[tilespmem:s28+$0x170] =	vst v12;
	v6 =	vor.u32 $0x3, v40  }
0x976: {  	[tilespmem:s25+$0xFFFFFF70] =	vst v59;
	v1 =	vld.idx.msk [tilespmem:v58+s3+$0x0], $0xffff  }
0x977: {  	v0 =	vld.idx.msk [tilespmem:v60+s3+$0x0], $0xffff;
	[tilespmem:s28+$0xFFFFFF70] =	vst v5  }
0x978: {  	v4 =	vld.idx.msk [tilespmem:v4+s3+$0x0], $0xffff;
	[tilespmem:s31+$0x170] =	vst v61  }
0x979: {  	v3 =	vld.idx.msk [tilespmem:v3+s3+$0x0], $0xffff;
	[tilespmem:s31+$0xFFFFFF70] =	vst v62  }
0x97a: {  	[tilespmem:s24+$0xFFFFFFF0] =	vst v2;
	v63 =	vld.idx.msk [tilespmem:v6+s3+$0x0], $0xffff  }
0x97b: {  	[tilespmem:s28+$0x1F0] =	vst v1  }
0x97c: {  	[tilespmem:s25+$0xFFFFFFF0] =	vst v0  }
0x97d: {  	[tilespmem:s28+$0xFFFFFFF0] =	vst v4  }
0x97e: {  	[tilespmem:s31+$0x1F0] =	vst v3  }
0x97f: {  	s22 =	sadd.s32 $0x1, s22;
	[tilespmem:s31+$0xFFFFFFF0] =	vst v63  }
0x980: {  	[hbm4b:s11+s3] =	stream.linear.scatter [tilespmem:s19], [sflag:$0x4], $0x8000, $0x38;
	[tilespmem:$0x14200] =	vst v63  }
0x981: {  	p0 =	sne.s32 s22, s12;
	_ =	swait.ge [sflag:s20], $0x8000  }
.Ltmp4:
0x982: {  	[sflag:s20] =	ssyncset.done $0x0;
	(pc) =	sbr.rel @p0 .LBB2_1-.Ltmp4, $4  }
0x983: {  	[sflag:s20] =	ssyncadd.s32 $0xFFFF8000  }
0x984: {  	_ =	swait.ge [sflag:s21], $0x8000  }
0x985: {  	[sflag:s21] =	ssyncset.done $0x0  }
0x986: {  	[sflag:s21] =	ssyncadd.s32 $0xFFFF8000  }
0x987: {  	_ =	sfence.sel $0x180000  }
0x988: {  	[bflag:$0x0] =	sbarrier.arrive $0xFFFF  }
0x989: {  	_ =	strace $0x90000047  }
0x98a: {  	s0 =	stileid.u32;
	[bflag:$0x2] =	sbarrier.arrive $0xFFFF  }
0x98b: {  	p0 =	sne.s32 s0, $0x0;
	s0 =	rddreg [dreg:$0x3]  }
0x98c: {  	s0 =	sadd.s32 @!p0 $0x100000, s0  }
0x98d: {  	[sflag:s0] =	ssyncadd.tile.s32 @!p0 $0x1;
	_ =	shalt  }
.Lfunc_end2:
_tile_overlayer_lowered:
.L_overlay_start_2:
0x98e: {  	(tag) =	ssettag $0x2  }
0x98f: {  	s0 =	rddreg [dreg:$0x0];
	s2 =	stileid.u32  }
0x990: {  	s1 =	rddreg [dreg:$0x1];
	p0 =	sne.s32 s2, $0x0  }
0x991: {  	s3 =	rddreg [dreg:$0x2];
	[bflag:$0x3] =	sbarrier.arrive $0xFFFF;
	s2 =	simm.s32 @!p0 $0x1C05  }
0x992: {  	[timem:s3], [sflag:s2] =	dma.local @!p0 [hbm:s0], s1  }
0x993: {  	s0 =	simm.s32 @!p0 $0x5  }
0x994: {  	_ =	swait.ge @!p0 [sflag:s0], s1  }
0x995: {  	s1 =	ssub.s32 @!p0 $0x0, s1;
	[sflag:s0] =	ssyncset.done @!p0 $0x0  }
0x996: {  	[sflag:s0] =	ssyncadd.s32 @!p0 s1  }
0x997: {  	[bflag:$0x3] =	sbarrier.arrive $0xFFFF  }
0x998: {  	_ =	shalt  }

</sc_bundles>
